<compile_context>
chip_gen: v7x
topology: tpu7x:2x2x1
jax: 0.10.2.dev20260603
libtpu: 0.0.44.dev20260713+nightly
codegen_flags: <defaults>
</compile_context>

<pallas_src>
import jax
import jax.numpy as jnp
from jax import lax
from jax.experimental import pallas as pl
from jax.experimental.pallas import tpu as pltpu
from jax.experimental.pallas import tpu_sc as plsc

B = 2048
NB = 2 * B
L = 16
NC, NS = 2, 16
S = 8
P = 512 * 512
TPS = NC * NS // S
EPT = P // TPS
CHUNK = 8192
NCHUNK = EPT // CHUNK


def _sc_body(pred_hbm, tgt_hbm, out_hbm,
             pred_buf, tgt_buf, hist, red, part, lbuf, shared,
             sp0, sp1, st0, st1):
  cid = lax.axis_index("c")
  sid = lax.axis_index("s")
  sample = cid * (NS // TPS) + sid // TPS
  slot = sid % TPS
  base = sample * P + slot * EPT

  lane = lax.iota(jnp.int32, L)
  lane_base = lane * NB
  ones = jnp.ones((L,), jnp.int32)

  @pl.loop(0, NB // L)
  def _zero(j):
    z = jnp.zeros((L,), jnp.int32)
    for l in range(L):
      hist[pl.ds(l * NB + j * L, L)] = z

  sems_p = (sp0, sp1)
  sems_t = (st0, st1)

  def _start(c):
    buf = c % 2
    hp = pltpu.async_copy(pred_hbm.at[pl.ds(base + c * CHUNK, CHUNK)],
                          pred_buf.at[buf], sems_p[buf])
    ht = pltpu.async_copy(tgt_hbm.at[pl.ds(base + c * CHUNK, CHUNK)],
                          tgt_buf.at[buf], sems_t[buf])
    return hp, ht

  pend = _start(0)
  for c in range(NCHUNK):
    if c + 1 < NCHUNK:
      nxt = _start(c + 1)
    hp, ht = pend
    hp.wait()
    ht.wait()
    buf = c % 2

    @pl.loop(0, CHUNK // L, unroll=8)
    def _compute(i):
      p = pred_buf[buf, pl.ds(i * L, L)]
      g = tgt_buf[buf, pl.ds(i * L, L)]
      gf = g.astype(jnp.float32)
      e = 1.0 - (2.0 * gf - 1.0) * (2.0 * p - 1.0)
      bkt = jnp.minimum((e * (B / 2.0)).astype(jnp.int32), B - 1)
      binx = lane_base + g * B + bkt
      plsc.addupdate_scatter(hist, [binx], ones)

    if c + 1 < NCHUNK:
      pend = nxt

  @pl.loop(0, NB // L, unroll=2)
  def _reduce(j):
    acc = hist[pl.ds(j * L, L)]
    for l in range(1, L):
      acc = acc + hist[pl.ds(l * NB + j * L, L)]
    red[pl.ds(j * L, L)] = acc

  pltpu.sync_copy(red, shared.at[sid])
  plsc.subcore_barrier()

  @pl.when(slot == 0)
  def _phase2():
    for k in range(TPS):
      pltpu.sync_copy(shared.at[sid + k], part.at[k])

    def _gbody(j, acc):
      v = part[0, pl.ds(B + j * L, L)]
      for t in range(1, TPS):
        v = v + part[t, pl.ds(B + j * L, L)]
      return acc + v

    gacc = lax.fori_loop(0, B // L, _gbody, jnp.zeros((L,), jnp.int32))
    G = jnp.sum(gacc).astype(jnp.float32)

    lane_f = lane.astype(jnp.float32)
    scale = 2.0 / B

    def _mbody(k, carry):
      carry_r, carry_c, acc = carry
      s0 = B - L - k * L
      c0 = part[0, pl.ds(s0, L)]
      c1 = part[0, pl.ds(B + s0, L)]
      for t in range(1, TPS):
        c0 = c0 + part[t, pl.ds(s0, L)]
        c1 = c1 + part[t, pl.ds(B + s0, L)]
      c0 = jnp.flip(c0, 0)
      c1 = jnp.flip(c1, 0)
      n = (c0 + c1).astype(jnp.float32)
      pv = c1.astype(jnp.float32)
      r_a = carry_r + plsc.cumsum(n)
      c_a = carry_c + plsc.cumsum(pv)
      r_b = r_a - n
      c_b = c_a - pv
      j_a = jnp.where(r_a > 0.0, 1.0 - (G - c_a) / (G + r_a - c_a), 0.0)
      j_b = jnp.where(r_b > 0.0, 1.0 - (G - c_b) / (G + r_b - c_b), 0.0)
      s0f = s0.astype(jnp.float32)
      ehat = (s0f + (15.5 - lane_f)) * scale
      acc = acc + ehat * (j_a - j_b)
      carry_r = carry_r + jnp.sum(n)
      carry_c = carry_c + jnp.sum(pv)
      return carry_r, carry_c, acc

    init = (jnp.zeros((L,), jnp.float32), jnp.zeros((L,), jnp.float32),
            jnp.zeros((L,), jnp.float32))
    _, _, acc = lax.fori_loop(0, B // L, _mbody, init)
    loss = jnp.sum(acc) * (1.0 / S)
    lbuf[...] = jnp.broadcast_to(loss, (L,))
    pltpu.sync_copy(lbuf, out_hbm.at[sample])


def kernel(pred, target):
  predf = pred.reshape(-1)
  tgt = target.reshape(-1).astype(jnp.int32)
  mesh = plsc.VectorSubcoreMesh(core_axis_name="c", subcore_axis_name="s",
                                num_cores=NC, num_subcores=NS)
  out = pl.kernel(
      _sc_body,
      out_type=jax.ShapeDtypeStruct((S, L), jnp.float32),
      mesh=mesh,
      compiler_params=pltpu.CompilerParams(needs_layout_passes=False),
      scratch_types=[
          pltpu.VMEM((2, CHUNK), jnp.float32),
          pltpu.VMEM((2, CHUNK), jnp.int32),
          pltpu.VMEM((L * NB,), jnp.int32),
          pltpu.VMEM((NB,), jnp.int32),
          pltpu.VMEM((TPS, NB), jnp.int32),
          pltpu.VMEM((L,), jnp.float32),
          pltpu.VMEM_SHARED((NS, NB), jnp.int32),
          pltpu.SemaphoreType.DMA,
          pltpu.SemaphoreType.DMA,
          pltpu.SemaphoreType.DMA,
          pltpu.SemaphoreType.DMA,
      ],
  )(predf, tgt)
  return jnp.sum(out[:, 0])

# --- scband reference (transcript-rebuilt; emitter-appended) ---
"""Pipeline reference for scband-lovasz-hinge-loss-51007031607574 (READ-ONLY COPY).

The authoritative reference and input builder live on the scoring server;
editing this copy changes nothing except your own understanding.
"""

import jax, jax.numpy as jnp
import numpy as np


def _lovasz_grad(gt_sorted):
    # gt_sorted: float32 [P] of 0/1 values sorted by descending error
    gts = jnp.sum(gt_sorted)
    intersection = gts - jnp.cumsum(gt_sorted, axis=0)
    union = gts + jnp.cumsum(1.0 - gt_sorted, axis=0)
    jaccard = 1.0 - intersection / union
    # jaccard[1:] = jaccard[1:] - jaccard[:-1]
    jaccard = jnp.concatenate([jaccard[:1], jaccard[1:] - jaccard[:-1]], axis=0)
    return jaccard


def _lovasz_hinge_flat(pred_flat, target_flat):
    signs = 2.0 * target_flat - 1.0
    errors = 1.0 - signs * (2.0 * pred_flat - 1.0)
    # descending sort (matches torch.sort(..., descending=True))
    perm = jnp.argsort(-errors)
    errors_sorted = errors[perm]
    gt_sorted = target_flat[perm]
    grad = _lovasz_grad(gt_sorted)
    return jnp.dot(jax.nn.relu(errors_sorted), grad)


def setup_inputs(seed: int = 0) -> dict:
    key = jax.random.key(seed)
    k1, k2 = jax.random.split(key)
    pred = jax.random.uniform(k1, (8, 512, 512), dtype=jnp.float32)
    target = jax.random.randint(k2, (8, 512, 512), 0, 2).astype(jnp.int64)
    return {"pred": pred, "target": target}


def reference(pred, target):
    tgt = target.astype(jnp.float32)
    B = pred.shape[0]
    p_flat = pred.reshape(B, -1)
    t_flat = tgt.reshape(B, -1)
    losses = jax.vmap(_lovasz_hinge_flat)(p_flat, t_flat)
    return jnp.sum(losses) / B

if __name__ == "__main__":
    import jax
    _d = setup_inputs()
    print(jax.jit(kernel)(*tuple(_d.values())))

</pallas_src>

<mosaic_0001>
#map = affine_map<(d0, d1) -> (0)>
#map1 = affine_map<(d0, d1) -> (0, 0)>
module attributes {stable_mosaic.version = 14 : i64} {
  func.func @_sc_body(%arg0: i32, %arg1: i32, %arg2: memref<2097152xf32, #tpu.memory_space<hbm>>, %arg3: memref<2097152xi32, #tpu.memory_space<hbm>>, %arg4: memref<8x16xf32, #tpu.memory_space<hbm>>, %arg5: memref<2x8192xf32, #tpu.memory_space<vmem>>, %arg6: memref<2x8192xi32, #tpu.memory_space<vmem>>, %arg7: memref<65536xi32, #tpu.memory_space<vmem>>, %arg8: memref<4096xi32, #tpu.memory_space<vmem>>, %arg9: memref<4x4096xi32, #tpu.memory_space<vmem>>, %arg10: memref<16xf32, #tpu.memory_space<vmem>>, %arg11: memref<16x4096xi32, #tpu.memory_space<vmem_shared>>, %arg12: memref<!tpu.dma_semaphore, #tpu.memory_space<semaphore_mem>>, %arg13: memref<!tpu.dma_semaphore, #tpu.memory_space<semaphore_mem>>, %arg14: memref<!tpu.dma_semaphore, #tpu.memory_space<semaphore_mem>>, %arg15: memref<!tpu.dma_semaphore, #tpu.memory_space<semaphore_mem>>) attributes {dimension_semantics = [#tpu.dimension_semantics<core_parallel>, #tpu.dimension_semantics<subcore_parallel>], iteration_bounds = array<i64: 2, 16>, scalar_prefetch = 0 : i64, scratch_operands = 11 : i64, tpu.core_type = #tpu.core_type<sc_vector_subcore>, window_params = [{transform_indices = #map}, {transform_indices = #map}, {transform_indices = #map1}]} {
    %mul3A = arith.constant 4 : i32
    %mul3A_0 = arith.muli %arg0, %mul3A : i32
    %jit3A = arith.constant 4 : i32
    %div3A = arith.divsi %arg1, %jit3A : i32
    %sign3A = arith.constant 0 : i32
    %sign3A_1 = arith.cmpi sgt, %arg1, %sign3A : i32
    %sign3A_2 = arith.extui %sign3A_1 : i1 to i32
    %sign3A_3 = arith.constant 0 : i32
    %sign3A_4 = arith.cmpi slt, %arg1, %sign3A_3 : i32
    %sign3A_5 = arith.extui %sign3A_4 : i1 to i32
    %sign3A_6 = arith.subi %sign3A_2, %sign3A_5 : i32
    %sign3A_7 = arith.constant 0 : i32
    %sign3A_8 = arith.cmpi sgt, %jit3A, %sign3A_7 : i32
    %sign3A_9 = arith.extui %sign3A_8 : i1 to i32
    %sign3A_10 = arith.constant 0 : i32
    %sign3A_11 = arith.cmpi slt, %jit3A, %sign3A_10 : i32
    %sign3A_12 = arith.extui %sign3A_11 : i1 to i32
    %sign3A_13 = arith.subi %sign3A_9, %sign3A_12 : i32
    %ne3A = arith.cmpi ne, %sign3A_6, %sign3A_13 : i32
    %rem3A = arith.remsi %arg1, %jit3A : i32
    %ne3A_14 = arith.constant 0 : i32
    %ne3A_15 = arith.cmpi ne, %rem3A, %ne3A_14 : i32
    %and3A = arith.andi %ne3A, %ne3A_15 : i1
    %sub3A = arith.constant 1 : i32
    %sub3A_16 = arith.subi %div3A, %sub3A : i32
    %select_n3A = arith.select %and3A, %sub3A_16, %div3A : i32
    %add3A = arith.addi %mul3A_0, %select_n3A : i32
    %jit3A_17 = arith.constant 4 : i32
    %eq3A = arith.constant 0 : i32
    %eq3A_18 = arith.cmpi eq, %jit3A_17, %eq3A : i32
    %jit3A_19 = arith.constant 1 : i32
    %select_n3A_20 = arith.select %eq3A_18, %jit3A_19, %jit3A_17 : i32
    %rem3A_21 = arith.remsi %arg1, %select_n3A_20 : i32
    %ne3A_22 = arith.constant 0 : i32
    %ne3A_23 = arith.cmpi ne, %rem3A_21, %ne3A_22 : i32
    %lt3A = arith.constant 0 : i32
    %lt3A_24 = arith.cmpi slt, %rem3A_21, %lt3A : i32
    %lt3A_25 = arith.constant 0 : i32
    %lt3A_26 = arith.cmpi slt, %select_n3A_20, %lt3A_25 : i32
    %ne3A_27 = arith.xori %lt3A_24, %lt3A_26 : i1
    %and3A_28 = arith.andi %ne3A_27, %ne3A_23 : i1
    %add3A_29 = arith.addi %rem3A_21, %select_n3A_20 : i32
    %select_n3A_30 = arith.select %and3A_28, %add3A_29, %rem3A_21 : i32
    %mul3A_31 = arith.constant 262144 : i32
    %mul3A_32 = arith.muli %add3A, %mul3A_31 : i32
    %mul3A_33 = arith.constant 65536 : i32
    %mul3A_34 = arith.muli %select_n3A_30, %mul3A_33 : i32
    %add3A_35 = arith.addi %mul3A_32, %mul3A_34 : i32
    %iota3A = tpu.iota {dimensions = array<i32: 0>} : vector<16xi32>
    %mul3A_36 = arith.constant 4096 : i32
    %mul3A_37 = vector.broadcast %mul3A_36 : i32 to vector<16xi32>
    %mul3A_38 = arith.muli %iota3A, %mul3A_37 : vector<16xi32>
    %broadcast_in_dim3A = arith.constant 1 : i32
    %broadcast_in_dim3A_39 = vector.broadcast %broadcast_in_dim3A : i32 to vector<16xi32>
    %scan3A = arith.constant 0 : i32
    %scan3A_40 = arith.constant 256 : i32
    %scan3A_41 = arith.addi %scan3A, %scan3A_40 : i32
    %scan3A_42 = arith.constant 1 : i32
    scf.for %scan3A_410 = %scan3A to %scan3A_41 step %scan3A_42  : i32 {
      %mul3A_411 = arith.constant 1 : i32
      %mul3A_412 = arith.muli %scan3A_410, %mul3A_411 : i32
      %add3A_413 = arith.constant 0 : i32
      %add3A_414 = arith.addi %add3A_413, %mul3A_412 : i32
      %broadcast_in_dim3A_415 = arith.constant 0 : i32
      %broadcast_in_dim3A_416 = vector.broadcast %broadcast_in_dim3A_415 : i32 to vector<16xi32>
      %mul3A_417 = arith.constant 16 : i32
      %mul3A_418 = arith.muli %add3A_414, %mul3A_417 : i32
      %add3A_419 = arith.constant 0 : i32
      %add3A_420 = arith.addi %add3A_419, %mul3A_418 : i32
      %swap3A = arith.index_cast %add3A_420 : i32 to index
      %swap3A_421 = tpu.vector_load %arg7[%swap3A] {strides = array<i32>} : memref<65536xi32, #tpu.memory_space<vmem>>, vector<16xi32>,
      tpu.vector_store %arg7[%swap3A], %broadcast_in_dim3A_416 {strides = array<i32>} : memref<65536xi32, #tpu.memory_space<vmem>>, vector<16xi32>,
      %mul3A_422 = arith.constant 16 : i32
      %mul3A_423 = arith.muli %add3A_414, %mul3A_422 : i32
      %add3A_424 = arith.constant 4096 : i32
      %add3A_425 = arith.addi %add3A_424, %mul3A_423 : i32
      %swap3A_426 = arith.index_cast %add3A_425 : i32 to index
      %swap3A_427 = tpu.vector_load %arg7[%swap3A_426] {strides = array<i32>} : memref<65536xi32, #tpu.memory_space<vmem>>, vector<16xi32>,
      tpu.vector_store %arg7[%swap3A_426], %broadcast_in_dim3A_416 {strides = array<i32>} : memref<65536xi32, #tpu.memory_space<vmem>>, vector<16xi32>,
      %mul3A_428 = arith.constant 16 : i32
      %mul3A_429 = arith.muli %add3A_414, %mul3A_428 : i32
      %add3A_430 = arith.constant 8192 : i32
      %add3A_431 = arith.addi %add3A_430, %mul3A_429 : i32
      %swap3A_432 = arith.index_cast %add3A_431 : i32 to index
      %swap3A_433 = tpu.vector_load %arg7[%swap3A_432] {strides = array<i32>} : memref<65536xi32, #tpu.memory_space<vmem>>, vector<16xi32>,
      tpu.vector_store %arg7[%swap3A_432], %broadcast_in_dim3A_416 {strides = array<i32>} : memref<65536xi32, #tpu.memory_space<vmem>>, vector<16xi32>,
      %mul3A_434 = arith.constant 16 : i32
      %mul3A_435 = arith.muli %add3A_414, %mul3A_434 : i32
      %add3A_436 = arith.constant 12288 : i32
      %add3A_437 = arith.addi %add3A_436, %mul3A_435 : i32
      %swap3A_438 = arith.index_cast %add3A_437 : i32 to index
      %swap3A_439 = tpu.vector_load %arg7[%swap3A_438] {strides = array<i32>} : memref<65536xi32, #tpu.memory_space<vmem>>, vector<16xi32>,
      tpu.vector_store %arg7[%swap3A_438], %broadcast_in_dim3A_416 {strides = array<i32>} : memref<65536xi32, #tpu.memory_space<vmem>>, vector<16xi32>,
      %mul3A_440 = arith.constant 16 : i32
      %mul3A_441 = arith.muli %add3A_414, %mul3A_440 : i32
      %add3A_442 = arith.constant 16384 : i32
      %add3A_443 = arith.addi %add3A_442, %mul3A_441 : i32
      %swap3A_444 = arith.index_cast %add3A_443 : i32 to index
      %swap3A_445 = tpu.vector_load %arg7[%swap3A_444] {strides = array<i32>} : memref<65536xi32, #tpu.memory_space<vmem>>, vector<16xi32>,
      tpu.vector_store %arg7[%swap3A_444], %broadcast_in_dim3A_416 {strides = array<i32>} : memref<65536xi32, #tpu.memory_space<vmem>>, vector<16xi32>,
      %mul3A_446 = arith.constant 16 : i32
      %mul3A_447 = arith.muli %add3A_414, %mul3A_446 : i32
      %add3A_448 = arith.constant 20480 : i32
      %add3A_449 = arith.addi %add3A_448, %mul3A_447 : i32
      %swap3A_450 = arith.index_cast %add3A_449 : i32 to index
      %swap3A_451 = tpu.vector_load %arg7[%swap3A_450] {strides = array<i32>} : memref<65536xi32, #tpu.memory_space<vmem>>, vector<16xi32>,
      tpu.vector_store %arg7[%swap3A_450], %broadcast_in_dim3A_416 {strides = array<i32>} : memref<65536xi32, #tpu.memory_space<vmem>>, vector<16xi32>,
      %mul3A_452 = arith.constant 16 : i32
      %mul3A_453 = arith.muli %add3A_414, %mul3A_452 : i32
      %add3A_454 = arith.constant 24576 : i32
      %add3A_455 = arith.addi %add3A_454, %mul3A_453 : i32
      %swap3A_456 = arith.index_cast %add3A_455 : i32 to index
      %swap3A_457 = tpu.vector_load %arg7[%swap3A_456] {strides = array<i32>} : memref<65536xi32, #tpu.memory_space<vmem>>, vector<16xi32>,
      tpu.vector_store %arg7[%swap3A_456], %broadcast_in_dim3A_416 {strides = array<i32>} : memref<65536xi32, #tpu.memory_space<vmem>>, vector<16xi32>,
      %mul3A_458 = arith.constant 16 : i32
      %mul3A_459 = arith.muli %add3A_414, %mul3A_458 : i32
      %add3A_460 = arith.constant 28672 : i32
      %add3A_461 = arith.addi %add3A_460, %mul3A_459 : i32
      %swap3A_462 = arith.index_cast %add3A_461 : i32 to index
      %swap3A_463 = tpu.vector_load %arg7[%swap3A_462] {strides = array<i32>} : memref<65536xi32, #tpu.memory_space<vmem>>, vector<16xi32>,
      tpu.vector_store %arg7[%swap3A_462], %broadcast_in_dim3A_416 {strides = array<i32>} : memref<65536xi32, #tpu.memory_space<vmem>>, vector<16xi32>,
      %mul3A_464 = arith.constant 16 : i32
      %mul3A_465 = arith.muli %add3A_414, %mul3A_464 : i32
      %add3A_466 = arith.constant 32768 : i32
      %add3A_467 = arith.addi %add3A_466, %mul3A_465 : i32
      %swap3A_468 = arith.index_cast %add3A_467 : i32 to index
      %swap3A_469 = tpu.vector_load %arg7[%swap3A_468] {strides = array<i32>} : memref<65536xi32, #tpu.memory_space<vmem>>, vector<16xi32>,
      tpu.vector_store %arg7[%swap3A_468], %broadcast_in_dim3A_416 {strides = array<i32>} : memref<65536xi32, #tpu.memory_space<vmem>>, vector<16xi32>,
      %mul3A_470 = arith.constant 16 : i32
      %mul3A_471 = arith.muli %add3A_414, %mul3A_470 : i32
      %add3A_472 = arith.constant 36864 : i32
      %add3A_473 = arith.addi %add3A_472, %mul3A_471 : i32
      %swap3A_474 = arith.index_cast %add3A_473 : i32 to index
      %swap3A_475 = tpu.vector_load %arg7[%swap3A_474] {strides = array<i32>} : memref<65536xi32, #tpu.memory_space<vmem>>, vector<16xi32>,
      tpu.vector_store %arg7[%swap3A_474], %broadcast_in_dim3A_416 {strides = array<i32>} : memref<65536xi32, #tpu.memory_space<vmem>>, vector<16xi32>,
      %mul3A_476 = arith.constant 16 : i32
      %mul3A_477 = arith.muli %add3A_414, %mul3A_476 : i32
      %add3A_478 = arith.constant 40960 : i32
      %add3A_479 = arith.addi %add3A_478, %mul3A_477 : i32
      %swap3A_480 = arith.index_cast %add3A_479 : i32 to index
      %swap3A_481 = tpu.vector_load %arg7[%swap3A_480] {strides = array<i32>} : memref<65536xi32, #tpu.memory_space<vmem>>, vector<16xi32>,
      tpu.vector_store %arg7[%swap3A_480], %broadcast_in_dim3A_416 {strides = array<i32>} : memref<65536xi32, #tpu.memory_space<vmem>>, vector<16xi32>,
      %mul3A_482 = arith.constant 16 : i32
      %mul3A_483 = arith.muli %add3A_414, %mul3A_482 : i32
      %add3A_484 = arith.constant 45056 : i32
      %add3A_485 = arith.addi %add3A_484, %mul3A_483 : i32
      %swap3A_486 = arith.index_cast %add3A_485 : i32 to index
      %swap3A_487 = tpu.vector_load %arg7[%swap3A_486] {strides = array<i32>} : memref<65536xi32, #tpu.memory_space<vmem>>, vector<16xi32>,
      tpu.vector_store %arg7[%swap3A_486], %broadcast_in_dim3A_416 {strides = array<i32>} : memref<65536xi32, #tpu.memory_space<vmem>>, vector<16xi32>,
      %mul3A_488 = arith.constant 16 : i32
      %mul3A_489 = arith.muli %add3A_414, %mul3A_488 : i32
      %add3A_490 = arith.constant 49152 : i32
      %add3A_491 = arith.addi %add3A_490, %mul3A_489 : i32
      %swap3A_492 = arith.index_cast %add3A_491 : i32 to index
      %swap3A_493 = tpu.vector_load %arg7[%swap3A_492] {strides = array<i32>} : memref<65536xi32, #tpu.memory_space<vmem>>, vector<16xi32>,
      tpu.vector_store %arg7[%swap3A_492], %broadcast_in_dim3A_416 {strides = array<i32>} : memref<65536xi32, #tpu.memory_space<vmem>>, vector<16xi32>,
      %mul3A_494 = arith.constant 16 : i32
      %mul3A_495 = arith.muli %add3A_414, %mul3A_494 : i32
      %add3A_496 = arith.constant 53248 : i32
      %add3A_497 = arith.addi %add3A_496, %mul3A_495 : i32
      %swap3A_498 = arith.index_cast %add3A_497 : i32 to index
      %swap3A_499 = tpu.vector_load %arg7[%swap3A_498] {strides = array<i32>} : memref<65536xi32, #tpu.memory_space<vmem>>, vector<16xi32>,
      tpu.vector_store %arg7[%swap3A_498], %broadcast_in_dim3A_416 {strides = array<i32>} : memref<65536xi32, #tpu.memory_space<vmem>>, vector<16xi32>,
      %mul3A_500 = arith.constant 16 : i32
      %mul3A_501 = arith.muli %add3A_414, %mul3A_500 : i32
      %add3A_502 = arith.constant 57344 : i32
      %add3A_503 = arith.addi %add3A_502, %mul3A_501 : i32
      %swap3A_504 = arith.index_cast %add3A_503 : i32 to index
      %swap3A_505 = tpu.vector_load %arg7[%swap3A_504] {strides = array<i32>} : memref<65536xi32, #tpu.memory_space<vmem>>, vector<16xi32>,
      tpu.vector_store %arg7[%swap3A_504], %broadcast_in_dim3A_416 {strides = array<i32>} : memref<65536xi32, #tpu.memory_space<vmem>>, vector<16xi32>,
      %mul3A_506 = arith.constant 16 : i32
      %mul3A_507 = arith.muli %add3A_414, %mul3A_506 : i32
      %add3A_508 = arith.constant 61440 : i32
      %add3A_509 = arith.addi %add3A_508, %mul3A_507 : i32
      %swap3A_510 = arith.index_cast %add3A_509 : i32 to index
      %swap3A_511 = tpu.vector_load %arg7[%swap3A_510] {strides = array<i32>} : memref<65536xi32, #tpu.memory_space<vmem>>, vector<16xi32>,
      tpu.vector_store %arg7[%swap3A_510], %broadcast_in_dim3A_416 {strides = array<i32>} : memref<65536xi32, #tpu.memory_space<vmem>>, vector<16xi32>,
    }
    %scan3A_43 = arith.constant 256 : i32
    %add3A_44 = arith.constant 0 : i32
    %add3A_45 = arith.addi %add3A_35, %add3A_44 : i32
    %dma_start3A = arith.constant 0 : i32
    %dma_start3A_46 = arith.constant 0 : i32
    %dma_start3A_47 = tpu.memref_slice %arg5[%dma_start3A, %dma_start3A_46] : memref<2x8192xf32, #tpu.memory_space<vmem>> -> memref<1x8192xf32, #tpu.memory_space<vmem>>
    %dma_start3A_48 = tpu.memref_squeeze %dma_start3A_47 : memref<1x8192xf32, #tpu.memory_space<vmem>> -> memref<8192xf32, #tpu.memory_space<vmem>>
    %dma_start3A_49 = tpu.memref_slice %arg2[%add3A_45] : memref<2097152xf32, #tpu.memory_space<hbm>> -> memref<8192xf32, #tpu.memory_space<hbm>>
    %dma_start3A_50 = arith.constant 0 : i32
    %dma_start3A_51 = tpu.memref_slice %arg5[%dma_start3A, %dma_start3A_50] : memref<2x8192xf32, #tpu.memory_space<vmem>> -> memref<1x8192xf32, #tpu.memory_space<vmem>>
    %dma_start3A_52 = tpu.memref_squeeze %dma_start3A_51 : memref<1x8192xf32, #tpu.memory_space<vmem>> -> memref<8192xf32, #tpu.memory_space<vmem>>
    %dma_start3A_53 = tpu.memref_slice %arg2[%add3A_45] : memref<2097152xf32, #tpu.memory_space<hbm>> -> memref<8192xf32, #tpu.memory_space<hbm>>
    tpu.enqueue_dma source(%dma_start3A_53 : memref<8192xf32, #tpu.memory_space<hbm>>) target(%dma_start3A_52 : memref<8192xf32, #tpu.memory_space<vmem>>) target_semaphore(%arg12 : memref<!tpu.dma_semaphore, #tpu.memory_space<semaphore_mem>>)
    %add3A_54 = arith.constant 0 : i32
    %add3A_55 = arith.addi %add3A_35, %add3A_54 : i32
    %dma_start3A_56 = arith.constant 0 : i32
    %dma_start3A_57 = arith.constant 0 : i32
    %dma_start3A_58 = tpu.memref_slice %arg6[%dma_start3A_56, %dma_start3A_57] : memref<2x8192xi32, #tpu.memory_space<vmem>> -> memref<1x8192xi32, #tpu.memory_space<vmem>>
    %dma_start3A_59 = tpu.memref_squeeze %dma_start3A_58 : memref<1x8192xi32, #tpu.memory_space<vmem>> -> memref<8192xi32, #tpu.memory_space<vmem>>
    %dma_start3A_60 = tpu.memref_slice %arg3[%add3A_55] : memref<2097152xi32, #tpu.memory_space<hbm>> -> memref<8192xi32, #tpu.memory_space<hbm>>
    %dma_start3A_61 = arith.constant 0 : i32
    %dma_start3A_62 = tpu.memref_slice %arg6[%dma_start3A_56, %dma_start3A_61] : memref<2x8192xi32, #tpu.memory_space<vmem>> -> memref<1x8192xi32, #tpu.memory_space<vmem>>
    %dma_start3A_63 = tpu.memref_squeeze %dma_start3A_62 : memref<1x8192xi32, #tpu.memory_space<vmem>> -> memref<8192xi32, #tpu.memory_space<vmem>>
    %dma_start3A_64 = tpu.memref_slice %arg3[%add3A_55] : memref<2097152xi32, #tpu.memory_space<hbm>> -> memref<8192xi32, #tpu.memory_space<hbm>>
    tpu.enqueue_dma source(%dma_start3A_64 : memref<8192xi32, #tpu.memory_space<hbm>>) target(%dma_start3A_63 : memref<8192xi32, #tpu.memory_space<vmem>>) target_semaphore(%arg14 : memref<!tpu.dma_semaphore, #tpu.memory_space<semaphore_mem>>)
    %add3A_65 = arith.constant 8192 : i32
    %add3A_66 = arith.addi %add3A_35, %add3A_65 : i32
    %dma_start3A_67 = arith.constant 1 : i32
    %dma_start3A_68 = arith.constant 0 : i32
    %dma_start3A_69 = tpu.memref_slice %arg5[%dma_start3A_67, %dma_start3A_68] : memref<2x8192xf32, #tpu.memory_space<vmem>> -> memref<1x8192xf32, #tpu.memory_space<vmem>>
    %dma_start3A_70 = tpu.memref_squeeze %dma_start3A_69 : memref<1x8192xf32, #tpu.memory_space<vmem>> -> memref<8192xf32, #tpu.memory_space<vmem>>
    %dma_start3A_71 = tpu.memref_slice %arg2[%add3A_66] : memref<2097152xf32, #tpu.memory_space<hbm>> -> memref<8192xf32, #tpu.memory_space<hbm>>
    %dma_start3A_72 = arith.constant 0 : i32
    %dma_start3A_73 = tpu.memref_slice %arg5[%dma_start3A_67, %dma_start3A_72] : memref<2x8192xf32, #tpu.memory_space<vmem>> -> memref<1x8192xf32, #tpu.memory_space<vmem>>
    %dma_start3A_74 = tpu.memref_squeeze %dma_start3A_73 : memref<1x8192xf32, #tpu.memory_space<vmem>> -> memref<8192xf32, #tpu.memory_space<vmem>>
    %dma_start3A_75 = tpu.memref_slice %arg2[%add3A_66] : memref<2097152xf32, #tpu.memory_space<hbm>> -> memref<8192xf32, #tpu.memory_space<hbm>>
    tpu.enqueue_dma source(%dma_start3A_75 : memref<8192xf32, #tpu.memory_space<hbm>>) target(%dma_start3A_74 : memref<8192xf32, #tpu.memory_space<vmem>>) target_semaphore(%arg13 : memref<!tpu.dma_semaphore, #tpu.memory_space<semaphore_mem>>)
    %add3A_76 = arith.constant 8192 : i32
    %add3A_77 = arith.addi %add3A_35, %add3A_76 : i32
    %dma_start3A_78 = arith.constant 1 : i32
    %dma_start3A_79 = arith.constant 0 : i32
    %dma_start3A_80 = tpu.memref_slice %arg6[%dma_start3A_78, %dma_start3A_79] : memref<2x8192xi32, #tpu.memory_space<vmem>> -> memref<1x8192xi32, #tpu.memory_space<vmem>>
    %dma_start3A_81 = tpu.memref_squeeze %dma_start3A_80 : memref<1x8192xi32, #tpu.memory_space<vmem>> -> memref<8192xi32, #tpu.memory_space<vmem>>
    %dma_start3A_82 = tpu.memref_slice %arg3[%add3A_77] : memref<2097152xi32, #tpu.memory_space<hbm>> -> memref<8192xi32, #tpu.memory_space<hbm>>
    %dma_start3A_83 = arith.constant 0 : i32
    %dma_start3A_84 = tpu.memref_slice %arg6[%dma_start3A_78, %dma_start3A_83] : memref<2x8192xi32, #tpu.memory_space<vmem>> -> memref<1x8192xi32, #tpu.memory_space<vmem>>
    %dma_start3A_85 = tpu.memref_squeeze %dma_start3A_84 : memref<1x8192xi32, #tpu.memory_space<vmem>> -> memref<8192xi32, #tpu.memory_space<vmem>>
    %dma_start3A_86 = tpu.memref_slice %arg3[%add3A_77] : memref<2097152xi32, #tpu.memory_space<hbm>> -> memref<8192xi32, #tpu.memory_space<hbm>>
    tpu.enqueue_dma source(%dma_start3A_86 : memref<8192xi32, #tpu.memory_space<hbm>>) target(%dma_start3A_85 : memref<8192xi32, #tpu.memory_space<vmem>>) target_semaphore(%arg15 : memref<!tpu.dma_semaphore, #tpu.memory_space<semaphore_mem>>)
    %dma_wait3A = arith.constant 0 : i32
    %dma_wait3A_87 = arith.constant 0 : i32
    %dma_wait3A_88 = tpu.memref_slice %arg5[%dma_wait3A, %dma_wait3A_87] : memref<2x8192xf32, #tpu.memory_space<vmem>> -> memref<1x8192xf32, #tpu.memory_space<vmem>>
    %dma_wait3A_89 = tpu.memref_squeeze %dma_wait3A_88 : memref<1x8192xf32, #tpu.memory_space<vmem>> -> memref<8192xf32, #tpu.memory_space<vmem>>
    %dma_wait3A_90 = tpu.memref_slice %arg2[%add3A_45] : memref<2097152xf32, #tpu.memory_space<hbm>> -> memref<8192xf32, #tpu.memory_space<hbm>>
    %dma_wait3A_91 = arith.constant 0 : i32
    %dma_wait3A_92 = tpu.memref_slice %arg5[%dma_wait3A, %dma_wait3A_91] : memref<2x8192xf32, #tpu.memory_space<vmem>> -> memref<1x8192xf32, #tpu.memory_space<vmem>>
    %dma_wait3A_93 = tpu.memref_squeeze %dma_wait3A_92 : memref<1x8192xf32, #tpu.memory_space<vmem>> -> memref<8192xf32, #tpu.memory_space<vmem>>
    %dma_wait3A_94 = tpu.memref_slice %arg2[%add3A_45] : memref<2097152xf32, #tpu.memory_space<hbm>> -> memref<8192xf32, #tpu.memory_space<hbm>>
    tpu.wait_dma2 semaphore(%arg12 : memref<!tpu.dma_semaphore, #tpu.memory_space<semaphore_mem>>) src(%dma_wait3A_94 : memref<8192xf32, #tpu.memory_space<hbm>>) dst(%dma_wait3A_93 : memref<8192xf32, #tpu.memory_space<vmem>>)
    %dma_wait3A_95 = arith.constant 0 : i32
    %dma_wait3A_96 = arith.constant 0 : i32
    %dma_wait3A_97 = tpu.memref_slice %arg6[%dma_wait3A_95, %dma_wait3A_96] : memref<2x8192xi32, #tpu.memory_space<vmem>> -> memref<1x8192xi32, #tpu.memory_space<vmem>>
    %dma_wait3A_98 = tpu.memref_squeeze %dma_wait3A_97 : memref<1x8192xi32, #tpu.memory_space<vmem>> -> memref<8192xi32, #tpu.memory_space<vmem>>
    %dma_wait3A_99 = tpu.memref_slice %arg3[%add3A_55] : memref<2097152xi32, #tpu.memory_space<hbm>> -> memref<8192xi32, #tpu.memory_space<hbm>>
    %dma_wait3A_100 = arith.constant 0 : i32
    %dma_wait3A_101 = tpu.memref_slice %arg6[%dma_wait3A_95, %dma_wait3A_100] : memref<2x8192xi32, #tpu.memory_space<vmem>> -> memref<1x8192xi32, #tpu.memory_space<vmem>>
    %dma_wait3A_102 = tpu.memref_squeeze %dma_wait3A_101 : memref<1x8192xi32, #tpu.memory_space<vmem>> -> memref<8192xi32, #tpu.memory_space<vmem>>
    %dma_wait3A_103 = tpu.memref_slice %arg3[%add3A_55] : memref<2097152xi32, #tpu.memory_space<hbm>> -> memref<8192xi32, #tpu.memory_space<hbm>>
    tpu.wait_dma2 semaphore(%arg14 : memref<!tpu.dma_semaphore, #tpu.memory_space<semaphore_mem>>) src(%dma_wait3A_103 : memref<8192xi32, #tpu.memory_space<hbm>>) dst(%dma_wait3A_102 : memref<8192xi32, #tpu.memory_space<vmem>>)
    %scan3A_104 = arith.constant 0 : i32
    %scan3A_105 = arith.constant 512 : i32
    %scan3A_106 = arith.addi %scan3A_104, %scan3A_105 : i32
    %scan3A_107 = arith.constant 8 : i32
    scf.for %scan3A_410 = %scan3A_104 to %scan3A_106 step %scan3A_107  : i32 {
      %mul3A_411 = arith.constant 1 : i32
      %mul3A_412 = arith.muli %scan3A_410, %mul3A_411 : i32
      %add3A_413 = arith.constant 0 : i32
      %add3A_414 = arith.addi %add3A_413, %mul3A_412 : i32
      %mul3A_415 = arith.constant 16 : i32
      %mul3A_416 = arith.muli %add3A_414, %mul3A_415 : i32
      %get3A = arith.constant 0 : i32
      %get3A_417 = arith.index_cast %get3A : i32 to index
      %get3A_418 = arith.index_cast %mul3A_416 : i32 to index
      %get3A_419 = tpu.vector_load %arg5[%get3A_417, %get3A_418] {strides = array<i32>} : memref<2x8192xf32, #tpu.memory_space<vmem>>, vector<16xf32>,
      %mul3A_420 = arith.constant 16 : i32
      %mul3A_421 = arith.muli %add3A_414, %mul3A_420 : i32
      %get3A_422 = arith.constant 0 : i32
      %get3A_423 = arith.index_cast %get3A_422 : i32 to index
      %get3A_424 = arith.index_cast %mul3A_421 : i32 to index
      %get3A_425 = tpu.vector_load %arg6[%get3A_423, %get3A_424] {strides = array<i32>} : memref<2x8192xi32, #tpu.memory_space<vmem>>, vector<16xi32>,
      %convert_element_type3A_426 = arith.sitofp %get3A_425 : vector<16xi32> to vector<16xf32>
      %mul3A_427 = arith.constant 2.000000e+00 : f32
      %mul3A_428 = vector.broadcast %mul3A_427 : f32 to vector<16xf32>
      %mul3A_429 = arith.mulf %mul3A_428, %convert_element_type3A_426 : vector<16xf32>
      %sub3A_430 = arith.constant 1.000000e+00 : f32
      %sub3A_431 = vector.broadcast %sub3A_430 : f32 to vector<16xf32>
      %sub3A_432 = arith.subf %mul3A_429, %sub3A_431 : vector<16xf32>
      %mul3A_433 = arith.constant 2.000000e+00 : f32
      %mul3A_434 = vector.broadcast %mul3A_433 : f32 to vector<16xf32>
      %mul3A_435 = arith.mulf %mul3A_434, %get3A_419 : vector<16xf32>
      %sub3A_436 = arith.constant 1.000000e+00 : f32
      %sub3A_437 = vector.broadcast %sub3A_436 : f32 to vector<16xf32>
      %sub3A_438 = arith.subf %mul3A_435, %sub3A_437 : vector<16xf32>
      %mul3A_439 = arith.mulf %sub3A_432, %sub3A_438 : vector<16xf32>
      %sub3A_440 = arith.constant 1.000000e+00 : f32
      %sub3A_441 = vector.broadcast %sub3A_440 : f32 to vector<16xf32>
      %sub3A_442 = arith.subf %sub3A_441, %mul3A_439 : vector<16xf32>
      %mul3A_443 = arith.constant 1.024000e+03 : f32
      %mul3A_444 = vector.broadcast %mul3A_443 : f32 to vector<16xf32>
      %mul3A_445 = arith.mulf %sub3A_442, %mul3A_444 : vector<16xf32>
      %convert_element_type3A_446 = arith.fptosi %mul3A_445 : vector<16xf32> to vector<16xi32>
      %min3A = arith.constant 2047 : i32
      %min3A_447 = vector.broadcast %min3A : i32 to vector<16xi32>
      %min3A_448 = arith.minsi %convert_element_type3A_446, %min3A_447 : vector<16xi32>
      %mul3A_449 = arith.constant 2048 : i32
      %mul3A_450 = vector.broadcast %mul3A_449 : i32 to vector<16xi32>
      %mul3A_451 = arith.muli %get3A_425, %mul3A_450 : vector<16xi32>
      %add3A_452 = arith.addi %mul3A_38, %mul3A_451 : vector<16xi32>
      %add3A_453 = arith.addi %add3A_452, %min3A_448 : vector<16xi32>
      tpu.vector_store_idx %arg7[%add3A_453], %broadcast_in_dim3A_39 {add = true} : memref<65536xi32, #tpu.memory_space<vmem>>[vector<16xi32>], vector<16xi32>,
      %scan3A_454 = arith.constant 1 : i32
      %scan3A_455 = arith.addi %scan3A_410, %scan3A_454 : i32
      %mul3A_456 = arith.constant 1 : i32
      %mul3A_457 = arith.muli %scan3A_455, %mul3A_456 : i32
      %add3A_458 = arith.constant 0 : i32
      %add3A_459 = arith.addi %add3A_458, %mul3A_457 : i32
      %mul3A_460 = arith.constant 16 : i32
      %mul3A_461 = arith.muli %add3A_459, %mul3A_460 : i32
      %get3A_462 = arith.constant 0 : i32
      %get3A_463 = arith.index_cast %get3A_462 : i32 to index
      %get3A_464 = arith.index_cast %mul3A_461 : i32 to index
      %get3A_465 = tpu.vector_load %arg5[%get3A_463, %get3A_464] {strides = array<i32>} : memref<2x8192xf32, #tpu.memory_space<vmem>>, vector<16xf32>,
      %mul3A_466 = arith.constant 16 : i32
      %mul3A_467 = arith.muli %add3A_459, %mul3A_466 : i32
      %get3A_468 = arith.constant 0 : i32
      %get3A_469 = arith.index_cast %get3A_468 : i32 to index
      %get3A_470 = arith.index_cast %mul3A_467 : i32 to index
      %get3A_471 = tpu.vector_load %arg6[%get3A_469, %get3A_470] {strides = array<i32>} : memref<2x8192xi32, #tpu.memory_space<vmem>>, vector<16xi32>,
      %convert_element_type3A_472 = arith.sitofp %get3A_471 : vector<16xi32> to vector<16xf32>
      %mul3A_473 = arith.constant 2.000000e+00 : f32
      %mul3A_474 = vector.broadcast %mul3A_473 : f32 to vector<16xf32>
      %mul3A_475 = arith.mulf %mul3A_474, %convert_element_type3A_472 : vector<16xf32>
      %sub3A_476 = arith.constant 1.000000e+00 : f32
      %sub3A_477 = vector.broadcast %sub3A_476 : f32 to vector<16xf32>
      %sub3A_478 = arith.subf %mul3A_475, %sub3A_477 : vector<16xf32>
      %mul3A_479 = arith.constant 2.000000e+00 : f32
      %mul3A_480 = vector.broadcast %mul3A_479 : f32 to vector<16xf32>
      %mul3A_481 = arith.mulf %mul3A_480, %get3A_465 : vector<16xf32>
      %sub3A_482 = arith.constant 1.000000e+00 : f32
      %sub3A_483 = vector.broadcast %sub3A_482 : f32 to vector<16xf32>
      %sub3A_484 = arith.subf %mul3A_481, %sub3A_483 : vector<16xf32>
      %mul3A_485 = arith.mulf %sub3A_478, %sub3A_484 : vector<16xf32>
      %sub3A_486 = arith.constant 1.000000e+00 : f32
      %sub3A_487 = vector.broadcast %sub3A_486 : f32 to vector<16xf32>
      %sub3A_488 = arith.subf %sub3A_487, %mul3A_485 : vector<16xf32>
      %mul3A_489 = arith.constant 1.024000e+03 : f32
      %mul3A_490 = vector.broadcast %mul3A_489 : f32 to vector<16xf32>
      %mul3A_491 = arith.mulf %sub3A_488, %mul3A_490 : vector<16xf32>
      %convert_element_type3A_492 = arith.fptosi %mul3A_491 : vector<16xf32> to vector<16xi32>
      %min3A_493 = arith.constant 2047 : i32
      %min3A_494 = vector.broadcast %min3A_493 : i32 to vector<16xi32>
      %min3A_495 = arith.minsi %convert_element_type3A_492, %min3A_494 : vector<16xi32>
      %mul3A_496 = arith.constant 2048 : i32
      %mul3A_497 = vector.broadcast %mul3A_496 : i32 to vector<16xi32>
      %mul3A_498 = arith.muli %get3A_471, %mul3A_497 : vector<16xi32>
      %add3A_499 = arith.addi %mul3A_38, %mul3A_498 : vector<16xi32>
      %add3A_500 = arith.addi %add3A_499, %min3A_495 : vector<16xi32>
      tpu.vector_store_idx %arg7[%add3A_500], %broadcast_in_dim3A_39 {add = true} : memref<65536xi32, #tpu.memory_space<vmem>>[vector<16xi32>], vector<16xi32>,
      %scan3A_501 = arith.constant 2 : i32
      %scan3A_502 = arith.addi %scan3A_410, %scan3A_501 : i32
      %mul3A_503 = arith.constant 1 : i32
      %mul3A_504 = arith.muli %scan3A_502, %mul3A_503 : i32
      %add3A_505 = arith.constant 0 : i32
      %add3A_506 = arith.addi %add3A_505, %mul3A_504 : i32
      %mul3A_507 = arith.constant 16 : i32
      %mul3A_508 = arith.muli %add3A_506, %mul3A_507 : i32
      %get3A_509 = arith.constant 0 : i32
      %get3A_510 = arith.index_cast %get3A_509 : i32 to index
      %get3A_511 = arith.index_cast %mul3A_508 : i32 to index
      %get3A_512 = tpu.vector_load %arg5[%get3A_510, %get3A_511] {strides = array<i32>} : memref<2x8192xf32, #tpu.memory_space<vmem>>, vector<16xf32>,
      %mul3A_513 = arith.constant 16 : i32
      %mul3A_514 = arith.muli %add3A_506, %mul3A_513 : i32
      %get3A_515 = arith.constant 0 : i32
      %get3A_516 = arith.index_cast %get3A_515 : i32 to index
      %get3A_517 = arith.index_cast %mul3A_514 : i32 to index
      %get3A_518 = tpu.vector_load %arg6[%get3A_516, %get3A_517] {strides = array<i32>} : memref<2x8192xi32, #tpu.memory_space<vmem>>, vector<16xi32>,
      %convert_element_type3A_519 = arith.sitofp %get3A_518 : vector<16xi32> to vector<16xf32>
      %mul3A_520 = arith.constant 2.000000e+00 : f32
      %mul3A_521 = vector.broadcast %mul3A_520 : f32 to vector<16xf32>
      %mul3A_522 = arith.mulf %mul3A_521, %convert_element_type3A_519 : vector<16xf32>
      %sub3A_523 = arith.constant 1.000000e+00 : f32
      %sub3A_524 = vector.broadcast %sub3A_523 : f32 to vector<16xf32>
      %sub3A_525 = arith.subf %mul3A_522, %sub3A_524 : vector<16xf32>
      %mul3A_526 = arith.constant 2.000000e+00 : f32
      %mul3A_527 = vector.broadcast %mul3A_526 : f32 to vector<16xf32>
      %mul3A_528 = arith.mulf %mul3A_527, %get3A_512 : vector<16xf32>
      %sub3A_529 = arith.constant 1.000000e+00 : f32
      %sub3A_530 = vector.broadcast %sub3A_529 : f32 to vector<16xf32>
      %sub3A_531 = arith.subf %mul3A_528, %sub3A_530 : vector<16xf32>
      %mul3A_532 = arith.mulf %sub3A_525, %sub3A_531 : vector<16xf32>
      %sub3A_533 = arith.constant 1.000000e+00 : f32
      %sub3A_534 = vector.broadcast %sub3A_533 : f32 to vector<16xf32>
      %sub3A_535 = arith.subf %sub3A_534, %mul3A_532 : vector<16xf32>
      %mul3A_536 = arith.constant 1.024000e+03 : f32
      %mul3A_537 = vector.broadcast %mul3A_536 : f32 to vector<16xf32>
      %mul3A_538 = arith.mulf %sub3A_535, %mul3A_537 : vector<16xf32>
      %convert_element_type3A_539 = arith.fptosi %mul3A_538 : vector<16xf32> to vector<16xi32>
      %min3A_540 = arith.constant 2047 : i32
      %min3A_541 = vector.broadcast %min3A_540 : i32 to vector<16xi32>
      %min3A_542 = arith.minsi %convert_element_type3A_539, %min3A_541 : vector<16xi32>
      %mul3A_543 = arith.constant 2048 : i32
      %mul3A_544 = vector.broadcast %mul3A_543 : i32 to vector<16xi32>
      %mul3A_545 = arith.muli %get3A_518, %mul3A_544 : vector<16xi32>
      %add3A_546 = arith.addi %mul3A_38, %mul3A_545 : vector<16xi32>
      %add3A_547 = arith.addi %add3A_546, %min3A_542 : vector<16xi32>
      tpu.vector_store_idx %arg7[%add3A_547], %broadcast_in_dim3A_39 {add = true} : memref<65536xi32, #tpu.memory_space<vmem>>[vector<16xi32>], vector<16xi32>,
      %scan3A_548 = arith.constant 3 : i32
      %scan3A_549 = arith.addi %scan3A_410, %scan3A_548 : i32
      %mul3A_550 = arith.constant 1 : i32
      %mul3A_551 = arith.muli %scan3A_549, %mul3A_550 : i32
      %add3A_552 = arith.constant 0 : i32
      %add3A_553 = arith.addi %add3A_552, %mul3A_551 : i32
      %mul3A_554 = arith.constant 16 : i32
      %mul3A_555 = arith.muli %add3A_553, %mul3A_554 : i32
      %get3A_556 = arith.constant 0 : i32
      %get3A_557 = arith.index_cast %get3A_556 : i32 to index
      %get3A_558 = arith.index_cast %mul3A_555 : i32 to index
      %get3A_559 = tpu.vector_load %arg5[%get3A_557, %get3A_558] {strides = array<i32>} : memref<2x8192xf32, #tpu.memory_space<vmem>>, vector<16xf32>,
      %mul3A_560 = arith.constant 16 : i32
      %mul3A_561 = arith.muli %add3A_553, %mul3A_560 : i32
      %get3A_562 = arith.constant 0 : i32
      %get3A_563 = arith.index_cast %get3A_562 : i32 to index
      %get3A_564 = arith.index_cast %mul3A_561 : i32 to index
      %get3A_565 = tpu.vector_load %arg6[%get3A_563, %get3A_564] {strides = array<i32>} : memref<2x8192xi32, #tpu.memory_space<vmem>>, vector<16xi32>,
      %convert_element_type3A_566 = arith.sitofp %get3A_565 : vector<16xi32> to vector<16xf32>
      %mul3A_567 = arith.constant 2.000000e+00 : f32
      %mul3A_568 = vector.broadcast %mul3A_567 : f32 to vector<16xf32>
      %mul3A_569 = arith.mulf %mul3A_568, %convert_element_type3A_566 : vector<16xf32>
      %sub3A_570 = arith.constant 1.000000e+00 : f32
      %sub3A_571 = vector.broadcast %sub3A_570 : f32 to vector<16xf32>
      %sub3A_572 = arith.subf %mul3A_569, %sub3A_571 : vector<16xf32>
      %mul3A_573 = arith.constant 2.000000e+00 : f32
      %mul3A_574 = vector.broadcast %mul3A_573 : f32 to vector<16xf32>
      %mul3A_575 = arith.mulf %mul3A_574, %get3A_559 : vector<16xf32>
      %sub3A_576 = arith.constant 1.000000e+00 : f32
      %sub3A_577 = vector.broadcast %sub3A_576 : f32 to vector<16xf32>
      %sub3A_578 = arith.subf %mul3A_575, %sub3A_577 : vector<16xf32>
      %mul3A_579 = arith.mulf %sub3A_572, %sub3A_578 : vector<16xf32>
      %sub3A_580 = arith.constant 1.000000e+00 : f32
      %sub3A_581 = vector.broadcast %sub3A_580 : f32 to vector<16xf32>
      %sub3A_582 = arith.subf %sub3A_581, %mul3A_579 : vector<16xf32>
      %mul3A_583 = arith.constant 1.024000e+03 : f32
      %mul3A_584 = vector.broadcast %mul3A_583 : f32 to vector<16xf32>
      %mul3A_585 = arith.mulf %sub3A_582, %mul3A_584 : vector<16xf32>
      %convert_element_type3A_586 = arith.fptosi %mul3A_585 : vector<16xf32> to vector<16xi32>
      %min3A_587 = arith.constant 2047 : i32
      %min3A_588 = vector.broadcast %min3A_587 : i32 to vector<16xi32>
      %min3A_589 = arith.minsi %convert_element_type3A_586, %min3A_588 : vector<16xi32>
      %mul3A_590 = arith.constant 2048 : i32
      %mul3A_591 = vector.broadcast %mul3A_590 : i32 to vector<16xi32>
      %mul3A_592 = arith.muli %get3A_565, %mul3A_591 : vector<16xi32>
      %add3A_593 = arith.addi %mul3A_38, %mul3A_592 : vector<16xi32>
      %add3A_594 = arith.addi %add3A_593, %min3A_589 : vector<16xi32>
      tpu.vector_store_idx %arg7[%add3A_594], %broadcast_in_dim3A_39 {add = true} : memref<65536xi32, #tpu.memory_space<vmem>>[vector<16xi32>], vector<16xi32>,
      %scan3A_595 = arith.constant 4 : i32
      %scan3A_596 = arith.addi %scan3A_410, %scan3A_595 : i32
      %mul3A_597 = arith.constant 1 : i32
      %mul3A_598 = arith.muli %scan3A_596, %mul3A_597 : i32
      %add3A_599 = arith.constant 0 : i32
      %add3A_600 = arith.addi %add3A_599, %mul3A_598 : i32
      %mul3A_601 = arith.constant 16 : i32
      %mul3A_602 = arith.muli %add3A_600, %mul3A_601 : i32
      %get3A_603 = arith.constant 0 : i32
      %get3A_604 = arith.index_cast %get3A_603 : i32 to index
      %get3A_605 = arith.index_cast %mul3A_602 : i32 to index
      %get3A_606 = tpu.vector_load %arg5[%get3A_604, %get3A_605] {strides = array<i32>} : memref<2x8192xf32, #tpu.memory_space<vmem>>, vector<16xf32>,
      %mul3A_607 = arith.constant 16 : i32
      %mul3A_608 = arith.muli %add3A_600, %mul3A_607 : i32
      %get3A_609 = arith.constant 0 : i32
      %get3A_610 = arith.index_cast %get3A_609 : i32 to index
      %get3A_611 = arith.index_cast %mul3A_608 : i32 to index
      %get3A_612 = tpu.vector_load %arg6[%get3A_610, %get3A_611] {strides = array<i32>} : memref<2x8192xi32, #tpu.memory_space<vmem>>, vector<16xi32>,
      %convert_element_type3A_613 = arith.sitofp %get3A_612 : vector<16xi32> to vector<16xf32>
      %mul3A_614 = arith.constant 2.000000e+00 : f32
      %mul3A_615 = vector.broadcast %mul3A_614 : f32 to vector<16xf32>
      %mul3A_616 = arith.mulf %mul3A_615, %convert_element_type3A_613 : vector<16xf32>
      %sub3A_617 = arith.constant 1.000000e+00 : f32
      %sub3A_618 = vector.broadcast %sub3A_617 : f32 to vector<16xf32>
      %sub3A_619 = arith.subf %mul3A_616, %sub3A_618 : vector<16xf32>
      %mul3A_620 = arith.constant 2.000000e+00 : f32
      %mul3A_621 = vector.broadcast %mul3A_620 : f32 to vector<16xf32>
      %mul3A_622 = arith.mulf %mul3A_621, %get3A_606 : vector<16xf32>
      %sub3A_623 = arith.constant 1.000000e+00 : f32
      %sub3A_624 = vector.broadcast %sub3A_623 : f32 to vector<16xf32>
      %sub3A_625 = arith.subf %mul3A_622, %sub3A_624 : vector<16xf32>
      %mul3A_626 = arith.mulf %sub3A_619, %sub3A_625 : vector<16xf32>
      %sub3A_627 = arith.constant 1.000000e+00 : f32
      %sub3A_628 = vector.broadcast %sub3A_627 : f32 to vector<16xf32>
      %sub3A_629 = arith.subf %sub3A_628, %mul3A_626 : vector<16xf32>
      %mul3A_630 = arith.constant 1.024000e+03 : f32
      %mul3A_631 = vector.broadcast %mul3A_630 : f32 to vector<16xf32>
      %mul3A_632 = arith.mulf %sub3A_629, %mul3A_631 : vector<16xf32>
      %convert_element_type3A_633 = arith.fptosi %mul3A_632 : vector<16xf32> to vector<16xi32>
      %min3A_634 = arith.constant 2047 : i32
      %min3A_635 = vector.broadcast %min3A_634 : i32 to vector<16xi32>
      %min3A_636 = arith.minsi %convert_element_type3A_633, %min3A_635 : vector<16xi32>
      %mul3A_637 = arith.constant 2048 : i32
      %mul3A_638 = vector.broadcast %mul3A_637 : i32 to vector<16xi32>
      %mul3A_639 = arith.muli %get3A_612, %mul3A_638 : vector<16xi32>
      %add3A_640 = arith.addi %mul3A_38, %mul3A_639 : vector<16xi32>
      %add3A_641 = arith.addi %add3A_640, %min3A_636 : vector<16xi32>
      tpu.vector_store_idx %arg7[%add3A_641], %broadcast_in_dim3A_39 {add = true} : memref<65536xi32, #tpu.memory_space<vmem>>[vector<16xi32>], vector<16xi32>,
      %scan3A_642 = arith.constant 5 : i32
      %scan3A_643 = arith.addi %scan3A_410, %scan3A_642 : i32
      %mul3A_644 = arith.constant 1 : i32
      %mul3A_645 = arith.muli %scan3A_643, %mul3A_644 : i32
      %add3A_646 = arith.constant 0 : i32
      %add3A_647 = arith.addi %add3A_646, %mul3A_645 : i32
      %mul3A_648 = arith.constant 16 : i32
      %mul3A_649 = arith.muli %add3A_647, %mul3A_648 : i32
      %get3A_650 = arith.constant 0 : i32
      %get3A_651 = arith.index_cast %get3A_650 : i32 to index
      %get3A_652 = arith.index_cast %mul3A_649 : i32 to index
      %get3A_653 = tpu.vector_load %arg5[%get3A_651, %get3A_652] {strides = array<i32>} : memref<2x8192xf32, #tpu.memory_space<vmem>>, vector<16xf32>,
      %mul3A_654 = arith.constant 16 : i32
      %mul3A_655 = arith.muli %add3A_647, %mul3A_654 : i32
      %get3A_656 = arith.constant 0 : i32
      %get3A_657 = arith.index_cast %get3A_656 : i32 to index
      %get3A_658 = arith.index_cast %mul3A_655 : i32 to index
      %get3A_659 = tpu.vector_load %arg6[%get3A_657, %get3A_658] {strides = array<i32>} : memref<2x8192xi32, #tpu.memory_space<vmem>>, vector<16xi32>,
      %convert_element_type3A_660 = arith.sitofp %get3A_659 : vector<16xi32> to vector<16xf32>
      %mul3A_661 = arith.constant 2.000000e+00 : f32
      %mul3A_662 = vector.broadcast %mul3A_661 : f32 to vector<16xf32>
      %mul3A_663 = arith.mulf %mul3A_662, %convert_element_type3A_660 : vector<16xf32>
      %sub3A_664 = arith.constant 1.000000e+00 : f32
      %sub3A_665 = vector.broadcast %sub3A_664 : f32 to vector<16xf32>
      %sub3A_666 = arith.subf %mul3A_663, %sub3A_665 : vector<16xf32>
      %mul3A_667 = arith.constant 2.000000e+00 : f32
      %mul3A_668 = vector.broadcast %mul3A_667 : f32 to vector<16xf32>
      %mul3A_669 = arith.mulf %mul3A_668, %get3A_653 : vector<16xf32>
      %sub3A_670 = arith.constant 1.000000e+00 : f32
      %sub3A_671 = vector.broadcast %sub3A_670 : f32 to vector<16xf32>
      %sub3A_672 = arith.subf %mul3A_669, %sub3A_671 : vector<16xf32>
      %mul3A_673 = arith.mulf %sub3A_666, %sub3A_672 : vector<16xf32>
      %sub3A_674 = arith.constant 1.000000e+00 : f32
      %sub3A_675 = vector.broadcast %sub3A_674 : f32 to vector<16xf32>
      %sub3A_676 = arith.subf %sub3A_675, %mul3A_673 : vector<16xf32>
      %mul3A_677 = arith.constant 1.024000e+03 : f32
      %mul3A_678 = vector.broadcast %mul3A_677 : f32 to vector<16xf32>
      %mul3A_679 = arith.mulf %sub3A_676, %mul3A_678 : vector<16xf32>
      %convert_element_type3A_680 = arith.fptosi %mul3A_679 : vector<16xf32> to vector<16xi32>
      %min3A_681 = arith.constant 2047 : i32
      %min3A_682 = vector.broadcast %min3A_681 : i32 to vector<16xi32>
      %min3A_683 = arith.minsi %convert_element_type3A_680, %min3A_682 : vector<16xi32>
      %mul3A_684 = arith.constant 2048 : i32
      %mul3A_685 = vector.broadcast %mul3A_684 : i32 to vector<16xi32>
      %mul3A_686 = arith.muli %get3A_659, %mul3A_685 : vector<16xi32>
      %add3A_687 = arith.addi %mul3A_38, %mul3A_686 : vector<16xi32>
      %add3A_688 = arith.addi %add3A_687, %min3A_683 : vector<16xi32>
      tpu.vector_store_idx %arg7[%add3A_688], %broadcast_in_dim3A_39 {add = true} : memref<65536xi32, #tpu.memory_space<vmem>>[vector<16xi32>], vector<16xi32>,
      %scan3A_689 = arith.constant 6 : i32
      %scan3A_690 = arith.addi %scan3A_410, %scan3A_689 : i32
      %mul3A_691 = arith.constant 1 : i32
      %mul3A_692 = arith.muli %scan3A_690, %mul3A_691 : i32
      %add3A_693 = arith.constant 0 : i32
      %add3A_694 = arith.addi %add3A_693, %mul3A_692 : i32
      %mul3A_695 = arith.constant 16 : i32
      %mul3A_696 = arith.muli %add3A_694, %mul3A_695 : i32
      %get3A_697 = arith.constant 0 : i32
      %get3A_698 = arith.index_cast %get3A_697 : i32 to index
      %get3A_699 = arith.index_cast %mul3A_696 : i32 to index
      %get3A_700 = tpu.vector_load %arg5[%get3A_698, %get3A_699] {strides = array<i32>} : memref<2x8192xf32, #tpu.memory_space<vmem>>, vector<16xf32>,
      %mul3A_701 = arith.constant 16 : i32
      %mul3A_702 = arith.muli %add3A_694, %mul3A_701 : i32
      %get3A_703 = arith.constant 0 : i32
      %get3A_704 = arith.index_cast %get3A_703 : i32 to index
      %get3A_705 = arith.index_cast %mul3A_702 : i32 to index
      %get3A_706 = tpu.vector_load %arg6[%get3A_704, %get3A_705] {strides = array<i32>} : memref<2x8192xi32, #tpu.memory_space<vmem>>, vector<16xi32>,
      %convert_element_type3A_707 = arith.sitofp %get3A_706 : vector<16xi32> to vector<16xf32>
      %mul3A_708 = arith.constant 2.000000e+00 : f32
      %mul3A_709 = vector.broadcast %mul3A_708 : f32 to vector<16xf32>
      %mul3A_710 = arith.mulf %mul3A_709, %convert_element_type3A_707 : vector<16xf32>
      %sub3A_711 = arith.constant 1.000000e+00 : f32
      %sub3A_712 = vector.broadcast %sub3A_711 : f32 to vector<16xf32>
      %sub3A_713 = arith.subf %mul3A_710, %sub3A_712 : vector<16xf32>
      %mul3A_714 = arith.constant 2.000000e+00 : f32
      %mul3A_715 = vector.broadcast %mul3A_714 : f32 to vector<16xf32>
      %mul3A_716 = arith.mulf %mul3A_715, %get3A_700 : vector<16xf32>
      %sub3A_717 = arith.constant 1.000000e+00 : f32
      %sub3A_718 = vector.broadcast %sub3A_717 : f32 to vector<16xf32>
      %sub3A_719 = arith.subf %mul3A_716, %sub3A_718 : vector<16xf32>
      %mul3A_720 = arith.mulf %sub3A_713, %sub3A_719 : vector<16xf32>
      %sub3A_721 = arith.constant 1.000000e+00 : f32
      %sub3A_722 = vector.broadcast %sub3A_721 : f32 to vector<16xf32>
      %sub3A_723 = arith.subf %sub3A_722, %mul3A_720 : vector<16xf32>
      %mul3A_724 = arith.constant 1.024000e+03 : f32
      %mul3A_725 = vector.broadcast %mul3A_724 : f32 to vector<16xf32>
      %mul3A_726 = arith.mulf %sub3A_723, %mul3A_725 : vector<16xf32>
      %convert_element_type3A_727 = arith.fptosi %mul3A_726 : vector<16xf32> to vector<16xi32>
      %min3A_728 = arith.constant 2047 : i32
      %min3A_729 = vector.broadcast %min3A_728 : i32 to vector<16xi32>
      %min3A_730 = arith.minsi %convert_element_type3A_727, %min3A_729 : vector<16xi32>
      %mul3A_731 = arith.constant 2048 : i32
      %mul3A_732 = vector.broadcast %mul3A_731 : i32 to vector<16xi32>
      %mul3A_733 = arith.muli %get3A_706, %mul3A_732 : vector<16xi32>
      %add3A_734 = arith.addi %mul3A_38, %mul3A_733 : vector<16xi32>
      %add3A_735 = arith.addi %add3A_734, %min3A_730 : vector<16xi32>
      tpu.vector_store_idx %arg7[%add3A_735], %broadcast_in_dim3A_39 {add = true} : memref<65536xi32, #tpu.memory_space<vmem>>[vector<16xi32>], vector<16xi32>,
      %scan3A_736 = arith.constant 7 : i32
      %scan3A_737 = arith.addi %scan3A_410, %scan3A_736 : i32
      %mul3A_738 = arith.constant 1 : i32
      %mul3A_739 = arith.muli %scan3A_737, %mul3A_738 : i32
      %add3A_740 = arith.constant 0 : i32
      %add3A_741 = arith.addi %add3A_740, %mul3A_739 : i32
      %mul3A_742 = arith.constant 16 : i32
      %mul3A_743 = arith.muli %add3A_741, %mul3A_742 : i32
      %get3A_744 = arith.constant 0 : i32
      %get3A_745 = arith.index_cast %get3A_744 : i32 to index
      %get3A_746 = arith.index_cast %mul3A_743 : i32 to index
      %get3A_747 = tpu.vector_load %arg5[%get3A_745, %get3A_746] {strides = array<i32>} : memref<2x8192xf32, #tpu.memory_space<vmem>>, vector<16xf32>,
      %mul3A_748 = arith.constant 16 : i32
      %mul3A_749 = arith.muli %add3A_741, %mul3A_748 : i32
      %get3A_750 = arith.constant 0 : i32
      %get3A_751 = arith.index_cast %get3A_750 : i32 to index
      %get3A_752 = arith.index_cast %mul3A_749 : i32 to index
      %get3A_753 = tpu.vector_load %arg6[%get3A_751, %get3A_752] {strides = array<i32>} : memref<2x8192xi32, #tpu.memory_space<vmem>>, vector<16xi32>,
      %convert_element_type3A_754 = arith.sitofp %get3A_753 : vector<16xi32> to vector<16xf32>
      %mul3A_755 = arith.constant 2.000000e+00 : f32
      %mul3A_756 = vector.broadcast %mul3A_755 : f32 to vector<16xf32>
      %mul3A_757 = arith.mulf %mul3A_756, %convert_element_type3A_754 : vector<16xf32>
      %sub3A_758 = arith.constant 1.000000e+00 : f32
      %sub3A_759 = vector.broadcast %sub3A_758 : f32 to vector<16xf32>
      %sub3A_760 = arith.subf %mul3A_757, %sub3A_759 : vector<16xf32>
      %mul3A_761 = arith.constant 2.000000e+00 : f32
      %mul3A_762 = vector.broadcast %mul3A_761 : f32 to vector<16xf32>
      %mul3A_763 = arith.mulf %mul3A_762, %get3A_747 : vector<16xf32>
      %sub3A_764 = arith.constant 1.000000e+00 : f32
      %sub3A_765 = vector.broadcast %sub3A_764 : f32 to vector<16xf32>
      %sub3A_766 = arith.subf %mul3A_763, %sub3A_765 : vector<16xf32>
      %mul3A_767 = arith.mulf %sub3A_760, %sub3A_766 : vector<16xf32>
      %sub3A_768 = arith.constant 1.000000e+00 : f32
      %sub3A_769 = vector.broadcast %sub3A_768 : f32 to vector<16xf32>
      %sub3A_770 = arith.subf %sub3A_769, %mul3A_767 : vector<16xf32>
      %mul3A_771 = arith.constant 1.024000e+03 : f32
      %mul3A_772 = vector.broadcast %mul3A_771 : f32 to vector<16xf32>
      %mul3A_773 = arith.mulf %sub3A_770, %mul3A_772 : vector<16xf32>
      %convert_element_type3A_774 = arith.fptosi %mul3A_773 : vector<16xf32> to vector<16xi32>
      %min3A_775 = arith.constant 2047 : i32
      %min3A_776 = vector.broadcast %min3A_775 : i32 to vector<16xi32>
      %min3A_777 = arith.minsi %convert_element_type3A_774, %min3A_776 : vector<16xi32>
      %mul3A_778 = arith.constant 2048 : i32
      %mul3A_779 = vector.broadcast %mul3A_778 : i32 to vector<16xi32>
      %mul3A_780 = arith.muli %get3A_753, %mul3A_779 : vector<16xi32>
      %add3A_781 = arith.addi %mul3A_38, %mul3A_780 : vector<16xi32>
      %add3A_782 = arith.addi %add3A_781, %min3A_777 : vector<16xi32>
      tpu.vector_store_idx %arg7[%add3A_782], %broadcast_in_dim3A_39 {add = true} : memref<65536xi32, #tpu.memory_space<vmem>>[vector<16xi32>], vector<16xi32>,
    }
    %scan3A_108 = arith.constant 512 : i32
    %add3A_109 = arith.constant 16384 : i32
    %add3A_110 = arith.addi %add3A_35, %add3A_109 : i32
    %dma_start3A_111 = arith.constant 0 : i32
    %dma_start3A_112 = arith.constant 0 : i32
    %dma_start3A_113 = tpu.memref_slice %arg5[%dma_start3A_111, %dma_start3A_112] : memref<2x8192xf32, #tpu.memory_space<vmem>> -> memref<1x8192xf32, #tpu.memory_space<vmem>>
    %dma_start3A_114 = tpu.memref_squeeze %dma_start3A_113 : memref<1x8192xf32, #tpu.memory_space<vmem>> -> memref<8192xf32, #tpu.memory_space<vmem>>
    %dma_start3A_115 = tpu.memref_slice %arg2[%add3A_110] : memref<2097152xf32, #tpu.memory_space<hbm>> -> memref<8192xf32, #tpu.memory_space<hbm>>
    %dma_start3A_116 = arith.constant 0 : i32
    %dma_start3A_117 = tpu.memref_slice %arg5[%dma_start3A_111, %dma_start3A_116] : memref<2x8192xf32, #tpu.memory_space<vmem>> -> memref<1x8192xf32, #tpu.memory_space<vmem>>
    %dma_start3A_118 = tpu.memref_squeeze %dma_start3A_117 : memref<1x8192xf32, #tpu.memory_space<vmem>> -> memref<8192xf32, #tpu.memory_space<vmem>>
    %dma_start3A_119 = tpu.memref_slice %arg2[%add3A_110] : memref<2097152xf32, #tpu.memory_space<hbm>> -> memref<8192xf32, #tpu.memory_space<hbm>>
    tpu.enqueue_dma source(%dma_start3A_119 : memref<8192xf32, #tpu.memory_space<hbm>>) target(%dma_start3A_118 : memref<8192xf32, #tpu.memory_space<vmem>>) target_semaphore(%arg12 : memref<!tpu.dma_semaphore, #tpu.memory_space<semaphore_mem>>)
    %add3A_120 = arith.constant 16384 : i32
    %add3A_121 = arith.addi %add3A_35, %add3A_120 : i32
    %dma_start3A_122 = arith.constant 0 : i32
    %dma_start3A_123 = arith.constant 0 : i32
    %dma_start3A_124 = tpu.memref_slice %arg6[%dma_start3A_122, %dma_start3A_123] : memref<2x8192xi32, #tpu.memory_space<vmem>> -> memref<1x8192xi32, #tpu.memory_space<vmem>>
    %dma_start3A_125 = tpu.memref_squeeze %dma_start3A_124 : memref<1x8192xi32, #tpu.memory_space<vmem>> -> memref<8192xi32, #tpu.memory_space<vmem>>
    %dma_start3A_126 = tpu.memref_slice %arg3[%add3A_121] : memref<2097152xi32, #tpu.memory_space<hbm>> -> memref<8192xi32, #tpu.memory_space<hbm>>
    %dma_start3A_127 = arith.constant 0 : i32
    %dma_start3A_128 = tpu.memref_slice %arg6[%dma_start3A_122, %dma_start3A_127] : memref<2x8192xi32, #tpu.memory_space<vmem>> -> memref<1x8192xi32, #tpu.memory_space<vmem>>
    %dma_start3A_129 = tpu.memref_squeeze %dma_start3A_128 : memref<1x8192xi32, #tpu.memory_space<vmem>> -> memref<8192xi32, #tpu.memory_space<vmem>>
    %dma_start3A_130 = tpu.memref_slice %arg3[%add3A_121] : memref<2097152xi32, #tpu.memory_space<hbm>> -> memref<8192xi32, #tpu.memory_space<hbm>>
    tpu.enqueue_dma source(%dma_start3A_130 : memref<8192xi32, #tpu.memory_space<hbm>>) target(%dma_start3A_129 : memref<8192xi32, #tpu.memory_space<vmem>>) target_semaphore(%arg14 : memref<!tpu.dma_semaphore, #tpu.memory_space<semaphore_mem>>)
    %dma_wait3A_131 = arith.constant 1 : i32
    %dma_wait3A_132 = arith.constant 0 : i32
    %dma_wait3A_133 = tpu.memref_slice %arg5[%dma_wait3A_131, %dma_wait3A_132] : memref<2x8192xf32, #tpu.memory_space<vmem>> -> memref<1x8192xf32, #tpu.memory_space<vmem>>
    %dma_wait3A_134 = tpu.memref_squeeze %dma_wait3A_133 : memref<1x8192xf32, #tpu.memory_space<vmem>> -> memref<8192xf32, #tpu.memory_space<vmem>>
    %dma_wait3A_135 = tpu.memref_slice %arg2[%add3A_66] : memref<2097152xf32, #tpu.memory_space<hbm>> -> memref<8192xf32, #tpu.memory_space<hbm>>
    %dma_wait3A_136 = arith.constant 0 : i32
    %dma_wait3A_137 = tpu.memref_slice %arg5[%dma_wait3A_131, %dma_wait3A_136] : memref<2x8192xf32, #tpu.memory_space<vmem>> -> memref<1x8192xf32, #tpu.memory_space<vmem>>
    %dma_wait3A_138 = tpu.memref_squeeze %dma_wait3A_137 : memref<1x8192xf32, #tpu.memory_space<vmem>> -> memref<8192xf32, #tpu.memory_space<vmem>>
    %dma_wait3A_139 = tpu.memref_slice %arg2[%add3A_66] : memref<2097152xf32, #tpu.memory_space<hbm>> -> memref<8192xf32, #tpu.memory_space<hbm>>
    tpu.wait_dma2 semaphore(%arg13 : memref<!tpu.dma_semaphore, #tpu.memory_space<semaphore_mem>>) src(%dma_wait3A_139 : memref<8192xf32, #tpu.memory_space<hbm>>) dst(%dma_wait3A_138 : memref<8192xf32, #tpu.memory_space<vmem>>)
    %dma_wait3A_140 = arith.constant 1 : i32
    %dma_wait3A_141 = arith.constant 0 : i32
    %dma_wait3A_142 = tpu.memref_slice %arg6[%dma_wait3A_140, %dma_wait3A_141] : memref<2x8192xi32, #tpu.memory_space<vmem>> -> memref<1x8192xi32, #tpu.memory_space<vmem>>
    %dma_wait3A_143 = tpu.memref_squeeze %dma_wait3A_142 : memref<1x8192xi32, #tpu.memory_space<vmem>> -> memref<8192xi32, #tpu.memory_space<vmem>>
    %dma_wait3A_144 = tpu.memref_slice %arg3[%add3A_77] : memref<2097152xi32, #tpu.memory_space<hbm>> -> memref<8192xi32, #tpu.memory_space<hbm>>
    %dma_wait3A_145 = arith.constant 0 : i32
    %dma_wait3A_146 = tpu.memref_slice %arg6[%dma_wait3A_140, %dma_wait3A_145] : memref<2x8192xi32, #tpu.memory_space<vmem>> -> memref<1x8192xi32, #tpu.memory_space<vmem>>
    %dma_wait3A_147 = tpu.memref_squeeze %dma_wait3A_146 : memref<1x8192xi32, #tpu.memory_space<vmem>> -> memref<8192xi32, #tpu.memory_space<vmem>>
    %dma_wait3A_148 = tpu.memref_slice %arg3[%add3A_77] : memref<2097152xi32, #tpu.memory_space<hbm>> -> memref<8192xi32, #tpu.memory_space<hbm>>
    tpu.wait_dma2 semaphore(%arg15 : memref<!tpu.dma_semaphore, #tpu.memory_space<semaphore_mem>>) src(%dma_wait3A_148 : memref<8192xi32, #tpu.memory_space<hbm>>) dst(%dma_wait3A_147 : memref<8192xi32, #tpu.memory_space<vmem>>)
    %scan3A_149 = arith.constant 0 : i32
    %scan3A_150 = arith.constant 512 : i32
    %scan3A_151 = arith.addi %scan3A_149, %scan3A_150 : i32
    %scan3A_152 = arith.constant 8 : i32
    scf.for %scan3A_410 = %scan3A_149 to %scan3A_151 step %scan3A_152  : i32 {
      %mul3A_411 = arith.constant 1 : i32
      %mul3A_412 = arith.muli %scan3A_410, %mul3A_411 : i32
      %add3A_413 = arith.constant 0 : i32
      %add3A_414 = arith.addi %add3A_413, %mul3A_412 : i32
      %mul3A_415 = arith.constant 16 : i32
      %mul3A_416 = arith.muli %add3A_414, %mul3A_415 : i32
      %get3A = arith.constant 1 : i32
      %get3A_417 = arith.index_cast %get3A : i32 to index
      %get3A_418 = arith.index_cast %mul3A_416 : i32 to index
      %get3A_419 = tpu.vector_load %arg5[%get3A_417, %get3A_418] {strides = array<i32>} : memref<2x8192xf32, #tpu.memory_space<vmem>>, vector<16xf32>,
      %mul3A_420 = arith.constant 16 : i32
      %mul3A_421 = arith.muli %add3A_414, %mul3A_420 : i32
      %get3A_422 = arith.constant 1 : i32
      %get3A_423 = arith.index_cast %get3A_422 : i32 to index
      %get3A_424 = arith.index_cast %mul3A_421 : i32 to index
      %get3A_425 = tpu.vector_load %arg6[%get3A_423, %get3A_424] {strides = array<i32>} : memref<2x8192xi32, #tpu.memory_space<vmem>>, vector<16xi32>,
      %convert_element_type3A_426 = arith.sitofp %get3A_425 : vector<16xi32> to vector<16xf32>
      %mul3A_427 = arith.constant 2.000000e+00 : f32
      %mul3A_428 = vector.broadcast %mul3A_427 : f32 to vector<16xf32>
      %mul3A_429 = arith.mulf %mul3A_428, %convert_element_type3A_426 : vector<16xf32>
      %sub3A_430 = arith.constant 1.000000e+00 : f32
      %sub3A_431 = vector.broadcast %sub3A_430 : f32 to vector<16xf32>
      %sub3A_432 = arith.subf %mul3A_429, %sub3A_431 : vector<16xf32>
      %mul3A_433 = arith.constant 2.000000e+00 : f32
      %mul3A_434 = vector.broadcast %mul3A_433 : f32 to vector<16xf32>
      %mul3A_435 = arith.mulf %mul3A_434, %get3A_419 : vector<16xf32>
      %sub3A_436 = arith.constant 1.000000e+00 : f32
      %sub3A_437 = vector.broadcast %sub3A_436 : f32 to vector<16xf32>
      %sub3A_438 = arith.subf %mul3A_435, %sub3A_437 : vector<16xf32>
      %mul3A_439 = arith.mulf %sub3A_432, %sub3A_438 : vector<16xf32>
      %sub3A_440 = arith.constant 1.000000e+00 : f32
      %sub3A_441 = vector.broadcast %sub3A_440 : f32 to vector<16xf32>
      %sub3A_442 = arith.subf %sub3A_441, %mul3A_439 : vector<16xf32>
      %mul3A_443 = arith.constant 1.024000e+03 : f32
      %mul3A_444 = vector.broadcast %mul3A_443 : f32 to vector<16xf32>
      %mul3A_445 = arith.mulf %sub3A_442, %mul3A_444 : vector<16xf32>
      %convert_element_type3A_446 = arith.fptosi %mul3A_445 : vector<16xf32> to vector<16xi32>
      %min3A = arith.constant 2047 : i32
      %min3A_447 = vector.broadcast %min3A : i32 to vector<16xi32>
      %min3A_448 = arith.minsi %convert_element_type3A_446, %min3A_447 : vector<16xi32>
      %mul3A_449 = arith.constant 2048 : i32
      %mul3A_450 = vector.broadcast %mul3A_449 : i32 to vector<16xi32>
      %mul3A_451 = arith.muli %get3A_425, %mul3A_450 : vector<16xi32>
      %add3A_452 = arith.addi %mul3A_38, %mul3A_451 : vector<16xi32>
      %add3A_453 = arith.addi %add3A_452, %min3A_448 : vector<16xi32>
      tpu.vector_store_idx %arg7[%add3A_453], %broadcast_in_dim3A_39 {add = true} : memref<65536xi32, #tpu.memory_space<vmem>>[vector<16xi32>], vector<16xi32>,
      %scan3A_454 = arith.constant 1 : i32
      %scan3A_455 = arith.addi %scan3A_410, %scan3A_454 : i32
      %mul3A_456 = arith.constant 1 : i32
      %mul3A_457 = arith.muli %scan3A_455, %mul3A_456 : i32
      %add3A_458 = arith.constant 0 : i32
      %add3A_459 = arith.addi %add3A_458, %mul3A_457 : i32
      %mul3A_460 = arith.constant 16 : i32
      %mul3A_461 = arith.muli %add3A_459, %mul3A_460 : i32
      %get3A_462 = arith.constant 1 : i32
      %get3A_463 = arith.index_cast %get3A_462 : i32 to index
      %get3A_464 = arith.index_cast %mul3A_461 : i32 to index
      %get3A_465 = tpu.vector_load %arg5[%get3A_463, %get3A_464] {strides = array<i32>} : memref<2x8192xf32, #tpu.memory_space<vmem>>, vector<16xf32>,
      %mul3A_466 = arith.constant 16 : i32
      %mul3A_467 = arith.muli %add3A_459, %mul3A_466 : i32
      %get3A_468 = arith.constant 1 : i32
      %get3A_469 = arith.index_cast %get3A_468 : i32 to index
      %get3A_470 = arith.index_cast %mul3A_467 : i32 to index
      %get3A_471 = tpu.vector_load %arg6[%get3A_469, %get3A_470] {strides = array<i32>} : memref<2x8192xi32, #tpu.memory_space<vmem>>, vector<16xi32>,
      %convert_element_type3A_472 = arith.sitofp %get3A_471 : vector<16xi32> to vector<16xf32>
      %mul3A_473 = arith.constant 2.000000e+00 : f32
      %mul3A_474 = vector.broadcast %mul3A_473 : f32 to vector<16xf32>
      %mul3A_475 = arith.mulf %mul3A_474, %convert_element_type3A_472 : vector<16xf32>
      %sub3A_476 = arith.constant 1.000000e+00 : f32
      %sub3A_477 = vector.broadcast %sub3A_476 : f32 to vector<16xf32>
      %sub3A_478 = arith.subf %mul3A_475, %sub3A_477 : vector<16xf32>
      %mul3A_479 = arith.constant 2.000000e+00 : f32
      %mul3A_480 = vector.broadcast %mul3A_479 : f32 to vector<16xf32>
      %mul3A_481 = arith.mulf %mul3A_480, %get3A_465 : vector<16xf32>
      %sub3A_482 = arith.constant 1.000000e+00 : f32
      %sub3A_483 = vector.broadcast %sub3A_482 : f32 to vector<16xf32>
      %sub3A_484 = arith.subf %mul3A_481, %sub3A_483 : vector<16xf32>
      %mul3A_485 = arith.mulf %sub3A_478, %sub3A_484 : vector<16xf32>
      %sub3A_486 = arith.constant 1.000000e+00 : f32
      %sub3A_487 = vector.broadcast %sub3A_486 : f32 to vector<16xf32>
      %sub3A_488 = arith.subf %sub3A_487, %mul3A_485 : vector<16xf32>
      %mul3A_489 = arith.constant 1.024000e+03 : f32
      %mul3A_490 = vector.broadcast %mul3A_489 : f32 to vector<16xf32>
      %mul3A_491 = arith.mulf %sub3A_488, %mul3A_490 : vector<16xf32>
      %convert_element_type3A_492 = arith.fptosi %mul3A_491 : vector<16xf32> to vector<16xi32>
      %min3A_493 = arith.constant 2047 : i32
      %min3A_494 = vector.broadcast %min3A_493 : i32 to vector<16xi32>
      %min3A_495 = arith.minsi %convert_element_type3A_492, %min3A_494 : vector<16xi32>
      %mul3A_496 = arith.constant 2048 : i32
      %mul3A_497 = vector.broadcast %mul3A_496 : i32 to vector<16xi32>
      %mul3A_498 = arith.muli %get3A_471, %mul3A_497 : vector<16xi32>
      %add3A_499 = arith.addi %mul3A_38, %mul3A_498 : vector<16xi32>
      %add3A_500 = arith.addi %add3A_499, %min3A_495 : vector<16xi32>
      tpu.vector_store_idx %arg7[%add3A_500], %broadcast_in_dim3A_39 {add = true} : memref<65536xi32, #tpu.memory_space<vmem>>[vector<16xi32>], vector<16xi32>,
      %scan3A_501 = arith.constant 2 : i32
      %scan3A_502 = arith.addi %scan3A_410, %scan3A_501 : i32
      %mul3A_503 = arith.constant 1 : i32
      %mul3A_504 = arith.muli %scan3A_502, %mul3A_503 : i32
      %add3A_505 = arith.constant 0 : i32
      %add3A_506 = arith.addi %add3A_505, %mul3A_504 : i32
      %mul3A_507 = arith.constant 16 : i32
      %mul3A_508 = arith.muli %add3A_506, %mul3A_507 : i32
      %get3A_509 = arith.constant 1 : i32
      %get3A_510 = arith.index_cast %get3A_509 : i32 to index
      %get3A_511 = arith.index_cast %mul3A_508 : i32 to index
      %get3A_512 = tpu.vector_load %arg5[%get3A_510, %get3A_511] {strides = array<i32>} : memref<2x8192xf32, #tpu.memory_space<vmem>>, vector<16xf32>,
      %mul3A_513 = arith.constant 16 : i32
      %mul3A_514 = arith.muli %add3A_506, %mul3A_513 : i32
      %get3A_515 = arith.constant 1 : i32
      %get3A_516 = arith.index_cast %get3A_515 : i32 to index
      %get3A_517 = arith.index_cast %mul3A_514 : i32 to index
      %get3A_518 = tpu.vector_load %arg6[%get3A_516, %get3A_517] {strides = array<i32>} : memref<2x8192xi32, #tpu.memory_space<vmem>>, vector<16xi32>,
      %convert_element_type3A_519 = arith.sitofp %get3A_518 : vector<16xi32> to vector<16xf32>
      %mul3A_520 = arith.constant 2.000000e+00 : f32
      %mul3A_521 = vector.broadcast %mul3A_520 : f32 to vector<16xf32>
      %mul3A_522 = arith.mulf %mul3A_521, %convert_element_type3A_519 : vector<16xf32>
      %sub3A_523 = arith.constant 1.000000e+00 : f32
      %sub3A_524 = vector.broadcast %sub3A_523 : f32 to vector<16xf32>
      %sub3A_525 = arith.subf %mul3A_522, %sub3A_524 : vector<16xf32>
      %mul3A_526 = arith.constant 2.000000e+00 : f32
      %mul3A_527 = vector.broadcast %mul3A_526 : f32 to vector<16xf32>
      %mul3A_528 = arith.mulf %mul3A_527, %get3A_512 : vector<16xf32>
      %sub3A_529 = arith.constant 1.000000e+00 : f32
      %sub3A_530 = vector.broadcast %sub3A_529 : f32 to vector<16xf32>
      %sub3A_531 = arith.subf %mul3A_528, %sub3A_530 : vector<16xf32>
      %mul3A_532 = arith.mulf %sub3A_525, %sub3A_531 : vector<16xf32>
      %sub3A_533 = arith.constant 1.000000e+00 : f32
      %sub3A_534 = vector.broadcast %sub3A_533 : f32 to vector<16xf32>
      %sub3A_535 = arith.subf %sub3A_534, %mul3A_532 : vector<16xf32>
      %mul3A_536 = arith.constant 1.024000e+03 : f32
      %mul3A_537 = vector.broadcast %mul3A_536 : f32 to vector<16xf32>
      %mul3A_538 = arith.mulf %sub3A_535, %mul3A_537 : vector<16xf32>
      %convert_element_type3A_539 = arith.fptosi %mul3A_538 : vector<16xf32> to vector<16xi32>
      %min3A_540 = arith.constant 2047 : i32
      %min3A_541 = vector.broadcast %min3A_540 : i32 to vector<16xi32>
      %min3A_542 = arith.minsi %convert_element_type3A_539, %min3A_541 : vector<16xi32>
      %mul3A_543 = arith.constant 2048 : i32
      %mul3A_544 = vector.broadcast %mul3A_543 : i32 to vector<16xi32>
      %mul3A_545 = arith.muli %get3A_518, %mul3A_544 : vector<16xi32>
      %add3A_546 = arith.addi %mul3A_38, %mul3A_545 : vector<16xi32>
      %add3A_547 = arith.addi %add3A_546, %min3A_542 : vector<16xi32>
      tpu.vector_store_idx %arg7[%add3A_547], %broadcast_in_dim3A_39 {add = true} : memref<65536xi32, #tpu.memory_space<vmem>>[vector<16xi32>], vector<16xi32>,
      %scan3A_548 = arith.constant 3 : i32
      %scan3A_549 = arith.addi %scan3A_410, %scan3A_548 : i32
      %mul3A_550 = arith.constant 1 : i32
      %mul3A_551 = arith.muli %scan3A_549, %mul3A_550 : i32
      %add3A_552 = arith.constant 0 : i32
      %add3A_553 = arith.addi %add3A_552, %mul3A_551 : i32
      %mul3A_554 = arith.constant 16 : i32
      %mul3A_555 = arith.muli %add3A_553, %mul3A_554 : i32
      %get3A_556 = arith.constant 1 : i32
      %get3A_557 = arith.index_cast %get3A_556 : i32 to index
      %get3A_558 = arith.index_cast %mul3A_555 : i32 to index
      %get3A_559 = tpu.vector_load %arg5[%get3A_557, %get3A_558] {strides = array<i32>} : memref<2x8192xf32, #tpu.memory_space<vmem>>, vector<16xf32>,
      %mul3A_560 = arith.constant 16 : i32
      %mul3A_561 = arith.muli %add3A_553, %mul3A_560 : i32
      %get3A_562 = arith.constant 1 : i32
      %get3A_563 = arith.index_cast %get3A_562 : i32 to index
      %get3A_564 = arith.index_cast %mul3A_561 : i32 to index
      %get3A_565 = tpu.vector_load %arg6[%get3A_563, %get3A_564] {strides = array<i32>} : memref<2x8192xi32, #tpu.memory_space<vmem>>, vector<16xi32>,
      %convert_element_type3A_566 = arith.sitofp %get3A_565 : vector<16xi32> to vector<16xf32>
      %mul3A_567 = arith.constant 2.000000e+00 : f32
      %mul3A_568 = vector.broadcast %mul3A_567 : f32 to vector<16xf32>
      %mul3A_569 = arith.mulf %mul3A_568, %convert_element_type3A_566 : vector<16xf32>
      %sub3A_570 = arith.constant 1.000000e+00 : f32
      %sub3A_571 = vector.broadcast %sub3A_570 : f32 to vector<16xf32>
      %sub3A_572 = arith.subf %mul3A_569, %sub3A_571 : vector<16xf32>
      %mul3A_573 = arith.constant 2.000000e+00 : f32
      %mul3A_574 = vector.broadcast %mul3A_573 : f32 to vector<16xf32>
      %mul3A_575 = arith.mulf %mul3A_574, %get3A_559 : vector<16xf32>
      %sub3A_576 = arith.constant 1.000000e+00 : f32
      %sub3A_577 = vector.broadcast %sub3A_576 : f32 to vector<16xf32>
      %sub3A_578 = arith.subf %mul3A_575, %sub3A_577 : vector<16xf32>
      %mul3A_579 = arith.mulf %sub3A_572, %sub3A_578 : vector<16xf32>
      %sub3A_580 = arith.constant 1.000000e+00 : f32
      %sub3A_581 = vector.broadcast %sub3A_580 : f32 to vector<16xf32>
      %sub3A_582 = arith.subf %sub3A_581, %mul3A_579 : vector<16xf32>
      %mul3A_583 = arith.constant 1.024000e+03 : f32
      %mul3A_584 = vector.broadcast %mul3A_583 : f32 to vector<16xf32>
      %mul3A_585 = arith.mulf %sub3A_582, %mul3A_584 : vector<16xf32>
      %convert_element_type3A_586 = arith.fptosi %mul3A_585 : vector<16xf32> to vector<16xi32>
      %min3A_587 = arith.constant 2047 : i32
      %min3A_588 = vector.broadcast %min3A_587 : i32 to vector<16xi32>
      %min3A_589 = arith.minsi %convert_element_type3A_586, %min3A_588 : vector<16xi32>
      %mul3A_590 = arith.constant 2048 : i32
      %mul3A_591 = vector.broadcast %mul3A_590 : i32 to vector<16xi32>
      %mul3A_592 = arith.muli %get3A_565, %mul3A_591 : vector<16xi32>
      %add3A_593 = arith.addi %mul3A_38, %mul3A_592 : vector<16xi32>
      %add3A_594 = arith.addi %add3A_593, %min3A_589 : vector<16xi32>
      tpu.vector_store_idx %arg7[%add3A_594], %broadcast_in_dim3A_39 {add = true} : memref<65536xi32, #tpu.memory_space<vmem>>[vector<16xi32>], vector<16xi32>,
      %scan3A_595 = arith.constant 4 : i32
      %scan3A_596 = arith.addi %scan3A_410, %scan3A_595 : i32
      %mul3A_597 = arith.constant 1 : i32
      %mul3A_598 = arith.muli %scan3A_596, %mul3A_597 : i32
      %add3A_599 = arith.constant 0 : i32
      %add3A_600 = arith.addi %add3A_599, %mul3A_598 : i32
      %mul3A_601 = arith.constant 16 : i32
      %mul3A_602 = arith.muli %add3A_600, %mul3A_601 : i32
      %get3A_603 = arith.constant 1 : i32
      %get3A_604 = arith.index_cast %get3A_603 : i32 to index
      %get3A_605 = arith.index_cast %mul3A_602 : i32 to index
      %get3A_606 = tpu.vector_load %arg5[%get3A_604, %get3A_605] {strides = array<i32>} : memref<2x8192xf32, #tpu.memory_space<vmem>>, vector<16xf32>,
      %mul3A_607 = arith.constant 16 : i32
      %mul3A_608 = arith.muli %add3A_600, %mul3A_607 : i32
      %get3A_609 = arith.constant 1 : i32
      %get3A_610 = arith.index_cast %get3A_609 : i32 to index
      %get3A_611 = arith.index_cast %mul3A_608 : i32 to index
      %get3A_612 = tpu.vector_load %arg6[%get3A_610, %get3A_611] {strides = array<i32>} : memref<2x8192xi32, #tpu.memory_space<vmem>>, vector<16xi32>,
      %convert_element_type3A_613 = arith.sitofp %get3A_612 : vector<16xi32> to vector<16xf32>
      %mul3A_614 = arith.constant 2.000000e+00 : f32
      %mul3A_615 = vector.broadcast %mul3A_614 : f32 to vector<16xf32>
      %mul3A_616 = arith.mulf %mul3A_615, %convert_element_type3A_613 : vector<16xf32>
      %sub3A_617 = arith.constant 1.000000e+00 : f32
      %sub3A_618 = vector.broadcast %sub3A_617 : f32 to vector<16xf32>
      %sub3A_619 = arith.subf %mul3A_616, %sub3A_618 : vector<16xf32>
      %mul3A_620 = arith.constant 2.000000e+00 : f32
      %mul3A_621 = vector.broadcast %mul3A_620 : f32 to vector<16xf32>
      %mul3A_622 = arith.mulf %mul3A_621, %get3A_606 : vector<16xf32>
      %sub3A_623 = arith.constant 1.000000e+00 : f32
      %sub3A_624 = vector.broadcast %sub3A_623 : f32 to vector<16xf32>
      %sub3A_625 = arith.subf %mul3A_622, %sub3A_624 : vector<16xf32>
      %mul3A_626 = arith.mulf %sub3A_619, %sub3A_625 : vector<16xf32>
      %sub3A_627 = arith.constant 1.000000e+00 : f32
      %sub3A_628 = vector.broadcast %sub3A_627 : f32 to vector<16xf32>
      %sub3A_629 = arith.subf %sub3A_628, %mul3A_626 : vector<16xf32>
      %mul3A_630 = arith.constant 1.024000e+03 : f32
      %mul3A_631 = vector.broadcast %mul3A_630 : f32 to vector<16xf32>
      %mul3A_632 = arith.mulf %sub3A_629, %mul3A_631 : vector<16xf32>
      %convert_element_type3A_633 = arith.fptosi %mul3A_632 : vector<16xf32> to vector<16xi32>
      %min3A_634 = arith.constant 2047 : i32
      %min3A_635 = vector.broadcast %min3A_634 : i32 to vector<16xi32>
      %min3A_636 = arith.minsi %convert_element_type3A_633, %min3A_635 : vector<16xi32>
      %mul3A_637 = arith.constant 2048 : i32
      %mul3A_638 = vector.broadcast %mul3A_637 : i32 to vector<16xi32>
      %mul3A_639 = arith.muli %get3A_612, %mul3A_638 : vector<16xi32>
      %add3A_640 = arith.addi %mul3A_38, %mul3A_639 : vector<16xi32>
      %add3A_641 = arith.addi %add3A_640, %min3A_636 : vector<16xi32>
      tpu.vector_store_idx %arg7[%add3A_641], %broadcast_in_dim3A_39 {add = true} : memref<65536xi32, #tpu.memory_space<vmem>>[vector<16xi32>], vector<16xi32>,
      %scan3A_642 = arith.constant 5 : i32
      %scan3A_643 = arith.addi %scan3A_410, %scan3A_642 : i32
      %mul3A_644 = arith.constant 1 : i32
      %mul3A_645 = arith.muli %scan3A_643, %mul3A_644 : i32
      %add3A_646 = arith.constant 0 : i32
      %add3A_647 = arith.addi %add3A_646, %mul3A_645 : i32
      %mul3A_648 = arith.constant 16 : i32
      %mul3A_649 = arith.muli %add3A_647, %mul3A_648 : i32
      %get3A_650 = arith.constant 1 : i32
      %get3A_651 = arith.index_cast %get3A_650 : i32 to index
      %get3A_652 = arith.index_cast %mul3A_649 : i32 to index
      %get3A_653 = tpu.vector_load %arg5[%get3A_651, %get3A_652] {strides = array<i32>} : memref<2x8192xf32, #tpu.memory_space<vmem>>, vector<16xf32>,
      %mul3A_654 = arith.constant 16 : i32
      %mul3A_655 = arith.muli %add3A_647, %mul3A_654 : i32
      %get3A_656 = arith.constant 1 : i32
      %get3A_657 = arith.index_cast %get3A_656 : i32 to index
      %get3A_658 = arith.index_cast %mul3A_655 : i32 to index
      %get3A_659 = tpu.vector_load %arg6[%get3A_657, %get3A_658] {strides = array<i32>} : memref<2x8192xi32, #tpu.memory_space<vmem>>, vector<16xi32>,
      %convert_element_type3A_660 = arith.sitofp %get3A_659 : vector<16xi32> to vector<16xf32>
      %mul3A_661 = arith.constant 2.000000e+00 : f32
      %mul3A_662 = vector.broadcast %mul3A_661 : f32 to vector<16xf32>
      %mul3A_663 = arith.mulf %mul3A_662, %convert_element_type3A_660 : vector<16xf32>
      %sub3A_664 = arith.constant 1.000000e+00 : f32
      %sub3A_665 = vector.broadcast %sub3A_664 : f32 to vector<16xf32>
      %sub3A_666 = arith.subf %mul3A_663, %sub3A_665 : vector<16xf32>
      %mul3A_667 = arith.constant 2.000000e+00 : f32
      %mul3A_668 = vector.broadcast %mul3A_667 : f32 to vector<16xf32>
      %mul3A_669 = arith.mulf %mul3A_668, %get3A_653 : vector<16xf32>
      %sub3A_670 = arith.constant 1.000000e+00 : f32
      %sub3A_671 = vector.broadcast %sub3A_670 : f32 to vector<16xf32>
      %sub3A_672 = arith.subf %mul3A_669, %sub3A_671 : vector<16xf32>
      %mul3A_673 = arith.mulf %sub3A_666, %sub3A_672 : vector<16xf32>
      %sub3A_674 = arith.constant 1.000000e+00 : f32
      %sub3A_675 = vector.broadcast %sub3A_674 : f32 to vector<16xf32>
      %sub3A_676 = arith.subf %sub3A_675, %mul3A_673 : vector<16xf32>
      %mul3A_677 = arith.constant 1.024000e+03 : f32
      %mul3A_678 = vector.broadcast %mul3A_677 : f32 to vector<16xf32>
      %mul3A_679 = arith.mulf %sub3A_676, %mul3A_678 : vector<16xf32>
      %convert_element_type3A_680 = arith.fptosi %mul3A_679 : vector<16xf32> to vector<16xi32>
      %min3A_681 = arith.constant 2047 : i32
      %min3A_682 = vector.broadcast %min3A_681 : i32 to vector<16xi32>
      %min3A_683 = arith.minsi %convert_element_type3A_680, %min3A_682 : vector<16xi32>
      %mul3A_684 = arith.constant 2048 : i32
      %mul3A_685 = vector.broadcast %mul3A_684 : i32 to vector<16xi32>
      %mul3A_686 = arith.muli %get3A_659, %mul3A_685 : vector<16xi32>
      %add3A_687 = arith.addi %mul3A_38, %mul3A_686 : vector<16xi32>
      %add3A_688 = arith.addi %add3A_687, %min3A_683 : vector<16xi32>
      tpu.vector_store_idx %arg7[%add3A_688], %broadcast_in_dim3A_39 {add = true} : memref<65536xi32, #tpu.memory_space<vmem>>[vector<16xi32>], vector<16xi32>,
      %scan3A_689 = arith.constant 6 : i32
      %scan3A_690 = arith.addi %scan3A_410, %scan3A_689 : i32
      %mul3A_691 = arith.constant 1 : i32
      %mul3A_692 = arith.muli %scan3A_690, %mul3A_691 : i32
      %add3A_693 = arith.constant 0 : i32
      %add3A_694 = arith.addi %add3A_693, %mul3A_692 : i32
      %mul3A_695 = arith.constant 16 : i32
      %mul3A_696 = arith.muli %add3A_694, %mul3A_695 : i32
      %get3A_697 = arith.constant 1 : i32
      %get3A_698 = arith.index_cast %get3A_697 : i32 to index
      %get3A_699 = arith.index_cast %mul3A_696 : i32 to index
      %get3A_700 = tpu.vector_load %arg5[%get3A_698, %get3A_699] {strides = array<i32>} : memref<2x8192xf32, #tpu.memory_space<vmem>>, vector<16xf32>,
      %mul3A_701 = arith.constant 16 : i32
      %mul3A_702 = arith.muli %add3A_694, %mul3A_701 : i32
      %get3A_703 = arith.constant 1 : i32
      %get3A_704 = arith.index_cast %get3A_703 : i32 to index
      %get3A_705 = arith.index_cast %mul3A_702 : i32 to index
      %get3A_706 = tpu.vector_load %arg6[%get3A_704, %get3A_705] {strides = array<i32>} : memref<2x8192xi32, #tpu.memory_space<vmem>>, vector<16xi32>,
      %convert_element_type3A_707 = arith.sitofp %get3A_706 : vector<16xi32> to vector<16xf32>
      %mul3A_708 = arith.constant 2.000000e+00 : f32
      %mul3A_709 = vector.broadcast %mul3A_708 : f32 to vector<16xf32>
      %mul3A_710 = arith.mulf %mul3A_709, %convert_element_type3A_707 : vector<16xf32>
      %sub3A_711 = arith.constant 1.000000e+00 : f32
      %sub3A_712 = vector.broadcast %sub3A_711 : f32 to vector<16xf32>
      %sub3A_713 = arith.subf %mul3A_710, %sub3A_712 : vector<16xf32>
      %mul3A_714 = arith.constant 2.000000e+00 : f32
      %mul3A_715 = vector.broadcast %mul3A_714 : f32 to vector<16xf32>
      %mul3A_716 = arith.mulf %mul3A_715, %get3A_700 : vector<16xf32>
      %sub3A_717 = arith.constant 1.000000e+00 : f32
      %sub3A_718 = vector.broadcast %sub3A_717 : f32 to vector<16xf32>
      %sub3A_719 = arith.subf %mul3A_716, %sub3A_718 : vector<16xf32>
      %mul3A_720 = arith.mulf %sub3A_713, %sub3A_719 : vector<16xf32>
      %sub3A_721 = arith.constant 1.000000e+00 : f32
      %sub3A_722 = vector.broadcast %sub3A_721 : f32 to vector<16xf32>
      %sub3A_723 = arith.subf %sub3A_722, %mul3A_720 : vector<16xf32>
      %mul3A_724 = arith.constant 1.024000e+03 : f32
      %mul3A_725 = vector.broadcast %mul3A_724 : f32 to vector<16xf32>
      %mul3A_726 = arith.mulf %sub3A_723, %mul3A_725 : vector<16xf32>
      %convert_element_type3A_727 = arith.fptosi %mul3A_726 : vector<16xf32> to vector<16xi32>
      %min3A_728 = arith.constant 2047 : i32
      %min3A_729 = vector.broadcast %min3A_728 : i32 to vector<16xi32>
      %min3A_730 = arith.minsi %convert_element_type3A_727, %min3A_729 : vector<16xi32>
      %mul3A_731 = arith.constant 2048 : i32
      %mul3A_732 = vector.broadcast %mul3A_731 : i32 to vector<16xi32>
      %mul3A_733 = arith.muli %get3A_706, %mul3A_732 : vector<16xi32>
      %add3A_734 = arith.addi %mul3A_38, %mul3A_733 : vector<16xi32>
      %add3A_735 = arith.addi %add3A_734, %min3A_730 : vector<16xi32>
      tpu.vector_store_idx %arg7[%add3A_735], %broadcast_in_dim3A_39 {add = true} : memref<65536xi32, #tpu.memory_space<vmem>>[vector<16xi32>], vector<16xi32>,
      %scan3A_736 = arith.constant 7 : i32
      %scan3A_737 = arith.addi %scan3A_410, %scan3A_736 : i32
      %mul3A_738 = arith.constant 1 : i32
      %mul3A_739 = arith.muli %scan3A_737, %mul3A_738 : i32
      %add3A_740 = arith.constant 0 : i32
      %add3A_741 = arith.addi %add3A_740, %mul3A_739 : i32
      %mul3A_742 = arith.constant 16 : i32
      %mul3A_743 = arith.muli %add3A_741, %mul3A_742 : i32
      %get3A_744 = arith.constant 1 : i32
      %get3A_745 = arith.index_cast %get3A_744 : i32 to index
      %get3A_746 = arith.index_cast %mul3A_743 : i32 to index
      %get3A_747 = tpu.vector_load %arg5[%get3A_745, %get3A_746] {strides = array<i32>} : memref<2x8192xf32, #tpu.memory_space<vmem>>, vector<16xf32>,
      %mul3A_748 = arith.constant 16 : i32
      %mul3A_749 = arith.muli %add3A_741, %mul3A_748 : i32
      %get3A_750 = arith.constant 1 : i32
      %get3A_751 = arith.index_cast %get3A_750 : i32 to index
      %get3A_752 = arith.index_cast %mul3A_749 : i32 to index
      %get3A_753 = tpu.vector_load %arg6[%get3A_751, %get3A_752] {strides = array<i32>} : memref<2x8192xi32, #tpu.memory_space<vmem>>, vector<16xi32>,
      %convert_element_type3A_754 = arith.sitofp %get3A_753 : vector<16xi32> to vector<16xf32>
      %mul3A_755 = arith.constant 2.000000e+00 : f32
      %mul3A_756 = vector.broadcast %mul3A_755 : f32 to vector<16xf32>
      %mul3A_757 = arith.mulf %mul3A_756, %convert_element_type3A_754 : vector<16xf32>
      %sub3A_758 = arith.constant 1.000000e+00 : f32
      %sub3A_759 = vector.broadcast %sub3A_758 : f32 to vector<16xf32>
      %sub3A_760 = arith.subf %mul3A_757, %sub3A_759 : vector<16xf32>
      %mul3A_761 = arith.constant 2.000000e+00 : f32
      %mul3A_762 = vector.broadcast %mul3A_761 : f32 to vector<16xf32>
      %mul3A_763 = arith.mulf %mul3A_762, %get3A_747 : vector<16xf32>
      %sub3A_764 = arith.constant 1.000000e+00 : f32
      %sub3A_765 = vector.broadcast %sub3A_764 : f32 to vector<16xf32>
      %sub3A_766 = arith.subf %mul3A_763, %sub3A_765 : vector<16xf32>
      %mul3A_767 = arith.mulf %sub3A_760, %sub3A_766 : vector<16xf32>
      %sub3A_768 = arith.constant 1.000000e+00 : f32
      %sub3A_769 = vector.broadcast %sub3A_768 : f32 to vector<16xf32>
      %sub3A_770 = arith.subf %sub3A_769, %mul3A_767 : vector<16xf32>
      %mul3A_771 = arith.constant 1.024000e+03 : f32
      %mul3A_772 = vector.broadcast %mul3A_771 : f32 to vector<16xf32>
      %mul3A_773 = arith.mulf %sub3A_770, %mul3A_772 : vector<16xf32>
      %convert_element_type3A_774 = arith.fptosi %mul3A_773 : vector<16xf32> to vector<16xi32>
      %min3A_775 = arith.constant 2047 : i32
      %min3A_776 = vector.broadcast %min3A_775 : i32 to vector<16xi32>
      %min3A_777 = arith.minsi %convert_element_type3A_774, %min3A_776 : vector<16xi32>
      %mul3A_778 = arith.constant 2048 : i32
      %mul3A_779 = vector.broadcast %mul3A_778 : i32 to vector<16xi32>
      %mul3A_780 = arith.muli %get3A_753, %mul3A_779 : vector<16xi32>
      %add3A_781 = arith.addi %mul3A_38, %mul3A_780 : vector<16xi32>
      %add3A_782 = arith.addi %add3A_781, %min3A_777 : vector<16xi32>
      tpu.vector_store_idx %arg7[%add3A_782], %broadcast_in_dim3A_39 {add = true} : memref<65536xi32, #tpu.memory_space<vmem>>[vector<16xi32>], vector<16xi32>,
    }
    %scan3A_153 = arith.constant 512 : i32
    %add3A_154 = arith.constant 24576 : i32
    %add3A_155 = arith.addi %add3A_35, %add3A_154 : i32
    %dma_start3A_156 = arith.constant 1 : i32
    %dma_start3A_157 = arith.constant 0 : i32
    %dma_start3A_158 = tpu.memref_slice %arg5[%dma_start3A_156, %dma_start3A_157] : memref<2x8192xf32, #tpu.memory_space<vmem>> -> memref<1x8192xf32, #tpu.memory_space<vmem>>
    %dma_start3A_159 = tpu.memref_squeeze %dma_start3A_158 : memref<1x8192xf32, #tpu.memory_space<vmem>> -> memref<8192xf32, #tpu.memory_space<vmem>>
    %dma_start3A_160 = tpu.memref_slice %arg2[%add3A_155] : memref<2097152xf32, #tpu.memory_space<hbm>> -> memref<8192xf32, #tpu.memory_space<hbm>>
    %dma_start3A_161 = arith.constant 0 : i32
    %dma_start3A_162 = tpu.memref_slice %arg5[%dma_start3A_156, %dma_start3A_161] : memref<2x8192xf32, #tpu.memory_space<vmem>> -> memref<1x8192xf32, #tpu.memory_space<vmem>>
    %dma_start3A_163 = tpu.memref_squeeze %dma_start3A_162 : memref<1x8192xf32, #tpu.memory_space<vmem>> -> memref<8192xf32, #tpu.memory_space<vmem>>
    %dma_start3A_164 = tpu.memref_slice %arg2[%add3A_155] : memref<2097152xf32, #tpu.memory_space<hbm>> -> memref<8192xf32, #tpu.memory_space<hbm>>
    tpu.enqueue_dma source(%dma_start3A_164 : memref<8192xf32, #tpu.memory_space<hbm>>) target(%dma_start3A_163 : memref<8192xf32, #tpu.memory_space<vmem>>) target_semaphore(%arg13 : memref<!tpu.dma_semaphore, #tpu.memory_space<semaphore_mem>>)
    %add3A_165 = arith.constant 24576 : i32
    %add3A_166 = arith.addi %add3A_35, %add3A_165 : i32
    %dma_start3A_167 = arith.constant 1 : i32
    %dma_start3A_168 = arith.constant 0 : i32
    %dma_start3A_169 = tpu.memref_slice %arg6[%dma_start3A_167, %dma_start3A_168] : memref<2x8192xi32, #tpu.memory_space<vmem>> -> memref<1x8192xi32, #tpu.memory_space<vmem>>
    %dma_start3A_170 = tpu.memref_squeeze %dma_start3A_169 : memref<1x8192xi32, #tpu.memory_space<vmem>> -> memref<8192xi32, #tpu.memory_space<vmem>>
    %dma_start3A_171 = tpu.memref_slice %arg3[%add3A_166] : memref<2097152xi32, #tpu.memory_space<hbm>> -> memref<8192xi32, #tpu.memory_space<hbm>>
    %dma_start3A_172 = arith.constant 0 : i32
    %dma_start3A_173 = tpu.memref_slice %arg6[%dma_start3A_167, %dma_start3A_172] : memref<2x8192xi32, #tpu.memory_space<vmem>> -> memref<1x8192xi32, #tpu.memory_space<vmem>>
    %dma_start3A_174 = tpu.memref_squeeze %dma_start3A_173 : memref<1x8192xi32, #tpu.memory_space<vmem>> -> memref<8192xi32, #tpu.memory_space<vmem>>
    %dma_start3A_175 = tpu.memref_slice %arg3[%add3A_166] : memref<2097152xi32, #tpu.memory_space<hbm>> -> memref<8192xi32, #tpu.memory_space<hbm>>
    tpu.enqueue_dma source(%dma_start3A_175 : memref<8192xi32, #tpu.memory_space<hbm>>) target(%dma_start3A_174 : memref<8192xi32, #tpu.memory_space<vmem>>) target_semaphore(%arg15 : memref<!tpu.dma_semaphore, #tpu.memory_space<semaphore_mem>>)
    %dma_wait3A_176 = arith.constant 0 : i32
    %dma_wait3A_177 = arith.constant 0 : i32
    %dma_wait3A_178 = tpu.memref_slice %arg5[%dma_wait3A_176, %dma_wait3A_177] : memref<2x8192xf32, #tpu.memory_space<vmem>> -> memref<1x8192xf32, #tpu.memory_space<vmem>>
    %dma_wait3A_179 = tpu.memref_squeeze %dma_wait3A_178 : memref<1x8192xf32, #tpu.memory_space<vmem>> -> memref<8192xf32, #tpu.memory_space<vmem>>
    %dma_wait3A_180 = tpu.memref_slice %arg2[%add3A_110] : memref<2097152xf32, #tpu.memory_space<hbm>> -> memref<8192xf32, #tpu.memory_space<hbm>>
    %dma_wait3A_181 = arith.constant 0 : i32
    %dma_wait3A_182 = tpu.memref_slice %arg5[%dma_wait3A_176, %dma_wait3A_181] : memref<2x8192xf32, #tpu.memory_space<vmem>> -> memref<1x8192xf32, #tpu.memory_space<vmem>>
    %dma_wait3A_183 = tpu.memref_squeeze %dma_wait3A_182 : memref<1x8192xf32, #tpu.memory_space<vmem>> -> memref<8192xf32, #tpu.memory_space<vmem>>
    %dma_wait3A_184 = tpu.memref_slice %arg2[%add3A_110] : memref<2097152xf32, #tpu.memory_space<hbm>> -> memref<8192xf32, #tpu.memory_space<hbm>>
    tpu.wait_dma2 semaphore(%arg12 : memref<!tpu.dma_semaphore, #tpu.memory_space<semaphore_mem>>) src(%dma_wait3A_184 : memref<8192xf32, #tpu.memory_space<hbm>>) dst(%dma_wait3A_183 : memref<8192xf32, #tpu.memory_space<vmem>>)
    %dma_wait3A_185 = arith.constant 0 : i32
    %dma_wait3A_186 = arith.constant 0 : i32
    %dma_wait3A_187 = tpu.memref_slice %arg6[%dma_wait3A_185, %dma_wait3A_186] : memref<2x8192xi32, #tpu.memory_space<vmem>> -> memref<1x8192xi32, #tpu.memory_space<vmem>>
    %dma_wait3A_188 = tpu.memref_squeeze %dma_wait3A_187 : memref<1x8192xi32, #tpu.memory_space<vmem>> -> memref<8192xi32, #tpu.memory_space<vmem>>
    %dma_wait3A_189 = tpu.memref_slice %arg3[%add3A_121] : memref<2097152xi32, #tpu.memory_space<hbm>> -> memref<8192xi32, #tpu.memory_space<hbm>>
    %dma_wait3A_190 = arith.constant 0 : i32
    %dma_wait3A_191 = tpu.memref_slice %arg6[%dma_wait3A_185, %dma_wait3A_190] : memref<2x8192xi32, #tpu.memory_space<vmem>> -> memref<1x8192xi32, #tpu.memory_space<vmem>>
    %dma_wait3A_192 = tpu.memref_squeeze %dma_wait3A_191 : memref<1x8192xi32, #tpu.memory_space<vmem>> -> memref<8192xi32, #tpu.memory_space<vmem>>
    %dma_wait3A_193 = tpu.memref_slice %arg3[%add3A_121] : memref<2097152xi32, #tpu.memory_space<hbm>> -> memref<8192xi32, #tpu.memory_space<hbm>>
    tpu.wait_dma2 semaphore(%arg14 : memref<!tpu.dma_semaphore, #tpu.memory_space<semaphore_mem>>) src(%dma_wait3A_193 : memref<8192xi32, #tpu.memory_space<hbm>>) dst(%dma_wait3A_192 : memref<8192xi32, #tpu.memory_space<vmem>>)
    %scan3A_194 = arith.constant 0 : i32
    %scan3A_195 = arith.constant 512 : i32
    %scan3A_196 = arith.addi %scan3A_194, %scan3A_195 : i32
    %scan3A_197 = arith.constant 8 : i32
    scf.for %scan3A_410 = %scan3A_194 to %scan3A_196 step %scan3A_197  : i32 {
      %mul3A_411 = arith.constant 1 : i32
      %mul3A_412 = arith.muli %scan3A_410, %mul3A_411 : i32
      %add3A_413 = arith.constant 0 : i32
      %add3A_414 = arith.addi %add3A_413, %mul3A_412 : i32
      %mul3A_415 = arith.constant 16 : i32
      %mul3A_416 = arith.muli %add3A_414, %mul3A_415 : i32
      %get3A = arith.constant 0 : i32
      %get3A_417 = arith.index_cast %get3A : i32 to index
      %get3A_418 = arith.index_cast %mul3A_416 : i32 to index
      %get3A_419 = tpu.vector_load %arg5[%get3A_417, %get3A_418] {strides = array<i32>} : memref<2x8192xf32, #tpu.memory_space<vmem>>, vector<16xf32>,
      %mul3A_420 = arith.constant 16 : i32
      %mul3A_421 = arith.muli %add3A_414, %mul3A_420 : i32
      %get3A_422 = arith.constant 0 : i32
      %get3A_423 = arith.index_cast %get3A_422 : i32 to index
      %get3A_424 = arith.index_cast %mul3A_421 : i32 to index
      %get3A_425 = tpu.vector_load %arg6[%get3A_423, %get3A_424] {strides = array<i32>} : memref<2x8192xi32, #tpu.memory_space<vmem>>, vector<16xi32>,
      %convert_element_type3A_426 = arith.sitofp %get3A_425 : vector<16xi32> to vector<16xf32>
      %mul3A_427 = arith.constant 2.000000e+00 : f32
      %mul3A_428 = vector.broadcast %mul3A_427 : f32 to vector<16xf32>
      %mul3A_429 = arith.mulf %mul3A_428, %convert_element_type3A_426 : vector<16xf32>
      %sub3A_430 = arith.constant 1.000000e+00 : f32
      %sub3A_431 = vector.broadcast %sub3A_430 : f32 to vector<16xf32>
      %sub3A_432 = arith.subf %mul3A_429, %sub3A_431 : vector<16xf32>
      %mul3A_433 = arith.constant 2.000000e+00 : f32
      %mul3A_434 = vector.broadcast %mul3A_433 : f32 to vector<16xf32>
      %mul3A_435 = arith.mulf %mul3A_434, %get3A_419 : vector<16xf32>
      %sub3A_436 = arith.constant 1.000000e+00 : f32
      %sub3A_437 = vector.broadcast %sub3A_436 : f32 to vector<16xf32>
      %sub3A_438 = arith.subf %mul3A_435, %sub3A_437 : vector<16xf32>
      %mul3A_439 = arith.mulf %sub3A_432, %sub3A_438 : vector<16xf32>
      %sub3A_440 = arith.constant 1.000000e+00 : f32
      %sub3A_441 = vector.broadcast %sub3A_440 : f32 to vector<16xf32>
      %sub3A_442 = arith.subf %sub3A_441, %mul3A_439 : vector<16xf32>
      %mul3A_443 = arith.constant 1.024000e+03 : f32
      %mul3A_444 = vector.broadcast %mul3A_443 : f32 to vector<16xf32>
      %mul3A_445 = arith.mulf %sub3A_442, %mul3A_444 : vector<16xf32>
      %convert_element_type3A_446 = arith.fptosi %mul3A_445 : vector<16xf32> to vector<16xi32>
      %min3A = arith.constant 2047 : i32
      %min3A_447 = vector.broadcast %min3A : i32 to vector<16xi32>
      %min3A_448 = arith.minsi %convert_element_type3A_446, %min3A_447 : vector<16xi32>
      %mul3A_449 = arith.constant 2048 : i32
      %mul3A_450 = vector.broadcast %mul3A_449 : i32 to vector<16xi32>
      %mul3A_451 = arith.muli %get3A_425, %mul3A_450 : vector<16xi32>
      %add3A_452 = arith.addi %mul3A_38, %mul3A_451 : vector<16xi32>
      %add3A_453 = arith.addi %add3A_452, %min3A_448 : vector<16xi32>
      tpu.vector_store_idx %arg7[%add3A_453], %broadcast_in_dim3A_39 {add = true} : memref<65536xi32, #tpu.memory_space<vmem>>[vector<16xi32>], vector<16xi32>,
      %scan3A_454 = arith.constant 1 : i32
      %scan3A_455 = arith.addi %scan3A_410, %scan3A_454 : i32
      %mul3A_456 = arith.constant 1 : i32
      %mul3A_457 = arith.muli %scan3A_455, %mul3A_456 : i32
      %add3A_458 = arith.constant 0 : i32
      %add3A_459 = arith.addi %add3A_458, %mul3A_457 : i32
      %mul3A_460 = arith.constant 16 : i32
      %mul3A_461 = arith.muli %add3A_459, %mul3A_460 : i32
      %get3A_462 = arith.constant 0 : i32
      %get3A_463 = arith.index_cast %get3A_462 : i32 to index
      %get3A_464 = arith.index_cast %mul3A_461 : i32 to index
      %get3A_465 = tpu.vector_load %arg5[%get3A_463, %get3A_464] {strides = array<i32>} : memref<2x8192xf32, #tpu.memory_space<vmem>>, vector<16xf32>,
      %mul3A_466 = arith.constant 16 : i32
      %mul3A_467 = arith.muli %add3A_459, %mul3A_466 : i32
      %get3A_468 = arith.constant 0 : i32
      %get3A_469 = arith.index_cast %get3A_468 : i32 to index
      %get3A_470 = arith.index_cast %mul3A_467 : i32 to index
      %get3A_471 = tpu.vector_load %arg6[%get3A_469, %get3A_470] {strides = array<i32>} : memref<2x8192xi32, #tpu.memory_space<vmem>>, vector<16xi32>,
      %convert_element_type3A_472 = arith.sitofp %get3A_471 : vector<16xi32> to vector<16xf32>
      %mul3A_473 = arith.constant 2.000000e+00 : f32
      %mul3A_474 = vector.broadcast %mul3A_473 : f32 to vector<16xf32>
      %mul3A_475 = arith.mulf %mul3A_474, %convert_element_type3A_472 : vector<16xf32>
      %sub3A_476 = arith.constant 1.000000e+00 : f32
      %sub3A_477 = vector.broadcast %sub3A_476 : f32 to vector<16xf32>
      %sub3A_478 = arith.subf %mul3A_475, %sub3A_477 : vector<16xf32>
      %mul3A_479 = arith.constant 2.000000e+00 : f32
      %mul3A_480 = vector.broadcast %mul3A_479 : f32 to vector<16xf32>
      %mul3A_481 = arith.mulf %mul3A_480, %get3A_465 : vector<16xf32>
      %sub3A_482 = arith.constant 1.000000e+00 : f32
      %sub3A_483 = vector.broadcast %sub3A_482 : f32 to vector<16xf32>
      %sub3A_484 = arith.subf %mul3A_481, %sub3A_483 : vector<16xf32>
      %mul3A_485 = arith.mulf %sub3A_478, %sub3A_484 : vector<16xf32>
      %sub3A_486 = arith.constant 1.000000e+00 : f32
      %sub3A_487 = vector.broadcast %sub3A_486 : f32 to vector<16xf32>
      %sub3A_488 = arith.subf %sub3A_487, %mul3A_485 : vector<16xf32>
      %mul3A_489 = arith.constant 1.024000e+03 : f32
      %mul3A_490 = vector.broadcast %mul3A_489 : f32 to vector<16xf32>
      %mul3A_491 = arith.mulf %sub3A_488, %mul3A_490 : vector<16xf32>
      %convert_element_type3A_492 = arith.fptosi %mul3A_491 : vector<16xf32> to vector<16xi32>
      %min3A_493 = arith.constant 2047 : i32
      %min3A_494 = vector.broadcast %min3A_493 : i32 to vector<16xi32>
      %min3A_495 = arith.minsi %convert_element_type3A_492, %min3A_494 : vector<16xi32>
      %mul3A_496 = arith.constant 2048 : i32
      %mul3A_497 = vector.broadcast %mul3A_496 : i32 to vector<16xi32>
      %mul3A_498 = arith.muli %get3A_471, %mul3A_497 : vector<16xi32>
      %add3A_499 = arith.addi %mul3A_38, %mul3A_498 : vector<16xi32>
      %add3A_500 = arith.addi %add3A_499, %min3A_495 : vector<16xi32>
      tpu.vector_store_idx %arg7[%add3A_500], %broadcast_in_dim3A_39 {add = true} : memref<65536xi32, #tpu.memory_space<vmem>>[vector<16xi32>], vector<16xi32>,
      %scan3A_501 = arith.constant 2 : i32
      %scan3A_502 = arith.addi %scan3A_410, %scan3A_501 : i32
      %mul3A_503 = arith.constant 1 : i32
      %mul3A_504 = arith.muli %scan3A_502, %mul3A_503 : i32
      %add3A_505 = arith.constant 0 : i32
      %add3A_506 = arith.addi %add3A_505, %mul3A_504 : i32
      %mul3A_507 = arith.constant 16 : i32
      %mul3A_508 = arith.muli %add3A_506, %mul3A_507 : i32
      %get3A_509 = arith.constant 0 : i32
      %get3A_510 = arith.index_cast %get3A_509 : i32 to index
      %get3A_511 = arith.index_cast %mul3A_508 : i32 to index
      %get3A_512 = tpu.vector_load %arg5[%get3A_510, %get3A_511] {strides = array<i32>} : memref<2x8192xf32, #tpu.memory_space<vmem>>, vector<16xf32>,
      %mul3A_513 = arith.constant 16 : i32
      %mul3A_514 = arith.muli %add3A_506, %mul3A_513 : i32
      %get3A_515 = arith.constant 0 : i32
      %get3A_516 = arith.index_cast %get3A_515 : i32 to index
      %get3A_517 = arith.index_cast %mul3A_514 : i32 to index
      %get3A_518 = tpu.vector_load %arg6[%get3A_516, %get3A_517] {strides = array<i32>} : memref<2x8192xi32, #tpu.memory_space<vmem>>, vector<16xi32>,
      %convert_element_type3A_519 = arith.sitofp %get3A_518 : vector<16xi32> to vector<16xf32>
      %mul3A_520 = arith.constant 2.000000e+00 : f32
      %mul3A_521 = vector.broadcast %mul3A_520 : f32 to vector<16xf32>
      %mul3A_522 = arith.mulf %mul3A_521, %convert_element_type3A_519 : vector<16xf32>
      %sub3A_523 = arith.constant 1.000000e+00 : f32
      %sub3A_524 = vector.broadcast %sub3A_523 : f32 to vector<16xf32>
      %sub3A_525 = arith.subf %mul3A_522, %sub3A_524 : vector<16xf32>
      %mul3A_526 = arith.constant 2.000000e+00 : f32
      %mul3A_527 = vector.broadcast %mul3A_526 : f32 to vector<16xf32>
      %mul3A_528 = arith.mulf %mul3A_527, %get3A_512 : vector<16xf32>
      %sub3A_529 = arith.constant 1.000000e+00 : f32
      %sub3A_530 = vector.broadcast %sub3A_529 : f32 to vector<16xf32>
      %sub3A_531 = arith.subf %mul3A_528, %sub3A_530 : vector<16xf32>
      %mul3A_532 = arith.mulf %sub3A_525, %sub3A_531 : vector<16xf32>
      %sub3A_533 = arith.constant 1.000000e+00 : f32
      %sub3A_534 = vector.broadcast %sub3A_533 : f32 to vector<16xf32>
      %sub3A_535 = arith.subf %sub3A_534, %mul3A_532 : vector<16xf32>
      %mul3A_536 = arith.constant 1.024000e+03 : f32
      %mul3A_537 = vector.broadcast %mul3A_536 : f32 to vector<16xf32>
      %mul3A_538 = arith.mulf %sub3A_535, %mul3A_537 : vector<16xf32>
      %convert_element_type3A_539 = arith.fptosi %mul3A_538 : vector<16xf32> to vector<16xi32>
      %min3A_540 = arith.constant 2047 : i32
      %min3A_541 = vector.broadcast %min3A_540 : i32 to vector<16xi32>
      %min3A_542 = arith.minsi %convert_element_type3A_539, %min3A_541 : vector<16xi32>
      %mul3A_543 = arith.constant 2048 : i32
      %mul3A_544 = vector.broadcast %mul3A_543 : i32 to vector<16xi32>
      %mul3A_545 = arith.muli %get3A_518, %mul3A_544 : vector<16xi32>
      %add3A_546 = arith.addi %mul3A_38, %mul3A_545 : vector<16xi32>
      %add3A_547 = arith.addi %add3A_546, %min3A_542 : vector<16xi32>
      tpu.vector_store_idx %arg7[%add3A_547], %broadcast_in_dim3A_39 {add = true} : memref<65536xi32, #tpu.memory_space<vmem>>[vector<16xi32>], vector<16xi32>,
      %scan3A_548 = arith.constant 3 : i32
      %scan3A_549 = arith.addi %scan3A_410, %scan3A_548 : i32
      %mul3A_550 = arith.constant 1 : i32
      %mul3A_551 = arith.muli %scan3A_549, %mul3A_550 : i32
      %add3A_552 = arith.constant 0 : i32
      %add3A_553 = arith.addi %add3A_552, %mul3A_551 : i32
      %mul3A_554 = arith.constant 16 : i32
      %mul3A_555 = arith.muli %add3A_553, %mul3A_554 : i32
      %get3A_556 = arith.constant 0 : i32
      %get3A_557 = arith.index_cast %get3A_556 : i32 to index
      %get3A_558 = arith.index_cast %mul3A_555 : i32 to index
      %get3A_559 = tpu.vector_load %arg5[%get3A_557, %get3A_558] {strides = array<i32>} : memref<2x8192xf32, #tpu.memory_space<vmem>>, vector<16xf32>,
      %mul3A_560 = arith.constant 16 : i32
      %mul3A_561 = arith.muli %add3A_553, %mul3A_560 : i32
      %get3A_562 = arith.constant 0 : i32
      %get3A_563 = arith.index_cast %get3A_562 : i32 to index
      %get3A_564 = arith.index_cast %mul3A_561 : i32 to index
      %get3A_565 = tpu.vector_load %arg6[%get3A_563, %get3A_564] {strides = array<i32>} : memref<2x8192xi32, #tpu.memory_space<vmem>>, vector<16xi32>,
      %convert_element_type3A_566 = arith.sitofp %get3A_565 : vector<16xi32> to vector<16xf32>
      %mul3A_567 = arith.constant 2.000000e+00 : f32
      %mul3A_568 = vector.broadcast %mul3A_567 : f32 to vector<16xf32>
      %mul3A_569 = arith.mulf %mul3A_568, %convert_element_type3A_566 : vector<16xf32>
      %sub3A_570 = arith.constant 1.000000e+00 : f32
      %sub3A_571 = vector.broadcast %sub3A_570 : f32 to vector<16xf32>
      %sub3A_572 = arith.subf %mul3A_569, %sub3A_571 : vector<16xf32>
      %mul3A_573 = arith.constant 2.000000e+00 : f32
      %mul3A_574 = vector.broadcast %mul3A_573 : f32 to vector<16xf32>
      %mul3A_575 = arith.mulf %mul3A_574, %get3A_559 : vector<16xf32>
      %sub3A_576 = arith.constant 1.000000e+00 : f32
      %sub3A_577 = vector.broadcast %sub3A_576 : f32 to vector<16xf32>
      %sub3A_578 = arith.subf %mul3A_575, %sub3A_577 : vector<16xf32>
      %mul3A_579 = arith.mulf %sub3A_572, %sub3A_578 : vector<16xf32>
      %sub3A_580 = arith.constant 1.000000e+00 : f32
      %sub3A_581 = vector.broadcast %sub3A_580 : f32 to vector<16xf32>
      %sub3A_582 = arith.subf %sub3A_581, %mul3A_579 : vector<16xf32>
      %mul3A_583 = arith.constant 1.024000e+03 : f32
      %mul3A_584 = vector.broadcast %mul3A_583 : f32 to vector<16xf32>
      %mul3A_585 = arith.mulf %sub3A_582, %mul3A_584 : vector<16xf32>
      %convert_element_type3A_586 = arith.fptosi %mul3A_585 : vector<16xf32> to vector<16xi32>
      %min3A_587 = arith.constant 2047 : i32
      %min3A_588 = vector.broadcast %min3A_587 : i32 to vector<16xi32>
      %min3A_589 = arith.minsi %convert_element_type3A_586, %min3A_588 : vector<16xi32>
      %mul3A_590 = arith.constant 2048 : i32
      %mul3A_591 = vector.broadcast %mul3A_590 : i32 to vector<16xi32>
      %mul3A_592 = arith.muli %get3A_565, %mul3A_591 : vector<16xi32>
      %add3A_593 = arith.addi %mul3A_38, %mul3A_592 : vector<16xi32>
      %add3A_594 = arith.addi %add3A_593, %min3A_589 : vector<16xi32>
      tpu.vector_store_idx %arg7[%add3A_594], %broadcast_in_dim3A_39 {add = true} : memref<65536xi32, #tpu.memory_space<vmem>>[vector<16xi32>], vector<16xi32>,
      %scan3A_595 = arith.constant 4 : i32
      %scan3A_596 = arith.addi %scan3A_410, %scan3A_595 : i32
      %mul3A_597 = arith.constant 1 : i32
      %mul3A_598 = arith.muli %scan3A_596, %mul3A_597 : i32
      %add3A_599 = arith.constant 0 : i32
      %add3A_600 = arith.addi %add3A_599, %mul3A_598 : i32
      %mul3A_601 = arith.constant 16 : i32
      %mul3A_602 = arith.muli %add3A_600, %mul3A_601 : i32
      %get3A_603 = arith.constant 0 : i32
      %get3A_604 = arith.index_cast %get3A_603 : i32 to index
      %get3A_605 = arith.index_cast %mul3A_602 : i32 to index
      %get3A_606 = tpu.vector_load %arg5[%get3A_604, %get3A_605] {strides = array<i32>} : memref<2x8192xf32, #tpu.memory_space<vmem>>, vector<16xf32>,
      %mul3A_607 = arith.constant 16 : i32
      %mul3A_608 = arith.muli %add3A_600, %mul3A_607 : i32
      %get3A_609 = arith.constant 0 : i32
      %get3A_610 = arith.index_cast %get3A_609 : i32 to index
      %get3A_611 = arith.index_cast %mul3A_608 : i32 to index
      %get3A_612 = tpu.vector_load %arg6[%get3A_610, %get3A_611] {strides = array<i32>} : memref<2x8192xi32, #tpu.memory_space<vmem>>, vector<16xi32>,
      %convert_element_type3A_613 = arith.sitofp %get3A_612 : vector<16xi32> to vector<16xf32>
      %mul3A_614 = arith.constant 2.000000e+00 : f32
      %mul3A_615 = vector.broadcast %mul3A_614 : f32 to vector<16xf32>
      %mul3A_616 = arith.mulf %mul3A_615, %convert_element_type3A_613 : vector<16xf32>
      %sub3A_617 = arith.constant 1.000000e+00 : f32
      %sub3A_618 = vector.broadcast %sub3A_617 : f32 to vector<16xf32>
      %sub3A_619 = arith.subf %mul3A_616, %sub3A_618 : vector<16xf32>
      %mul3A_620 = arith.constant 2.000000e+00 : f32
      %mul3A_621 = vector.broadcast %mul3A_620 : f32 to vector<16xf32>
      %mul3A_622 = arith.mulf %mul3A_621, %get3A_606 : vector<16xf32>
      %sub3A_623 = arith.constant 1.000000e+00 : f32
      %sub3A_624 = vector.broadcast %sub3A_623 : f32 to vector<16xf32>
      %sub3A_625 = arith.subf %mul3A_622, %sub3A_624 : vector<16xf32>
      %mul3A_626 = arith.mulf %sub3A_619, %sub3A_625 : vector<16xf32>
      %sub3A_627 = arith.constant 1.000000e+00 : f32
      %sub3A_628 = vector.broadcast %sub3A_627 : f32 to vector<16xf32>
      %sub3A_629 = arith.subf %sub3A_628, %mul3A_626 : vector<16xf32>
      %mul3A_630 = arith.constant 1.024000e+03 : f32
      %mul3A_631 = vector.broadcast %mul3A_630 : f32 to vector<16xf32>
      %mul3A_632 = arith.mulf %sub3A_629, %mul3A_631 : vector<16xf32>
      %convert_element_type3A_633 = arith.fptosi %mul3A_632 : vector<16xf32> to vector<16xi32>
      %min3A_634 = arith.constant 2047 : i32
      %min3A_635 = vector.broadcast %min3A_634 : i32 to vector<16xi32>
      %min3A_636 = arith.minsi %convert_element_type3A_633, %min3A_635 : vector<16xi32>
      %mul3A_637 = arith.constant 2048 : i32
      %mul3A_638 = vector.broadcast %mul3A_637 : i32 to vector<16xi32>
      %mul3A_639 = arith.muli %get3A_612, %mul3A_638 : vector<16xi32>
      %add3A_640 = arith.addi %mul3A_38, %mul3A_639 : vector<16xi32>
      %add3A_641 = arith.addi %add3A_640, %min3A_636 : vector<16xi32>
      tpu.vector_store_idx %arg7[%add3A_641], %broadcast_in_dim3A_39 {add = true} : memref<65536xi32, #tpu.memory_space<vmem>>[vector<16xi32>], vector<16xi32>,
      %scan3A_642 = arith.constant 5 : i32
      %scan3A_643 = arith.addi %scan3A_410, %scan3A_642 : i32
      %mul3A_644 = arith.constant 1 : i32
      %mul3A_645 = arith.muli %scan3A_643, %mul3A_644 : i32
      %add3A_646 = arith.constant 0 : i32
      %add3A_647 = arith.addi %add3A_646, %mul3A_645 : i32
      %mul3A_648 = arith.constant 16 : i32
      %mul3A_649 = arith.muli %add3A_647, %mul3A_648 : i32
      %get3A_650 = arith.constant 0 : i32
      %get3A_651 = arith.index_cast %get3A_650 : i32 to index
      %get3A_652 = arith.index_cast %mul3A_649 : i32 to index
      %get3A_653 = tpu.vector_load %arg5[%get3A_651, %get3A_652] {strides = array<i32>} : memref<2x8192xf32, #tpu.memory_space<vmem>>, vector<16xf32>,
      %mul3A_654 = arith.constant 16 : i32
      %mul3A_655 = arith.muli %add3A_647, %mul3A_654 : i32
      %get3A_656 = arith.constant 0 : i32
      %get3A_657 = arith.index_cast %get3A_656 : i32 to index
      %get3A_658 = arith.index_cast %mul3A_655 : i32 to index
      %get3A_659 = tpu.vector_load %arg6[%get3A_657, %get3A_658] {strides = array<i32>} : memref<2x8192xi32, #tpu.memory_space<vmem>>, vector<16xi32>,
      %convert_element_type3A_660 = arith.sitofp %get3A_659 : vector<16xi32> to vector<16xf32>
      %mul3A_661 = arith.constant 2.000000e+00 : f32
      %mul3A_662 = vector.broadcast %mul3A_661 : f32 to vector<16xf32>
      %mul3A_663 = arith.mulf %mul3A_662, %convert_element_type3A_660 : vector<16xf32>
      %sub3A_664 = arith.constant 1.000000e+00 : f32
      %sub3A_665 = vector.broadcast %sub3A_664 : f32 to vector<16xf32>
      %sub3A_666 = arith.subf %mul3A_663, %sub3A_665 : vector<16xf32>
      %mul3A_667 = arith.constant 2.000000e+00 : f32
      %mul3A_668 = vector.broadcast %mul3A_667 : f32 to vector<16xf32>
      %mul3A_669 = arith.mulf %mul3A_668, %get3A_653 : vector<16xf32>
      %sub3A_670 = arith.constant 1.000000e+00 : f32
      %sub3A_671 = vector.broadcast %sub3A_670 : f32 to vector<16xf32>
      %sub3A_672 = arith.subf %mul3A_669, %sub3A_671 : vector<16xf32>
      %mul3A_673 = arith.mulf %sub3A_666, %sub3A_672 : vector<16xf32>
      %sub3A_674 = arith.constant 1.000000e+00 : f32
      %sub3A_675 = vector.broadcast %sub3A_674 : f32 to vector<16xf32>
      %sub3A_676 = arith.subf %sub3A_675, %mul3A_673 : vector<16xf32>
      %mul3A_677 = arith.constant 1.024000e+03 : f32
      %mul3A_678 = vector.broadcast %mul3A_677 : f32 to vector<16xf32>
      %mul3A_679 = arith.mulf %sub3A_676, %mul3A_678 : vector<16xf32>
      %convert_element_type3A_680 = arith.fptosi %mul3A_679 : vector<16xf32> to vector<16xi32>
      %min3A_681 = arith.constant 2047 : i32
      %min3A_682 = vector.broadcast %min3A_681 : i32 to vector<16xi32>
      %min3A_683 = arith.minsi %convert_element_type3A_680, %min3A_682 : vector<16xi32>
      %mul3A_684 = arith.constant 2048 : i32
      %mul3A_685 = vector.broadcast %mul3A_684 : i32 to vector<16xi32>
      %mul3A_686 = arith.muli %get3A_659, %mul3A_685 : vector<16xi32>
      %add3A_687 = arith.addi %mul3A_38, %mul3A_686 : vector<16xi32>
      %add3A_688 = arith.addi %add3A_687, %min3A_683 : vector<16xi32>
      tpu.vector_store_idx %arg7[%add3A_688], %broadcast_in_dim3A_39 {add = true} : memref<65536xi32, #tpu.memory_space<vmem>>[vector<16xi32>], vector<16xi32>,
      %scan3A_689 = arith.constant 6 : i32
      %scan3A_690 = arith.addi %scan3A_410, %scan3A_689 : i32
      %mul3A_691 = arith.constant 1 : i32
      %mul3A_692 = arith.muli %scan3A_690, %mul3A_691 : i32
      %add3A_693 = arith.constant 0 : i32
      %add3A_694 = arith.addi %add3A_693, %mul3A_692 : i32
      %mul3A_695 = arith.constant 16 : i32
      %mul3A_696 = arith.muli %add3A_694, %mul3A_695 : i32
      %get3A_697 = arith.constant 0 : i32
      %get3A_698 = arith.index_cast %get3A_697 : i32 to index
      %get3A_699 = arith.index_cast %mul3A_696 : i32 to index
      %get3A_700 = tpu.vector_load %arg5[%get3A_698, %get3A_699] {strides = array<i32>} : memref<2x8192xf32, #tpu.memory_space<vmem>>, vector<16xf32>,
      %mul3A_701 = arith.constant 16 : i32
      %mul3A_702 = arith.muli %add3A_694, %mul3A_701 : i32
      %get3A_703 = arith.constant 0 : i32
      %get3A_704 = arith.index_cast %get3A_703 : i32 to index
      %get3A_705 = arith.index_cast %mul3A_702 : i32 to index
      %get3A_706 = tpu.vector_load %arg6[%get3A_704, %get3A_705] {strides = array<i32>} : memref<2x8192xi32, #tpu.memory_space<vmem>>, vector<16xi32>,
      %convert_element_type3A_707 = arith.sitofp %get3A_706 : vector<16xi32> to vector<16xf32>
      %mul3A_708 = arith.constant 2.000000e+00 : f32
      %mul3A_709 = vector.broadcast %mul3A_708 : f32 to vector<16xf32>
      %mul3A_710 = arith.mulf %mul3A_709, %convert_element_type3A_707 : vector<16xf32>
      %sub3A_711 = arith.constant 1.000000e+00 : f32
      %sub3A_712 = vector.broadcast %sub3A_711 : f32 to vector<16xf32>
      %sub3A_713 = arith.subf %mul3A_710, %sub3A_712 : vector<16xf32>
      %mul3A_714 = arith.constant 2.000000e+00 : f32
      %mul3A_715 = vector.broadcast %mul3A_714 : f32 to vector<16xf32>
      %mul3A_716 = arith.mulf %mul3A_715, %get3A_700 : vector<16xf32>
      %sub3A_717 = arith.constant 1.000000e+00 : f32
      %sub3A_718 = vector.broadcast %sub3A_717 : f32 to vector<16xf32>
      %sub3A_719 = arith.subf %mul3A_716, %sub3A_718 : vector<16xf32>
      %mul3A_720 = arith.mulf %sub3A_713, %sub3A_719 : vector<16xf32>
      %sub3A_721 = arith.constant 1.000000e+00 : f32
      %sub3A_722 = vector.broadcast %sub3A_721 : f32 to vector<16xf32>
      %sub3A_723 = arith.subf %sub3A_722, %mul3A_720 : vector<16xf32>
      %mul3A_724 = arith.constant 1.024000e+03 : f32
      %mul3A_725 = vector.broadcast %mul3A_724 : f32 to vector<16xf32>
      %mul3A_726 = arith.mulf %sub3A_723, %mul3A_725 : vector<16xf32>
      %convert_element_type3A_727 = arith.fptosi %mul3A_726 : vector<16xf32> to vector<16xi32>
      %min3A_728 = arith.constant 2047 : i32
      %min3A_729 = vector.broadcast %min3A_728 : i32 to vector<16xi32>
      %min3A_730 = arith.minsi %convert_element_type3A_727, %min3A_729 : vector<16xi32>
      %mul3A_731 = arith.constant 2048 : i32
      %mul3A_732 = vector.broadcast %mul3A_731 : i32 to vector<16xi32>
      %mul3A_733 = arith.muli %get3A_706, %mul3A_732 : vector<16xi32>
      %add3A_734 = arith.addi %mul3A_38, %mul3A_733 : vector<16xi32>
      %add3A_735 = arith.addi %add3A_734, %min3A_730 : vector<16xi32>
      tpu.vector_store_idx %arg7[%add3A_735], %broadcast_in_dim3A_39 {add = true} : memref<65536xi32, #tpu.memory_space<vmem>>[vector<16xi32>], vector<16xi32>,
      %scan3A_736 = arith.constant 7 : i32
      %scan3A_737 = arith.addi %scan3A_410, %scan3A_736 : i32
      %mul3A_738 = arith.constant 1 : i32
      %mul3A_739 = arith.muli %scan3A_737, %mul3A_738 : i32
      %add3A_740 = arith.constant 0 : i32
      %add3A_741 = arith.addi %add3A_740, %mul3A_739 : i32
      %mul3A_742 = arith.constant 16 : i32
      %mul3A_743 = arith.muli %add3A_741, %mul3A_742 : i32
      %get3A_744 = arith.constant 0 : i32
      %get3A_745 = arith.index_cast %get3A_744 : i32 to index
      %get3A_746 = arith.index_cast %mul3A_743 : i32 to index
      %get3A_747 = tpu.vector_load %arg5[%get3A_745, %get3A_746] {strides = array<i32>} : memref<2x8192xf32, #tpu.memory_space<vmem>>, vector<16xf32>,
      %mul3A_748 = arith.constant 16 : i32
      %mul3A_749 = arith.muli %add3A_741, %mul3A_748 : i32
      %get3A_750 = arith.constant 0 : i32
      %get3A_751 = arith.index_cast %get3A_750 : i32 to index
      %get3A_752 = arith.index_cast %mul3A_749 : i32 to index
      %get3A_753 = tpu.vector_load %arg6[%get3A_751, %get3A_752] {strides = array<i32>} : memref<2x8192xi32, #tpu.memory_space<vmem>>, vector<16xi32>,
      %convert_element_type3A_754 = arith.sitofp %get3A_753 : vector<16xi32> to vector<16xf32>
      %mul3A_755 = arith.constant 2.000000e+00 : f32
      %mul3A_756 = vector.broadcast %mul3A_755 : f32 to vector<16xf32>
      %mul3A_757 = arith.mulf %mul3A_756, %convert_element_type3A_754 : vector<16xf32>
      %sub3A_758 = arith.constant 1.000000e+00 : f32
      %sub3A_759 = vector.broadcast %sub3A_758 : f32 to vector<16xf32>
      %sub3A_760 = arith.subf %mul3A_757, %sub3A_759 : vector<16xf32>
      %mul3A_761 = arith.constant 2.000000e+00 : f32
      %mul3A_762 = vector.broadcast %mul3A_761 : f32 to vector<16xf32>
      %mul3A_763 = arith.mulf %mul3A_762, %get3A_747 : vector<16xf32>
      %sub3A_764 = arith.constant 1.000000e+00 : f32
      %sub3A_765 = vector.broadcast %sub3A_764 : f32 to vector<16xf32>
      %sub3A_766 = arith.subf %mul3A_763, %sub3A_765 : vector<16xf32>
      %mul3A_767 = arith.mulf %sub3A_760, %sub3A_766 : vector<16xf32>
      %sub3A_768 = arith.constant 1.000000e+00 : f32
      %sub3A_769 = vector.broadcast %sub3A_768 : f32 to vector<16xf32>
      %sub3A_770 = arith.subf %sub3A_769, %mul3A_767 : vector<16xf32>
      %mul3A_771 = arith.constant 1.024000e+03 : f32
      %mul3A_772 = vector.broadcast %mul3A_771 : f32 to vector<16xf32>
      %mul3A_773 = arith.mulf %sub3A_770, %mul3A_772 : vector<16xf32>
      %convert_element_type3A_774 = arith.fptosi %mul3A_773 : vector<16xf32> to vector<16xi32>
      %min3A_775 = arith.constant 2047 : i32
      %min3A_776 = vector.broadcast %min3A_775 : i32 to vector<16xi32>
      %min3A_777 = arith.minsi %convert_element_type3A_774, %min3A_776 : vector<16xi32>
      %mul3A_778 = arith.constant 2048 : i32
      %mul3A_779 = vector.broadcast %mul3A_778 : i32 to vector<16xi32>
      %mul3A_780 = arith.muli %get3A_753, %mul3A_779 : vector<16xi32>
      %add3A_781 = arith.addi %mul3A_38, %mul3A_780 : vector<16xi32>
      %add3A_782 = arith.addi %add3A_781, %min3A_777 : vector<16xi32>
      tpu.vector_store_idx %arg7[%add3A_782], %broadcast_in_dim3A_39 {add = true} : memref<65536xi32, #tpu.memory_space<vmem>>[vector<16xi32>], vector<16xi32>,
    }
    %scan3A_198 = arith.constant 512 : i32
    %add3A_199 = arith.constant 32768 : i32
    %add3A_200 = arith.addi %add3A_35, %add3A_199 : i32
    %dma_start3A_201 = arith.constant 0 : i32
    %dma_start3A_202 = arith.constant 0 : i32
    %dma_start3A_203 = tpu.memref_slice %arg5[%dma_start3A_201, %dma_start3A_202] : memref<2x8192xf32, #tpu.memory_space<vmem>> -> memref<1x8192xf32, #tpu.memory_space<vmem>>
    %dma_start3A_204 = tpu.memref_squeeze %dma_start3A_203 : memref<1x8192xf32, #tpu.memory_space<vmem>> -> memref<8192xf32, #tpu.memory_space<vmem>>
    %dma_start3A_205 = tpu.memref_slice %arg2[%add3A_200] : memref<2097152xf32, #tpu.memory_space<hbm>> -> memref<8192xf32, #tpu.memory_space<hbm>>
    %dma_start3A_206 = arith.constant 0 : i32
    %dma_start3A_207 = tpu.memref_slice %arg5[%dma_start3A_201, %dma_start3A_206] : memref<2x8192xf32, #tpu.memory_space<vmem>> -> memref<1x8192xf32, #tpu.memory_space<vmem>>
    %dma_start3A_208 = tpu.memref_squeeze %dma_start3A_207 : memref<1x8192xf32, #tpu.memory_space<vmem>> -> memref<8192xf32, #tpu.memory_space<vmem>>
    %dma_start3A_209 = tpu.memref_slice %arg2[%add3A_200] : memref<2097152xf32, #tpu.memory_space<hbm>> -> memref<8192xf32, #tpu.memory_space<hbm>>
    tpu.enqueue_dma source(%dma_start3A_209 : memref<8192xf32, #tpu.memory_space<hbm>>) target(%dma_start3A_208 : memref<8192xf32, #tpu.memory_space<vmem>>) target_semaphore(%arg12 : memref<!tpu.dma_semaphore, #tpu.memory_space<semaphore_mem>>)
    %add3A_210 = arith.constant 32768 : i32
    %add3A_211 = arith.addi %add3A_35, %add3A_210 : i32
    %dma_start3A_212 = arith.constant 0 : i32
    %dma_start3A_213 = arith.constant 0 : i32
    %dma_start3A_214 = tpu.memref_slice %arg6[%dma_start3A_212, %dma_start3A_213] : memref<2x8192xi32, #tpu.memory_space<vmem>> -> memref<1x8192xi32, #tpu.memory_space<vmem>>
    %dma_start3A_215 = tpu.memref_squeeze %dma_start3A_214 : memref<1x8192xi32, #tpu.memory_space<vmem>> -> memref<8192xi32, #tpu.memory_space<vmem>>
    %dma_start3A_216 = tpu.memref_slice %arg3[%add3A_211] : memref<2097152xi32, #tpu.memory_space<hbm>> -> memref<8192xi32, #tpu.memory_space<hbm>>
    %dma_start3A_217 = arith.constant 0 : i32
    %dma_start3A_218 = tpu.memref_slice %arg6[%dma_start3A_212, %dma_start3A_217] : memref<2x8192xi32, #tpu.memory_space<vmem>> -> memref<1x8192xi32, #tpu.memory_space<vmem>>
    %dma_start3A_219 = tpu.memref_squeeze %dma_start3A_218 : memref<1x8192xi32, #tpu.memory_space<vmem>> -> memref<8192xi32, #tpu.memory_space<vmem>>
    %dma_start3A_220 = tpu.memref_slice %arg3[%add3A_211] : memref<2097152xi32, #tpu.memory_space<hbm>> -> memref<8192xi32, #tpu.memory_space<hbm>>
    tpu.enqueue_dma source(%dma_start3A_220 : memref<8192xi32, #tpu.memory_space<hbm>>) target(%dma_start3A_219 : memref<8192xi32, #tpu.memory_space<vmem>>) target_semaphore(%arg14 : memref<!tpu.dma_semaphore, #tpu.memory_space<semaphore_mem>>)
    %dma_wait3A_221 = arith.constant 1 : i32
    %dma_wait3A_222 = arith.constant 0 : i32
    %dma_wait3A_223 = tpu.memref_slice %arg5[%dma_wait3A_221, %dma_wait3A_222] : memref<2x8192xf32, #tpu.memory_space<vmem>> -> memref<1x8192xf32, #tpu.memory_space<vmem>>
    %dma_wait3A_224 = tpu.memref_squeeze %dma_wait3A_223 : memref<1x8192xf32, #tpu.memory_space<vmem>> -> memref<8192xf32, #tpu.memory_space<vmem>>
    %dma_wait3A_225 = tpu.memref_slice %arg2[%add3A_155] : memref<2097152xf32, #tpu.memory_space<hbm>> -> memref<8192xf32, #tpu.memory_space<hbm>>
    %dma_wait3A_226 = arith.constant 0 : i32
    %dma_wait3A_227 = tpu.memref_slice %arg5[%dma_wait3A_221, %dma_wait3A_226] : memref<2x8192xf32, #tpu.memory_space<vmem>> -> memref<1x8192xf32, #tpu.memory_space<vmem>>
    %dma_wait3A_228 = tpu.memref_squeeze %dma_wait3A_227 : memref<1x8192xf32, #tpu.memory_space<vmem>> -> memref<8192xf32, #tpu.memory_space<vmem>>
    %dma_wait3A_229 = tpu.memref_slice %arg2[%add3A_155] : memref<2097152xf32, #tpu.memory_space<hbm>> -> memref<8192xf32, #tpu.memory_space<hbm>>
    tpu.wait_dma2 semaphore(%arg13 : memref<!tpu.dma_semaphore, #tpu.memory_space<semaphore_mem>>) src(%dma_wait3A_229 : memref<8192xf32, #tpu.memory_space<hbm>>) dst(%dma_wait3A_228 : memref<8192xf32, #tpu.memory_space<vmem>>)
    %dma_wait3A_230 = arith.constant 1 : i32
    %dma_wait3A_231 = arith.constant 0 : i32
    %dma_wait3A_232 = tpu.memref_slice %arg6[%dma_wait3A_230, %dma_wait3A_231] : memref<2x8192xi32, #tpu.memory_space<vmem>> -> memref<1x8192xi32, #tpu.memory_space<vmem>>
    %dma_wait3A_233 = tpu.memref_squeeze %dma_wait3A_232 : memref<1x8192xi32, #tpu.memory_space<vmem>> -> memref<8192xi32, #tpu.memory_space<vmem>>
    %dma_wait3A_234 = tpu.memref_slice %arg3[%add3A_166] : memref<2097152xi32, #tpu.memory_space<hbm>> -> memref<8192xi32, #tpu.memory_space<hbm>>
    %dma_wait3A_235 = arith.constant 0 : i32
    %dma_wait3A_236 = tpu.memref_slice %arg6[%dma_wait3A_230, %dma_wait3A_235] : memref<2x8192xi32, #tpu.memory_space<vmem>> -> memref<1x8192xi32, #tpu.memory_space<vmem>>
    %dma_wait3A_237 = tpu.memref_squeeze %dma_wait3A_236 : memref<1x8192xi32, #tpu.memory_space<vmem>> -> memref<8192xi32, #tpu.memory_space<vmem>>
    %dma_wait3A_238 = tpu.memref_slice %arg3[%add3A_166] : memref<2097152xi32, #tpu.memory_space<hbm>> -> memref<8192xi32, #tpu.memory_space<hbm>>
    tpu.wait_dma2 semaphore(%arg15 : memref<!tpu.dma_semaphore, #tpu.memory_space<semaphore_mem>>) src(%dma_wait3A_238 : memref<8192xi32, #tpu.memory_space<hbm>>) dst(%dma_wait3A_237 : memref<8192xi32, #tpu.memory_space<vmem>>)
    %scan3A_239 = arith.constant 0 : i32
    %scan3A_240 = arith.constant 512 : i32
    %scan3A_241 = arith.addi %scan3A_239, %scan3A_240 : i32
    %scan3A_242 = arith.constant 8 : i32
    scf.for %scan3A_410 = %scan3A_239 to %scan3A_241 step %scan3A_242  : i32 {
      %mul3A_411 = arith.constant 1 : i32
      %mul3A_412 = arith.muli %scan3A_410, %mul3A_411 : i32
      %add3A_413 = arith.constant 0 : i32
      %add3A_414 = arith.addi %add3A_413, %mul3A_412 : i32
      %mul3A_415 = arith.constant 16 : i32
      %mul3A_416 = arith.muli %add3A_414, %mul3A_415 : i32
      %get3A = arith.constant 1 : i32
      %get3A_417 = arith.index_cast %get3A : i32 to index
      %get3A_418 = arith.index_cast %mul3A_416 : i32 to index
      %get3A_419 = tpu.vector_load %arg5[%get3A_417, %get3A_418] {strides = array<i32>} : memref<2x8192xf32, #tpu.memory_space<vmem>>, vector<16xf32>,
      %mul3A_420 = arith.constant 16 : i32
      %mul3A_421 = arith.muli %add3A_414, %mul3A_420 : i32
      %get3A_422 = arith.constant 1 : i32
      %get3A_423 = arith.index_cast %get3A_422 : i32 to index
      %get3A_424 = arith.index_cast %mul3A_421 : i32 to index
      %get3A_425 = tpu.vector_load %arg6[%get3A_423, %get3A_424] {strides = array<i32>} : memref<2x8192xi32, #tpu.memory_space<vmem>>, vector<16xi32>,
      %convert_element_type3A_426 = arith.sitofp %get3A_425 : vector<16xi32> to vector<16xf32>
      %mul3A_427 = arith.constant 2.000000e+00 : f32
      %mul3A_428 = vector.broadcast %mul3A_427 : f32 to vector<16xf32>
      %mul3A_429 = arith.mulf %mul3A_428, %convert_element_type3A_426 : vector<16xf32>
      %sub3A_430 = arith.constant 1.000000e+00 : f32
      %sub3A_431 = vector.broadcast %sub3A_430 : f32 to vector<16xf32>
      %sub3A_432 = arith.subf %mul3A_429, %sub3A_431 : vector<16xf32>
      %mul3A_433 = arith.constant 2.000000e+00 : f32
      %mul3A_434 = vector.broadcast %mul3A_433 : f32 to vector<16xf32>
      %mul3A_435 = arith.mulf %mul3A_434, %get3A_419 : vector<16xf32>
      %sub3A_436 = arith.constant 1.000000e+00 : f32
      %sub3A_437 = vector.broadcast %sub3A_436 : f32 to vector<16xf32>
      %sub3A_438 = arith.subf %mul3A_435, %sub3A_437 : vector<16xf32>
      %mul3A_439 = arith.mulf %sub3A_432, %sub3A_438 : vector<16xf32>
      %sub3A_440 = arith.constant 1.000000e+00 : f32
      %sub3A_441 = vector.broadcast %sub3A_440 : f32 to vector<16xf32>
      %sub3A_442 = arith.subf %sub3A_441, %mul3A_439 : vector<16xf32>
      %mul3A_443 = arith.constant 1.024000e+03 : f32
      %mul3A_444 = vector.broadcast %mul3A_443 : f32 to vector<16xf32>
      %mul3A_445 = arith.mulf %sub3A_442, %mul3A_444 : vector<16xf32>
      %convert_element_type3A_446 = arith.fptosi %mul3A_445 : vector<16xf32> to vector<16xi32>
      %min3A = arith.constant 2047 : i32
      %min3A_447 = vector.broadcast %min3A : i32 to vector<16xi32>
      %min3A_448 = arith.minsi %convert_element_type3A_446, %min3A_447 : vector<16xi32>
      %mul3A_449 = arith.constant 2048 : i32
      %mul3A_450 = vector.broadcast %mul3A_449 : i32 to vector<16xi32>
      %mul3A_451 = arith.muli %get3A_425, %mul3A_450 : vector<16xi32>
      %add3A_452 = arith.addi %mul3A_38, %mul3A_451 : vector<16xi32>
      %add3A_453 = arith.addi %add3A_452, %min3A_448 : vector<16xi32>
      tpu.vector_store_idx %arg7[%add3A_453], %broadcast_in_dim3A_39 {add = true} : memref<65536xi32, #tpu.memory_space<vmem>>[vector<16xi32>], vector<16xi32>,
      %scan3A_454 = arith.constant 1 : i32
      %scan3A_455 = arith.addi %scan3A_410, %scan3A_454 : i32
      %mul3A_456 = arith.constant 1 : i32
      %mul3A_457 = arith.muli %scan3A_455, %mul3A_456 : i32
      %add3A_458 = arith.constant 0 : i32
      %add3A_459 = arith.addi %add3A_458, %mul3A_457 : i32
      %mul3A_460 = arith.constant 16 : i32
      %mul3A_461 = arith.muli %add3A_459, %mul3A_460 : i32
      %get3A_462 = arith.constant 1 : i32
      %get3A_463 = arith.index_cast %get3A_462 : i32 to index
      %get3A_464 = arith.index_cast %mul3A_461 : i32 to index
      %get3A_465 = tpu.vector_load %arg5[%get3A_463, %get3A_464] {strides = array<i32>} : memref<2x8192xf32, #tpu.memory_space<vmem>>, vector<16xf32>,
      %mul3A_466 = arith.constant 16 : i32
      %mul3A_467 = arith.muli %add3A_459, %mul3A_466 : i32
      %get3A_468 = arith.constant 1 : i32
      %get3A_469 = arith.index_cast %get3A_468 : i32 to index
      %get3A_470 = arith.index_cast %mul3A_467 : i32 to index
      %get3A_471 = tpu.vector_load %arg6[%get3A_469, %get3A_470] {strides = array<i32>} : memref<2x8192xi32, #tpu.memory_space<vmem>>, vector<16xi32>,
      %convert_element_type3A_472 = arith.sitofp %get3A_471 : vector<16xi32> to vector<16xf32>
      %mul3A_473 = arith.constant 2.000000e+00 : f32
      %mul3A_474 = vector.broadcast %mul3A_473 : f32 to vector<16xf32>
      %mul3A_475 = arith.mulf %mul3A_474, %convert_element_type3A_472 : vector<16xf32>
      %sub3A_476 = arith.constant 1.000000e+00 : f32
      %sub3A_477 = vector.broadcast %sub3A_476 : f32 to vector<16xf32>
      %sub3A_478 = arith.subf %mul3A_475, %sub3A_477 : vector<16xf32>
      %mul3A_479 = arith.constant 2.000000e+00 : f32
      %mul3A_480 = vector.broadcast %mul3A_479 : f32 to vector<16xf32>
      %mul3A_481 = arith.mulf %mul3A_480, %get3A_465 : vector<16xf32>
      %sub3A_482 = arith.constant 1.000000e+00 : f32
      %sub3A_483 = vector.broadcast %sub3A_482 : f32 to vector<16xf32>
      %sub3A_484 = arith.subf %mul3A_481, %sub3A_483 : vector<16xf32>
      %mul3A_485 = arith.mulf %sub3A_478, %sub3A_484 : vector<16xf32>
      %sub3A_486 = arith.constant 1.000000e+00 : f32
      %sub3A_487 = vector.broadcast %sub3A_486 : f32 to vector<16xf32>
      %sub3A_488 = arith.subf %sub3A_487, %mul3A_485 : vector<16xf32>
      %mul3A_489 = arith.constant 1.024000e+03 : f32
      %mul3A_490 = vector.broadcast %mul3A_489 : f32 to vector<16xf32>
      %mul3A_491 = arith.mulf %sub3A_488, %mul3A_490 : vector<16xf32>
      %convert_element_type3A_492 = arith.fptosi %mul3A_491 : vector<16xf32> to vector<16xi32>
      %min3A_493 = arith.constant 2047 : i32
      %min3A_494 = vector.broadcast %min3A_493 : i32 to vector<16xi32>
      %min3A_495 = arith.minsi %convert_element_type3A_492, %min3A_494 : vector<16xi32>
      %mul3A_496 = arith.constant 2048 : i32
      %mul3A_497 = vector.broadcast %mul3A_496 : i32 to vector<16xi32>
      %mul3A_498 = arith.muli %get3A_471, %mul3A_497 : vector<16xi32>
      %add3A_499 = arith.addi %mul3A_38, %mul3A_498 : vector<16xi32>
      %add3A_500 = arith.addi %add3A_499, %min3A_495 : vector<16xi32>
      tpu.vector_store_idx %arg7[%add3A_500], %broadcast_in_dim3A_39 {add = true} : memref<65536xi32, #tpu.memory_space<vmem>>[vector<16xi32>], vector<16xi32>,
      %scan3A_501 = arith.constant 2 : i32
      %scan3A_502 = arith.addi %scan3A_410, %scan3A_501 : i32
      %mul3A_503 = arith.constant 1 : i32
      %mul3A_504 = arith.muli %scan3A_502, %mul3A_503 : i32
      %add3A_505 = arith.constant 0 : i32
      %add3A_506 = arith.addi %add3A_505, %mul3A_504 : i32
      %mul3A_507 = arith.constant 16 : i32
      %mul3A_508 = arith.muli %add3A_506, %mul3A_507 : i32
      %get3A_509 = arith.constant 1 : i32
      %get3A_510 = arith.index_cast %get3A_509 : i32 to index
      %get3A_511 = arith.index_cast %mul3A_508 : i32 to index
      %get3A_512 = tpu.vector_load %arg5[%get3A_510, %get3A_511] {strides = array<i32>} : memref<2x8192xf32, #tpu.memory_space<vmem>>, vector<16xf32>,
      %mul3A_513 = arith.constant 16 : i32
      %mul3A_514 = arith.muli %add3A_506, %mul3A_513 : i32
      %get3A_515 = arith.constant 1 : i32
      %get3A_516 = arith.index_cast %get3A_515 : i32 to index
      %get3A_517 = arith.index_cast %mul3A_514 : i32 to index
      %get3A_518 = tpu.vector_load %arg6[%get3A_516, %get3A_517] {strides = array<i32>} : memref<2x8192xi32, #tpu.memory_space<vmem>>, vector<16xi32>,
      %convert_element_type3A_519 = arith.sitofp %get3A_518 : vector<16xi32> to vector<16xf32>
      %mul3A_520 = arith.constant 2.000000e+00 : f32
      %mul3A_521 = vector.broadcast %mul3A_520 : f32 to vector<16xf32>
      %mul3A_522 = arith.mulf %mul3A_521, %convert_element_type3A_519 : vector<16xf32>
      %sub3A_523 = arith.constant 1.000000e+00 : f32
      %sub3A_524 = vector.broadcast %sub3A_523 : f32 to vector<16xf32>
      %sub3A_525 = arith.subf %mul3A_522, %sub3A_524 : vector<16xf32>
      %mul3A_526 = arith.constant 2.000000e+00 : f32
      %mul3A_527 = vector.broadcast %mul3A_526 : f32 to vector<16xf32>
      %mul3A_528 = arith.mulf %mul3A_527, %get3A_512 : vector<16xf32>
      %sub3A_529 = arith.constant 1.000000e+00 : f32
      %sub3A_530 = vector.broadcast %sub3A_529 : f32 to vector<16xf32>
      %sub3A_531 = arith.subf %mul3A_528, %sub3A_530 : vector<16xf32>
      %mul3A_532 = arith.mulf %sub3A_525, %sub3A_531 : vector<16xf32>
      %sub3A_533 = arith.constant 1.000000e+00 : f32
      %sub3A_534 = vector.broadcast %sub3A_533 : f32 to vector<16xf32>
      %sub3A_535 = arith.subf %sub3A_534, %mul3A_532 : vector<16xf32>
      %mul3A_536 = arith.constant 1.024000e+03 : f32
      %mul3A_537 = vector.broadcast %mul3A_536 : f32 to vector<16xf32>
      %mul3A_538 = arith.mulf %sub3A_535, %mul3A_537 : vector<16xf32>
      %convert_element_type3A_539 = arith.fptosi %mul3A_538 : vector<16xf32> to vector<16xi32>
      %min3A_540 = arith.constant 2047 : i32
      %min3A_541 = vector.broadcast %min3A_540 : i32 to vector<16xi32>
      %min3A_542 = arith.minsi %convert_element_type3A_539, %min3A_541 : vector<16xi32>
      %mul3A_543 = arith.constant 2048 : i32
      %mul3A_544 = vector.broadcast %mul3A_543 : i32 to vector<16xi32>
      %mul3A_545 = arith.muli %get3A_518, %mul3A_544 : vector<16xi32>
      %add3A_546 = arith.addi %mul3A_38, %mul3A_545 : vector<16xi32>
      %add3A_547 = arith.addi %add3A_546, %min3A_542 : vector<16xi32>
      tpu.vector_store_idx %arg7[%add3A_547], %broadcast_in_dim3A_39 {add = true} : memref<65536xi32, #tpu.memory_space<vmem>>[vector<16xi32>], vector<16xi32>,
      %scan3A_548 = arith.constant 3 : i32
      %scan3A_549 = arith.addi %scan3A_410, %scan3A_548 : i32
      %mul3A_550 = arith.constant 1 : i32
      %mul3A_551 = arith.muli %scan3A_549, %mul3A_550 : i32
      %add3A_552 = arith.constant 0 : i32
      %add3A_553 = arith.addi %add3A_552, %mul3A_551 : i32
      %mul3A_554 = arith.constant 16 : i32
      %mul3A_555 = arith.muli %add3A_553, %mul3A_554 : i32
      %get3A_556 = arith.constant 1 : i32
      %get3A_557 = arith.index_cast %get3A_556 : i32 to index
      %get3A_558 = arith.index_cast %mul3A_555 : i32 to index
      %get3A_559 = tpu.vector_load %arg5[%get3A_557, %get3A_558] {strides = array<i32>} : memref<2x8192xf32, #tpu.memory_space<vmem>>, vector<16xf32>,
      %mul3A_560 = arith.constant 16 : i32
      %mul3A_561 = arith.muli %add3A_553, %mul3A_560 : i32
      %get3A_562 = arith.constant 1 : i32
      %get3A_563 = arith.index_cast %get3A_562 : i32 to index
      %get3A_564 = arith.index_cast %mul3A_561 : i32 to index
      %get3A_565 = tpu.vector_load %arg6[%get3A_563, %get3A_564] {strides = array<i32>} : memref<2x8192xi32, #tpu.memory_space<vmem>>, vector<16xi32>,
      %convert_element_type3A_566 = arith.sitofp %get3A_565 : vector<16xi32> to vector<16xf32>
      %mul3A_567 = arith.constant 2.000000e+00 : f32
      %mul3A_568 = vector.broadcast %mul3A_567 : f32 to vector<16xf32>
      %mul3A_569 = arith.mulf %mul3A_568, %convert_element_type3A_566 : vector<16xf32>
      %sub3A_570 = arith.constant 1.000000e+00 : f32
      %sub3A_571 = vector.broadcast %sub3A_570 : f32 to vector<16xf32>
      %sub3A_572 = arith.subf %mul3A_569, %sub3A_571 : vector<16xf32>
      %mul3A_573 = arith.constant 2.000000e+00 : f32
      %mul3A_574 = vector.broadcast %mul3A_573 : f32 to vector<16xf32>
      %mul3A_575 = arith.mulf %mul3A_574, %get3A_559 : vector<16xf32>
      %sub3A_576 = arith.constant 1.000000e+00 : f32
      %sub3A_577 = vector.broadcast %sub3A_576 : f32 to vector<16xf32>
      %sub3A_578 = arith.subf %mul3A_575, %sub3A_577 : vector<16xf32>
      %mul3A_579 = arith.mulf %sub3A_572, %sub3A_578 : vector<16xf32>
      %sub3A_580 = arith.constant 1.000000e+00 : f32
      %sub3A_581 = vector.broadcast %sub3A_580 : f32 to vector<16xf32>
      %sub3A_582 = arith.subf %sub3A_581, %mul3A_579 : vector<16xf32>
      %mul3A_583 = arith.constant 1.024000e+03 : f32
      %mul3A_584 = vector.broadcast %mul3A_583 : f32 to vector<16xf32>
      %mul3A_585 = arith.mulf %sub3A_582, %mul3A_584 : vector<16xf32>
      %convert_element_type3A_586 = arith.fptosi %mul3A_585 : vector<16xf32> to vector<16xi32>
      %min3A_587 = arith.constant 2047 : i32
      %min3A_588 = vector.broadcast %min3A_587 : i32 to vector<16xi32>
      %min3A_589 = arith.minsi %convert_element_type3A_586, %min3A_588 : vector<16xi32>
      %mul3A_590 = arith.constant 2048 : i32
      %mul3A_591 = vector.broadcast %mul3A_590 : i32 to vector<16xi32>
      %mul3A_592 = arith.muli %get3A_565, %mul3A_591 : vector<16xi32>
      %add3A_593 = arith.addi %mul3A_38, %mul3A_592 : vector<16xi32>
      %add3A_594 = arith.addi %add3A_593, %min3A_589 : vector<16xi32>
      tpu.vector_store_idx %arg7[%add3A_594], %broadcast_in_dim3A_39 {add = true} : memref<65536xi32, #tpu.memory_space<vmem>>[vector<16xi32>], vector<16xi32>,
      %scan3A_595 = arith.constant 4 : i32
      %scan3A_596 = arith.addi %scan3A_410, %scan3A_595 : i32
      %mul3A_597 = arith.constant 1 : i32
      %mul3A_598 = arith.muli %scan3A_596, %mul3A_597 : i32
      %add3A_599 = arith.constant 0 : i32
      %add3A_600 = arith.addi %add3A_599, %mul3A_598 : i32
      %mul3A_601 = arith.constant 16 : i32
      %mul3A_602 = arith.muli %add3A_600, %mul3A_601 : i32
      %get3A_603 = arith.constant 1 : i32
      %get3A_604 = arith.index_cast %get3A_603 : i32 to index
      %get3A_605 = arith.index_cast %mul3A_602 : i32 to index
      %get3A_606 = tpu.vector_load %arg5[%get3A_604, %get3A_605] {strides = array<i32>} : memref<2x8192xf32, #tpu.memory_space<vmem>>, vector<16xf32>,
      %mul3A_607 = arith.constant 16 : i32
      %mul3A_608 = arith.muli %add3A_600, %mul3A_607 : i32
      %get3A_609 = arith.constant 1 : i32
      %get3A_610 = arith.index_cast %get3A_609 : i32 to index
      %get3A_611 = arith.index_cast %mul3A_608 : i32 to index
      %get3A_612 = tpu.vector_load %arg6[%get3A_610, %get3A_611] {strides = array<i32>} : memref<2x8192xi32, #tpu.memory_space<vmem>>, vector<16xi32>,
      %convert_element_type3A_613 = arith.sitofp %get3A_612 : vector<16xi32> to vector<16xf32>
      %mul3A_614 = arith.constant 2.000000e+00 : f32
      %mul3A_615 = vector.broadcast %mul3A_614 : f32 to vector<16xf32>
      %mul3A_616 = arith.mulf %mul3A_615, %convert_element_type3A_613 : vector<16xf32>
      %sub3A_617 = arith.constant 1.000000e+00 : f32
      %sub3A_618 = vector.broadcast %sub3A_617 : f32 to vector<16xf32>
      %sub3A_619 = arith.subf %mul3A_616, %sub3A_618 : vector<16xf32>
      %mul3A_620 = arith.constant 2.000000e+00 : f32
      %mul3A_621 = vector.broadcast %mul3A_620 : f32 to vector<16xf32>
      %mul3A_622 = arith.mulf %mul3A_621, %get3A_606 : vector<16xf32>
      %sub3A_623 = arith.constant 1.000000e+00 : f32
      %sub3A_624 = vector.broadcast %sub3A_623 : f32 to vector<16xf32>
      %sub3A_625 = arith.subf %mul3A_622, %sub3A_624 : vector<16xf32>
      %mul3A_626 = arith.mulf %sub3A_619, %sub3A_625 : vector<16xf32>
      %sub3A_627 = arith.constant 1.000000e+00 : f32
      %sub3A_628 = vector.broadcast %sub3A_627 : f32 to vector<16xf32>
      %sub3A_629 = arith.subf %sub3A_628, %mul3A_626 : vector<16xf32>
      %mul3A_630 = arith.constant 1.024000e+03 : f32
      %mul3A_631 = vector.broadcast %mul3A_630 : f32 to vector<16xf32>
      %mul3A_632 = arith.mulf %sub3A_629, %mul3A_631 : vector<16xf32>
      %convert_element_type3A_633 = arith.fptosi %mul3A_632 : vector<16xf32> to vector<16xi32>
      %min3A_634 = arith.constant 2047 : i32
      %min3A_635 = vector.broadcast %min3A_634 : i32 to vector<16xi32>
      %min3A_636 = arith.minsi %convert_element_type3A_633, %min3A_635 : vector<16xi32>
      %mul3A_637 = arith.constant 2048 : i32
      %mul3A_638 = vector.broadcast %mul3A_637 : i32 to vector<16xi32>
      %mul3A_639 = arith.muli %get3A_612, %mul3A_638 : vector<16xi32>
      %add3A_640 = arith.addi %mul3A_38, %mul3A_639 : vector<16xi32>
      %add3A_641 = arith.addi %add3A_640, %min3A_636 : vector<16xi32>
      tpu.vector_store_idx %arg7[%add3A_641], %broadcast_in_dim3A_39 {add = true} : memref<65536xi32, #tpu.memory_space<vmem>>[vector<16xi32>], vector<16xi32>,
      %scan3A_642 = arith.constant 5 : i32
      %scan3A_643 = arith.addi %scan3A_410, %scan3A_642 : i32
      %mul3A_644 = arith.constant 1 : i32
      %mul3A_645 = arith.muli %scan3A_643, %mul3A_644 : i32
      %add3A_646 = arith.constant 0 : i32
      %add3A_647 = arith.addi %add3A_646, %mul3A_645 : i32
      %mul3A_648 = arith.constant 16 : i32
      %mul3A_649 = arith.muli %add3A_647, %mul3A_648 : i32
      %get3A_650 = arith.constant 1 : i32
      %get3A_651 = arith.index_cast %get3A_650 : i32 to index
      %get3A_652 = arith.index_cast %mul3A_649 : i32 to index
      %get3A_653 = tpu.vector_load %arg5[%get3A_651, %get3A_652] {strides = array<i32>} : memref<2x8192xf32, #tpu.memory_space<vmem>>, vector<16xf32>,
      %mul3A_654 = arith.constant 16 : i32
      %mul3A_655 = arith.muli %add3A_647, %mul3A_654 : i32
      %get3A_656 = arith.constant 1 : i32
      %get3A_657 = arith.index_cast %get3A_656 : i32 to index
      %get3A_658 = arith.index_cast %mul3A_655 : i32 to index
      %get3A_659 = tpu.vector_load %arg6[%get3A_657, %get3A_658] {strides = array<i32>} : memref<2x8192xi32, #tpu.memory_space<vmem>>, vector<16xi32>,
      %convert_element_type3A_660 = arith.sitofp %get3A_659 : vector<16xi32> to vector<16xf32>
      %mul3A_661 = arith.constant 2.000000e+00 : f32
      %mul3A_662 = vector.broadcast %mul3A_661 : f32 to vector<16xf32>
      %mul3A_663 = arith.mulf %mul3A_662, %convert_element_type3A_660 : vector<16xf32>
      %sub3A_664 = arith.constant 1.000000e+00 : f32
      %sub3A_665 = vector.broadcast %sub3A_664 : f32 to vector<16xf32>
      %sub3A_666 = arith.subf %mul3A_663, %sub3A_665 : vector<16xf32>
      %mul3A_667 = arith.constant 2.000000e+00 : f32
      %mul3A_668 = vector.broadcast %mul3A_667 : f32 to vector<16xf32>
      %mul3A_669 = arith.mulf %mul3A_668, %get3A_653 : vector<16xf32>
      %sub3A_670 = arith.constant 1.000000e+00 : f32
      %sub3A_671 = vector.broadcast %sub3A_670 : f32 to vector<16xf32>
      %sub3A_672 = arith.subf %mul3A_669, %sub3A_671 : vector<16xf32>
      %mul3A_673 = arith.mulf %sub3A_666, %sub3A_672 : vector<16xf32>
      %sub3A_674 = arith.constant 1.000000e+00 : f32
      %sub3A_675 = vector.broadcast %sub3A_674 : f32 to vector<16xf32>
      %sub3A_676 = arith.subf %sub3A_675, %mul3A_673 : vector<16xf32>
      %mul3A_677 = arith.constant 1.024000e+03 : f32
      %mul3A_678 = vector.broadcast %mul3A_677 : f32 to vector<16xf32>
      %mul3A_679 = arith.mulf %sub3A_676, %mul3A_678 : vector<16xf32>
      %convert_element_type3A_680 = arith.fptosi %mul3A_679 : vector<16xf32> to vector<16xi32>
      %min3A_681 = arith.constant 2047 : i32
      %min3A_682 = vector.broadcast %min3A_681 : i32 to vector<16xi32>
      %min3A_683 = arith.minsi %convert_element_type3A_680, %min3A_682 : vector<16xi32>
      %mul3A_684 = arith.constant 2048 : i32
      %mul3A_685 = vector.broadcast %mul3A_684 : i32 to vector<16xi32>
      %mul3A_686 = arith.muli %get3A_659, %mul3A_685 : vector<16xi32>
      %add3A_687 = arith.addi %mul3A_38, %mul3A_686 : vector<16xi32>
      %add3A_688 = arith.addi %add3A_687, %min3A_683 : vector<16xi32>
      tpu.vector_store_idx %arg7[%add3A_688], %broadcast_in_dim3A_39 {add = true} : memref<65536xi32, #tpu.memory_space<vmem>>[vector<16xi32>], vector<16xi32>,
      %scan3A_689 = arith.constant 6 : i32
      %scan3A_690 = arith.addi %scan3A_410, %scan3A_689 : i32
      %mul3A_691 = arith.constant 1 : i32
      %mul3A_692 = arith.muli %scan3A_690, %mul3A_691 : i32
      %add3A_693 = arith.constant 0 : i32
      %add3A_694 = arith.addi %add3A_693, %mul3A_692 : i32
      %mul3A_695 = arith.constant 16 : i32
      %mul3A_696 = arith.muli %add3A_694, %mul3A_695 : i32
      %get3A_697 = arith.constant 1 : i32
      %get3A_698 = arith.index_cast %get3A_697 : i32 to index
      %get3A_699 = arith.index_cast %mul3A_696 : i32 to index
      %get3A_700 = tpu.vector_load %arg5[%get3A_698, %get3A_699] {strides = array<i32>} : memref<2x8192xf32, #tpu.memory_space<vmem>>, vector<16xf32>,
      %mul3A_701 = arith.constant 16 : i32
      %mul3A_702 = arith.muli %add3A_694, %mul3A_701 : i32
      %get3A_703 = arith.constant 1 : i32
      %get3A_704 = arith.index_cast %get3A_703 : i32 to index
      %get3A_705 = arith.index_cast %mul3A_702 : i32 to index
      %get3A_706 = tpu.vector_load %arg6[%get3A_704, %get3A_705] {strides = array<i32>} : memref<2x8192xi32, #tpu.memory_space<vmem>>, vector<16xi32>,
      %convert_element_type3A_707 = arith.sitofp %get3A_706 : vector<16xi32> to vector<16xf32>
      %mul3A_708 = arith.constant 2.000000e+00 : f32
      %mul3A_709 = vector.broadcast %mul3A_708 : f32 to vector<16xf32>
      %mul3A_710 = arith.mulf %mul3A_709, %convert_element_type3A_707 : vector<16xf32>
      %sub3A_711 = arith.constant 1.000000e+00 : f32
      %sub3A_712 = vector.broadcast %sub3A_711 : f32 to vector<16xf32>
      %sub3A_713 = arith.subf %mul3A_710, %sub3A_712 : vector<16xf32>
      %mul3A_714 = arith.constant 2.000000e+00 : f32
      %mul3A_715 = vector.broadcast %mul3A_714 : f32 to vector<16xf32>
      %mul3A_716 = arith.mulf %mul3A_715, %get3A_700 : vector<16xf32>
      %sub3A_717 = arith.constant 1.000000e+00 : f32
      %sub3A_718 = vector.broadcast %sub3A_717 : f32 to vector<16xf32>
      %sub3A_719 = arith.subf %mul3A_716, %sub3A_718 : vector<16xf32>
      %mul3A_720 = arith.mulf %sub3A_713, %sub3A_719 : vector<16xf32>
      %sub3A_721 = arith.constant 1.000000e+00 : f32
      %sub3A_722 = vector.broadcast %sub3A_721 : f32 to vector<16xf32>
      %sub3A_723 = arith.subf %sub3A_722, %mul3A_720 : vector<16xf32>
      %mul3A_724 = arith.constant 1.024000e+03 : f32
      %mul3A_725 = vector.broadcast %mul3A_724 : f32 to vector<16xf32>
      %mul3A_726 = arith.mulf %sub3A_723, %mul3A_725 : vector<16xf32>
      %convert_element_type3A_727 = arith.fptosi %mul3A_726 : vector<16xf32> to vector<16xi32>
      %min3A_728 = arith.constant 2047 : i32
      %min3A_729 = vector.broadcast %min3A_728 : i32 to vector<16xi32>
      %min3A_730 = arith.minsi %convert_element_type3A_727, %min3A_729 : vector<16xi32>
      %mul3A_731 = arith.constant 2048 : i32
      %mul3A_732 = vector.broadcast %mul3A_731 : i32 to vector<16xi32>
      %mul3A_733 = arith.muli %get3A_706, %mul3A_732 : vector<16xi32>
      %add3A_734 = arith.addi %mul3A_38, %mul3A_733 : vector<16xi32>
      %add3A_735 = arith.addi %add3A_734, %min3A_730 : vector<16xi32>
      tpu.vector_store_idx %arg7[%add3A_735], %broadcast_in_dim3A_39 {add = true} : memref<65536xi32, #tpu.memory_space<vmem>>[vector<16xi32>], vector<16xi32>,
      %scan3A_736 = arith.constant 7 : i32
      %scan3A_737 = arith.addi %scan3A_410, %scan3A_736 : i32
      %mul3A_738 = arith.constant 1 : i32
      %mul3A_739 = arith.muli %scan3A_737, %mul3A_738 : i32
      %add3A_740 = arith.constant 0 : i32
      %add3A_741 = arith.addi %add3A_740, %mul3A_739 : i32
      %mul3A_742 = arith.constant 16 : i32
      %mul3A_743 = arith.muli %add3A_741, %mul3A_742 : i32
      %get3A_744 = arith.constant 1 : i32
      %get3A_745 = arith.index_cast %get3A_744 : i32 to index
      %get3A_746 = arith.index_cast %mul3A_743 : i32 to index
      %get3A_747 = tpu.vector_load %arg5[%get3A_745, %get3A_746] {strides = array<i32>} : memref<2x8192xf32, #tpu.memory_space<vmem>>, vector<16xf32>,
      %mul3A_748 = arith.constant 16 : i32
      %mul3A_749 = arith.muli %add3A_741, %mul3A_748 : i32
      %get3A_750 = arith.constant 1 : i32
      %get3A_751 = arith.index_cast %get3A_750 : i32 to index
      %get3A_752 = arith.index_cast %mul3A_749 : i32 to index
      %get3A_753 = tpu.vector_load %arg6[%get3A_751, %get3A_752] {strides = array<i32>} : memref<2x8192xi32, #tpu.memory_space<vmem>>, vector<16xi32>,
      %convert_element_type3A_754 = arith.sitofp %get3A_753 : vector<16xi32> to vector<16xf32>
      %mul3A_755 = arith.constant 2.000000e+00 : f32
      %mul3A_756 = vector.broadcast %mul3A_755 : f32 to vector<16xf32>
      %mul3A_757 = arith.mulf %mul3A_756, %convert_element_type3A_754 : vector<16xf32>
      %sub3A_758 = arith.constant 1.000000e+00 : f32
      %sub3A_759 = vector.broadcast %sub3A_758 : f32 to vector<16xf32>
      %sub3A_760 = arith.subf %mul3A_757, %sub3A_759 : vector<16xf32>
      %mul3A_761 = arith.constant 2.000000e+00 : f32
      %mul3A_762 = vector.broadcast %mul3A_761 : f32 to vector<16xf32>
      %mul3A_763 = arith.mulf %mul3A_762, %get3A_747 : vector<16xf32>
      %sub3A_764 = arith.constant 1.000000e+00 : f32
      %sub3A_765 = vector.broadcast %sub3A_764 : f32 to vector<16xf32>
      %sub3A_766 = arith.subf %mul3A_763, %sub3A_765 : vector<16xf32>
      %mul3A_767 = arith.mulf %sub3A_760, %sub3A_766 : vector<16xf32>
      %sub3A_768 = arith.constant 1.000000e+00 : f32
      %sub3A_769 = vector.broadcast %sub3A_768 : f32 to vector<16xf32>
      %sub3A_770 = arith.subf %sub3A_769, %mul3A_767 : vector<16xf32>
      %mul3A_771 = arith.constant 1.024000e+03 : f32
      %mul3A_772 = vector.broadcast %mul3A_771 : f32 to vector<16xf32>
      %mul3A_773 = arith.mulf %sub3A_770, %mul3A_772 : vector<16xf32>
      %convert_element_type3A_774 = arith.fptosi %mul3A_773 : vector<16xf32> to vector<16xi32>
      %min3A_775 = arith.constant 2047 : i32
      %min3A_776 = vector.broadcast %min3A_775 : i32 to vector<16xi32>
      %min3A_777 = arith.minsi %convert_element_type3A_774, %min3A_776 : vector<16xi32>
      %mul3A_778 = arith.constant 2048 : i32
      %mul3A_779 = vector.broadcast %mul3A_778 : i32 to vector<16xi32>
      %mul3A_780 = arith.muli %get3A_753, %mul3A_779 : vector<16xi32>
      %add3A_781 = arith.addi %mul3A_38, %mul3A_780 : vector<16xi32>
      %add3A_782 = arith.addi %add3A_781, %min3A_777 : vector<16xi32>
      tpu.vector_store_idx %arg7[%add3A_782], %broadcast_in_dim3A_39 {add = true} : memref<65536xi32, #tpu.memory_space<vmem>>[vector<16xi32>], vector<16xi32>,
    }
    %scan3A_243 = arith.constant 512 : i32
    %add3A_244 = arith.constant 40960 : i32
    %add3A_245 = arith.addi %add3A_35, %add3A_244 : i32
    %dma_start3A_246 = arith.constant 1 : i32
    %dma_start3A_247 = arith.constant 0 : i32
    %dma_start3A_248 = tpu.memref_slice %arg5[%dma_start3A_246, %dma_start3A_247] : memref<2x8192xf32, #tpu.memory_space<vmem>> -> memref<1x8192xf32, #tpu.memory_space<vmem>>
    %dma_start3A_249 = tpu.memref_squeeze %dma_start3A_248 : memref<1x8192xf32, #tpu.memory_space<vmem>> -> memref<8192xf32, #tpu.memory_space<vmem>>
    %dma_start3A_250 = tpu.memref_slice %arg2[%add3A_245] : memref<2097152xf32, #tpu.memory_space<hbm>> -> memref<8192xf32, #tpu.memory_space<hbm>>
    %dma_start3A_251 = arith.constant 0 : i32
    %dma_start3A_252 = tpu.memref_slice %arg5[%dma_start3A_246, %dma_start3A_251] : memref<2x8192xf32, #tpu.memory_space<vmem>> -> memref<1x8192xf32, #tpu.memory_space<vmem>>
    %dma_start3A_253 = tpu.memref_squeeze %dma_start3A_252 : memref<1x8192xf32, #tpu.memory_space<vmem>> -> memref<8192xf32, #tpu.memory_space<vmem>>
    %dma_start3A_254 = tpu.memref_slice %arg2[%add3A_245] : memref<2097152xf32, #tpu.memory_space<hbm>> -> memref<8192xf32, #tpu.memory_space<hbm>>
    tpu.enqueue_dma source(%dma_start3A_254 : memref<8192xf32, #tpu.memory_space<hbm>>) target(%dma_start3A_253 : memref<8192xf32, #tpu.memory_space<vmem>>) target_semaphore(%arg13 : memref<!tpu.dma_semaphore, #tpu.memory_space<semaphore_mem>>)
    %add3A_255 = arith.constant 40960 : i32
    %add3A_256 = arith.addi %add3A_35, %add3A_255 : i32
    %dma_start3A_257 = arith.constant 1 : i32
    %dma_start3A_258 = arith.constant 0 : i32
    %dma_start3A_259 = tpu.memref_slice %arg6[%dma_start3A_257, %dma_start3A_258] : memref<2x8192xi32, #tpu.memory_space<vmem>> -> memref<1x8192xi32, #tpu.memory_space<vmem>>
    %dma_start3A_260 = tpu.memref_squeeze %dma_start3A_259 : memref<1x8192xi32, #tpu.memory_space<vmem>> -> memref<8192xi32, #tpu.memory_space<vmem>>
    %dma_start3A_261 = tpu.memref_slice %arg3[%add3A_256] : memref<2097152xi32, #tpu.memory_space<hbm>> -> memref<8192xi32, #tpu.memory_space<hbm>>
    %dma_start3A_262 = arith.constant 0 : i32
    %dma_start3A_263 = tpu.memref_slice %arg6[%dma_start3A_257, %dma_start3A_262] : memref<2x8192xi32, #tpu.memory_space<vmem>> -> memref<1x8192xi32, #tpu.memory_space<vmem>>
    %dma_start3A_264 = tpu.memref_squeeze %dma_start3A_263 : memref<1x8192xi32, #tpu.memory_space<vmem>> -> memref<8192xi32, #tpu.memory_space<vmem>>
    %dma_start3A_265 = tpu.memref_slice %arg3[%add3A_256] : memref<2097152xi32, #tpu.memory_space<hbm>> -> memref<8192xi32, #tpu.memory_space<hbm>>
    tpu.enqueue_dma source(%dma_start3A_265 : memref<8192xi32, #tpu.memory_space<hbm>>) target(%dma_start3A_264 : memref<8192xi32, #tpu.memory_space<vmem>>) target_semaphore(%arg15 : memref<!tpu.dma_semaphore, #tpu.memory_space<semaphore_mem>>)
    %dma_wait3A_266 = arith.constant 0 : i32
    %dma_wait3A_267 = arith.constant 0 : i32
    %dma_wait3A_268 = tpu.memref_slice %arg5[%dma_wait3A_266, %dma_wait3A_267] : memref<2x8192xf32, #tpu.memory_space<vmem>> -> memref<1x8192xf32, #tpu.memory_space<vmem>>
    %dma_wait3A_269 = tpu.memref_squeeze %dma_wait3A_268 : memref<1x8192xf32, #tpu.memory_space<vmem>> -> memref<8192xf32, #tpu.memory_space<vmem>>
    %dma_wait3A_270 = tpu.memref_slice %arg2[%add3A_200] : memref<2097152xf32, #tpu.memory_space<hbm>> -> memref<8192xf32, #tpu.memory_space<hbm>>
    %dma_wait3A_271 = arith.constant 0 : i32
    %dma_wait3A_272 = tpu.memref_slice %arg5[%dma_wait3A_266, %dma_wait3A_271] : memref<2x8192xf32, #tpu.memory_space<vmem>> -> memref<1x8192xf32, #tpu.memory_space<vmem>>
    %dma_wait3A_273 = tpu.memref_squeeze %dma_wait3A_272 : memref<1x8192xf32, #tpu.memory_space<vmem>> -> memref<8192xf32, #tpu.memory_space<vmem>>
    %dma_wait3A_274 = tpu.memref_slice %arg2[%add3A_200] : memref<2097152xf32, #tpu.memory_space<hbm>> -> memref<8192xf32, #tpu.memory_space<hbm>>
    tpu.wait_dma2 semaphore(%arg12 : memref<!tpu.dma_semaphore, #tpu.memory_space<semaphore_mem>>) src(%dma_wait3A_274 : memref<8192xf32, #tpu.memory_space<hbm>>) dst(%dma_wait3A_273 : memref<8192xf32, #tpu.memory_space<vmem>>)
    %dma_wait3A_275 = arith.constant 0 : i32
    %dma_wait3A_276 = arith.constant 0 : i32
    %dma_wait3A_277 = tpu.memref_slice %arg6[%dma_wait3A_275, %dma_wait3A_276] : memref<2x8192xi32, #tpu.memory_space<vmem>> -> memref<1x8192xi32, #tpu.memory_space<vmem>>
    %dma_wait3A_278 = tpu.memref_squeeze %dma_wait3A_277 : memref<1x8192xi32, #tpu.memory_space<vmem>> -> memref<8192xi32, #tpu.memory_space<vmem>>
    %dma_wait3A_279 = tpu.memref_slice %arg3[%add3A_211] : memref<2097152xi32, #tpu.memory_space<hbm>> -> memref<8192xi32, #tpu.memory_space<hbm>>
    %dma_wait3A_280 = arith.constant 0 : i32
    %dma_wait3A_281 = tpu.memref_slice %arg6[%dma_wait3A_275, %dma_wait3A_280] : memref<2x8192xi32, #tpu.memory_space<vmem>> -> memref<1x8192xi32, #tpu.memory_space<vmem>>
    %dma_wait3A_282 = tpu.memref_squeeze %dma_wait3A_281 : memref<1x8192xi32, #tpu.memory_space<vmem>> -> memref<8192xi32, #tpu.memory_space<vmem>>
    %dma_wait3A_283 = tpu.memref_slice %arg3[%add3A_211] : memref<2097152xi32, #tpu.memory_space<hbm>> -> memref<8192xi32, #tpu.memory_space<hbm>>
    tpu.wait_dma2 semaphore(%arg14 : memref<!tpu.dma_semaphore, #tpu.memory_space<semaphore_mem>>) src(%dma_wait3A_283 : memref<8192xi32, #tpu.memory_space<hbm>>) dst(%dma_wait3A_282 : memref<8192xi32, #tpu.memory_space<vmem>>)
    %scan3A_284 = arith.constant 0 : i32
    %scan3A_285 = arith.constant 512 : i32
    %scan3A_286 = arith.addi %scan3A_284, %scan3A_285 : i32
    %scan3A_287 = arith.constant 8 : i32
    scf.for %scan3A_410 = %scan3A_284 to %scan3A_286 step %scan3A_287  : i32 {
      %mul3A_411 = arith.constant 1 : i32
      %mul3A_412 = arith.muli %scan3A_410, %mul3A_411 : i32
      %add3A_413 = arith.constant 0 : i32
      %add3A_414 = arith.addi %add3A_413, %mul3A_412 : i32
      %mul3A_415 = arith.constant 16 : i32
      %mul3A_416 = arith.muli %add3A_414, %mul3A_415 : i32
      %get3A = arith.constant 0 : i32
      %get3A_417 = arith.index_cast %get3A : i32 to index
      %get3A_418 = arith.index_cast %mul3A_416 : i32 to index
      %get3A_419 = tpu.vector_load %arg5[%get3A_417, %get3A_418] {strides = array<i32>} : memref<2x8192xf32, #tpu.memory_space<vmem>>, vector<16xf32>,
      %mul3A_420 = arith.constant 16 : i32
      %mul3A_421 = arith.muli %add3A_414, %mul3A_420 : i32
      %get3A_422 = arith.constant 0 : i32
      %get3A_423 = arith.index_cast %get3A_422 : i32 to index
      %get3A_424 = arith.index_cast %mul3A_421 : i32 to index
      %get3A_425 = tpu.vector_load %arg6[%get3A_423, %get3A_424] {strides = array<i32>} : memref<2x8192xi32, #tpu.memory_space<vmem>>, vector<16xi32>,
      %convert_element_type3A_426 = arith.sitofp %get3A_425 : vector<16xi32> to vector<16xf32>
      %mul3A_427 = arith.constant 2.000000e+00 : f32
      %mul3A_428 = vector.broadcast %mul3A_427 : f32 to vector<16xf32>
      %mul3A_429 = arith.mulf %mul3A_428, %convert_element_type3A_426 : vector<16xf32>
      %sub3A_430 = arith.constant 1.000000e+00 : f32
      %sub3A_431 = vector.broadcast %sub3A_430 : f32 to vector<16xf32>
      %sub3A_432 = arith.subf %mul3A_429, %sub3A_431 : vector<16xf32>
      %mul3A_433 = arith.constant 2.000000e+00 : f32
      %mul3A_434 = vector.broadcast %mul3A_433 : f32 to vector<16xf32>
      %mul3A_435 = arith.mulf %mul3A_434, %get3A_419 : vector<16xf32>
      %sub3A_436 = arith.constant 1.000000e+00 : f32
      %sub3A_437 = vector.broadcast %sub3A_436 : f32 to vector<16xf32>
      %sub3A_438 = arith.subf %mul3A_435, %sub3A_437 : vector<16xf32>
      %mul3A_439 = arith.mulf %sub3A_432, %sub3A_438 : vector<16xf32>
      %sub3A_440 = arith.constant 1.000000e+00 : f32
      %sub3A_441 = vector.broadcast %sub3A_440 : f32 to vector<16xf32>
      %sub3A_442 = arith.subf %sub3A_441, %mul3A_439 : vector<16xf32>
      %mul3A_443 = arith.constant 1.024000e+03 : f32
      %mul3A_444 = vector.broadcast %mul3A_443 : f32 to vector<16xf32>
      %mul3A_445 = arith.mulf %sub3A_442, %mul3A_444 : vector<16xf32>
      %convert_element_type3A_446 = arith.fptosi %mul3A_445 : vector<16xf32> to vector<16xi32>
      %min3A = arith.constant 2047 : i32
      %min3A_447 = vector.broadcast %min3A : i32 to vector<16xi32>
      %min3A_448 = arith.minsi %convert_element_type3A_446, %min3A_447 : vector<16xi32>
      %mul3A_449 = arith.constant 2048 : i32
      %mul3A_450 = vector.broadcast %mul3A_449 : i32 to vector<16xi32>
      %mul3A_451 = arith.muli %get3A_425, %mul3A_450 : vector<16xi32>
      %add3A_452 = arith.addi %mul3A_38, %mul3A_451 : vector<16xi32>
      %add3A_453 = arith.addi %add3A_452, %min3A_448 : vector<16xi32>
      tpu.vector_store_idx %arg7[%add3A_453], %broadcast_in_dim3A_39 {add = true} : memref<65536xi32, #tpu.memory_space<vmem>>[vector<16xi32>], vector<16xi32>,
      %scan3A_454 = arith.constant 1 : i32
      %scan3A_455 = arith.addi %scan3A_410, %scan3A_454 : i32
      %mul3A_456 = arith.constant 1 : i32
      %mul3A_457 = arith.muli %scan3A_455, %mul3A_456 : i32
      %add3A_458 = arith.constant 0 : i32
      %add3A_459 = arith.addi %add3A_458, %mul3A_457 : i32
      %mul3A_460 = arith.constant 16 : i32
      %mul3A_461 = arith.muli %add3A_459, %mul3A_460 : i32
      %get3A_462 = arith.constant 0 : i32
      %get3A_463 = arith.index_cast %get3A_462 : i32 to index
      %get3A_464 = arith.index_cast %mul3A_461 : i32 to index
      %get3A_465 = tpu.vector_load %arg5[%get3A_463, %get3A_464] {strides = array<i32>} : memref<2x8192xf32, #tpu.memory_space<vmem>>, vector<16xf32>,
      %mul3A_466 = arith.constant 16 : i32
      %mul3A_467 = arith.muli %add3A_459, %mul3A_466 : i32
      %get3A_468 = arith.constant 0 : i32
      %get3A_469 = arith.index_cast %get3A_468 : i32 to index
      %get3A_470 = arith.index_cast %mul3A_467 : i32 to index
      %get3A_471 = tpu.vector_load %arg6[%get3A_469, %get3A_470] {strides = array<i32>} : memref<2x8192xi32, #tpu.memory_space<vmem>>, vector<16xi32>,
      %convert_element_type3A_472 = arith.sitofp %get3A_471 : vector<16xi32> to vector<16xf32>
      %mul3A_473 = arith.constant 2.000000e+00 : f32
      %mul3A_474 = vector.broadcast %mul3A_473 : f32 to vector<16xf32>
      %mul3A_475 = arith.mulf %mul3A_474, %convert_element_type3A_472 : vector<16xf32>
      %sub3A_476 = arith.constant 1.000000e+00 : f32
      %sub3A_477 = vector.broadcast %sub3A_476 : f32 to vector<16xf32>
      %sub3A_478 = arith.subf %mul3A_475, %sub3A_477 : vector<16xf32>
      %mul3A_479 = arith.constant 2.000000e+00 : f32
      %mul3A_480 = vector.broadcast %mul3A_479 : f32 to vector<16xf32>
      %mul3A_481 = arith.mulf %mul3A_480, %get3A_465 : vector<16xf32>
      %sub3A_482 = arith.constant 1.000000e+00 : f32
      %sub3A_483 = vector.broadcast %sub3A_482 : f32 to vector<16xf32>
      %sub3A_484 = arith.subf %mul3A_481, %sub3A_483 : vector<16xf32>
      %mul3A_485 = arith.mulf %sub3A_478, %sub3A_484 : vector<16xf32>
      %sub3A_486 = arith.constant 1.000000e+00 : f32
      %sub3A_487 = vector.broadcast %sub3A_486 : f32 to vector<16xf32>
      %sub3A_488 = arith.subf %sub3A_487, %mul3A_485 : vector<16xf32>
      %mul3A_489 = arith.constant 1.024000e+03 : f32
      %mul3A_490 = vector.broadcast %mul3A_489 : f32 to vector<16xf32>
      %mul3A_491 = arith.mulf %sub3A_488, %mul3A_490 : vector<16xf32>
      %convert_element_type3A_492 = arith.fptosi %mul3A_491 : vector<16xf32> to vector<16xi32>
      %min3A_493 = arith.constant 2047 : i32
      %min3A_494 = vector.broadcast %min3A_493 : i32 to vector<16xi32>
      %min3A_495 = arith.minsi %convert_element_type3A_492, %min3A_494 : vector<16xi32>
      %mul3A_496 = arith.constant 2048 : i32
      %mul3A_497 = vector.broadcast %mul3A_496 : i32 to vector<16xi32>
      %mul3A_498 = arith.muli %get3A_471, %mul3A_497 : vector<16xi32>
      %add3A_499 = arith.addi %mul3A_38, %mul3A_498 : vector<16xi32>
      %add3A_500 = arith.addi %add3A_499, %min3A_495 : vector<16xi32>
      tpu.vector_store_idx %arg7[%add3A_500], %broadcast_in_dim3A_39 {add = true} : memref<65536xi32, #tpu.memory_space<vmem>>[vector<16xi32>], vector<16xi32>,
      %scan3A_501 = arith.constant 2 : i32
      %scan3A_502 = arith.addi %scan3A_410, %scan3A_501 : i32
      %mul3A_503 = arith.constant 1 : i32
      %mul3A_504 = arith.muli %scan3A_502, %mul3A_503 : i32
      %add3A_505 = arith.constant 0 : i32
      %add3A_506 = arith.addi %add3A_505, %mul3A_504 : i32
      %mul3A_507 = arith.constant 16 : i32
      %mul3A_508 = arith.muli %add3A_506, %mul3A_507 : i32
      %get3A_509 = arith.constant 0 : i32
      %get3A_510 = arith.index_cast %get3A_509 : i32 to index
      %get3A_511 = arith.index_cast %mul3A_508 : i32 to index
      %get3A_512 = tpu.vector_load %arg5[%get3A_510, %get3A_511] {strides = array<i32>} : memref<2x8192xf32, #tpu.memory_space<vmem>>, vector<16xf32>,
      %mul3A_513 = arith.constant 16 : i32
      %mul3A_514 = arith.muli %add3A_506, %mul3A_513 : i32
      %get3A_515 = arith.constant 0 : i32
      %get3A_516 = arith.index_cast %get3A_515 : i32 to index
      %get3A_517 = arith.index_cast %mul3A_514 : i32 to index
      %get3A_518 = tpu.vector_load %arg6[%get3A_516, %get3A_517] {strides = array<i32>} : memref<2x8192xi32, #tpu.memory_space<vmem>>, vector<16xi32>,
      %convert_element_type3A_519 = arith.sitofp %get3A_518 : vector<16xi32> to vector<16xf32>
      %mul3A_520 = arith.constant 2.000000e+00 : f32
      %mul3A_521 = vector.broadcast %mul3A_520 : f32 to vector<16xf32>
      %mul3A_522 = arith.mulf %mul3A_521, %convert_element_type3A_519 : vector<16xf32>
      %sub3A_523 = arith.constant 1.000000e+00 : f32
      %sub3A_524 = vector.broadcast %sub3A_523 : f32 to vector<16xf32>
      %sub3A_525 = arith.subf %mul3A_522, %sub3A_524 : vector<16xf32>
      %mul3A_526 = arith.constant 2.000000e+00 : f32
      %mul3A_527 = vector.broadcast %mul3A_526 : f32 to vector<16xf32>
      %mul3A_528 = arith.mulf %mul3A_527, %get3A_512 : vector<16xf32>
      %sub3A_529 = arith.constant 1.000000e+00 : f32
      %sub3A_530 = vector.broadcast %sub3A_529 : f32 to vector<16xf32>
      %sub3A_531 = arith.subf %mul3A_528, %sub3A_530 : vector<16xf32>
      %mul3A_532 = arith.mulf %sub3A_525, %sub3A_531 : vector<16xf32>
      %sub3A_533 = arith.constant 1.000000e+00 : f32
      %sub3A_534 = vector.broadcast %sub3A_533 : f32 to vector<16xf32>
      %sub3A_535 = arith.subf %sub3A_534, %mul3A_532 : vector<16xf32>
      %mul3A_536 = arith.constant 1.024000e+03 : f32
      %mul3A_537 = vector.broadcast %mul3A_536 : f32 to vector<16xf32>
      %mul3A_538 = arith.mulf %sub3A_535, %mul3A_537 : vector<16xf32>
      %convert_element_type3A_539 = arith.fptosi %mul3A_538 : vector<16xf32> to vector<16xi32>
      %min3A_540 = arith.constant 2047 : i32
      %min3A_541 = vector.broadcast %min3A_540 : i32 to vector<16xi32>
      %min3A_542 = arith.minsi %convert_element_type3A_539, %min3A_541 : vector<16xi32>
      %mul3A_543 = arith.constant 2048 : i32
      %mul3A_544 = vector.broadcast %mul3A_543 : i32 to vector<16xi32>
      %mul3A_545 = arith.muli %get3A_518, %mul3A_544 : vector<16xi32>
      %add3A_546 = arith.addi %mul3A_38, %mul3A_545 : vector<16xi32>
      %add3A_547 = arith.addi %add3A_546, %min3A_542 : vector<16xi32>
      tpu.vector_store_idx %arg7[%add3A_547], %broadcast_in_dim3A_39 {add = true} : memref<65536xi32, #tpu.memory_space<vmem>>[vector<16xi32>], vector<16xi32>,
      %scan3A_548 = arith.constant 3 : i32
      %scan3A_549 = arith.addi %scan3A_410, %scan3A_548 : i32
      %mul3A_550 = arith.constant 1 : i32
      %mul3A_551 = arith.muli %scan3A_549, %mul3A_550 : i32
      %add3A_552 = arith.constant 0 : i32
      %add3A_553 = arith.addi %add3A_552, %mul3A_551 : i32
      %mul3A_554 = arith.constant 16 : i32
      %mul3A_555 = arith.muli %add3A_553, %mul3A_554 : i32
      %get3A_556 = arith.constant 0 : i32
      %get3A_557 = arith.index_cast %get3A_556 : i32 to index
      %get3A_558 = arith.index_cast %mul3A_555 : i32 to index
      %get3A_559 = tpu.vector_load %arg5[%get3A_557, %get3A_558] {strides = array<i32>} : memref<2x8192xf32, #tpu.memory_space<vmem>>, vector<16xf32>,
      %mul3A_560 = arith.constant 16 : i32
      %mul3A_561 = arith.muli %add3A_553, %mul3A_560 : i32
      %get3A_562 = arith.constant 0 : i32
      %get3A_563 = arith.index_cast %get3A_562 : i32 to index
      %get3A_564 = arith.index_cast %mul3A_561 : i32 to index
      %get3A_565 = tpu.vector_load %arg6[%get3A_563, %get3A_564] {strides = array<i32>} : memref<2x8192xi32, #tpu.memory_space<vmem>>, vector<16xi32>,
      %convert_element_type3A_566 = arith.sitofp %get3A_565 : vector<16xi32> to vector<16xf32>
      %mul3A_567 = arith.constant 2.000000e+00 : f32
      %mul3A_568 = vector.broadcast %mul3A_567 : f32 to vector<16xf32>
      %mul3A_569 = arith.mulf %mul3A_568, %convert_element_type3A_566 : vector<16xf32>
      %sub3A_570 = arith.constant 1.000000e+00 : f32
      %sub3A_571 = vector.broadcast %sub3A_570 : f32 to vector<16xf32>
      %sub3A_572 = arith.subf %mul3A_569, %sub3A_571 : vector<16xf32>
      %mul3A_573 = arith.constant 2.000000e+00 : f32
      %mul3A_574 = vector.broadcast %mul3A_573 : f32 to vector<16xf32>
      %mul3A_575 = arith.mulf %mul3A_574, %get3A_559 : vector<16xf32>
      %sub3A_576 = arith.constant 1.000000e+00 : f32
      %sub3A_577 = vector.broadcast %sub3A_576 : f32 to vector<16xf32>
      %sub3A_578 = arith.subf %mul3A_575, %sub3A_577 : vector<16xf32>
      %mul3A_579 = arith.mulf %sub3A_572, %sub3A_578 : vector<16xf32>
      %sub3A_580 = arith.constant 1.000000e+00 : f32
      %sub3A_581 = vector.broadcast %sub3A_580 : f32 to vector<16xf32>
      %sub3A_582 = arith.subf %sub3A_581, %mul3A_579 : vector<16xf32>
      %mul3A_583 = arith.constant 1.024000e+03 : f32
      %mul3A_584 = vector.broadcast %mul3A_583 : f32 to vector<16xf32>
      %mul3A_585 = arith.mulf %sub3A_582, %mul3A_584 : vector<16xf32>
      %convert_element_type3A_586 = arith.fptosi %mul3A_585 : vector<16xf32> to vector<16xi32>
      %min3A_587 = arith.constant 2047 : i32
      %min3A_588 = vector.broadcast %min3A_587 : i32 to vector<16xi32>
      %min3A_589 = arith.minsi %convert_element_type3A_586, %min3A_588 : vector<16xi32>
      %mul3A_590 = arith.constant 2048 : i32
      %mul3A_591 = vector.broadcast %mul3A_590 : i32 to vector<16xi32>
      %mul3A_592 = arith.muli %get3A_565, %mul3A_591 : vector<16xi32>
      %add3A_593 = arith.addi %mul3A_38, %mul3A_592 : vector<16xi32>
      %add3A_594 = arith.addi %add3A_593, %min3A_589 : vector<16xi32>
      tpu.vector_store_idx %arg7[%add3A_594], %broadcast_in_dim3A_39 {add = true} : memref<65536xi32, #tpu.memory_space<vmem>>[vector<16xi32>], vector<16xi32>,
      %scan3A_595 = arith.constant 4 : i32
      %scan3A_596 = arith.addi %scan3A_410, %scan3A_595 : i32
      %mul3A_597 = arith.constant 1 : i32
      %mul3A_598 = arith.muli %scan3A_596, %mul3A_597 : i32
      %add3A_599 = arith.constant 0 : i32
      %add3A_600 = arith.addi %add3A_599, %mul3A_598 : i32
      %mul3A_601 = arith.constant 16 : i32
      %mul3A_602 = arith.muli %add3A_600, %mul3A_601 : i32
      %get3A_603 = arith.constant 0 : i32
      %get3A_604 = arith.index_cast %get3A_603 : i32 to index
      %get3A_605 = arith.index_cast %mul3A_602 : i32 to index
      %get3A_606 = tpu.vector_load %arg5[%get3A_604, %get3A_605] {strides = array<i32>} : memref<2x8192xf32, #tpu.memory_space<vmem>>, vector<16xf32>,
      %mul3A_607 = arith.constant 16 : i32
      %mul3A_608 = arith.muli %add3A_600, %mul3A_607 : i32
      %get3A_609 = arith.constant 0 : i32
      %get3A_610 = arith.index_cast %get3A_609 : i32 to index
      %get3A_611 = arith.index_cast %mul3A_608 : i32 to index
      %get3A_612 = tpu.vector_load %arg6[%get3A_610, %get3A_611] {strides = array<i32>} : memref<2x8192xi32, #tpu.memory_space<vmem>>, vector<16xi32>,
      %convert_element_type3A_613 = arith.sitofp %get3A_612 : vector<16xi32> to vector<16xf32>
      %mul3A_614 = arith.constant 2.000000e+00 : f32
      %mul3A_615 = vector.broadcast %mul3A_614 : f32 to vector<16xf32>
      %mul3A_616 = arith.mulf %mul3A_615, %convert_element_type3A_613 : vector<16xf32>
      %sub3A_617 = arith.constant 1.000000e+00 : f32
      %sub3A_618 = vector.broadcast %sub3A_617 : f32 to vector<16xf32>
      %sub3A_619 = arith.subf %mul3A_616, %sub3A_618 : vector<16xf32>
      %mul3A_620 = arith.constant 2.000000e+00 : f32
      %mul3A_621 = vector.broadcast %mul3A_620 : f32 to vector<16xf32>
      %mul3A_622 = arith.mulf %mul3A_621, %get3A_606 : vector<16xf32>
      %sub3A_623 = arith.constant 1.000000e+00 : f32
      %sub3A_624 = vector.broadcast %sub3A_623 : f32 to vector<16xf32>
      %sub3A_625 = arith.subf %mul3A_622, %sub3A_624 : vector<16xf32>
      %mul3A_626 = arith.mulf %sub3A_619, %sub3A_625 : vector<16xf32>
      %sub3A_627 = arith.constant 1.000000e+00 : f32
      %sub3A_628 = vector.broadcast %sub3A_627 : f32 to vector<16xf32>
      %sub3A_629 = arith.subf %sub3A_628, %mul3A_626 : vector<16xf32>
      %mul3A_630 = arith.constant 1.024000e+03 : f32
      %mul3A_631 = vector.broadcast %mul3A_630 : f32 to vector<16xf32>
      %mul3A_632 = arith.mulf %sub3A_629, %mul3A_631 : vector<16xf32>
      %convert_element_type3A_633 = arith.fptosi %mul3A_632 : vector<16xf32> to vector<16xi32>
      %min3A_634 = arith.constant 2047 : i32
      %min3A_635 = vector.broadcast %min3A_634 : i32 to vector<16xi32>
      %min3A_636 = arith.minsi %convert_element_type3A_633, %min3A_635 : vector<16xi32>
      %mul3A_637 = arith.constant 2048 : i32
      %mul3A_638 = vector.broadcast %mul3A_637 : i32 to vector<16xi32>
      %mul3A_639 = arith.muli %get3A_612, %mul3A_638 : vector<16xi32>
      %add3A_640 = arith.addi %mul3A_38, %mul3A_639 : vector<16xi32>
      %add3A_641 = arith.addi %add3A_640, %min3A_636 : vector<16xi32>
      tpu.vector_store_idx %arg7[%add3A_641], %broadcast_in_dim3A_39 {add = true} : memref<65536xi32, #tpu.memory_space<vmem>>[vector<16xi32>], vector<16xi32>,
      %scan3A_642 = arith.constant 5 : i32
      %scan3A_643 = arith.addi %scan3A_410, %scan3A_642 : i32
      %mul3A_644 = arith.constant 1 : i32
      %mul3A_645 = arith.muli %scan3A_643, %mul3A_644 : i32
      %add3A_646 = arith.constant 0 : i32
      %add3A_647 = arith.addi %add3A_646, %mul3A_645 : i32
      %mul3A_648 = arith.constant 16 : i32
      %mul3A_649 = arith.muli %add3A_647, %mul3A_648 : i32
      %get3A_650 = arith.constant 0 : i32
      %get3A_651 = arith.index_cast %get3A_650 : i32 to index
      %get3A_652 = arith.index_cast %mul3A_649 : i32 to index
      %get3A_653 = tpu.vector_load %arg5[%get3A_651, %get3A_652] {strides = array<i32>} : memref<2x8192xf32, #tpu.memory_space<vmem>>, vector<16xf32>,
      %mul3A_654 = arith.constant 16 : i32
      %mul3A_655 = arith.muli %add3A_647, %mul3A_654 : i32
      %get3A_656 = arith.constant 0 : i32
      %get3A_657 = arith.index_cast %get3A_656 : i32 to index
      %get3A_658 = arith.index_cast %mul3A_655 : i32 to index
      %get3A_659 = tpu.vector_load %arg6[%get3A_657, %get3A_658] {strides = array<i32>} : memref<2x8192xi32, #tpu.memory_space<vmem>>, vector<16xi32>,
      %convert_element_type3A_660 = arith.sitofp %get3A_659 : vector<16xi32> to vector<16xf32>
      %mul3A_661 = arith.constant 2.000000e+00 : f32
      %mul3A_662 = vector.broadcast %mul3A_661 : f32 to vector<16xf32>
      %mul3A_663 = arith.mulf %mul3A_662, %convert_element_type3A_660 : vector<16xf32>
      %sub3A_664 = arith.constant 1.000000e+00 : f32
      %sub3A_665 = vector.broadcast %sub3A_664 : f32 to vector<16xf32>
      %sub3A_666 = arith.subf %mul3A_663, %sub3A_665 : vector<16xf32>
      %mul3A_667 = arith.constant 2.000000e+00 : f32
      %mul3A_668 = vector.broadcast %mul3A_667 : f32 to vector<16xf32>
      %mul3A_669 = arith.mulf %mul3A_668, %get3A_653 : vector<16xf32>
      %sub3A_670 = arith.constant 1.000000e+00 : f32
      %sub3A_671 = vector.broadcast %sub3A_670 : f32 to vector<16xf32>
      %sub3A_672 = arith.subf %mul3A_669, %sub3A_671 : vector<16xf32>
      %mul3A_673 = arith.mulf %sub3A_666, %sub3A_672 : vector<16xf32>
      %sub3A_674 = arith.constant 1.000000e+00 : f32
      %sub3A_675 = vector.broadcast %sub3A_674 : f32 to vector<16xf32>
      %sub3A_676 = arith.subf %sub3A_675, %mul3A_673 : vector<16xf32>
      %mul3A_677 = arith.constant 1.024000e+03 : f32
      %mul3A_678 = vector.broadcast %mul3A_677 : f32 to vector<16xf32>
      %mul3A_679 = arith.mulf %sub3A_676, %mul3A_678 : vector<16xf32>
      %convert_element_type3A_680 = arith.fptosi %mul3A_679 : vector<16xf32> to vector<16xi32>
      %min3A_681 = arith.constant 2047 : i32
      %min3A_682 = vector.broadcast %min3A_681 : i32 to vector<16xi32>
      %min3A_683 = arith.minsi %convert_element_type3A_680, %min3A_682 : vector<16xi32>
      %mul3A_684 = arith.constant 2048 : i32
      %mul3A_685 = vector.broadcast %mul3A_684 : i32 to vector<16xi32>
      %mul3A_686 = arith.muli %get3A_659, %mul3A_685 : vector<16xi32>
      %add3A_687 = arith.addi %mul3A_38, %mul3A_686 : vector<16xi32>
      %add3A_688 = arith.addi %add3A_687, %min3A_683 : vector<16xi32>
      tpu.vector_store_idx %arg7[%add3A_688], %broadcast_in_dim3A_39 {add = true} : memref<65536xi32, #tpu.memory_space<vmem>>[vector<16xi32>], vector<16xi32>,
      %scan3A_689 = arith.constant 6 : i32
      %scan3A_690 = arith.addi %scan3A_410, %scan3A_689 : i32
      %mul3A_691 = arith.constant 1 : i32
      %mul3A_692 = arith.muli %scan3A_690, %mul3A_691 : i32
      %add3A_693 = arith.constant 0 : i32
      %add3A_694 = arith.addi %add3A_693, %mul3A_692 : i32
      %mul3A_695 = arith.constant 16 : i32
      %mul3A_696 = arith.muli %add3A_694, %mul3A_695 : i32
      %get3A_697 = arith.constant 0 : i32
      %get3A_698 = arith.index_cast %get3A_697 : i32 to index
      %get3A_699 = arith.index_cast %mul3A_696 : i32 to index
      %get3A_700 = tpu.vector_load %arg5[%get3A_698, %get3A_699] {strides = array<i32>} : memref<2x8192xf32, #tpu.memory_space<vmem>>, vector<16xf32>,
      %mul3A_701 = arith.constant 16 : i32
      %mul3A_702 = arith.muli %add3A_694, %mul3A_701 : i32
      %get3A_703 = arith.constant 0 : i32
      %get3A_704 = arith.index_cast %get3A_703 : i32 to index
      %get3A_705 = arith.index_cast %mul3A_702 : i32 to index
      %get3A_706 = tpu.vector_load %arg6[%get3A_704, %get3A_705] {strides = array<i32>} : memref<2x8192xi32, #tpu.memory_space<vmem>>, vector<16xi32>,
      %convert_element_type3A_707 = arith.sitofp %get3A_706 : vector<16xi32> to vector<16xf32>
      %mul3A_708 = arith.constant 2.000000e+00 : f32
      %mul3A_709 = vector.broadcast %mul3A_708 : f32 to vector<16xf32>
      %mul3A_710 = arith.mulf %mul3A_709, %convert_element_type3A_707 : vector<16xf32>
      %sub3A_711 = arith.constant 1.000000e+00 : f32
      %sub3A_712 = vector.broadcast %sub3A_711 : f32 to vector<16xf32>
      %sub3A_713 = arith.subf %mul3A_710, %sub3A_712 : vector<16xf32>
      %mul3A_714 = arith.constant 2.000000e+00 : f32
      %mul3A_715 = vector.broadcast %mul3A_714 : f32 to vector<16xf32>
      %mul3A_716 = arith.mulf %mul3A_715, %get3A_700 : vector<16xf32>
      %sub3A_717 = arith.constant 1.000000e+00 : f32
      %sub3A_718 = vector.broadcast %sub3A_717 : f32 to vector<16xf32>
      %sub3A_719 = arith.subf %mul3A_716, %sub3A_718 : vector<16xf32>
      %mul3A_720 = arith.mulf %sub3A_713, %sub3A_719 : vector<16xf32>
      %sub3A_721 = arith.constant 1.000000e+00 : f32
      %sub3A_722 = vector.broadcast %sub3A_721 : f32 to vector<16xf32>
      %sub3A_723 = arith.subf %sub3A_722, %mul3A_720 : vector<16xf32>
      %mul3A_724 = arith.constant 1.024000e+03 : f32
      %mul3A_725 = vector.broadcast %mul3A_724 : f32 to vector<16xf32>
      %mul3A_726 = arith.mulf %sub3A_723, %mul3A_725 : vector<16xf32>
      %convert_element_type3A_727 = arith.fptosi %mul3A_726 : vector<16xf32> to vector<16xi32>
      %min3A_728 = arith.constant 2047 : i32
      %min3A_729 = vector.broadcast %min3A_728 : i32 to vector<16xi32>
      %min3A_730 = arith.minsi %convert_element_type3A_727, %min3A_729 : vector<16xi32>
      %mul3A_731 = arith.constant 2048 : i32
      %mul3A_732 = vector.broadcast %mul3A_731 : i32 to vector<16xi32>
      %mul3A_733 = arith.muli %get3A_706, %mul3A_732 : vector<16xi32>
      %add3A_734 = arith.addi %mul3A_38, %mul3A_733 : vector<16xi32>
      %add3A_735 = arith.addi %add3A_734, %min3A_730 : vector<16xi32>
      tpu.vector_store_idx %arg7[%add3A_735], %broadcast_in_dim3A_39 {add = true} : memref<65536xi32, #tpu.memory_space<vmem>>[vector<16xi32>], vector<16xi32>,
      %scan3A_736 = arith.constant 7 : i32
      %scan3A_737 = arith.addi %scan3A_410, %scan3A_736 : i32
      %mul3A_738 = arith.constant 1 : i32
      %mul3A_739 = arith.muli %scan3A_737, %mul3A_738 : i32
      %add3A_740 = arith.constant 0 : i32
      %add3A_741 = arith.addi %add3A_740, %mul3A_739 : i32
      %mul3A_742 = arith.constant 16 : i32
      %mul3A_743 = arith.muli %add3A_741, %mul3A_742 : i32
      %get3A_744 = arith.constant 0 : i32
      %get3A_745 = arith.index_cast %get3A_744 : i32 to index
      %get3A_746 = arith.index_cast %mul3A_743 : i32 to index
      %get3A_747 = tpu.vector_load %arg5[%get3A_745, %get3A_746] {strides = array<i32>} : memref<2x8192xf32, #tpu.memory_space<vmem>>, vector<16xf32>,
      %mul3A_748 = arith.constant 16 : i32
      %mul3A_749 = arith.muli %add3A_741, %mul3A_748 : i32
      %get3A_750 = arith.constant 0 : i32
      %get3A_751 = arith.index_cast %get3A_750 : i32 to index
      %get3A_752 = arith.index_cast %mul3A_749 : i32 to index
      %get3A_753 = tpu.vector_load %arg6[%get3A_751, %get3A_752] {strides = array<i32>} : memref<2x8192xi32, #tpu.memory_space<vmem>>, vector<16xi32>,
      %convert_element_type3A_754 = arith.sitofp %get3A_753 : vector<16xi32> to vector<16xf32>
      %mul3A_755 = arith.constant 2.000000e+00 : f32
      %mul3A_756 = vector.broadcast %mul3A_755 : f32 to vector<16xf32>
      %mul3A_757 = arith.mulf %mul3A_756, %convert_element_type3A_754 : vector<16xf32>
      %sub3A_758 = arith.constant 1.000000e+00 : f32
      %sub3A_759 = vector.broadcast %sub3A_758 : f32 to vector<16xf32>
      %sub3A_760 = arith.subf %mul3A_757, %sub3A_759 : vector<16xf32>
      %mul3A_761 = arith.constant 2.000000e+00 : f32
      %mul3A_762 = vector.broadcast %mul3A_761 : f32 to vector<16xf32>
      %mul3A_763 = arith.mulf %mul3A_762, %get3A_747 : vector<16xf32>
      %sub3A_764 = arith.constant 1.000000e+00 : f32
      %sub3A_765 = vector.broadcast %sub3A_764 : f32 to vector<16xf32>
      %sub3A_766 = arith.subf %mul3A_763, %sub3A_765 : vector<16xf32>
      %mul3A_767 = arith.mulf %sub3A_760, %sub3A_766 : vector<16xf32>
      %sub3A_768 = arith.constant 1.000000e+00 : f32
      %sub3A_769 = vector.broadcast %sub3A_768 : f32 to vector<16xf32>
      %sub3A_770 = arith.subf %sub3A_769, %mul3A_767 : vector<16xf32>
      %mul3A_771 = arith.constant 1.024000e+03 : f32
      %mul3A_772 = vector.broadcast %mul3A_771 : f32 to vector<16xf32>
      %mul3A_773 = arith.mulf %sub3A_770, %mul3A_772 : vector<16xf32>
      %convert_element_type3A_774 = arith.fptosi %mul3A_773 : vector<16xf32> to vector<16xi32>
      %min3A_775 = arith.constant 2047 : i32
      %min3A_776 = vector.broadcast %min3A_775 : i32 to vector<16xi32>
      %min3A_777 = arith.minsi %convert_element_type3A_774, %min3A_776 : vector<16xi32>
      %mul3A_778 = arith.constant 2048 : i32
      %mul3A_779 = vector.broadcast %mul3A_778 : i32 to vector<16xi32>
      %mul3A_780 = arith.muli %get3A_753, %mul3A_779 : vector<16xi32>
      %add3A_781 = arith.addi %mul3A_38, %mul3A_780 : vector<16xi32>
      %add3A_782 = arith.addi %add3A_781, %min3A_777 : vector<16xi32>
      tpu.vector_store_idx %arg7[%add3A_782], %broadcast_in_dim3A_39 {add = true} : memref<65536xi32, #tpu.memory_space<vmem>>[vector<16xi32>], vector<16xi32>,
    }
    %scan3A_288 = arith.constant 512 : i32
    %add3A_289 = arith.constant 49152 : i32
    %add3A_290 = arith.addi %add3A_35, %add3A_289 : i32
    %dma_start3A_291 = arith.constant 0 : i32
    %dma_start3A_292 = arith.constant 0 : i32
    %dma_start3A_293 = tpu.memref_slice %arg5[%dma_start3A_291, %dma_start3A_292] : memref<2x8192xf32, #tpu.memory_space<vmem>> -> memref<1x8192xf32, #tpu.memory_space<vmem>>
    %dma_start3A_294 = tpu.memref_squeeze %dma_start3A_293 : memref<1x8192xf32, #tpu.memory_space<vmem>> -> memref<8192xf32, #tpu.memory_space<vmem>>
    %dma_start3A_295 = tpu.memref_slice %arg2[%add3A_290] : memref<2097152xf32, #tpu.memory_space<hbm>> -> memref<8192xf32, #tpu.memory_space<hbm>>
    %dma_start3A_296 = arith.constant 0 : i32
    %dma_start3A_297 = tpu.memref_slice %arg5[%dma_start3A_291, %dma_start3A_296] : memref<2x8192xf32, #tpu.memory_space<vmem>> -> memref<1x8192xf32, #tpu.memory_space<vmem>>
    %dma_start3A_298 = tpu.memref_squeeze %dma_start3A_297 : memref<1x8192xf32, #tpu.memory_space<vmem>> -> memref<8192xf32, #tpu.memory_space<vmem>>
    %dma_start3A_299 = tpu.memref_slice %arg2[%add3A_290] : memref<2097152xf32, #tpu.memory_space<hbm>> -> memref<8192xf32, #tpu.memory_space<hbm>>
    tpu.enqueue_dma source(%dma_start3A_299 : memref<8192xf32, #tpu.memory_space<hbm>>) target(%dma_start3A_298 : memref<8192xf32, #tpu.memory_space<vmem>>) target_semaphore(%arg12 : memref<!tpu.dma_semaphore, #tpu.memory_space<semaphore_mem>>)
    %add3A_300 = arith.constant 49152 : i32
    %add3A_301 = arith.addi %add3A_35, %add3A_300 : i32
    %dma_start3A_302 = arith.constant 0 : i32
    %dma_start3A_303 = arith.constant 0 : i32
    %dma_start3A_304 = tpu.memref_slice %arg6[%dma_start3A_302, %dma_start3A_303] : memref<2x8192xi32, #tpu.memory_space<vmem>> -> memref<1x8192xi32, #tpu.memory_space<vmem>>
    %dma_start3A_305 = tpu.memref_squeeze %dma_start3A_304 : memref<1x8192xi32, #tpu.memory_space<vmem>> -> memref<8192xi32, #tpu.memory_space<vmem>>
    %dma_start3A_306 = tpu.memref_slice %arg3[%add3A_301] : memref<2097152xi32, #tpu.memory_space<hbm>> -> memref<8192xi32, #tpu.memory_space<hbm>>
    %dma_start3A_307 = arith.constant 0 : i32
    %dma_start3A_308 = tpu.memref_slice %arg6[%dma_start3A_302, %dma_start3A_307] : memref<2x8192xi32, #tpu.memory_space<vmem>> -> memref<1x8192xi32, #tpu.memory_space<vmem>>
    %dma_start3A_309 = tpu.memref_squeeze %dma_start3A_308 : memref<1x8192xi32, #tpu.memory_space<vmem>> -> memref<8192xi32, #tpu.memory_space<vmem>>
    %dma_start3A_310 = tpu.memref_slice %arg3[%add3A_301] : memref<2097152xi32, #tpu.memory_space<hbm>> -> memref<8192xi32, #tpu.memory_space<hbm>>
    tpu.enqueue_dma source(%dma_start3A_310 : memref<8192xi32, #tpu.memory_space<hbm>>) target(%dma_start3A_309 : memref<8192xi32, #tpu.memory_space<vmem>>) target_semaphore(%arg14 : memref<!tpu.dma_semaphore, #tpu.memory_space<semaphore_mem>>)
    %dma_wait3A_311 = arith.constant 1 : i32
    %dma_wait3A_312 = arith.constant 0 : i32
    %dma_wait3A_313 = tpu.memref_slice %arg5[%dma_wait3A_311, %dma_wait3A_312] : memref<2x8192xf32, #tpu.memory_space<vmem>> -> memref<1x8192xf32, #tpu.memory_space<vmem>>
    %dma_wait3A_314 = tpu.memref_squeeze %dma_wait3A_313 : memref<1x8192xf32, #tpu.memory_space<vmem>> -> memref<8192xf32, #tpu.memory_space<vmem>>
    %dma_wait3A_315 = tpu.memref_slice %arg2[%add3A_245] : memref<2097152xf32, #tpu.memory_space<hbm>> -> memref<8192xf32, #tpu.memory_space<hbm>>
    %dma_wait3A_316 = arith.constant 0 : i32
    %dma_wait3A_317 = tpu.memref_slice %arg5[%dma_wait3A_311, %dma_wait3A_316] : memref<2x8192xf32, #tpu.memory_space<vmem>> -> memref<1x8192xf32, #tpu.memory_space<vmem>>
    %dma_wait3A_318 = tpu.memref_squeeze %dma_wait3A_317 : memref<1x8192xf32, #tpu.memory_space<vmem>> -> memref<8192xf32, #tpu.memory_space<vmem>>
    %dma_wait3A_319 = tpu.memref_slice %arg2[%add3A_245] : memref<2097152xf32, #tpu.memory_space<hbm>> -> memref<8192xf32, #tpu.memory_space<hbm>>
    tpu.wait_dma2 semaphore(%arg13 : memref<!tpu.dma_semaphore, #tpu.memory_space<semaphore_mem>>) src(%dma_wait3A_319 : memref<8192xf32, #tpu.memory_space<hbm>>) dst(%dma_wait3A_318 : memref<8192xf32, #tpu.memory_space<vmem>>)
    %dma_wait3A_320 = arith.constant 1 : i32
    %dma_wait3A_321 = arith.constant 0 : i32
    %dma_wait3A_322 = tpu.memref_slice %arg6[%dma_wait3A_320, %dma_wait3A_321] : memref<2x8192xi32, #tpu.memory_space<vmem>> -> memref<1x8192xi32, #tpu.memory_space<vmem>>
    %dma_wait3A_323 = tpu.memref_squeeze %dma_wait3A_322 : memref<1x8192xi32, #tpu.memory_space<vmem>> -> memref<8192xi32, #tpu.memory_space<vmem>>
    %dma_wait3A_324 = tpu.memref_slice %arg3[%add3A_256] : memref<2097152xi32, #tpu.memory_space<hbm>> -> memref<8192xi32, #tpu.memory_space<hbm>>
    %dma_wait3A_325 = arith.constant 0 : i32
    %dma_wait3A_326 = tpu.memref_slice %arg6[%dma_wait3A_320, %dma_wait3A_325] : memref<2x8192xi32, #tpu.memory_space<vmem>> -> memref<1x8192xi32, #tpu.memory_space<vmem>>
    %dma_wait3A_327 = tpu.memref_squeeze %dma_wait3A_326 : memref<1x8192xi32, #tpu.memory_space<vmem>> -> memref<8192xi32, #tpu.memory_space<vmem>>
    %dma_wait3A_328 = tpu.memref_slice %arg3[%add3A_256] : memref<2097152xi32, #tpu.memory_space<hbm>> -> memref<8192xi32, #tpu.memory_space<hbm>>
    tpu.wait_dma2 semaphore(%arg15 : memref<!tpu.dma_semaphore, #tpu.memory_space<semaphore_mem>>) src(%dma_wait3A_328 : memref<8192xi32, #tpu.memory_space<hbm>>) dst(%dma_wait3A_327 : memref<8192xi32, #tpu.memory_space<vmem>>)
    %scan3A_329 = arith.constant 0 : i32
    %scan3A_330 = arith.constant 512 : i32
    %scan3A_331 = arith.addi %scan3A_329, %scan3A_330 : i32
    %scan3A_332 = arith.constant 8 : i32
    scf.for %scan3A_410 = %scan3A_329 to %scan3A_331 step %scan3A_332  : i32 {
      %mul3A_411 = arith.constant 1 : i32
      %mul3A_412 = arith.muli %scan3A_410, %mul3A_411 : i32
      %add3A_413 = arith.constant 0 : i32
      %add3A_414 = arith.addi %add3A_413, %mul3A_412 : i32
      %mul3A_415 = arith.constant 16 : i32
      %mul3A_416 = arith.muli %add3A_414, %mul3A_415 : i32
      %get3A = arith.constant 1 : i32
      %get3A_417 = arith.index_cast %get3A : i32 to index
      %get3A_418 = arith.index_cast %mul3A_416 : i32 to index
      %get3A_419 = tpu.vector_load %arg5[%get3A_417, %get3A_418] {strides = array<i32>} : memref<2x8192xf32, #tpu.memory_space<vmem>>, vector<16xf32>,
      %mul3A_420 = arith.constant 16 : i32
      %mul3A_421 = arith.muli %add3A_414, %mul3A_420 : i32
      %get3A_422 = arith.constant 1 : i32
      %get3A_423 = arith.index_cast %get3A_422 : i32 to index
      %get3A_424 = arith.index_cast %mul3A_421 : i32 to index
      %get3A_425 = tpu.vector_load %arg6[%get3A_423, %get3A_424] {strides = array<i32>} : memref<2x8192xi32, #tpu.memory_space<vmem>>, vector<16xi32>,
      %convert_element_type3A_426 = arith.sitofp %get3A_425 : vector<16xi32> to vector<16xf32>
      %mul3A_427 = arith.constant 2.000000e+00 : f32
      %mul3A_428 = vector.broadcast %mul3A_427 : f32 to vector<16xf32>
      %mul3A_429 = arith.mulf %mul3A_428, %convert_element_type3A_426 : vector<16xf32>
      %sub3A_430 = arith.constant 1.000000e+00 : f32
      %sub3A_431 = vector.broadcast %sub3A_430 : f32 to vector<16xf32>
      %sub3A_432 = arith.subf %mul3A_429, %sub3A_431 : vector<16xf32>
      %mul3A_433 = arith.constant 2.000000e+00 : f32
      %mul3A_434 = vector.broadcast %mul3A_433 : f32 to vector<16xf32>
      %mul3A_435 = arith.mulf %mul3A_434, %get3A_419 : vector<16xf32>
      %sub3A_436 = arith.constant 1.000000e+00 : f32
      %sub3A_437 = vector.broadcast %sub3A_436 : f32 to vector<16xf32>
      %sub3A_438 = arith.subf %mul3A_435, %sub3A_437 : vector<16xf32>
      %mul3A_439 = arith.mulf %sub3A_432, %sub3A_438 : vector<16xf32>
      %sub3A_440 = arith.constant 1.000000e+00 : f32
      %sub3A_441 = vector.broadcast %sub3A_440 : f32 to vector<16xf32>
      %sub3A_442 = arith.subf %sub3A_441, %mul3A_439 : vector<16xf32>
      %mul3A_443 = arith.constant 1.024000e+03 : f32
      %mul3A_444 = vector.broadcast %mul3A_443 : f32 to vector<16xf32>
      %mul3A_445 = arith.mulf %sub3A_442, %mul3A_444 : vector<16xf32>
      %convert_element_type3A_446 = arith.fptosi %mul3A_445 : vector<16xf32> to vector<16xi32>
      %min3A = arith.constant 2047 : i32
      %min3A_447 = vector.broadcast %min3A : i32 to vector<16xi32>
      %min3A_448 = arith.minsi %convert_element_type3A_446, %min3A_447 : vector<16xi32>
      %mul3A_449 = arith.constant 2048 : i32
      %mul3A_450 = vector.broadcast %mul3A_449 : i32 to vector<16xi32>
      %mul3A_451 = arith.muli %get3A_425, %mul3A_450 : vector<16xi32>
      %add3A_452 = arith.addi %mul3A_38, %mul3A_451 : vector<16xi32>
      %add3A_453 = arith.addi %add3A_452, %min3A_448 : vector<16xi32>
      tpu.vector_store_idx %arg7[%add3A_453], %broadcast_in_dim3A_39 {add = true} : memref<65536xi32, #tpu.memory_space<vmem>>[vector<16xi32>], vector<16xi32>,
      %scan3A_454 = arith.constant 1 : i32
      %scan3A_455 = arith.addi %scan3A_410, %scan3A_454 : i32
      %mul3A_456 = arith.constant 1 : i32
      %mul3A_457 = arith.muli %scan3A_455, %mul3A_456 : i32
      %add3A_458 = arith.constant 0 : i32
      %add3A_459 = arith.addi %add3A_458, %mul3A_457 : i32
      %mul3A_460 = arith.constant 16 : i32
      %mul3A_461 = arith.muli %add3A_459, %mul3A_460 : i32
      %get3A_462 = arith.constant 1 : i32
      %get3A_463 = arith.index_cast %get3A_462 : i32 to index
      %get3A_464 = arith.index_cast %mul3A_461 : i32 to index
      %get3A_465 = tpu.vector_load %arg5[%get3A_463, %get3A_464] {strides = array<i32>} : memref<2x8192xf32, #tpu.memory_space<vmem>>, vector<16xf32>,
      %mul3A_466 = arith.constant 16 : i32
      %mul3A_467 = arith.muli %add3A_459, %mul3A_466 : i32
      %get3A_468 = arith.constant 1 : i32
      %get3A_469 = arith.index_cast %get3A_468 : i32 to index
      %get3A_470 = arith.index_cast %mul3A_467 : i32 to index
      %get3A_471 = tpu.vector_load %arg6[%get3A_469, %get3A_470] {strides = array<i32>} : memref<2x8192xi32, #tpu.memory_space<vmem>>, vector<16xi32>,
      %convert_element_type3A_472 = arith.sitofp %get3A_471 : vector<16xi32> to vector<16xf32>
      %mul3A_473 = arith.constant 2.000000e+00 : f32
      %mul3A_474 = vector.broadcast %mul3A_473 : f32 to vector<16xf32>
      %mul3A_475 = arith.mulf %mul3A_474, %convert_element_type3A_472 : vector<16xf32>
      %sub3A_476 = arith.constant 1.000000e+00 : f32
      %sub3A_477 = vector.broadcast %sub3A_476 : f32 to vector<16xf32>
      %sub3A_478 = arith.subf %mul3A_475, %sub3A_477 : vector<16xf32>
      %mul3A_479 = arith.constant 2.000000e+00 : f32
      %mul3A_480 = vector.broadcast %mul3A_479 : f32 to vector<16xf32>
      %mul3A_481 = arith.mulf %mul3A_480, %get3A_465 : vector<16xf32>
      %sub3A_482 = arith.constant 1.000000e+00 : f32
      %sub3A_483 = vector.broadcast %sub3A_482 : f32 to vector<16xf32>
      %sub3A_484 = arith.subf %mul3A_481, %sub3A_483 : vector<16xf32>
      %mul3A_485 = arith.mulf %sub3A_478, %sub3A_484 : vector<16xf32>
      %sub3A_486 = arith.constant 1.000000e+00 : f32
      %sub3A_487 = vector.broadcast %sub3A_486 : f32 to vector<16xf32>
      %sub3A_488 = arith.subf %sub3A_487, %mul3A_485 : vector<16xf32>
      %mul3A_489 = arith.constant 1.024000e+03 : f32
      %mul3A_490 = vector.broadcast %mul3A_489 : f32 to vector<16xf32>
      %mul3A_491 = arith.mulf %sub3A_488, %mul3A_490 : vector<16xf32>
      %convert_element_type3A_492 = arith.fptosi %mul3A_491 : vector<16xf32> to vector<16xi32>
      %min3A_493 = arith.constant 2047 : i32
      %min3A_494 = vector.broadcast %min3A_493 : i32 to vector<16xi32>
      %min3A_495 = arith.minsi %convert_element_type3A_492, %min3A_494 : vector<16xi32>
      %mul3A_496 = arith.constant 2048 : i32
      %mul3A_497 = vector.broadcast %mul3A_496 : i32 to vector<16xi32>
      %mul3A_498 = arith.muli %get3A_471, %mul3A_497 : vector<16xi32>
      %add3A_499 = arith.addi %mul3A_38, %mul3A_498 : vector<16xi32>
      %add3A_500 = arith.addi %add3A_499, %min3A_495 : vector<16xi32>
      tpu.vector_store_idx %arg7[%add3A_500], %broadcast_in_dim3A_39 {add = true} : memref<65536xi32, #tpu.memory_space<vmem>>[vector<16xi32>], vector<16xi32>,
      %scan3A_501 = arith.constant 2 : i32
      %scan3A_502 = arith.addi %scan3A_410, %scan3A_501 : i32
      %mul3A_503 = arith.constant 1 : i32
      %mul3A_504 = arith.muli %scan3A_502, %mul3A_503 : i32
      %add3A_505 = arith.constant 0 : i32
      %add3A_506 = arith.addi %add3A_505, %mul3A_504 : i32
      %mul3A_507 = arith.constant 16 : i32
      %mul3A_508 = arith.muli %add3A_506, %mul3A_507 : i32
      %get3A_509 = arith.constant 1 : i32
      %get3A_510 = arith.index_cast %get3A_509 : i32 to index
      %get3A_511 = arith.index_cast %mul3A_508 : i32 to index
      %get3A_512 = tpu.vector_load %arg5[%get3A_510, %get3A_511] {strides = array<i32>} : memref<2x8192xf32, #tpu.memory_space<vmem>>, vector<16xf32>,
      %mul3A_513 = arith.constant 16 : i32
      %mul3A_514 = arith.muli %add3A_506, %mul3A_513 : i32
      %get3A_515 = arith.constant 1 : i32
      %get3A_516 = arith.index_cast %get3A_515 : i32 to index
      %get3A_517 = arith.index_cast %mul3A_514 : i32 to index
      %get3A_518 = tpu.vector_load %arg6[%get3A_516, %get3A_517] {strides = array<i32>} : memref<2x8192xi32, #tpu.memory_space<vmem>>, vector<16xi32>,
      %convert_element_type3A_519 = arith.sitofp %get3A_518 : vector<16xi32> to vector<16xf32>
      %mul3A_520 = arith.constant 2.000000e+00 : f32
      %mul3A_521 = vector.broadcast %mul3A_520 : f32 to vector<16xf32>
      %mul3A_522 = arith.mulf %mul3A_521, %convert_element_type3A_519 : vector<16xf32>
      %sub3A_523 = arith.constant 1.000000e+00 : f32
      %sub3A_524 = vector.broadcast %sub3A_523 : f32 to vector<16xf32>
      %sub3A_525 = arith.subf %mul3A_522, %sub3A_524 : vector<16xf32>
      %mul3A_526 = arith.constant 2.000000e+00 : f32
      %mul3A_527 = vector.broadcast %mul3A_526 : f32 to vector<16xf32>
      %mul3A_528 = arith.mulf %mul3A_527, %get3A_512 : vector<16xf32>
      %sub3A_529 = arith.constant 1.000000e+00 : f32
      %sub3A_530 = vector.broadcast %sub3A_529 : f32 to vector<16xf32>
      %sub3A_531 = arith.subf %mul3A_528, %sub3A_530 : vector<16xf32>
      %mul3A_532 = arith.mulf %sub3A_525, %sub3A_531 : vector<16xf32>
      %sub3A_533 = arith.constant 1.000000e+00 : f32
      %sub3A_534 = vector.broadcast %sub3A_533 : f32 to vector<16xf32>
      %sub3A_535 = arith.subf %sub3A_534, %mul3A_532 : vector<16xf32>
      %mul3A_536 = arith.constant 1.024000e+03 : f32
      %mul3A_537 = vector.broadcast %mul3A_536 : f32 to vector<16xf32>
      %mul3A_538 = arith.mulf %sub3A_535, %mul3A_537 : vector<16xf32>
      %convert_element_type3A_539 = arith.fptosi %mul3A_538 : vector<16xf32> to vector<16xi32>
      %min3A_540 = arith.constant 2047 : i32
      %min3A_541 = vector.broadcast %min3A_540 : i32 to vector<16xi32>
      %min3A_542 = arith.minsi %convert_element_type3A_539, %min3A_541 : vector<16xi32>
      %mul3A_543 = arith.constant 2048 : i32
      %mul3A_544 = vector.broadcast %mul3A_543 : i32 to vector<16xi32>
      %mul3A_545 = arith.muli %get3A_518, %mul3A_544 : vector<16xi32>
      %add3A_546 = arith.addi %mul3A_38, %mul3A_545 : vector<16xi32>
      %add3A_547 = arith.addi %add3A_546, %min3A_542 : vector<16xi32>
      tpu.vector_store_idx %arg7[%add3A_547], %broadcast_in_dim3A_39 {add = true} : memref<65536xi32, #tpu.memory_space<vmem>>[vector<16xi32>], vector<16xi32>,
      %scan3A_548 = arith.constant 3 : i32
      %scan3A_549 = arith.addi %scan3A_410, %scan3A_548 : i32
      %mul3A_550 = arith.constant 1 : i32
      %mul3A_551 = arith.muli %scan3A_549, %mul3A_550 : i32
      %add3A_552 = arith.constant 0 : i32
      %add3A_553 = arith.addi %add3A_552, %mul3A_551 : i32
      %mul3A_554 = arith.constant 16 : i32
      %mul3A_555 = arith.muli %add3A_553, %mul3A_554 : i32
      %get3A_556 = arith.constant 1 : i32
      %get3A_557 = arith.index_cast %get3A_556 : i32 to index
      %get3A_558 = arith.index_cast %mul3A_555 : i32 to index
      %get3A_559 = tpu.vector_load %arg5[%get3A_557, %get3A_558] {strides = array<i32>} : memref<2x8192xf32, #tpu.memory_space<vmem>>, vector<16xf32>,
      %mul3A_560 = arith.constant 16 : i32
      %mul3A_561 = arith.muli %add3A_553, %mul3A_560 : i32
      %get3A_562 = arith.constant 1 : i32
      %get3A_563 = arith.index_cast %get3A_562 : i32 to index
      %get3A_564 = arith.index_cast %mul3A_561 : i32 to index
      %get3A_565 = tpu.vector_load %arg6[%get3A_563, %get3A_564] {strides = array<i32>} : memref<2x8192xi32, #tpu.memory_space<vmem>>, vector<16xi32>,
      %convert_element_type3A_566 = arith.sitofp %get3A_565 : vector<16xi32> to vector<16xf32>
      %mul3A_567 = arith.constant 2.000000e+00 : f32
      %mul3A_568 = vector.broadcast %mul3A_567 : f32 to vector<16xf32>
      %mul3A_569 = arith.mulf %mul3A_568, %convert_element_type3A_566 : vector<16xf32>
      %sub3A_570 = arith.constant 1.000000e+00 : f32
      %sub3A_571 = vector.broadcast %sub3A_570 : f32 to vector<16xf32>
      %sub3A_572 = arith.subf %mul3A_569, %sub3A_571 : vector<16xf32>
      %mul3A_573 = arith.constant 2.000000e+00 : f32
      %mul3A_574 = vector.broadcast %mul3A_573 : f32 to vector<16xf32>
      %mul3A_575 = arith.mulf %mul3A_574, %get3A_559 : vector<16xf32>
      %sub3A_576 = arith.constant 1.000000e+00 : f32
      %sub3A_577 = vector.broadcast %sub3A_576 : f32 to vector<16xf32>
      %sub3A_578 = arith.subf %mul3A_575, %sub3A_577 : vector<16xf32>
      %mul3A_579 = arith.mulf %sub3A_572, %sub3A_578 : vector<16xf32>
      %sub3A_580 = arith.constant 1.000000e+00 : f32
      %sub3A_581 = vector.broadcast %sub3A_580 : f32 to vector<16xf32>
      %sub3A_582 = arith.subf %sub3A_581, %mul3A_579 : vector<16xf32>
      %mul3A_583 = arith.constant 1.024000e+03 : f32
      %mul3A_584 = vector.broadcast %mul3A_583 : f32 to vector<16xf32>
      %mul3A_585 = arith.mulf %sub3A_582, %mul3A_584 : vector<16xf32>
      %convert_element_type3A_586 = arith.fptosi %mul3A_585 : vector<16xf32> to vector<16xi32>
      %min3A_587 = arith.constant 2047 : i32
      %min3A_588 = vector.broadcast %min3A_587 : i32 to vector<16xi32>
      %min3A_589 = arith.minsi %convert_element_type3A_586, %min3A_588 : vector<16xi32>
      %mul3A_590 = arith.constant 2048 : i32
      %mul3A_591 = vector.broadcast %mul3A_590 : i32 to vector<16xi32>
      %mul3A_592 = arith.muli %get3A_565, %mul3A_591 : vector<16xi32>
      %add3A_593 = arith.addi %mul3A_38, %mul3A_592 : vector<16xi32>
      %add3A_594 = arith.addi %add3A_593, %min3A_589 : vector<16xi32>
      tpu.vector_store_idx %arg7[%add3A_594], %broadcast_in_dim3A_39 {add = true} : memref<65536xi32, #tpu.memory_space<vmem>>[vector<16xi32>], vector<16xi32>,
      %scan3A_595 = arith.constant 4 : i32
      %scan3A_596 = arith.addi %scan3A_410, %scan3A_595 : i32
      %mul3A_597 = arith.constant 1 : i32
      %mul3A_598 = arith.muli %scan3A_596, %mul3A_597 : i32
      %add3A_599 = arith.constant 0 : i32
      %add3A_600 = arith.addi %add3A_599, %mul3A_598 : i32
      %mul3A_601 = arith.constant 16 : i32
      %mul3A_602 = arith.muli %add3A_600, %mul3A_601 : i32
      %get3A_603 = arith.constant 1 : i32
      %get3A_604 = arith.index_cast %get3A_603 : i32 to index
      %get3A_605 = arith.index_cast %mul3A_602 : i32 to index
      %get3A_606 = tpu.vector_load %arg5[%get3A_604, %get3A_605] {strides = array<i32>} : memref<2x8192xf32, #tpu.memory_space<vmem>>, vector<16xf32>,
      %mul3A_607 = arith.constant 16 : i32
      %mul3A_608 = arith.muli %add3A_600, %mul3A_607 : i32
      %get3A_609 = arith.constant 1 : i32
      %get3A_610 = arith.index_cast %get3A_609 : i32 to index
      %get3A_611 = arith.index_cast %mul3A_608 : i32 to index
      %get3A_612 = tpu.vector_load %arg6[%get3A_610, %get3A_611] {strides = array<i32>} : memref<2x8192xi32, #tpu.memory_space<vmem>>, vector<16xi32>,
      %convert_element_type3A_613 = arith.sitofp %get3A_612 : vector<16xi32> to vector<16xf32>
      %mul3A_614 = arith.constant 2.000000e+00 : f32
      %mul3A_615 = vector.broadcast %mul3A_614 : f32 to vector<16xf32>
      %mul3A_616 = arith.mulf %mul3A_615, %convert_element_type3A_613 : vector<16xf32>
      %sub3A_617 = arith.constant 1.000000e+00 : f32
      %sub3A_618 = vector.broadcast %sub3A_617 : f32 to vector<16xf32>
      %sub3A_619 = arith.subf %mul3A_616, %sub3A_618 : vector<16xf32>
      %mul3A_620 = arith.constant 2.000000e+00 : f32
      %mul3A_621 = vector.broadcast %mul3A_620 : f32 to vector<16xf32>
      %mul3A_622 = arith.mulf %mul3A_621, %get3A_606 : vector<16xf32>
      %sub3A_623 = arith.constant 1.000000e+00 : f32
      %sub3A_624 = vector.broadcast %sub3A_623 : f32 to vector<16xf32>
      %sub3A_625 = arith.subf %mul3A_622, %sub3A_624 : vector<16xf32>
      %mul3A_626 = arith.mulf %sub3A_619, %sub3A_625 : vector<16xf32>
      %sub3A_627 = arith.constant 1.000000e+00 : f32
      %sub3A_628 = vector.broadcast %sub3A_627 : f32 to vector<16xf32>
      %sub3A_629 = arith.subf %sub3A_628, %mul3A_626 : vector<16xf32>
      %mul3A_630 = arith.constant 1.024000e+03 : f32
      %mul3A_631 = vector.broadcast %mul3A_630 : f32 to vector<16xf32>
      %mul3A_632 = arith.mulf %sub3A_629, %mul3A_631 : vector<16xf32>
      %convert_element_type3A_633 = arith.fptosi %mul3A_632 : vector<16xf32> to vector<16xi32>
      %min3A_634 = arith.constant 2047 : i32
      %min3A_635 = vector.broadcast %min3A_634 : i32 to vector<16xi32>
      %min3A_636 = arith.minsi %convert_element_type3A_633, %min3A_635 : vector<16xi32>
      %mul3A_637 = arith.constant 2048 : i32
      %mul3A_638 = vector.broadcast %mul3A_637 : i32 to vector<16xi32>
      %mul3A_639 = arith.muli %get3A_612, %mul3A_638 : vector<16xi32>
      %add3A_640 = arith.addi %mul3A_38, %mul3A_639 : vector<16xi32>
      %add3A_641 = arith.addi %add3A_640, %min3A_636 : vector<16xi32>
      tpu.vector_store_idx %arg7[%add3A_641], %broadcast_in_dim3A_39 {add = true} : memref<65536xi32, #tpu.memory_space<vmem>>[vector<16xi32>], vector<16xi32>,
      %scan3A_642 = arith.constant 5 : i32
      %scan3A_643 = arith.addi %scan3A_410, %scan3A_642 : i32
      %mul3A_644 = arith.constant 1 : i32
      %mul3A_645 = arith.muli %scan3A_643, %mul3A_644 : i32
      %add3A_646 = arith.constant 0 : i32
      %add3A_647 = arith.addi %add3A_646, %mul3A_645 : i32
      %mul3A_648 = arith.constant 16 : i32
      %mul3A_649 = arith.muli %add3A_647, %mul3A_648 : i32
      %get3A_650 = arith.constant 1 : i32
      %get3A_651 = arith.index_cast %get3A_650 : i32 to index
      %get3A_652 = arith.index_cast %mul3A_649 : i32 to index
      %get3A_653 = tpu.vector_load %arg5[%get3A_651, %get3A_652] {strides = array<i32>} : memref<2x8192xf32, #tpu.memory_space<vmem>>, vector<16xf32>,
      %mul3A_654 = arith.constant 16 : i32
      %mul3A_655 = arith.muli %add3A_647, %mul3A_654 : i32
      %get3A_656 = arith.constant 1 : i32
      %get3A_657 = arith.index_cast %get3A_656 : i32 to index
      %get3A_658 = arith.index_cast %mul3A_655 : i32 to index
      %get3A_659 = tpu.vector_load %arg6[%get3A_657, %get3A_658] {strides = array<i32>} : memref<2x8192xi32, #tpu.memory_space<vmem>>, vector<16xi32>,
      %convert_element_type3A_660 = arith.sitofp %get3A_659 : vector<16xi32> to vector<16xf32>
      %mul3A_661 = arith.constant 2.000000e+00 : f32
      %mul3A_662 = vector.broadcast %mul3A_661 : f32 to vector<16xf32>
      %mul3A_663 = arith.mulf %mul3A_662, %convert_element_type3A_660 : vector<16xf32>
      %sub3A_664 = arith.constant 1.000000e+00 : f32
      %sub3A_665 = vector.broadcast %sub3A_664 : f32 to vector<16xf32>
      %sub3A_666 = arith.subf %mul3A_663, %sub3A_665 : vector<16xf32>
      %mul3A_667 = arith.constant 2.000000e+00 : f32
      %mul3A_668 = vector.broadcast %mul3A_667 : f32 to vector<16xf32>
      %mul3A_669 = arith.mulf %mul3A_668, %get3A_653 : vector<16xf32>
      %sub3A_670 = arith.constant 1.000000e+00 : f32
      %sub3A_671 = vector.broadcast %sub3A_670 : f32 to vector<16xf32>
      %sub3A_672 = arith.subf %mul3A_669, %sub3A_671 : vector<16xf32>
      %mul3A_673 = arith.mulf %sub3A_666, %sub3A_672 : vector<16xf32>
      %sub3A_674 = arith.constant 1.000000e+00 : f32
      %sub3A_675 = vector.broadcast %sub3A_674 : f32 to vector<16xf32>
      %sub3A_676 = arith.subf %sub3A_675, %mul3A_673 : vector<16xf32>
      %mul3A_677 = arith.constant 1.024000e+03 : f32
      %mul3A_678 = vector.broadcast %mul3A_677 : f32 to vector<16xf32>
      %mul3A_679 = arith.mulf %sub3A_676, %mul3A_678 : vector<16xf32>
      %convert_element_type3A_680 = arith.fptosi %mul3A_679 : vector<16xf32> to vector<16xi32>
      %min3A_681 = arith.constant 2047 : i32
      %min3A_682 = vector.broadcast %min3A_681 : i32 to vector<16xi32>
      %min3A_683 = arith.minsi %convert_element_type3A_680, %min3A_682 : vector<16xi32>
      %mul3A_684 = arith.constant 2048 : i32
      %mul3A_685 = vector.broadcast %mul3A_684 : i32 to vector<16xi32>
      %mul3A_686 = arith.muli %get3A_659, %mul3A_685 : vector<16xi32>
      %add3A_687 = arith.addi %mul3A_38, %mul3A_686 : vector<16xi32>
      %add3A_688 = arith.addi %add3A_687, %min3A_683 : vector<16xi32>
      tpu.vector_store_idx %arg7[%add3A_688], %broadcast_in_dim3A_39 {add = true} : memref<65536xi32, #tpu.memory_space<vmem>>[vector<16xi32>], vector<16xi32>,
      %scan3A_689 = arith.constant 6 : i32
      %scan3A_690 = arith.addi %scan3A_410, %scan3A_689 : i32
      %mul3A_691 = arith.constant 1 : i32
      %mul3A_692 = arith.muli %scan3A_690, %mul3A_691 : i32
      %add3A_693 = arith.constant 0 : i32
      %add3A_694 = arith.addi %add3A_693, %mul3A_692 : i32
      %mul3A_695 = arith.constant 16 : i32
      %mul3A_696 = arith.muli %add3A_694, %mul3A_695 : i32
      %get3A_697 = arith.constant 1 : i32
      %get3A_698 = arith.index_cast %get3A_697 : i32 to index
      %get3A_699 = arith.index_cast %mul3A_696 : i32 to index
      %get3A_700 = tpu.vector_load %arg5[%get3A_698, %get3A_699] {strides = array<i32>} : memref<2x8192xf32, #tpu.memory_space<vmem>>, vector<16xf32>,
      %mul3A_701 = arith.constant 16 : i32
      %mul3A_702 = arith.muli %add3A_694, %mul3A_701 : i32
      %get3A_703 = arith.constant 1 : i32
      %get3A_704 = arith.index_cast %get3A_703 : i32 to index
      %get3A_705 = arith.index_cast %mul3A_702 : i32 to index
      %get3A_706 = tpu.vector_load %arg6[%get3A_704, %get3A_705] {strides = array<i32>} : memref<2x8192xi32, #tpu.memory_space<vmem>>, vector<16xi32>,
      %convert_element_type3A_707 = arith.sitofp %get3A_706 : vector<16xi32> to vector<16xf32>
      %mul3A_708 = arith.constant 2.000000e+00 : f32
      %mul3A_709 = vector.broadcast %mul3A_708 : f32 to vector<16xf32>
      %mul3A_710 = arith.mulf %mul3A_709, %convert_element_type3A_707 : vector<16xf32>
      %sub3A_711 = arith.constant 1.000000e+00 : f32
      %sub3A_712 = vector.broadcast %sub3A_711 : f32 to vector<16xf32>
      %sub3A_713 = arith.subf %mul3A_710, %sub3A_712 : vector<16xf32>
      %mul3A_714 = arith.constant 2.000000e+00 : f32
      %mul3A_715 = vector.broadcast %mul3A_714 : f32 to vector<16xf32>
      %mul3A_716 = arith.mulf %mul3A_715, %get3A_700 : vector<16xf32>
      %sub3A_717 = arith.constant 1.000000e+00 : f32
      %sub3A_718 = vector.broadcast %sub3A_717 : f32 to vector<16xf32>
      %sub3A_719 = arith.subf %mul3A_716, %sub3A_718 : vector<16xf32>
      %mul3A_720 = arith.mulf %sub3A_713, %sub3A_719 : vector<16xf32>
      %sub3A_721 = arith.constant 1.000000e+00 : f32
      %sub3A_722 = vector.broadcast %sub3A_721 : f32 to vector<16xf32>
      %sub3A_723 = arith.subf %sub3A_722, %mul3A_720 : vector<16xf32>
      %mul3A_724 = arith.constant 1.024000e+03 : f32
      %mul3A_725 = vector.broadcast %mul3A_724 : f32 to vector<16xf32>
      %mul3A_726 = arith.mulf %sub3A_723, %mul3A_725 : vector<16xf32>
      %convert_element_type3A_727 = arith.fptosi %mul3A_726 : vector<16xf32> to vector<16xi32>
      %min3A_728 = arith.constant 2047 : i32
      %min3A_729 = vector.broadcast %min3A_728 : i32 to vector<16xi32>
      %min3A_730 = arith.minsi %convert_element_type3A_727, %min3A_729 : vector<16xi32>
      %mul3A_731 = arith.constant 2048 : i32
      %mul3A_732 = vector.broadcast %mul3A_731 : i32 to vector<16xi32>
      %mul3A_733 = arith.muli %get3A_706, %mul3A_732 : vector<16xi32>
      %add3A_734 = arith.addi %mul3A_38, %mul3A_733 : vector<16xi32>
      %add3A_735 = arith.addi %add3A_734, %min3A_730 : vector<16xi32>
      tpu.vector_store_idx %arg7[%add3A_735], %broadcast_in_dim3A_39 {add = true} : memref<65536xi32, #tpu.memory_space<vmem>>[vector<16xi32>], vector<16xi32>,
      %scan3A_736 = arith.constant 7 : i32
      %scan3A_737 = arith.addi %scan3A_410, %scan3A_736 : i32
      %mul3A_738 = arith.constant 1 : i32
      %mul3A_739 = arith.muli %scan3A_737, %mul3A_738 : i32
      %add3A_740 = arith.constant 0 : i32
      %add3A_741 = arith.addi %add3A_740, %mul3A_739 : i32
      %mul3A_742 = arith.constant 16 : i32
      %mul3A_743 = arith.muli %add3A_741, %mul3A_742 : i32
      %get3A_744 = arith.constant 1 : i32
      %get3A_745 = arith.index_cast %get3A_744 : i32 to index
      %get3A_746 = arith.index_cast %mul3A_743 : i32 to index
      %get3A_747 = tpu.vector_load %arg5[%get3A_745, %get3A_746] {strides = array<i32>} : memref<2x8192xf32, #tpu.memory_space<vmem>>, vector<16xf32>,
      %mul3A_748 = arith.constant 16 : i32
      %mul3A_749 = arith.muli %add3A_741, %mul3A_748 : i32
      %get3A_750 = arith.constant 1 : i32
      %get3A_751 = arith.index_cast %get3A_750 : i32 to index
      %get3A_752 = arith.index_cast %mul3A_749 : i32 to index
      %get3A_753 = tpu.vector_load %arg6[%get3A_751, %get3A_752] {strides = array<i32>} : memref<2x8192xi32, #tpu.memory_space<vmem>>, vector<16xi32>,
      %convert_element_type3A_754 = arith.sitofp %get3A_753 : vector<16xi32> to vector<16xf32>
      %mul3A_755 = arith.constant 2.000000e+00 : f32
      %mul3A_756 = vector.broadcast %mul3A_755 : f32 to vector<16xf32>
      %mul3A_757 = arith.mulf %mul3A_756, %convert_element_type3A_754 : vector<16xf32>
      %sub3A_758 = arith.constant 1.000000e+00 : f32
      %sub3A_759 = vector.broadcast %sub3A_758 : f32 to vector<16xf32>
      %sub3A_760 = arith.subf %mul3A_757, %sub3A_759 : vector<16xf32>
      %mul3A_761 = arith.constant 2.000000e+00 : f32
      %mul3A_762 = vector.broadcast %mul3A_761 : f32 to vector<16xf32>
      %mul3A_763 = arith.mulf %mul3A_762, %get3A_747 : vector<16xf32>
      %sub3A_764 = arith.constant 1.000000e+00 : f32
      %sub3A_765 = vector.broadcast %sub3A_764 : f32 to vector<16xf32>
      %sub3A_766 = arith.subf %mul3A_763, %sub3A_765 : vector<16xf32>
      %mul3A_767 = arith.mulf %sub3A_760, %sub3A_766 : vector<16xf32>
      %sub3A_768 = arith.constant 1.000000e+00 : f32
      %sub3A_769 = vector.broadcast %sub3A_768 : f32 to vector<16xf32>
      %sub3A_770 = arith.subf %sub3A_769, %mul3A_767 : vector<16xf32>
      %mul3A_771 = arith.constant 1.024000e+03 : f32
      %mul3A_772 = vector.broadcast %mul3A_771 : f32 to vector<16xf32>
      %mul3A_773 = arith.mulf %sub3A_770, %mul3A_772 : vector<16xf32>
      %convert_element_type3A_774 = arith.fptosi %mul3A_773 : vector<16xf32> to vector<16xi32>
      %min3A_775 = arith.constant 2047 : i32
      %min3A_776 = vector.broadcast %min3A_775 : i32 to vector<16xi32>
      %min3A_777 = arith.minsi %convert_element_type3A_774, %min3A_776 : vector<16xi32>
      %mul3A_778 = arith.constant 2048 : i32
      %mul3A_779 = vector.broadcast %mul3A_778 : i32 to vector<16xi32>
      %mul3A_780 = arith.muli %get3A_753, %mul3A_779 : vector<16xi32>
      %add3A_781 = arith.addi %mul3A_38, %mul3A_780 : vector<16xi32>
      %add3A_782 = arith.addi %add3A_781, %min3A_777 : vector<16xi32>
      tpu.vector_store_idx %arg7[%add3A_782], %broadcast_in_dim3A_39 {add = true} : memref<65536xi32, #tpu.memory_space<vmem>>[vector<16xi32>], vector<16xi32>,
    }
    %scan3A_333 = arith.constant 512 : i32
    %add3A_334 = arith.constant 57344 : i32
    %add3A_335 = arith.addi %add3A_35, %add3A_334 : i32
    %dma_start3A_336 = arith.constant 1 : i32
    %dma_start3A_337 = arith.constant 0 : i32
    %dma_start3A_338 = tpu.memref_slice %arg5[%dma_start3A_336, %dma_start3A_337] : memref<2x8192xf32, #tpu.memory_space<vmem>> -> memref<1x8192xf32, #tpu.memory_space<vmem>>
    %dma_start3A_339 = tpu.memref_squeeze %dma_start3A_338 : memref<1x8192xf32, #tpu.memory_space<vmem>> -> memref<8192xf32, #tpu.memory_space<vmem>>
    %dma_start3A_340 = tpu.memref_slice %arg2[%add3A_335] : memref<2097152xf32, #tpu.memory_space<hbm>> -> memref<8192xf32, #tpu.memory_space<hbm>>
    %dma_start3A_341 = arith.constant 0 : i32
    %dma_start3A_342 = tpu.memref_slice %arg5[%dma_start3A_336, %dma_start3A_341] : memref<2x8192xf32, #tpu.memory_space<vmem>> -> memref<1x8192xf32, #tpu.memory_space<vmem>>
    %dma_start3A_343 = tpu.memref_squeeze %dma_start3A_342 : memref<1x8192xf32, #tpu.memory_space<vmem>> -> memref<8192xf32, #tpu.memory_space<vmem>>
    %dma_start3A_344 = tpu.memref_slice %arg2[%add3A_335] : memref<2097152xf32, #tpu.memory_space<hbm>> -> memref<8192xf32, #tpu.memory_space<hbm>>
    tpu.enqueue_dma source(%dma_start3A_344 : memref<8192xf32, #tpu.memory_space<hbm>>) target(%dma_start3A_343 : memref<8192xf32, #tpu.memory_space<vmem>>) target_semaphore(%arg13 : memref<!tpu.dma_semaphore, #tpu.memory_space<semaphore_mem>>)
    %add3A_345 = arith.constant 57344 : i32
    %add3A_346 = arith.addi %add3A_35, %add3A_345 : i32
    %dma_start3A_347 = arith.constant 1 : i32
    %dma_start3A_348 = arith.constant 0 : i32
    %dma_start3A_349 = tpu.memref_slice %arg6[%dma_start3A_347, %dma_start3A_348] : memref<2x8192xi32, #tpu.memory_space<vmem>> -> memref<1x8192xi32, #tpu.memory_space<vmem>>
    %dma_start3A_350 = tpu.memref_squeeze %dma_start3A_349 : memref<1x8192xi32, #tpu.memory_space<vmem>> -> memref<8192xi32, #tpu.memory_space<vmem>>
    %dma_start3A_351 = tpu.memref_slice %arg3[%add3A_346] : memref<2097152xi32, #tpu.memory_space<hbm>> -> memref<8192xi32, #tpu.memory_space<hbm>>
    %dma_start3A_352 = arith.constant 0 : i32
    %dma_start3A_353 = tpu.memref_slice %arg6[%dma_start3A_347, %dma_start3A_352] : memref<2x8192xi32, #tpu.memory_space<vmem>> -> memref<1x8192xi32, #tpu.memory_space<vmem>>
    %dma_start3A_354 = tpu.memref_squeeze %dma_start3A_353 : memref<1x8192xi32, #tpu.memory_space<vmem>> -> memref<8192xi32, #tpu.memory_space<vmem>>
    %dma_start3A_355 = tpu.memref_slice %arg3[%add3A_346] : memref<2097152xi32, #tpu.memory_space<hbm>> -> memref<8192xi32, #tpu.memory_space<hbm>>
    tpu.enqueue_dma source(%dma_start3A_355 : memref<8192xi32, #tpu.memory_space<hbm>>) target(%dma_start3A_354 : memref<8192xi32, #tpu.memory_space<vmem>>) target_semaphore(%arg15 : memref<!tpu.dma_semaphore, #tpu.memory_space<semaphore_mem>>)
    %dma_wait3A_356 = arith.constant 0 : i32
    %dma_wait3A_357 = arith.constant 0 : i32
    %dma_wait3A_358 = tpu.memref_slice %arg5[%dma_wait3A_356, %dma_wait3A_357] : memref<2x8192xf32, #tpu.memory_space<vmem>> -> memref<1x8192xf32, #tpu.memory_space<vmem>>
    %dma_wait3A_359 = tpu.memref_squeeze %dma_wait3A_358 : memref<1x8192xf32, #tpu.memory_space<vmem>> -> memref<8192xf32, #tpu.memory_space<vmem>>
    %dma_wait3A_360 = tpu.memref_slice %arg2[%add3A_290] : memref<2097152xf32, #tpu.memory_space<hbm>> -> memref<8192xf32, #tpu.memory_space<hbm>>
    %dma_wait3A_361 = arith.constant 0 : i32
    %dma_wait3A_362 = tpu.memref_slice %arg5[%dma_wait3A_356, %dma_wait3A_361] : memref<2x8192xf32, #tpu.memory_space<vmem>> -> memref<1x8192xf32, #tpu.memory_space<vmem>>
    %dma_wait3A_363 = tpu.memref_squeeze %dma_wait3A_362 : memref<1x8192xf32, #tpu.memory_space<vmem>> -> memref<8192xf32, #tpu.memory_space<vmem>>
    %dma_wait3A_364 = tpu.memref_slice %arg2[%add3A_290] : memref<2097152xf32, #tpu.memory_space<hbm>> -> memref<8192xf32, #tpu.memory_space<hbm>>
    tpu.wait_dma2 semaphore(%arg12 : memref<!tpu.dma_semaphore, #tpu.memory_space<semaphore_mem>>) src(%dma_wait3A_364 : memref<8192xf32, #tpu.memory_space<hbm>>) dst(%dma_wait3A_363 : memref<8192xf32, #tpu.memory_space<vmem>>)
    %dma_wait3A_365 = arith.constant 0 : i32
    %dma_wait3A_366 = arith.constant 0 : i32
    %dma_wait3A_367 = tpu.memref_slice %arg6[%dma_wait3A_365, %dma_wait3A_366] : memref<2x8192xi32, #tpu.memory_space<vmem>> -> memref<1x8192xi32, #tpu.memory_space<vmem>>
    %dma_wait3A_368 = tpu.memref_squeeze %dma_wait3A_367 : memref<1x8192xi32, #tpu.memory_space<vmem>> -> memref<8192xi32, #tpu.memory_space<vmem>>
    %dma_wait3A_369 = tpu.memref_slice %arg3[%add3A_301] : memref<2097152xi32, #tpu.memory_space<hbm>> -> memref<8192xi32, #tpu.memory_space<hbm>>
    %dma_wait3A_370 = arith.constant 0 : i32
    %dma_wait3A_371 = tpu.memref_slice %arg6[%dma_wait3A_365, %dma_wait3A_370] : memref<2x8192xi32, #tpu.memory_space<vmem>> -> memref<1x8192xi32, #tpu.memory_space<vmem>>
    %dma_wait3A_372 = tpu.memref_squeeze %dma_wait3A_371 : memref<1x8192xi32, #tpu.memory_space<vmem>> -> memref<8192xi32, #tpu.memory_space<vmem>>
    %dma_wait3A_373 = tpu.memref_slice %arg3[%add3A_301] : memref<2097152xi32, #tpu.memory_space<hbm>> -> memref<8192xi32, #tpu.memory_space<hbm>>
    tpu.wait_dma2 semaphore(%arg14 : memref<!tpu.dma_semaphore, #tpu.memory_space<semaphore_mem>>) src(%dma_wait3A_373 : memref<8192xi32, #tpu.memory_space<hbm>>) dst(%dma_wait3A_372 : memref<8192xi32, #tpu.memory_space<vmem>>)
    %scan3A_374 = arith.constant 0 : i32
    %scan3A_375 = arith.constant 512 : i32
    %scan3A_376 = arith.addi %scan3A_374, %scan3A_375 : i32
    %scan3A_377 = arith.constant 8 : i32
    scf.for %scan3A_410 = %scan3A_374 to %scan3A_376 step %scan3A_377  : i32 {
      %mul3A_411 = arith.constant 1 : i32
      %mul3A_412 = arith.muli %scan3A_410, %mul3A_411 : i32
      %add3A_413 = arith.constant 0 : i32
      %add3A_414 = arith.addi %add3A_413, %mul3A_412 : i32
      %mul3A_415 = arith.constant 16 : i32
      %mul3A_416 = arith.muli %add3A_414, %mul3A_415 : i32
      %get3A = arith.constant 0 : i32
      %get3A_417 = arith.index_cast %get3A : i32 to index
      %get3A_418 = arith.index_cast %mul3A_416 : i32 to index
      %get3A_419 = tpu.vector_load %arg5[%get3A_417, %get3A_418] {strides = array<i32>} : memref<2x8192xf32, #tpu.memory_space<vmem>>, vector<16xf32>,
      %mul3A_420 = arith.constant 16 : i32
      %mul3A_421 = arith.muli %add3A_414, %mul3A_420 : i32
      %get3A_422 = arith.constant 0 : i32
      %get3A_423 = arith.index_cast %get3A_422 : i32 to index
      %get3A_424 = arith.index_cast %mul3A_421 : i32 to index
      %get3A_425 = tpu.vector_load %arg6[%get3A_423, %get3A_424] {strides = array<i32>} : memref<2x8192xi32, #tpu.memory_space<vmem>>, vector<16xi32>,
      %convert_element_type3A_426 = arith.sitofp %get3A_425 : vector<16xi32> to vector<16xf32>
      %mul3A_427 = arith.constant 2.000000e+00 : f32
      %mul3A_428 = vector.broadcast %mul3A_427 : f32 to vector<16xf32>
      %mul3A_429 = arith.mulf %mul3A_428, %convert_element_type3A_426 : vector<16xf32>
      %sub3A_430 = arith.constant 1.000000e+00 : f32
      %sub3A_431 = vector.broadcast %sub3A_430 : f32 to vector<16xf32>
      %sub3A_432 = arith.subf %mul3A_429, %sub3A_431 : vector<16xf32>
      %mul3A_433 = arith.constant 2.000000e+00 : f32
      %mul3A_434 = vector.broadcast %mul3A_433 : f32 to vector<16xf32>
      %mul3A_435 = arith.mulf %mul3A_434, %get3A_419 : vector<16xf32>
      %sub3A_436 = arith.constant 1.000000e+00 : f32
      %sub3A_437 = vector.broadcast %sub3A_436 : f32 to vector<16xf32>
      %sub3A_438 = arith.subf %mul3A_435, %sub3A_437 : vector<16xf32>
      %mul3A_439 = arith.mulf %sub3A_432, %sub3A_438 : vector<16xf32>
      %sub3A_440 = arith.constant 1.000000e+00 : f32
      %sub3A_441 = vector.broadcast %sub3A_440 : f32 to vector<16xf32>
      %sub3A_442 = arith.subf %sub3A_441, %mul3A_439 : vector<16xf32>
      %mul3A_443 = arith.constant 1.024000e+03 : f32
      %mul3A_444 = vector.broadcast %mul3A_443 : f32 to vector<16xf32>
      %mul3A_445 = arith.mulf %sub3A_442, %mul3A_444 : vector<16xf32>
      %convert_element_type3A_446 = arith.fptosi %mul3A_445 : vector<16xf32> to vector<16xi32>
      %min3A = arith.constant 2047 : i32
      %min3A_447 = vector.broadcast %min3A : i32 to vector<16xi32>
      %min3A_448 = arith.minsi %convert_element_type3A_446, %min3A_447 : vector<16xi32>
      %mul3A_449 = arith.constant 2048 : i32
      %mul3A_450 = vector.broadcast %mul3A_449 : i32 to vector<16xi32>
      %mul3A_451 = arith.muli %get3A_425, %mul3A_450 : vector<16xi32>
      %add3A_452 = arith.addi %mul3A_38, %mul3A_451 : vector<16xi32>
      %add3A_453 = arith.addi %add3A_452, %min3A_448 : vector<16xi32>
      tpu.vector_store_idx %arg7[%add3A_453], %broadcast_in_dim3A_39 {add = true} : memref<65536xi32, #tpu.memory_space<vmem>>[vector<16xi32>], vector<16xi32>,
      %scan3A_454 = arith.constant 1 : i32
      %scan3A_455 = arith.addi %scan3A_410, %scan3A_454 : i32
      %mul3A_456 = arith.constant 1 : i32
      %mul3A_457 = arith.muli %scan3A_455, %mul3A_456 : i32
      %add3A_458 = arith.constant 0 : i32
      %add3A_459 = arith.addi %add3A_458, %mul3A_457 : i32
      %mul3A_460 = arith.constant 16 : i32
      %mul3A_461 = arith.muli %add3A_459, %mul3A_460 : i32
      %get3A_462 = arith.constant 0 : i32
      %get3A_463 = arith.index_cast %get3A_462 : i32 to index
      %get3A_464 = arith.index_cast %mul3A_461 : i32 to index
      %get3A_465 = tpu.vector_load %arg5[%get3A_463, %get3A_464] {strides = array<i32>} : memref<2x8192xf32, #tpu.memory_space<vmem>>, vector<16xf32>,
      %mul3A_466 = arith.constant 16 : i32
      %mul3A_467 = arith.muli %add3A_459, %mul3A_466 : i32
      %get3A_468 = arith.constant 0 : i32
      %get3A_469 = arith.index_cast %get3A_468 : i32 to index
      %get3A_470 = arith.index_cast %mul3A_467 : i32 to index
      %get3A_471 = tpu.vector_load %arg6[%get3A_469, %get3A_470] {strides = array<i32>} : memref<2x8192xi32, #tpu.memory_space<vmem>>, vector<16xi32>,
      %convert_element_type3A_472 = arith.sitofp %get3A_471 : vector<16xi32> to vector<16xf32>
      %mul3A_473 = arith.constant 2.000000e+00 : f32
      %mul3A_474 = vector.broadcast %mul3A_473 : f32 to vector<16xf32>
      %mul3A_475 = arith.mulf %mul3A_474, %convert_element_type3A_472 : vector<16xf32>
      %sub3A_476 = arith.constant 1.000000e+00 : f32
      %sub3A_477 = vector.broadcast %sub3A_476 : f32 to vector<16xf32>
      %sub3A_478 = arith.subf %mul3A_475, %sub3A_477 : vector<16xf32>
      %mul3A_479 = arith.constant 2.000000e+00 : f32
      %mul3A_480 = vector.broadcast %mul3A_479 : f32 to vector<16xf32>
      %mul3A_481 = arith.mulf %mul3A_480, %get3A_465 : vector<16xf32>
      %sub3A_482 = arith.constant 1.000000e+00 : f32
      %sub3A_483 = vector.broadcast %sub3A_482 : f32 to vector<16xf32>
      %sub3A_484 = arith.subf %mul3A_481, %sub3A_483 : vector<16xf32>
      %mul3A_485 = arith.mulf %sub3A_478, %sub3A_484 : vector<16xf32>
      %sub3A_486 = arith.constant 1.000000e+00 : f32
      %sub3A_487 = vector.broadcast %sub3A_486 : f32 to vector<16xf32>
      %sub3A_488 = arith.subf %sub3A_487, %mul3A_485 : vector<16xf32>
      %mul3A_489 = arith.constant 1.024000e+03 : f32
      %mul3A_490 = vector.broadcast %mul3A_489 : f32 to vector<16xf32>
      %mul3A_491 = arith.mulf %sub3A_488, %mul3A_490 : vector<16xf32>
      %convert_element_type3A_492 = arith.fptosi %mul3A_491 : vector<16xf32> to vector<16xi32>
      %min3A_493 = arith.constant 2047 : i32
      %min3A_494 = vector.broadcast %min3A_493 : i32 to vector<16xi32>
      %min3A_495 = arith.minsi %convert_element_type3A_492, %min3A_494 : vector<16xi32>
      %mul3A_496 = arith.constant 2048 : i32
      %mul3A_497 = vector.broadcast %mul3A_496 : i32 to vector<16xi32>
      %mul3A_498 = arith.muli %get3A_471, %mul3A_497 : vector<16xi32>
      %add3A_499 = arith.addi %mul3A_38, %mul3A_498 : vector<16xi32>
      %add3A_500 = arith.addi %add3A_499, %min3A_495 : vector<16xi32>
      tpu.vector_store_idx %arg7[%add3A_500], %broadcast_in_dim3A_39 {add = true} : memref<65536xi32, #tpu.memory_space<vmem>>[vector<16xi32>], vector<16xi32>,
      %scan3A_501 = arith.constant 2 : i32
      %scan3A_502 = arith.addi %scan3A_410, %scan3A_501 : i32
      %mul3A_503 = arith.constant 1 : i32
      %mul3A_504 = arith.muli %scan3A_502, %mul3A_503 : i32
      %add3A_505 = arith.constant 0 : i32
      %add3A_506 = arith.addi %add3A_505, %mul3A_504 : i32
      %mul3A_507 = arith.constant 16 : i32
      %mul3A_508 = arith.muli %add3A_506, %mul3A_507 : i32
      %get3A_509 = arith.constant 0 : i32
      %get3A_510 = arith.index_cast %get3A_509 : i32 to index
      %get3A_511 = arith.index_cast %mul3A_508 : i32 to index
      %get3A_512 = tpu.vector_load %arg5[%get3A_510, %get3A_511] {strides = array<i32>} : memref<2x8192xf32, #tpu.memory_space<vmem>>, vector<16xf32>,
      %mul3A_513 = arith.constant 16 : i32
      %mul3A_514 = arith.muli %add3A_506, %mul3A_513 : i32
      %get3A_515 = arith.constant 0 : i32
      %get3A_516 = arith.index_cast %get3A_515 : i32 to index
      %get3A_517 = arith.index_cast %mul3A_514 : i32 to index
      %get3A_518 = tpu.vector_load %arg6[%get3A_516, %get3A_517] {strides = array<i32>} : memref<2x8192xi32, #tpu.memory_space<vmem>>, vector<16xi32>,
      %convert_element_type3A_519 = arith.sitofp %get3A_518 : vector<16xi32> to vector<16xf32>
      %mul3A_520 = arith.constant 2.000000e+00 : f32
      %mul3A_521 = vector.broadcast %mul3A_520 : f32 to vector<16xf32>
      %mul3A_522 = arith.mulf %mul3A_521, %convert_element_type3A_519 : vector<16xf32>
      %sub3A_523 = arith.constant 1.000000e+00 : f32
      %sub3A_524 = vector.broadcast %sub3A_523 : f32 to vector<16xf32>
      %sub3A_525 = arith.subf %mul3A_522, %sub3A_524 : vector<16xf32>
      %mul3A_526 = arith.constant 2.000000e+00 : f32
      %mul3A_527 = vector.broadcast %mul3A_526 : f32 to vector<16xf32>
      %mul3A_528 = arith.mulf %mul3A_527, %get3A_512 : vector<16xf32>
      %sub3A_529 = arith.constant 1.000000e+00 : f32
      %sub3A_530 = vector.broadcast %sub3A_529 : f32 to vector<16xf32>
      %sub3A_531 = arith.subf %mul3A_528, %sub3A_530 : vector<16xf32>
      %mul3A_532 = arith.mulf %sub3A_525, %sub3A_531 : vector<16xf32>
      %sub3A_533 = arith.constant 1.000000e+00 : f32
      %sub3A_534 = vector.broadcast %sub3A_533 : f32 to vector<16xf32>
      %sub3A_535 = arith.subf %sub3A_534, %mul3A_532 : vector<16xf32>
      %mul3A_536 = arith.constant 1.024000e+03 : f32
      %mul3A_537 = vector.broadcast %mul3A_536 : f32 to vector<16xf32>
      %mul3A_538 = arith.mulf %sub3A_535, %mul3A_537 : vector<16xf32>
      %convert_element_type3A_539 = arith.fptosi %mul3A_538 : vector<16xf32> to vector<16xi32>
      %min3A_540 = arith.constant 2047 : i32
      %min3A_541 = vector.broadcast %min3A_540 : i32 to vector<16xi32>
      %min3A_542 = arith.minsi %convert_element_type3A_539, %min3A_541 : vector<16xi32>
      %mul3A_543 = arith.constant 2048 : i32
      %mul3A_544 = vector.broadcast %mul3A_543 : i32 to vector<16xi32>
      %mul3A_545 = arith.muli %get3A_518, %mul3A_544 : vector<16xi32>
      %add3A_546 = arith.addi %mul3A_38, %mul3A_545 : vector<16xi32>
      %add3A_547 = arith.addi %add3A_546, %min3A_542 : vector<16xi32>
      tpu.vector_store_idx %arg7[%add3A_547], %broadcast_in_dim3A_39 {add = true} : memref<65536xi32, #tpu.memory_space<vmem>>[vector<16xi32>], vector<16xi32>,
      %scan3A_548 = arith.constant 3 : i32
      %scan3A_549 = arith.addi %scan3A_410, %scan3A_548 : i32
      %mul3A_550 = arith.constant 1 : i32
      %mul3A_551 = arith.muli %scan3A_549, %mul3A_550 : i32
      %add3A_552 = arith.constant 0 : i32
      %add3A_553 = arith.addi %add3A_552, %mul3A_551 : i32
      %mul3A_554 = arith.constant 16 : i32
      %mul3A_555 = arith.muli %add3A_553, %mul3A_554 : i32
      %get3A_556 = arith.constant 0 : i32
      %get3A_557 = arith.index_cast %get3A_556 : i32 to index
      %get3A_558 = arith.index_cast %mul3A_555 : i32 to index
      %get3A_559 = tpu.vector_load %arg5[%get3A_557, %get3A_558] {strides = array<i32>} : memref<2x8192xf32, #tpu.memory_space<vmem>>, vector<16xf32>,
      %mul3A_560 = arith.constant 16 : i32
      %mul3A_561 = arith.muli %add3A_553, %mul3A_560 : i32
      %get3A_562 = arith.constant 0 : i32
      %get3A_563 = arith.index_cast %get3A_562 : i32 to index
      %get3A_564 = arith.index_cast %mul3A_561 : i32 to index
      %get3A_565 = tpu.vector_load %arg6[%get3A_563, %get3A_564] {strides = array<i32>} : memref<2x8192xi32, #tpu.memory_space<vmem>>, vector<16xi32>,
      %convert_element_type3A_566 = arith.sitofp %get3A_565 : vector<16xi32> to vector<16xf32>
      %mul3A_567 = arith.constant 2.000000e+00 : f32
      %mul3A_568 = vector.broadcast %mul3A_567 : f32 to vector<16xf32>
      %mul3A_569 = arith.mulf %mul3A_568, %convert_element_type3A_566 : vector<16xf32>
      %sub3A_570 = arith.constant 1.000000e+00 : f32
      %sub3A_571 = vector.broadcast %sub3A_570 : f32 to vector<16xf32>
      %sub3A_572 = arith.subf %mul3A_569, %sub3A_571 : vector<16xf32>
      %mul3A_573 = arith.constant 2.000000e+00 : f32
      %mul3A_574 = vector.broadcast %mul3A_573 : f32 to vector<16xf32>
      %mul3A_575 = arith.mulf %mul3A_574, %get3A_559 : vector<16xf32>
      %sub3A_576 = arith.constant 1.000000e+00 : f32
      %sub3A_577 = vector.broadcast %sub3A_576 : f32 to vector<16xf32>
      %sub3A_578 = arith.subf %mul3A_575, %sub3A_577 : vector<16xf32>
      %mul3A_579 = arith.mulf %sub3A_572, %sub3A_578 : vector<16xf32>
      %sub3A_580 = arith.constant 1.000000e+00 : f32
      %sub3A_581 = vector.broadcast %sub3A_580 : f32 to vector<16xf32>
      %sub3A_582 = arith.subf %sub3A_581, %mul3A_579 : vector<16xf32>
      %mul3A_583 = arith.constant 1.024000e+03 : f32
      %mul3A_584 = vector.broadcast %mul3A_583 : f32 to vector<16xf32>
      %mul3A_585 = arith.mulf %sub3A_582, %mul3A_584 : vector<16xf32>
      %convert_element_type3A_586 = arith.fptosi %mul3A_585 : vector<16xf32> to vector<16xi32>
      %min3A_587 = arith.constant 2047 : i32
      %min3A_588 = vector.broadcast %min3A_587 : i32 to vector<16xi32>
      %min3A_589 = arith.minsi %convert_element_type3A_586, %min3A_588 : vector<16xi32>
      %mul3A_590 = arith.constant 2048 : i32
      %mul3A_591 = vector.broadcast %mul3A_590 : i32 to vector<16xi32>
      %mul3A_592 = arith.muli %get3A_565, %mul3A_591 : vector<16xi32>
      %add3A_593 = arith.addi %mul3A_38, %mul3A_592 : vector<16xi32>
      %add3A_594 = arith.addi %add3A_593, %min3A_589 : vector<16xi32>
      tpu.vector_store_idx %arg7[%add3A_594], %broadcast_in_dim3A_39 {add = true} : memref<65536xi32, #tpu.memory_space<vmem>>[vector<16xi32>], vector<16xi32>,
      %scan3A_595 = arith.constant 4 : i32
      %scan3A_596 = arith.addi %scan3A_410, %scan3A_595 : i32
      %mul3A_597 = arith.constant 1 : i32
      %mul3A_598 = arith.muli %scan3A_596, %mul3A_597 : i32
      %add3A_599 = arith.constant 0 : i32
      %add3A_600 = arith.addi %add3A_599, %mul3A_598 : i32
      %mul3A_601 = arith.constant 16 : i32
      %mul3A_602 = arith.muli %add3A_600, %mul3A_601 : i32
      %get3A_603 = arith.constant 0 : i32
      %get3A_604 = arith.index_cast %get3A_603 : i32 to index
      %get3A_605 = arith.index_cast %mul3A_602 : i32 to index
      %get3A_606 = tpu.vector_load %arg5[%get3A_604, %get3A_605] {strides = array<i32>} : memref<2x8192xf32, #tpu.memory_space<vmem>>, vector<16xf32>,
      %mul3A_607 = arith.constant 16 : i32
      %mul3A_608 = arith.muli %add3A_600, %mul3A_607 : i32
      %get3A_609 = arith.constant 0 : i32
      %get3A_610 = arith.index_cast %get3A_609 : i32 to index
      %get3A_611 = arith.index_cast %mul3A_608 : i32 to index
      %get3A_612 = tpu.vector_load %arg6[%get3A_610, %get3A_611] {strides = array<i32>} : memref<2x8192xi32, #tpu.memory_space<vmem>>, vector<16xi32>,
      %convert_element_type3A_613 = arith.sitofp %get3A_612 : vector<16xi32> to vector<16xf32>
      %mul3A_614 = arith.constant 2.000000e+00 : f32
      %mul3A_615 = vector.broadcast %mul3A_614 : f32 to vector<16xf32>
      %mul3A_616 = arith.mulf %mul3A_615, %convert_element_type3A_613 : vector<16xf32>
      %sub3A_617 = arith.constant 1.000000e+00 : f32
      %sub3A_618 = vector.broadcast %sub3A_617 : f32 to vector<16xf32>
      %sub3A_619 = arith.subf %mul3A_616, %sub3A_618 : vector<16xf32>
      %mul3A_620 = arith.constant 2.000000e+00 : f32
      %mul3A_621 = vector.broadcast %mul3A_620 : f32 to vector<16xf32>
      %mul3A_622 = arith.mulf %mul3A_621, %get3A_606 : vector<16xf32>
      %sub3A_623 = arith.constant 1.000000e+00 : f32
      %sub3A_624 = vector.broadcast %sub3A_623 : f32 to vector<16xf32>
      %sub3A_625 = arith.subf %mul3A_622, %sub3A_624 : vector<16xf32>
      %mul3A_626 = arith.mulf %sub3A_619, %sub3A_625 : vector<16xf32>
      %sub3A_627 = arith.constant 1.000000e+00 : f32
      %sub3A_628 = vector.broadcast %sub3A_627 : f32 to vector<16xf32>
      %sub3A_629 = arith.subf %sub3A_628, %mul3A_626 : vector<16xf32>
      %mul3A_630 = arith.constant 1.024000e+03 : f32
      %mul3A_631 = vector.broadcast %mul3A_630 : f32 to vector<16xf32>
      %mul3A_632 = arith.mulf %sub3A_629, %mul3A_631 : vector<16xf32>
      %convert_element_type3A_633 = arith.fptosi %mul3A_632 : vector<16xf32> to vector<16xi32>
      %min3A_634 = arith.constant 2047 : i32
      %min3A_635 = vector.broadcast %min3A_634 : i32 to vector<16xi32>
      %min3A_636 = arith.minsi %convert_element_type3A_633, %min3A_635 : vector<16xi32>
      %mul3A_637 = arith.constant 2048 : i32
      %mul3A_638 = vector.broadcast %mul3A_637 : i32 to vector<16xi32>
      %mul3A_639 = arith.muli %get3A_612, %mul3A_638 : vector<16xi32>
      %add3A_640 = arith.addi %mul3A_38, %mul3A_639 : vector<16xi32>
      %add3A_641 = arith.addi %add3A_640, %min3A_636 : vector<16xi32>
      tpu.vector_store_idx %arg7[%add3A_641], %broadcast_in_dim3A_39 {add = true} : memref<65536xi32, #tpu.memory_space<vmem>>[vector<16xi32>], vector<16xi32>,
      %scan3A_642 = arith.constant 5 : i32
      %scan3A_643 = arith.addi %scan3A_410, %scan3A_642 : i32
      %mul3A_644 = arith.constant 1 : i32
      %mul3A_645 = arith.muli %scan3A_643, %mul3A_644 : i32
      %add3A_646 = arith.constant 0 : i32
      %add3A_647 = arith.addi %add3A_646, %mul3A_645 : i32
      %mul3A_648 = arith.constant 16 : i32
      %mul3A_649 = arith.muli %add3A_647, %mul3A_648 : i32
      %get3A_650 = arith.constant 0 : i32
      %get3A_651 = arith.index_cast %get3A_650 : i32 to index
      %get3A_652 = arith.index_cast %mul3A_649 : i32 to index
      %get3A_653 = tpu.vector_load %arg5[%get3A_651, %get3A_652] {strides = array<i32>} : memref<2x8192xf32, #tpu.memory_space<vmem>>, vector<16xf32>,
      %mul3A_654 = arith.constant 16 : i32
      %mul3A_655 = arith.muli %add3A_647, %mul3A_654 : i32
      %get3A_656 = arith.constant 0 : i32
      %get3A_657 = arith.index_cast %get3A_656 : i32 to index
      %get3A_658 = arith.index_cast %mul3A_655 : i32 to index
      %get3A_659 = tpu.vector_load %arg6[%get3A_657, %get3A_658] {strides = array<i32>} : memref<2x8192xi32, #tpu.memory_space<vmem>>, vector<16xi32>,
      %convert_element_type3A_660 = arith.sitofp %get3A_659 : vector<16xi32> to vector<16xf32>
      %mul3A_661 = arith.constant 2.000000e+00 : f32
      %mul3A_662 = vector.broadcast %mul3A_661 : f32 to vector<16xf32>
      %mul3A_663 = arith.mulf %mul3A_662, %convert_element_type3A_660 : vector<16xf32>
      %sub3A_664 = arith.constant 1.000000e+00 : f32
      %sub3A_665 = vector.broadcast %sub3A_664 : f32 to vector<16xf32>
      %sub3A_666 = arith.subf %mul3A_663, %sub3A_665 : vector<16xf32>
      %mul3A_667 = arith.constant 2.000000e+00 : f32
      %mul3A_668 = vector.broadcast %mul3A_667 : f32 to vector<16xf32>
      %mul3A_669 = arith.mulf %mul3A_668, %get3A_653 : vector<16xf32>
      %sub3A_670 = arith.constant 1.000000e+00 : f32
      %sub3A_671 = vector.broadcast %sub3A_670 : f32 to vector<16xf32>
      %sub3A_672 = arith.subf %mul3A_669, %sub3A_671 : vector<16xf32>
      %mul3A_673 = arith.mulf %sub3A_666, %sub3A_672 : vector<16xf32>
      %sub3A_674 = arith.constant 1.000000e+00 : f32
      %sub3A_675 = vector.broadcast %sub3A_674 : f32 to vector<16xf32>
      %sub3A_676 = arith.subf %sub3A_675, %mul3A_673 : vector<16xf32>
      %mul3A_677 = arith.constant 1.024000e+03 : f32
      %mul3A_678 = vector.broadcast %mul3A_677 : f32 to vector<16xf32>
      %mul3A_679 = arith.mulf %sub3A_676, %mul3A_678 : vector<16xf32>
      %convert_element_type3A_680 = arith.fptosi %mul3A_679 : vector<16xf32> to vector<16xi32>
      %min3A_681 = arith.constant 2047 : i32
      %min3A_682 = vector.broadcast %min3A_681 : i32 to vector<16xi32>
      %min3A_683 = arith.minsi %convert_element_type3A_680, %min3A_682 : vector<16xi32>
      %mul3A_684 = arith.constant 2048 : i32
      %mul3A_685 = vector.broadcast %mul3A_684 : i32 to vector<16xi32>
      %mul3A_686 = arith.muli %get3A_659, %mul3A_685 : vector<16xi32>
      %add3A_687 = arith.addi %mul3A_38, %mul3A_686 : vector<16xi32>
      %add3A_688 = arith.addi %add3A_687, %min3A_683 : vector<16xi32>
      tpu.vector_store_idx %arg7[%add3A_688], %broadcast_in_dim3A_39 {add = true} : memref<65536xi32, #tpu.memory_space<vmem>>[vector<16xi32>], vector<16xi32>,
      %scan3A_689 = arith.constant 6 : i32
      %scan3A_690 = arith.addi %scan3A_410, %scan3A_689 : i32
      %mul3A_691 = arith.constant 1 : i32
      %mul3A_692 = arith.muli %scan3A_690, %mul3A_691 : i32
      %add3A_693 = arith.constant 0 : i32
      %add3A_694 = arith.addi %add3A_693, %mul3A_692 : i32
      %mul3A_695 = arith.constant 16 : i32
      %mul3A_696 = arith.muli %add3A_694, %mul3A_695 : i32
      %get3A_697 = arith.constant 0 : i32
      %get3A_698 = arith.index_cast %get3A_697 : i32 to index
      %get3A_699 = arith.index_cast %mul3A_696 : i32 to index
      %get3A_700 = tpu.vector_load %arg5[%get3A_698, %get3A_699] {strides = array<i32>} : memref<2x8192xf32, #tpu.memory_space<vmem>>, vector<16xf32>,
      %mul3A_701 = arith.constant 16 : i32
      %mul3A_702 = arith.muli %add3A_694, %mul3A_701 : i32
      %get3A_703 = arith.constant 0 : i32
      %get3A_704 = arith.index_cast %get3A_703 : i32 to index
      %get3A_705 = arith.index_cast %mul3A_702 : i32 to index
      %get3A_706 = tpu.vector_load %arg6[%get3A_704, %get3A_705] {strides = array<i32>} : memref<2x8192xi32, #tpu.memory_space<vmem>>, vector<16xi32>,
      %convert_element_type3A_707 = arith.sitofp %get3A_706 : vector<16xi32> to vector<16xf32>
      %mul3A_708 = arith.constant 2.000000e+00 : f32
      %mul3A_709 = vector.broadcast %mul3A_708 : f32 to vector<16xf32>
      %mul3A_710 = arith.mulf %mul3A_709, %convert_element_type3A_707 : vector<16xf32>
      %sub3A_711 = arith.constant 1.000000e+00 : f32
      %sub3A_712 = vector.broadcast %sub3A_711 : f32 to vector<16xf32>
      %sub3A_713 = arith.subf %mul3A_710, %sub3A_712 : vector<16xf32>
      %mul3A_714 = arith.constant 2.000000e+00 : f32
      %mul3A_715 = vector.broadcast %mul3A_714 : f32 to vector<16xf32>
      %mul3A_716 = arith.mulf %mul3A_715, %get3A_700 : vector<16xf32>
      %sub3A_717 = arith.constant 1.000000e+00 : f32
      %sub3A_718 = vector.broadcast %sub3A_717 : f32 to vector<16xf32>
      %sub3A_719 = arith.subf %mul3A_716, %sub3A_718 : vector<16xf32>
      %mul3A_720 = arith.mulf %sub3A_713, %sub3A_719 : vector<16xf32>
      %sub3A_721 = arith.constant 1.000000e+00 : f32
      %sub3A_722 = vector.broadcast %sub3A_721 : f32 to vector<16xf32>
      %sub3A_723 = arith.subf %sub3A_722, %mul3A_720 : vector<16xf32>
      %mul3A_724 = arith.constant 1.024000e+03 : f32
      %mul3A_725 = vector.broadcast %mul3A_724 : f32 to vector<16xf32>
      %mul3A_726 = arith.mulf %sub3A_723, %mul3A_725 : vector<16xf32>
      %convert_element_type3A_727 = arith.fptosi %mul3A_726 : vector<16xf32> to vector<16xi32>
      %min3A_728 = arith.constant 2047 : i32
      %min3A_729 = vector.broadcast %min3A_728 : i32 to vector<16xi32>
      %min3A_730 = arith.minsi %convert_element_type3A_727, %min3A_729 : vector<16xi32>
      %mul3A_731 = arith.constant 2048 : i32
      %mul3A_732 = vector.broadcast %mul3A_731 : i32 to vector<16xi32>
      %mul3A_733 = arith.muli %get3A_706, %mul3A_732 : vector<16xi32>
      %add3A_734 = arith.addi %mul3A_38, %mul3A_733 : vector<16xi32>
      %add3A_735 = arith.addi %add3A_734, %min3A_730 : vector<16xi32>
      tpu.vector_store_idx %arg7[%add3A_735], %broadcast_in_dim3A_39 {add = true} : memref<65536xi32, #tpu.memory_space<vmem>>[vector<16xi32>], vector<16xi32>,
      %scan3A_736 = arith.constant 7 : i32
      %scan3A_737 = arith.addi %scan3A_410, %scan3A_736 : i32
      %mul3A_738 = arith.constant 1 : i32
      %mul3A_739 = arith.muli %scan3A_737, %mul3A_738 : i32
      %add3A_740 = arith.constant 0 : i32
      %add3A_741 = arith.addi %add3A_740, %mul3A_739 : i32
      %mul3A_742 = arith.constant 16 : i32
      %mul3A_743 = arith.muli %add3A_741, %mul3A_742 : i32
      %get3A_744 = arith.constant 0 : i32
      %get3A_745 = arith.index_cast %get3A_744 : i32 to index
      %get3A_746 = arith.index_cast %mul3A_743 : i32 to index
      %get3A_747 = tpu.vector_load %arg5[%get3A_745, %get3A_746] {strides = array<i32>} : memref<2x8192xf32, #tpu.memory_space<vmem>>, vector<16xf32>,
      %mul3A_748 = arith.constant 16 : i32
      %mul3A_749 = arith.muli %add3A_741, %mul3A_748 : i32
      %get3A_750 = arith.constant 0 : i32
      %get3A_751 = arith.index_cast %get3A_750 : i32 to index
      %get3A_752 = arith.index_cast %mul3A_749 : i32 to index
      %get3A_753 = tpu.vector_load %arg6[%get3A_751, %get3A_752] {strides = array<i32>} : memref<2x8192xi32, #tpu.memory_space<vmem>>, vector<16xi32>,
      %convert_element_type3A_754 = arith.sitofp %get3A_753 : vector<16xi32> to vector<16xf32>
      %mul3A_755 = arith.constant 2.000000e+00 : f32
      %mul3A_756 = vector.broadcast %mul3A_755 : f32 to vector<16xf32>
      %mul3A_757 = arith.mulf %mul3A_756, %convert_element_type3A_754 : vector<16xf32>
      %sub3A_758 = arith.constant 1.000000e+00 : f32
      %sub3A_759 = vector.broadcast %sub3A_758 : f32 to vector<16xf32>
      %sub3A_760 = arith.subf %mul3A_757, %sub3A_759 : vector<16xf32>
      %mul3A_761 = arith.constant 2.000000e+00 : f32
      %mul3A_762 = vector.broadcast %mul3A_761 : f32 to vector<16xf32>
      %mul3A_763 = arith.mulf %mul3A_762, %get3A_747 : vector<16xf32>
      %sub3A_764 = arith.constant 1.000000e+00 : f32
      %sub3A_765 = vector.broadcast %sub3A_764 : f32 to vector<16xf32>
      %sub3A_766 = arith.subf %mul3A_763, %sub3A_765 : vector<16xf32>
      %mul3A_767 = arith.mulf %sub3A_760, %sub3A_766 : vector<16xf32>
      %sub3A_768 = arith.constant 1.000000e+00 : f32
      %sub3A_769 = vector.broadcast %sub3A_768 : f32 to vector<16xf32>
      %sub3A_770 = arith.subf %sub3A_769, %mul3A_767 : vector<16xf32>
      %mul3A_771 = arith.constant 1.024000e+03 : f32
      %mul3A_772 = vector.broadcast %mul3A_771 : f32 to vector<16xf32>
      %mul3A_773 = arith.mulf %sub3A_770, %mul3A_772 : vector<16xf32>
      %convert_element_type3A_774 = arith.fptosi %mul3A_773 : vector<16xf32> to vector<16xi32>
      %min3A_775 = arith.constant 2047 : i32
      %min3A_776 = vector.broadcast %min3A_775 : i32 to vector<16xi32>
      %min3A_777 = arith.minsi %convert_element_type3A_774, %min3A_776 : vector<16xi32>
      %mul3A_778 = arith.constant 2048 : i32
      %mul3A_779 = vector.broadcast %mul3A_778 : i32 to vector<16xi32>
      %mul3A_780 = arith.muli %get3A_753, %mul3A_779 : vector<16xi32>
      %add3A_781 = arith.addi %mul3A_38, %mul3A_780 : vector<16xi32>
      %add3A_782 = arith.addi %add3A_781, %min3A_777 : vector<16xi32>
      tpu.vector_store_idx %arg7[%add3A_782], %broadcast_in_dim3A_39 {add = true} : memref<65536xi32, #tpu.memory_space<vmem>>[vector<16xi32>], vector<16xi32>,
    }
    %scan3A_378 = arith.constant 512 : i32
    %dma_wait3A_379 = arith.constant 1 : i32
    %dma_wait3A_380 = arith.constant 0 : i32
    %dma_wait3A_381 = tpu.memref_slice %arg5[%dma_wait3A_379, %dma_wait3A_380] : memref<2x8192xf32, #tpu.memory_space<vmem>> -> memref<1x8192xf32, #tpu.memory_space<vmem>>
    %dma_wait3A_382 = tpu.memref_squeeze %dma_wait3A_381 : memref<1x8192xf32, #tpu.memory_space<vmem>> -> memref<8192xf32, #tpu.memory_space<vmem>>
    %dma_wait3A_383 = tpu.memref_slice %arg2[%add3A_335] : memref<2097152xf32, #tpu.memory_space<hbm>> -> memref<8192xf32, #tpu.memory_space<hbm>>
    %dma_wait3A_384 = arith.constant 0 : i32
    %dma_wait3A_385 = tpu.memref_slice %arg5[%dma_wait3A_379, %dma_wait3A_384] : memref<2x8192xf32, #tpu.memory_space<vmem>> -> memref<1x8192xf32, #tpu.memory_space<vmem>>
    %dma_wait3A_386 = tpu.memref_squeeze %dma_wait3A_385 : memref<1x8192xf32, #tpu.memory_space<vmem>> -> memref<8192xf32, #tpu.memory_space<vmem>>
    %dma_wait3A_387 = tpu.memref_slice %arg2[%add3A_335] : memref<2097152xf32, #tpu.memory_space<hbm>> -> memref<8192xf32, #tpu.memory_space<hbm>>
    tpu.wait_dma2 semaphore(%arg13 : memref<!tpu.dma_semaphore, #tpu.memory_space<semaphore_mem>>) src(%dma_wait3A_387 : memref<8192xf32, #tpu.memory_space<hbm>>) dst(%dma_wait3A_386 : memref<8192xf32, #tpu.memory_space<vmem>>)
    %dma_wait3A_388 = arith.constant 1 : i32
    %dma_wait3A_389 = arith.constant 0 : i32
    %dma_wait3A_390 = tpu.memref_slice %arg6[%dma_wait3A_388, %dma_wait3A_389] : memref<2x8192xi32, #tpu.memory_space<vmem>> -> memref<1x8192xi32, #tpu.memory_space<vmem>>
    %dma_wait3A_391 = tpu.memref_squeeze %dma_wait3A_390 : memref<1x8192xi32, #tpu.memory_space<vmem>> -> memref<8192xi32, #tpu.memory_space<vmem>>
    %dma_wait3A_392 = tpu.memref_slice %arg3[%add3A_346] : memref<2097152xi32, #tpu.memory_space<hbm>> -> memref<8192xi32, #tpu.memory_space<hbm>>
    %dma_wait3A_393 = arith.constant 0 : i32
    %dma_wait3A_394 = tpu.memref_slice %arg6[%dma_wait3A_388, %dma_wait3A_393] : memref<2x8192xi32, #tpu.memory_space<vmem>> -> memref<1x8192xi32, #tpu.memory_space<vmem>>
    %dma_wait3A_395 = tpu.memref_squeeze %dma_wait3A_394 : memref<1x8192xi32, #tpu.memory_space<vmem>> -> memref<8192xi32, #tpu.memory_space<vmem>>
    %dma_wait3A_396 = tpu.memref_slice %arg3[%add3A_346] : memref<2097152xi32, #tpu.memory_space<hbm>> -> memref<8192xi32, #tpu.memory_space<hbm>>
    tpu.wait_dma2 semaphore(%arg15 : memref<!tpu.dma_semaphore, #tpu.memory_space<semaphore_mem>>) src(%dma_wait3A_396 : memref<8192xi32, #tpu.memory_space<hbm>>) dst(%dma_wait3A_395 : memref<8192xi32, #tpu.memory_space<vmem>>)
    %scan3A_397 = arith.constant 0 : i32
    %scan3A_398 = arith.constant 512 : i32
    %scan3A_399 = arith.addi %scan3A_397, %scan3A_398 : i32
    %scan3A_400 = arith.constant 8 : i32
    scf.for %scan3A_410 = %scan3A_397 to %scan3A_399 step %scan3A_400  : i32 {
      %mul3A_411 = arith.constant 1 : i32
      %mul3A_412 = arith.muli %scan3A_410, %mul3A_411 : i32
      %add3A_413 = arith.constant 0 : i32
      %add3A_414 = arith.addi %add3A_413, %mul3A_412 : i32
      %mul3A_415 = arith.constant 16 : i32
      %mul3A_416 = arith.muli %add3A_414, %mul3A_415 : i32
      %get3A = arith.constant 1 : i32
      %get3A_417 = arith.index_cast %get3A : i32 to index
      %get3A_418 = arith.index_cast %mul3A_416 : i32 to index
      %get3A_419 = tpu.vector_load %arg5[%get3A_417, %get3A_418] {strides = array<i32>} : memref<2x8192xf32, #tpu.memory_space<vmem>>, vector<16xf32>,
      %mul3A_420 = arith.constant 16 : i32
      %mul3A_421 = arith.muli %add3A_414, %mul3A_420 : i32
      %get3A_422 = arith.constant 1 : i32
      %get3A_423 = arith.index_cast %get3A_422 : i32 to index
      %get3A_424 = arith.index_cast %mul3A_421 : i32 to index
      %get3A_425 = tpu.vector_load %arg6[%get3A_423, %get3A_424] {strides = array<i32>} : memref<2x8192xi32, #tpu.memory_space<vmem>>, vector<16xi32>,
      %convert_element_type3A_426 = arith.sitofp %get3A_425 : vector<16xi32> to vector<16xf32>
      %mul3A_427 = arith.constant 2.000000e+00 : f32
      %mul3A_428 = vector.broadcast %mul3A_427 : f32 to vector<16xf32>
      %mul3A_429 = arith.mulf %mul3A_428, %convert_element_type3A_426 : vector<16xf32>
      %sub3A_430 = arith.constant 1.000000e+00 : f32
      %sub3A_431 = vector.broadcast %sub3A_430 : f32 to vector<16xf32>
      %sub3A_432 = arith.subf %mul3A_429, %sub3A_431 : vector<16xf32>
      %mul3A_433 = arith.constant 2.000000e+00 : f32
      %mul3A_434 = vector.broadcast %mul3A_433 : f32 to vector<16xf32>
      %mul3A_435 = arith.mulf %mul3A_434, %get3A_419 : vector<16xf32>
      %sub3A_436 = arith.constant 1.000000e+00 : f32
      %sub3A_437 = vector.broadcast %sub3A_436 : f32 to vector<16xf32>
      %sub3A_438 = arith.subf %mul3A_435, %sub3A_437 : vector<16xf32>
      %mul3A_439 = arith.mulf %sub3A_432, %sub3A_438 : vector<16xf32>
      %sub3A_440 = arith.constant 1.000000e+00 : f32
      %sub3A_441 = vector.broadcast %sub3A_440 : f32 to vector<16xf32>
      %sub3A_442 = arith.subf %sub3A_441, %mul3A_439 : vector<16xf32>
      %mul3A_443 = arith.constant 1.024000e+03 : f32
      %mul3A_444 = vector.broadcast %mul3A_443 : f32 to vector<16xf32>
      %mul3A_445 = arith.mulf %sub3A_442, %mul3A_444 : vector<16xf32>
      %convert_element_type3A_446 = arith.fptosi %mul3A_445 : vector<16xf32> to vector<16xi32>
      %min3A = arith.constant 2047 : i32
      %min3A_447 = vector.broadcast %min3A : i32 to vector<16xi32>
      %min3A_448 = arith.minsi %convert_element_type3A_446, %min3A_447 : vector<16xi32>
      %mul3A_449 = arith.constant 2048 : i32
      %mul3A_450 = vector.broadcast %mul3A_449 : i32 to vector<16xi32>
      %mul3A_451 = arith.muli %get3A_425, %mul3A_450 : vector<16xi32>
      %add3A_452 = arith.addi %mul3A_38, %mul3A_451 : vector<16xi32>
      %add3A_453 = arith.addi %add3A_452, %min3A_448 : vector<16xi32>
      tpu.vector_store_idx %arg7[%add3A_453], %broadcast_in_dim3A_39 {add = true} : memref<65536xi32, #tpu.memory_space<vmem>>[vector<16xi32>], vector<16xi32>,
      %scan3A_454 = arith.constant 1 : i32
      %scan3A_455 = arith.addi %scan3A_410, %scan3A_454 : i32
      %mul3A_456 = arith.constant 1 : i32
      %mul3A_457 = arith.muli %scan3A_455, %mul3A_456 : i32
      %add3A_458 = arith.constant 0 : i32
      %add3A_459 = arith.addi %add3A_458, %mul3A_457 : i32
      %mul3A_460 = arith.constant 16 : i32
      %mul3A_461 = arith.muli %add3A_459, %mul3A_460 : i32
      %get3A_462 = arith.constant 1 : i32
      %get3A_463 = arith.index_cast %get3A_462 : i32 to index
      %get3A_464 = arith.index_cast %mul3A_461 : i32 to index
      %get3A_465 = tpu.vector_load %arg5[%get3A_463, %get3A_464] {strides = array<i32>} : memref<2x8192xf32, #tpu.memory_space<vmem>>, vector<16xf32>,
      %mul3A_466 = arith.constant 16 : i32
      %mul3A_467 = arith.muli %add3A_459, %mul3A_466 : i32
      %get3A_468 = arith.constant 1 : i32
      %get3A_469 = arith.index_cast %get3A_468 : i32 to index
      %get3A_470 = arith.index_cast %mul3A_467 : i32 to index
      %get3A_471 = tpu.vector_load %arg6[%get3A_469, %get3A_470] {strides = array<i32>} : memref<2x8192xi32, #tpu.memory_space<vmem>>, vector<16xi32>,
      %convert_element_type3A_472 = arith.sitofp %get3A_471 : vector<16xi32> to vector<16xf32>
      %mul3A_473 = arith.constant 2.000000e+00 : f32
      %mul3A_474 = vector.broadcast %mul3A_473 : f32 to vector<16xf32>
      %mul3A_475 = arith.mulf %mul3A_474, %convert_element_type3A_472 : vector<16xf32>
      %sub3A_476 = arith.constant 1.000000e+00 : f32
      %sub3A_477 = vector.broadcast %sub3A_476 : f32 to vector<16xf32>
      %sub3A_478 = arith.subf %mul3A_475, %sub3A_477 : vector<16xf32>
      %mul3A_479 = arith.constant 2.000000e+00 : f32
      %mul3A_480 = vector.broadcast %mul3A_479 : f32 to vector<16xf32>
      %mul3A_481 = arith.mulf %mul3A_480, %get3A_465 : vector<16xf32>
      %sub3A_482 = arith.constant 1.000000e+00 : f32
      %sub3A_483 = vector.broadcast %sub3A_482 : f32 to vector<16xf32>
      %sub3A_484 = arith.subf %mul3A_481, %sub3A_483 : vector<16xf32>
      %mul3A_485 = arith.mulf %sub3A_478, %sub3A_484 : vector<16xf32>
      %sub3A_486 = arith.constant 1.000000e+00 : f32
      %sub3A_487 = vector.broadcast %sub3A_486 : f32 to vector<16xf32>
      %sub3A_488 = arith.subf %sub3A_487, %mul3A_485 : vector<16xf32>
      %mul3A_489 = arith.constant 1.024000e+03 : f32
      %mul3A_490 = vector.broadcast %mul3A_489 : f32 to vector<16xf32>
      %mul3A_491 = arith.mulf %sub3A_488, %mul3A_490 : vector<16xf32>
      %convert_element_type3A_492 = arith.fptosi %mul3A_491 : vector<16xf32> to vector<16xi32>
      %min3A_493 = arith.constant 2047 : i32
      %min3A_494 = vector.broadcast %min3A_493 : i32 to vector<16xi32>
      %min3A_495 = arith.minsi %convert_element_type3A_492, %min3A_494 : vector<16xi32>
      %mul3A_496 = arith.constant 2048 : i32
      %mul3A_497 = vector.broadcast %mul3A_496 : i32 to vector<16xi32>
      %mul3A_498 = arith.muli %get3A_471, %mul3A_497 : vector<16xi32>
      %add3A_499 = arith.addi %mul3A_38, %mul3A_498 : vector<16xi32>
      %add3A_500 = arith.addi %add3A_499, %min3A_495 : vector<16xi32>
      tpu.vector_store_idx %arg7[%add3A_500], %broadcast_in_dim3A_39 {add = true} : memref<65536xi32, #tpu.memory_space<vmem>>[vector<16xi32>], vector<16xi32>,
      %scan3A_501 = arith.constant 2 : i32
      %scan3A_502 = arith.addi %scan3A_410, %scan3A_501 : i32
      %mul3A_503 = arith.constant 1 : i32
      %mul3A_504 = arith.muli %scan3A_502, %mul3A_503 : i32
      %add3A_505 = arith.constant 0 : i32
      %add3A_506 = arith.addi %add3A_505, %mul3A_504 : i32
      %mul3A_507 = arith.constant 16 : i32
      %mul3A_508 = arith.muli %add3A_506, %mul3A_507 : i32
      %get3A_509 = arith.constant 1 : i32
      %get3A_510 = arith.index_cast %get3A_509 : i32 to index
      %get3A_511 = arith.index_cast %mul3A_508 : i32 to index
      %get3A_512 = tpu.vector_load %arg5[%get3A_510, %get3A_511] {strides = array<i32>} : memref<2x8192xf32, #tpu.memory_space<vmem>>, vector<16xf32>,
      %mul3A_513 = arith.constant 16 : i32
      %mul3A_514 = arith.muli %add3A_506, %mul3A_513 : i32
      %get3A_515 = arith.constant 1 : i32
      %get3A_516 = arith.index_cast %get3A_515 : i32 to index
      %get3A_517 = arith.index_cast %mul3A_514 : i32 to index
      %get3A_518 = tpu.vector_load %arg6[%get3A_516, %get3A_517] {strides = array<i32>} : memref<2x8192xi32, #tpu.memory_space<vmem>>, vector<16xi32>,
      %convert_element_type3A_519 = arith.sitofp %get3A_518 : vector<16xi32> to vector<16xf32>
      %mul3A_520 = arith.constant 2.000000e+00 : f32
      %mul3A_521 = vector.broadcast %mul3A_520 : f32 to vector<16xf32>
      %mul3A_522 = arith.mulf %mul3A_521, %convert_element_type3A_519 : vector<16xf32>
      %sub3A_523 = arith.constant 1.000000e+00 : f32
      %sub3A_524 = vector.broadcast %sub3A_523 : f32 to vector<16xf32>
      %sub3A_525 = arith.subf %mul3A_522, %sub3A_524 : vector<16xf32>
      %mul3A_526 = arith.constant 2.000000e+00 : f32
      %mul3A_527 = vector.broadcast %mul3A_526 : f32 to vector<16xf32>
      %mul3A_528 = arith.mulf %mul3A_527, %get3A_512 : vector<16xf32>
      %sub3A_529 = arith.constant 1.000000e+00 : f32
      %sub3A_530 = vector.broadcast %sub3A_529 : f32 to vector<16xf32>
      %sub3A_531 = arith.subf %mul3A_528, %sub3A_530 : vector<16xf32>
      %mul3A_532 = arith.mulf %sub3A_525, %sub3A_531 : vector<16xf32>
      %sub3A_533 = arith.constant 1.000000e+00 : f32
      %sub3A_534 = vector.broadcast %sub3A_533 : f32 to vector<16xf32>
      %sub3A_535 = arith.subf %sub3A_534, %mul3A_532 : vector<16xf32>
      %mul3A_536 = arith.constant 1.024000e+03 : f32
      %mul3A_537 = vector.broadcast %mul3A_536 : f32 to vector<16xf32>
      %mul3A_538 = arith.mulf %sub3A_535, %mul3A_537 : vector<16xf32>
      %convert_element_type3A_539 = arith.fptosi %mul3A_538 : vector<16xf32> to vector<16xi32>
      %min3A_540 = arith.constant 2047 : i32
      %min3A_541 = vector.broadcast %min3A_540 : i32 to vector<16xi32>
      %min3A_542 = arith.minsi %convert_element_type3A_539, %min3A_541 : vector<16xi32>
      %mul3A_543 = arith.constant 2048 : i32
      %mul3A_544 = vector.broadcast %mul3A_543 : i32 to vector<16xi32>
      %mul3A_545 = arith.muli %get3A_518, %mul3A_544 : vector<16xi32>
      %add3A_546 = arith.addi %mul3A_38, %mul3A_545 : vector<16xi32>
      %add3A_547 = arith.addi %add3A_546, %min3A_542 : vector<16xi32>
      tpu.vector_store_idx %arg7[%add3A_547], %broadcast_in_dim3A_39 {add = true} : memref<65536xi32, #tpu.memory_space<vmem>>[vector<16xi32>], vector<16xi32>,
      %scan3A_548 = arith.constant 3 : i32
      %scan3A_549 = arith.addi %scan3A_410, %scan3A_548 : i32
      %mul3A_550 = arith.constant 1 : i32
      %mul3A_551 = arith.muli %scan3A_549, %mul3A_550 : i32
      %add3A_552 = arith.constant 0 : i32
      %add3A_553 = arith.addi %add3A_552, %mul3A_551 : i32
      %mul3A_554 = arith.constant 16 : i32
      %mul3A_555 = arith.muli %add3A_553, %mul3A_554 : i32
      %get3A_556 = arith.constant 1 : i32
      %get3A_557 = arith.index_cast %get3A_556 : i32 to index
      %get3A_558 = arith.index_cast %mul3A_555 : i32 to index
      %get3A_559 = tpu.vector_load %arg5[%get3A_557, %get3A_558] {strides = array<i32>} : memref<2x8192xf32, #tpu.memory_space<vmem>>, vector<16xf32>,
      %mul3A_560 = arith.constant 16 : i32
      %mul3A_561 = arith.muli %add3A_553, %mul3A_560 : i32
      %get3A_562 = arith.constant 1 : i32
      %get3A_563 = arith.index_cast %get3A_562 : i32 to index
      %get3A_564 = arith.index_cast %mul3A_561 : i32 to index
      %get3A_565 = tpu.vector_load %arg6[%get3A_563, %get3A_564] {strides = array<i32>} : memref<2x8192xi32, #tpu.memory_space<vmem>>, vector<16xi32>,
      %convert_element_type3A_566 = arith.sitofp %get3A_565 : vector<16xi32> to vector<16xf32>
      %mul3A_567 = arith.constant 2.000000e+00 : f32
      %mul3A_568 = vector.broadcast %mul3A_567 : f32 to vector<16xf32>
      %mul3A_569 = arith.mulf %mul3A_568, %convert_element_type3A_566 : vector<16xf32>
      %sub3A_570 = arith.constant 1.000000e+00 : f32
      %sub3A_571 = vector.broadcast %sub3A_570 : f32 to vector<16xf32>
      %sub3A_572 = arith.subf %mul3A_569, %sub3A_571 : vector<16xf32>
      %mul3A_573 = arith.constant 2.000000e+00 : f32
      %mul3A_574 = vector.broadcast %mul3A_573 : f32 to vector<16xf32>
      %mul3A_575 = arith.mulf %mul3A_574, %get3A_559 : vector<16xf32>
      %sub3A_576 = arith.constant 1.000000e+00 : f32
      %sub3A_577 = vector.broadcast %sub3A_576 : f32 to vector<16xf32>
      %sub3A_578 = arith.subf %mul3A_575, %sub3A_577 : vector<16xf32>
      %mul3A_579 = arith.mulf %sub3A_572, %sub3A_578 : vector<16xf32>
      %sub3A_580 = arith.constant 1.000000e+00 : f32
      %sub3A_581 = vector.broadcast %sub3A_580 : f32 to vector<16xf32>
      %sub3A_582 = arith.subf %sub3A_581, %mul3A_579 : vector<16xf32>
      %mul3A_583 = arith.constant 1.024000e+03 : f32
      %mul3A_584 = vector.broadcast %mul3A_583 : f32 to vector<16xf32>
      %mul3A_585 = arith.mulf %sub3A_582, %mul3A_584 : vector<16xf32>
      %convert_element_type3A_586 = arith.fptosi %mul3A_585 : vector<16xf32> to vector<16xi32>
      %min3A_587 = arith.constant 2047 : i32
      %min3A_588 = vector.broadcast %min3A_587 : i32 to vector<16xi32>
      %min3A_589 = arith.minsi %convert_element_type3A_586, %min3A_588 : vector<16xi32>
      %mul3A_590 = arith.constant 2048 : i32
      %mul3A_591 = vector.broadcast %mul3A_590 : i32 to vector<16xi32>
      %mul3A_592 = arith.muli %get3A_565, %mul3A_591 : vector<16xi32>
      %add3A_593 = arith.addi %mul3A_38, %mul3A_592 : vector<16xi32>
      %add3A_594 = arith.addi %add3A_593, %min3A_589 : vector<16xi32>
      tpu.vector_store_idx %arg7[%add3A_594], %broadcast_in_dim3A_39 {add = true} : memref<65536xi32, #tpu.memory_space<vmem>>[vector<16xi32>], vector<16xi32>,
      %scan3A_595 = arith.constant 4 : i32
      %scan3A_596 = arith.addi %scan3A_410, %scan3A_595 : i32
      %mul3A_597 = arith.constant 1 : i32
      %mul3A_598 = arith.muli %scan3A_596, %mul3A_597 : i32
      %add3A_599 = arith.constant 0 : i32
      %add3A_600 = arith.addi %add3A_599, %mul3A_598 : i32
      %mul3A_601 = arith.constant 16 : i32
      %mul3A_602 = arith.muli %add3A_600, %mul3A_601 : i32
      %get3A_603 = arith.constant 1 : i32
      %get3A_604 = arith.index_cast %get3A_603 : i32 to index
      %get3A_605 = arith.index_cast %mul3A_602 : i32 to index
      %get3A_606 = tpu.vector_load %arg5[%get3A_604, %get3A_605] {strides = array<i32>} : memref<2x8192xf32, #tpu.memory_space<vmem>>, vector<16xf32>,
      %mul3A_607 = arith.constant 16 : i32
      %mul3A_608 = arith.muli %add3A_600, %mul3A_607 : i32
      %get3A_609 = arith.constant 1 : i32
      %get3A_610 = arith.index_cast %get3A_609 : i32 to index
      %get3A_611 = arith.index_cast %mul3A_608 : i32 to index
      %get3A_612 = tpu.vector_load %arg6[%get3A_610, %get3A_611] {strides = array<i32>} : memref<2x8192xi32, #tpu.memory_space<vmem>>, vector<16xi32>,
      %convert_element_type3A_613 = arith.sitofp %get3A_612 : vector<16xi32> to vector<16xf32>
      %mul3A_614 = arith.constant 2.000000e+00 : f32
      %mul3A_615 = vector.broadcast %mul3A_614 : f32 to vector<16xf32>
      %mul3A_616 = arith.mulf %mul3A_615, %convert_element_type3A_613 : vector<16xf32>
      %sub3A_617 = arith.constant 1.000000e+00 : f32
      %sub3A_618 = vector.broadcast %sub3A_617 : f32 to vector<16xf32>
      %sub3A_619 = arith.subf %mul3A_616, %sub3A_618 : vector<16xf32>
      %mul3A_620 = arith.constant 2.000000e+00 : f32
      %mul3A_621 = vector.broadcast %mul3A_620 : f32 to vector<16xf32>
      %mul3A_622 = arith.mulf %mul3A_621, %get3A_606 : vector<16xf32>
      %sub3A_623 = arith.constant 1.000000e+00 : f32
      %sub3A_624 = vector.broadcast %sub3A_623 : f32 to vector<16xf32>
      %sub3A_625 = arith.subf %mul3A_622, %sub3A_624 : vector<16xf32>
      %mul3A_626 = arith.mulf %sub3A_619, %sub3A_625 : vector<16xf32>
      %sub3A_627 = arith.constant 1.000000e+00 : f32
      %sub3A_628 = vector.broadcast %sub3A_627 : f32 to vector<16xf32>
      %sub3A_629 = arith.subf %sub3A_628, %mul3A_626 : vector<16xf32>
      %mul3A_630 = arith.constant 1.024000e+03 : f32
      %mul3A_631 = vector.broadcast %mul3A_630 : f32 to vector<16xf32>
      %mul3A_632 = arith.mulf %sub3A_629, %mul3A_631 : vector<16xf32>
      %convert_element_type3A_633 = arith.fptosi %mul3A_632 : vector<16xf32> to vector<16xi32>
      %min3A_634 = arith.constant 2047 : i32
      %min3A_635 = vector.broadcast %min3A_634 : i32 to vector<16xi32>
      %min3A_636 = arith.minsi %convert_element_type3A_633, %min3A_635 : vector<16xi32>
      %mul3A_637 = arith.constant 2048 : i32
      %mul3A_638 = vector.broadcast %mul3A_637 : i32 to vector<16xi32>
      %mul3A_639 = arith.muli %get3A_612, %mul3A_638 : vector<16xi32>
      %add3A_640 = arith.addi %mul3A_38, %mul3A_639 : vector<16xi32>
      %add3A_641 = arith.addi %add3A_640, %min3A_636 : vector<16xi32>
      tpu.vector_store_idx %arg7[%add3A_641], %broadcast_in_dim3A_39 {add = true} : memref<65536xi32, #tpu.memory_space<vmem>>[vector<16xi32>], vector<16xi32>,
      %scan3A_642 = arith.constant 5 : i32
      %scan3A_643 = arith.addi %scan3A_410, %scan3A_642 : i32
      %mul3A_644 = arith.constant 1 : i32
      %mul3A_645 = arith.muli %scan3A_643, %mul3A_644 : i32
      %add3A_646 = arith.constant 0 : i32
      %add3A_647 = arith.addi %add3A_646, %mul3A_645 : i32
      %mul3A_648 = arith.constant 16 : i32
      %mul3A_649 = arith.muli %add3A_647, %mul3A_648 : i32
      %get3A_650 = arith.constant 1 : i32
      %get3A_651 = arith.index_cast %get3A_650 : i32 to index
      %get3A_652 = arith.index_cast %mul3A_649 : i32 to index
      %get3A_653 = tpu.vector_load %arg5[%get3A_651, %get3A_652] {strides = array<i32>} : memref<2x8192xf32, #tpu.memory_space<vmem>>, vector<16xf32>,
      %mul3A_654 = arith.constant 16 : i32
      %mul3A_655 = arith.muli %add3A_647, %mul3A_654 : i32
      %get3A_656 = arith.constant 1 : i32
      %get3A_657 = arith.index_cast %get3A_656 : i32 to index
      %get3A_658 = arith.index_cast %mul3A_655 : i32 to index
      %get3A_659 = tpu.vector_load %arg6[%get3A_657, %get3A_658] {strides = array<i32>} : memref<2x8192xi32, #tpu.memory_space<vmem>>, vector<16xi32>,
      %convert_element_type3A_660 = arith.sitofp %get3A_659 : vector<16xi32> to vector<16xf32>
      %mul3A_661 = arith.constant 2.000000e+00 : f32
      %mul3A_662 = vector.broadcast %mul3A_661 : f32 to vector<16xf32>
      %mul3A_663 = arith.mulf %mul3A_662, %convert_element_type3A_660 : vector<16xf32>
      %sub3A_664 = arith.constant 1.000000e+00 : f32
      %sub3A_665 = vector.broadcast %sub3A_664 : f32 to vector<16xf32>
      %sub3A_666 = arith.subf %mul3A_663, %sub3A_665 : vector<16xf32>
      %mul3A_667 = arith.constant 2.000000e+00 : f32
      %mul3A_668 = vector.broadcast %mul3A_667 : f32 to vector<16xf32>
      %mul3A_669 = arith.mulf %mul3A_668, %get3A_653 : vector<16xf32>
      %sub3A_670 = arith.constant 1.000000e+00 : f32
      %sub3A_671 = vector.broadcast %sub3A_670 : f32 to vector<16xf32>
      %sub3A_672 = arith.subf %mul3A_669, %sub3A_671 : vector<16xf32>
      %mul3A_673 = arith.mulf %sub3A_666, %sub3A_672 : vector<16xf32>
      %sub3A_674 = arith.constant 1.000000e+00 : f32
      %sub3A_675 = vector.broadcast %sub3A_674 : f32 to vector<16xf32>
      %sub3A_676 = arith.subf %sub3A_675, %mul3A_673 : vector<16xf32>
      %mul3A_677 = arith.constant 1.024000e+03 : f32
      %mul3A_678 = vector.broadcast %mul3A_677 : f32 to vector<16xf32>
      %mul3A_679 = arith.mulf %sub3A_676, %mul3A_678 : vector<16xf32>
      %convert_element_type3A_680 = arith.fptosi %mul3A_679 : vector<16xf32> to vector<16xi32>
      %min3A_681 = arith.constant 2047 : i32
      %min3A_682 = vector.broadcast %min3A_681 : i32 to vector<16xi32>
      %min3A_683 = arith.minsi %convert_element_type3A_680, %min3A_682 : vector<16xi32>
      %mul3A_684 = arith.constant 2048 : i32
      %mul3A_685 = vector.broadcast %mul3A_684 : i32 to vector<16xi32>
      %mul3A_686 = arith.muli %get3A_659, %mul3A_685 : vector<16xi32>
      %add3A_687 = arith.addi %mul3A_38, %mul3A_686 : vector<16xi32>
      %add3A_688 = arith.addi %add3A_687, %min3A_683 : vector<16xi32>
      tpu.vector_store_idx %arg7[%add3A_688], %broadcast_in_dim3A_39 {add = true} : memref<65536xi32, #tpu.memory_space<vmem>>[vector<16xi32>], vector<16xi32>,
      %scan3A_689 = arith.constant 6 : i32
      %scan3A_690 = arith.addi %scan3A_410, %scan3A_689 : i32
      %mul3A_691 = arith.constant 1 : i32
      %mul3A_692 = arith.muli %scan3A_690, %mul3A_691 : i32
      %add3A_693 = arith.constant 0 : i32
      %add3A_694 = arith.addi %add3A_693, %mul3A_692 : i32
      %mul3A_695 = arith.constant 16 : i32
      %mul3A_696 = arith.muli %add3A_694, %mul3A_695 : i32
      %get3A_697 = arith.constant 1 : i32
      %get3A_698 = arith.index_cast %get3A_697 : i32 to index
      %get3A_699 = arith.index_cast %mul3A_696 : i32 to index
      %get3A_700 = tpu.vector_load %arg5[%get3A_698, %get3A_699] {strides = array<i32>} : memref<2x8192xf32, #tpu.memory_space<vmem>>, vector<16xf32>,
      %mul3A_701 = arith.constant 16 : i32
      %mul3A_702 = arith.muli %add3A_694, %mul3A_701 : i32
      %get3A_703 = arith.constant 1 : i32
      %get3A_704 = arith.index_cast %get3A_703 : i32 to index
      %get3A_705 = arith.index_cast %mul3A_702 : i32 to index
      %get3A_706 = tpu.vector_load %arg6[%get3A_704, %get3A_705] {strides = array<i32>} : memref<2x8192xi32, #tpu.memory_space<vmem>>, vector<16xi32>,
      %convert_element_type3A_707 = arith.sitofp %get3A_706 : vector<16xi32> to vector<16xf32>
      %mul3A_708 = arith.constant 2.000000e+00 : f32
      %mul3A_709 = vector.broadcast %mul3A_708 : f32 to vector<16xf32>
      %mul3A_710 = arith.mulf %mul3A_709, %convert_element_type3A_707 : vector<16xf32>
      %sub3A_711 = arith.constant 1.000000e+00 : f32
      %sub3A_712 = vector.broadcast %sub3A_711 : f32 to vector<16xf32>
      %sub3A_713 = arith.subf %mul3A_710, %sub3A_712 : vector<16xf32>
      %mul3A_714 = arith.constant 2.000000e+00 : f32
      %mul3A_715 = vector.broadcast %mul3A_714 : f32 to vector<16xf32>
      %mul3A_716 = arith.mulf %mul3A_715, %get3A_700 : vector<16xf32>
      %sub3A_717 = arith.constant 1.000000e+00 : f32
      %sub3A_718 = vector.broadcast %sub3A_717 : f32 to vector<16xf32>
      %sub3A_719 = arith.subf %mul3A_716, %sub3A_718 : vector<16xf32>
      %mul3A_720 = arith.mulf %sub3A_713, %sub3A_719 : vector<16xf32>
      %sub3A_721 = arith.constant 1.000000e+00 : f32
      %sub3A_722 = vector.broadcast %sub3A_721 : f32 to vector<16xf32>
      %sub3A_723 = arith.subf %sub3A_722, %mul3A_720 : vector<16xf32>
      %mul3A_724 = arith.constant 1.024000e+03 : f32
      %mul3A_725 = vector.broadcast %mul3A_724 : f32 to vector<16xf32>
      %mul3A_726 = arith.mulf %sub3A_723, %mul3A_725 : vector<16xf32>
      %convert_element_type3A_727 = arith.fptosi %mul3A_726 : vector<16xf32> to vector<16xi32>
      %min3A_728 = arith.constant 2047 : i32
      %min3A_729 = vector.broadcast %min3A_728 : i32 to vector<16xi32>
      %min3A_730 = arith.minsi %convert_element_type3A_727, %min3A_729 : vector<16xi32>
      %mul3A_731 = arith.constant 2048 : i32
      %mul3A_732 = vector.broadcast %mul3A_731 : i32 to vector<16xi32>
      %mul3A_733 = arith.muli %get3A_706, %mul3A_732 : vector<16xi32>
      %add3A_734 = arith.addi %mul3A_38, %mul3A_733 : vector<16xi32>
      %add3A_735 = arith.addi %add3A_734, %min3A_730 : vector<16xi32>
      tpu.vector_store_idx %arg7[%add3A_735], %broadcast_in_dim3A_39 {add = true} : memref<65536xi32, #tpu.memory_space<vmem>>[vector<16xi32>], vector<16xi32>,
      %scan3A_736 = arith.constant 7 : i32
      %scan3A_737 = arith.addi %scan3A_410, %scan3A_736 : i32
      %mul3A_738 = arith.constant 1 : i32
      %mul3A_739 = arith.muli %scan3A_737, %mul3A_738 : i32
      %add3A_740 = arith.constant 0 : i32
      %add3A_741 = arith.addi %add3A_740, %mul3A_739 : i32
      %mul3A_742 = arith.constant 16 : i32
      %mul3A_743 = arith.muli %add3A_741, %mul3A_742 : i32
      %get3A_744 = arith.constant 1 : i32
      %get3A_745 = arith.index_cast %get3A_744 : i32 to index
      %get3A_746 = arith.index_cast %mul3A_743 : i32 to index
      %get3A_747 = tpu.vector_load %arg5[%get3A_745, %get3A_746] {strides = array<i32>} : memref<2x8192xf32, #tpu.memory_space<vmem>>, vector<16xf32>,
      %mul3A_748 = arith.constant 16 : i32
      %mul3A_749 = arith.muli %add3A_741, %mul3A_748 : i32
      %get3A_750 = arith.constant 1 : i32
      %get3A_751 = arith.index_cast %get3A_750 : i32 to index
      %get3A_752 = arith.index_cast %mul3A_749 : i32 to index
      %get3A_753 = tpu.vector_load %arg6[%get3A_751, %get3A_752] {strides = array<i32>} : memref<2x8192xi32, #tpu.memory_space<vmem>>, vector<16xi32>,
      %convert_element_type3A_754 = arith.sitofp %get3A_753 : vector<16xi32> to vector<16xf32>
      %mul3A_755 = arith.constant 2.000000e+00 : f32
      %mul3A_756 = vector.broadcast %mul3A_755 : f32 to vector<16xf32>
      %mul3A_757 = arith.mulf %mul3A_756, %convert_element_type3A_754 : vector<16xf32>
      %sub3A_758 = arith.constant 1.000000e+00 : f32
      %sub3A_759 = vector.broadcast %sub3A_758 : f32 to vector<16xf32>
      %sub3A_760 = arith.subf %mul3A_757, %sub3A_759 : vector<16xf32>
      %mul3A_761 = arith.constant 2.000000e+00 : f32
      %mul3A_762 = vector.broadcast %mul3A_761 : f32 to vector<16xf32>
      %mul3A_763 = arith.mulf %mul3A_762, %get3A_747 : vector<16xf32>
      %sub3A_764 = arith.constant 1.000000e+00 : f32
      %sub3A_765 = vector.broadcast %sub3A_764 : f32 to vector<16xf32>
      %sub3A_766 = arith.subf %mul3A_763, %sub3A_765 : vector<16xf32>
      %mul3A_767 = arith.mulf %sub3A_760, %sub3A_766 : vector<16xf32>
      %sub3A_768 = arith.constant 1.000000e+00 : f32
      %sub3A_769 = vector.broadcast %sub3A_768 : f32 to vector<16xf32>
      %sub3A_770 = arith.subf %sub3A_769, %mul3A_767 : vector<16xf32>
      %mul3A_771 = arith.constant 1.024000e+03 : f32
      %mul3A_772 = vector.broadcast %mul3A_771 : f32 to vector<16xf32>
      %mul3A_773 = arith.mulf %sub3A_770, %mul3A_772 : vector<16xf32>
      %convert_element_type3A_774 = arith.fptosi %mul3A_773 : vector<16xf32> to vector<16xi32>
      %min3A_775 = arith.constant 2047 : i32
      %min3A_776 = vector.broadcast %min3A_775 : i32 to vector<16xi32>
      %min3A_777 = arith.minsi %convert_element_type3A_774, %min3A_776 : vector<16xi32>
      %mul3A_778 = arith.constant 2048 : i32
      %mul3A_779 = vector.broadcast %mul3A_778 : i32 to vector<16xi32>
      %mul3A_780 = arith.muli %get3A_753, %mul3A_779 : vector<16xi32>
      %add3A_781 = arith.addi %mul3A_38, %mul3A_780 : vector<16xi32>
      %add3A_782 = arith.addi %add3A_781, %min3A_777 : vector<16xi32>
      tpu.vector_store_idx %arg7[%add3A_782], %broadcast_in_dim3A_39 {add = true} : memref<65536xi32, #tpu.memory_space<vmem>>[vector<16xi32>], vector<16xi32>,
    }
    %scan3A_401 = arith.constant 512 : i32
    %scan3A_402 = arith.constant 0 : i32
    %scan3A_403 = arith.constant 256 : i32
    %scan3A_404 = arith.addi %scan3A_402, %scan3A_403 : i32
    %scan3A_405 = arith.constant 2 : i32
    scf.for %scan3A_410 = %scan3A_402 to %scan3A_404 step %scan3A_405  : i32 {
      %mul3A_411 = arith.constant 1 : i32
      %mul3A_412 = arith.muli %scan3A_410, %mul3A_411 : i32
      %add3A_413 = arith.constant 0 : i32
      %add3A_414 = arith.addi %add3A_413, %mul3A_412 : i32
      %mul3A_415 = arith.constant 16 : i32
      %mul3A_416 = arith.muli %add3A_414, %mul3A_415 : i32
      %get3A = arith.index_cast %mul3A_416 : i32 to index
      %get3A_417 = tpu.vector_load %arg7[%get3A] {strides = array<i32>} : memref<65536xi32, #tpu.memory_space<vmem>>, vector<16xi32>,
      %mul3A_418 = arith.constant 16 : i32
      %mul3A_419 = arith.muli %add3A_414, %mul3A_418 : i32
      %add3A_420 = arith.constant 4096 : i32
      %add3A_421 = arith.addi %add3A_420, %mul3A_419 : i32
      %get3A_422 = arith.index_cast %add3A_421 : i32 to index
      %get3A_423 = tpu.vector_load %arg7[%get3A_422] {strides = array<i32>} : memref<65536xi32, #tpu.memory_space<vmem>>, vector<16xi32>,
      %add3A_424 = arith.addi %get3A_417, %get3A_423 : vector<16xi32>
      %mul3A_425 = arith.constant 16 : i32
      %mul3A_426 = arith.muli %add3A_414, %mul3A_425 : i32
      %add3A_427 = arith.constant 8192 : i32
      %add3A_428 = arith.addi %add3A_427, %mul3A_426 : i32
      %get3A_429 = arith.index_cast %add3A_428 : i32 to index
      %get3A_430 = tpu.vector_load %arg7[%get3A_429] {strides = array<i32>} : memref<65536xi32, #tpu.memory_space<vmem>>, vector<16xi32>,
      %add3A_431 = arith.addi %add3A_424, %get3A_430 : vector<16xi32>
      %mul3A_432 = arith.constant 16 : i32
      %mul3A_433 = arith.muli %add3A_414, %mul3A_432 : i32
      %add3A_434 = arith.constant 12288 : i32
      %add3A_435 = arith.addi %add3A_434, %mul3A_433 : i32
      %get3A_436 = arith.index_cast %add3A_435 : i32 to index
      %get3A_437 = tpu.vector_load %arg7[%get3A_436] {strides = array<i32>} : memref<65536xi32, #tpu.memory_space<vmem>>, vector<16xi32>,
      %add3A_438 = arith.addi %add3A_431, %get3A_437 : vector<16xi32>
      %mul3A_439 = arith.constant 16 : i32
      %mul3A_440 = arith.muli %add3A_414, %mul3A_439 : i32
      %add3A_441 = arith.constant 16384 : i32
      %add3A_442 = arith.addi %add3A_441, %mul3A_440 : i32
      %get3A_443 = arith.index_cast %add3A_442 : i32 to index
      %get3A_444 = tpu.vector_load %arg7[%get3A_443] {strides = array<i32>} : memref<65536xi32, #tpu.memory_space<vmem>>, vector<16xi32>,
      %add3A_445 = arith.addi %add3A_438, %get3A_444 : vector<16xi32>
      %mul3A_446 = arith.constant 16 : i32
      %mul3A_447 = arith.muli %add3A_414, %mul3A_446 : i32
      %add3A_448 = arith.constant 20480 : i32
      %add3A_449 = arith.addi %add3A_448, %mul3A_447 : i32
      %get3A_450 = arith.index_cast %add3A_449 : i32 to index
      %get3A_451 = tpu.vector_load %arg7[%get3A_450] {strides = array<i32>} : memref<65536xi32, #tpu.memory_space<vmem>>, vector<16xi32>,
      %add3A_452 = arith.addi %add3A_445, %get3A_451 : vector<16xi32>
      %mul3A_453 = arith.constant 16 : i32
      %mul3A_454 = arith.muli %add3A_414, %mul3A_453 : i32
      %add3A_455 = arith.constant 24576 : i32
      %add3A_456 = arith.addi %add3A_455, %mul3A_454 : i32
      %get3A_457 = arith.index_cast %add3A_456 : i32 to index
      %get3A_458 = tpu.vector_load %arg7[%get3A_457] {strides = array<i32>} : memref<65536xi32, #tpu.memory_space<vmem>>, vector<16xi32>,
      %add3A_459 = arith.addi %add3A_452, %get3A_458 : vector<16xi32>
      %mul3A_460 = arith.constant 16 : i32
      %mul3A_461 = arith.muli %add3A_414, %mul3A_460 : i32
      %add3A_462 = arith.constant 28672 : i32
      %add3A_463 = arith.addi %add3A_462, %mul3A_461 : i32
      %get3A_464 = arith.index_cast %add3A_463 : i32 to index
      %get3A_465 = tpu.vector_load %arg7[%get3A_464] {strides = array<i32>} : memref<65536xi32, #tpu.memory_space<vmem>>, vector<16xi32>,
      %add3A_466 = arith.addi %add3A_459, %get3A_465 : vector<16xi32>
      %mul3A_467 = arith.constant 16 : i32
      %mul3A_468 = arith.muli %add3A_414, %mul3A_467 : i32
      %add3A_469 = arith.constant 32768 : i32
      %add3A_470 = arith.addi %add3A_469, %mul3A_468 : i32
      %get3A_471 = arith.index_cast %add3A_470 : i32 to index
      %get3A_472 = tpu.vector_load %arg7[%get3A_471] {strides = array<i32>} : memref<65536xi32, #tpu.memory_space<vmem>>, vector<16xi32>,
      %add3A_473 = arith.addi %add3A_466, %get3A_472 : vector<16xi32>
      %mul3A_474 = arith.constant 16 : i32
      %mul3A_475 = arith.muli %add3A_414, %mul3A_474 : i32
      %add3A_476 = arith.constant 36864 : i32
      %add3A_477 = arith.addi %add3A_476, %mul3A_475 : i32
      %get3A_478 = arith.index_cast %add3A_477 : i32 to index
      %get3A_479 = tpu.vector_load %arg7[%get3A_478] {strides = array<i32>} : memref<65536xi32, #tpu.memory_space<vmem>>, vector<16xi32>,
      %add3A_480 = arith.addi %add3A_473, %get3A_479 : vector<16xi32>
      %mul3A_481 = arith.constant 16 : i32
      %mul3A_482 = arith.muli %add3A_414, %mul3A_481 : i32
      %add3A_483 = arith.constant 40960 : i32
      %add3A_484 = arith.addi %add3A_483, %mul3A_482 : i32
      %get3A_485 = arith.index_cast %add3A_484 : i32 to index
      %get3A_486 = tpu.vector_load %arg7[%get3A_485] {strides = array<i32>} : memref<65536xi32, #tpu.memory_space<vmem>>, vector<16xi32>,
      %add3A_487 = arith.addi %add3A_480, %get3A_486 : vector<16xi32>
      %mul3A_488 = arith.constant 16 : i32
      %mul3A_489 = arith.muli %add3A_414, %mul3A_488 : i32
      %add3A_490 = arith.constant 45056 : i32
      %add3A_491 = arith.addi %add3A_490, %mul3A_489 : i32
      %get3A_492 = arith.index_cast %add3A_491 : i32 to index
      %get3A_493 = tpu.vector_load %arg7[%get3A_492] {strides = array<i32>} : memref<65536xi32, #tpu.memory_space<vmem>>, vector<16xi32>,
      %add3A_494 = arith.addi %add3A_487, %get3A_493 : vector<16xi32>
      %mul3A_495 = arith.constant 16 : i32
      %mul3A_496 = arith.muli %add3A_414, %mul3A_495 : i32
      %add3A_497 = arith.constant 49152 : i32
      %add3A_498 = arith.addi %add3A_497, %mul3A_496 : i32
      %get3A_499 = arith.index_cast %add3A_498 : i32 to index
      %get3A_500 = tpu.vector_load %arg7[%get3A_499] {strides = array<i32>} : memref<65536xi32, #tpu.memory_space<vmem>>, vector<16xi32>,
      %add3A_501 = arith.addi %add3A_494, %get3A_500 : vector<16xi32>
      %mul3A_502 = arith.constant 16 : i32
      %mul3A_503 = arith.muli %add3A_414, %mul3A_502 : i32
      %add3A_504 = arith.constant 53248 : i32
      %add3A_505 = arith.addi %add3A_504, %mul3A_503 : i32
      %get3A_506 = arith.index_cast %add3A_505 : i32 to index
      %get3A_507 = tpu.vector_load %arg7[%get3A_506] {strides = array<i32>} : memref<65536xi32, #tpu.memory_space<vmem>>, vector<16xi32>,
      %add3A_508 = arith.addi %add3A_501, %get3A_507 : vector<16xi32>
      %mul3A_509 = arith.constant 16 : i32
      %mul3A_510 = arith.muli %add3A_414, %mul3A_509 : i32
      %add3A_511 = arith.constant 57344 : i32
      %add3A_512 = arith.addi %add3A_511, %mul3A_510 : i32
      %get3A_513 = arith.index_cast %add3A_512 : i32 to index
      %get3A_514 = tpu.vector_load %arg7[%get3A_513] {strides = array<i32>} : memref<65536xi32, #tpu.memory_space<vmem>>, vector<16xi32>,
      %add3A_515 = arith.addi %add3A_508, %get3A_514 : vector<16xi32>
      %mul3A_516 = arith.constant 16 : i32
      %mul3A_517 = arith.muli %add3A_414, %mul3A_516 : i32
      %add3A_518 = arith.constant 61440 : i32
      %add3A_519 = arith.addi %add3A_518, %mul3A_517 : i32
      %get3A_520 = arith.index_cast %add3A_519 : i32 to index
      %get3A_521 = tpu.vector_load %arg7[%get3A_520] {strides = array<i32>} : memref<65536xi32, #tpu.memory_space<vmem>>, vector<16xi32>,
      %add3A_522 = arith.addi %add3A_515, %get3A_521 : vector<16xi32>
      %mul3A_523 = arith.constant 16 : i32
      %mul3A_524 = arith.muli %add3A_414, %mul3A_523 : i32
      %swap3A = arith.index_cast %mul3A_524 : i32 to index
      %swap3A_525 = tpu.vector_load %arg8[%swap3A] {strides = array<i32>} : memref<4096xi32, #tpu.memory_space<vmem>>, vector<16xi32>,
      tpu.vector_store %arg8[%swap3A], %add3A_522 {strides = array<i32>} : memref<4096xi32, #tpu.memory_space<vmem>>, vector<16xi32>,
      %scan3A_526 = arith.constant 1 : i32
      %scan3A_527 = arith.addi %scan3A_410, %scan3A_526 : i32
      %mul3A_528 = arith.constant 1 : i32
      %mul3A_529 = arith.muli %scan3A_527, %mul3A_528 : i32
      %add3A_530 = arith.constant 0 : i32
      %add3A_531 = arith.addi %add3A_530, %mul3A_529 : i32
      %mul3A_532 = arith.constant 16 : i32
      %mul3A_533 = arith.muli %add3A_531, %mul3A_532 : i32
      %get3A_534 = arith.index_cast %mul3A_533 : i32 to index
      %get3A_535 = tpu.vector_load %arg7[%get3A_534] {strides = array<i32>} : memref<65536xi32, #tpu.memory_space<vmem>>, vector<16xi32>,
      %mul3A_536 = arith.constant 16 : i32
      %mul3A_537 = arith.muli %add3A_531, %mul3A_536 : i32
      %add3A_538 = arith.constant 4096 : i32
      %add3A_539 = arith.addi %add3A_538, %mul3A_537 : i32
      %get3A_540 = arith.index_cast %add3A_539 : i32 to index
      %get3A_541 = tpu.vector_load %arg7[%get3A_540] {strides = array<i32>} : memref<65536xi32, #tpu.memory_space<vmem>>, vector<16xi32>,
      %add3A_542 = arith.addi %get3A_535, %get3A_541 : vector<16xi32>
      %mul3A_543 = arith.constant 16 : i32
      %mul3A_544 = arith.muli %add3A_531, %mul3A_543 : i32
      %add3A_545 = arith.constant 8192 : i32
      %add3A_546 = arith.addi %add3A_545, %mul3A_544 : i32
      %get3A_547 = arith.index_cast %add3A_546 : i32 to index
      %get3A_548 = tpu.vector_load %arg7[%get3A_547] {strides = array<i32>} : memref<65536xi32, #tpu.memory_space<vmem>>, vector<16xi32>,
      %add3A_549 = arith.addi %add3A_542, %get3A_548 : vector<16xi32>
      %mul3A_550 = arith.constant 16 : i32
      %mul3A_551 = arith.muli %add3A_531, %mul3A_550 : i32
      %add3A_552 = arith.constant 12288 : i32
      %add3A_553 = arith.addi %add3A_552, %mul3A_551 : i32
      %get3A_554 = arith.index_cast %add3A_553 : i32 to index
      %get3A_555 = tpu.vector_load %arg7[%get3A_554] {strides = array<i32>} : memref<65536xi32, #tpu.memory_space<vmem>>, vector<16xi32>,
      %add3A_556 = arith.addi %add3A_549, %get3A_555 : vector<16xi32>
      %mul3A_557 = arith.constant 16 : i32
      %mul3A_558 = arith.muli %add3A_531, %mul3A_557 : i32
      %add3A_559 = arith.constant 16384 : i32
      %add3A_560 = arith.addi %add3A_559, %mul3A_558 : i32
      %get3A_561 = arith.index_cast %add3A_560 : i32 to index
      %get3A_562 = tpu.vector_load %arg7[%get3A_561] {strides = array<i32>} : memref<65536xi32, #tpu.memory_space<vmem>>, vector<16xi32>,
      %add3A_563 = arith.addi %add3A_556, %get3A_562 : vector<16xi32>
      %mul3A_564 = arith.constant 16 : i32
      %mul3A_565 = arith.muli %add3A_531, %mul3A_564 : i32
      %add3A_566 = arith.constant 20480 : i32
      %add3A_567 = arith.addi %add3A_566, %mul3A_565 : i32
      %get3A_568 = arith.index_cast %add3A_567 : i32 to index
      %get3A_569 = tpu.vector_load %arg7[%get3A_568] {strides = array<i32>} : memref<65536xi32, #tpu.memory_space<vmem>>, vector<16xi32>,
      %add3A_570 = arith.addi %add3A_563, %get3A_569 : vector<16xi32>
      %mul3A_571 = arith.constant 16 : i32
      %mul3A_572 = arith.muli %add3A_531, %mul3A_571 : i32
      %add3A_573 = arith.constant 24576 : i32
      %add3A_574 = arith.addi %add3A_573, %mul3A_572 : i32
      %get3A_575 = arith.index_cast %add3A_574 : i32 to index
      %get3A_576 = tpu.vector_load %arg7[%get3A_575] {strides = array<i32>} : memref<65536xi32, #tpu.memory_space<vmem>>, vector<16xi32>,
      %add3A_577 = arith.addi %add3A_570, %get3A_576 : vector<16xi32>
      %mul3A_578 = arith.constant 16 : i32
      %mul3A_579 = arith.muli %add3A_531, %mul3A_578 : i32
      %add3A_580 = arith.constant 28672 : i32
      %add3A_581 = arith.addi %add3A_580, %mul3A_579 : i32
      %get3A_582 = arith.index_cast %add3A_581 : i32 to index
      %get3A_583 = tpu.vector_load %arg7[%get3A_582] {strides = array<i32>} : memref<65536xi32, #tpu.memory_space<vmem>>, vector<16xi32>,
      %add3A_584 = arith.addi %add3A_577, %get3A_583 : vector<16xi32>
      %mul3A_585 = arith.constant 16 : i32
      %mul3A_586 = arith.muli %add3A_531, %mul3A_585 : i32
      %add3A_587 = arith.constant 32768 : i32
      %add3A_588 = arith.addi %add3A_587, %mul3A_586 : i32
      %get3A_589 = arith.index_cast %add3A_588 : i32 to index
      %get3A_590 = tpu.vector_load %arg7[%get3A_589] {strides = array<i32>} : memref<65536xi32, #tpu.memory_space<vmem>>, vector<16xi32>,
      %add3A_591 = arith.addi %add3A_584, %get3A_590 : vector<16xi32>
      %mul3A_592 = arith.constant 16 : i32
      %mul3A_593 = arith.muli %add3A_531, %mul3A_592 : i32
      %add3A_594 = arith.constant 36864 : i32
      %add3A_595 = arith.addi %add3A_594, %mul3A_593 : i32
      %get3A_596 = arith.index_cast %add3A_595 : i32 to index
      %get3A_597 = tpu.vector_load %arg7[%get3A_596] {strides = array<i32>} : memref<65536xi32, #tpu.memory_space<vmem>>, vector<16xi32>,
      %add3A_598 = arith.addi %add3A_591, %get3A_597 : vector<16xi32>
      %mul3A_599 = arith.constant 16 : i32
      %mul3A_600 = arith.muli %add3A_531, %mul3A_599 : i32
      %add3A_601 = arith.constant 40960 : i32
      %add3A_602 = arith.addi %add3A_601, %mul3A_600 : i32
      %get3A_603 = arith.index_cast %add3A_602 : i32 to index
      %get3A_604 = tpu.vector_load %arg7[%get3A_603] {strides = array<i32>} : memref<65536xi32, #tpu.memory_space<vmem>>, vector<16xi32>,
      %add3A_605 = arith.addi %add3A_598, %get3A_604 : vector<16xi32>
      %mul3A_606 = arith.constant 16 : i32
      %mul3A_607 = arith.muli %add3A_531, %mul3A_606 : i32
      %add3A_608 = arith.constant 45056 : i32
      %add3A_609 = arith.addi %add3A_608, %mul3A_607 : i32
      %get3A_610 = arith.index_cast %add3A_609 : i32 to index
      %get3A_611 = tpu.vector_load %arg7[%get3A_610] {strides = array<i32>} : memref<65536xi32, #tpu.memory_space<vmem>>, vector<16xi32>,
      %add3A_612 = arith.addi %add3A_605, %get3A_611 : vector<16xi32>
      %mul3A_613 = arith.constant 16 : i32
      %mul3A_614 = arith.muli %add3A_531, %mul3A_613 : i32
      %add3A_615 = arith.constant 49152 : i32
      %add3A_616 = arith.addi %add3A_615, %mul3A_614 : i32
      %get3A_617 = arith.index_cast %add3A_616 : i32 to index
      %get3A_618 = tpu.vector_load %arg7[%get3A_617] {strides = array<i32>} : memref<65536xi32, #tpu.memory_space<vmem>>, vector<16xi32>,
      %add3A_619 = arith.addi %add3A_612, %get3A_618 : vector<16xi32>
      %mul3A_620 = arith.constant 16 : i32
      %mul3A_621 = arith.muli %add3A_531, %mul3A_620 : i32
      %add3A_622 = arith.constant 53248 : i32
      %add3A_623 = arith.addi %add3A_622, %mul3A_621 : i32
      %get3A_624 = arith.index_cast %add3A_623 : i32 to index
      %get3A_625 = tpu.vector_load %arg7[%get3A_624] {strides = array<i32>} : memref<65536xi32, #tpu.memory_space<vmem>>, vector<16xi32>,
      %add3A_626 = arith.addi %add3A_619, %get3A_625 : vector<16xi32>
      %mul3A_627 = arith.constant 16 : i32
      %mul3A_628 = arith.muli %add3A_531, %mul3A_627 : i32
      %add3A_629 = arith.constant 57344 : i32
      %add3A_630 = arith.addi %add3A_629, %mul3A_628 : i32
      %get3A_631 = arith.index_cast %add3A_630 : i32 to index
      %get3A_632 = tpu.vector_load %arg7[%get3A_631] {strides = array<i32>} : memref<65536xi32, #tpu.memory_space<vmem>>, vector<16xi32>,
      %add3A_633 = arith.addi %add3A_626, %get3A_632 : vector<16xi32>
      %mul3A_634 = arith.constant 16 : i32
      %mul3A_635 = arith.muli %add3A_531, %mul3A_634 : i32
      %add3A_636 = arith.constant 61440 : i32
      %add3A_637 = arith.addi %add3A_636, %mul3A_635 : i32
      %get3A_638 = arith.index_cast %add3A_637 : i32 to index
      %get3A_639 = tpu.vector_load %arg7[%get3A_638] {strides = array<i32>} : memref<65536xi32, #tpu.memory_space<vmem>>, vector<16xi32>,
      %add3A_640 = arith.addi %add3A_633, %get3A_639 : vector<16xi32>
      %mul3A_641 = arith.constant 16 : i32
      %mul3A_642 = arith.muli %add3A_531, %mul3A_641 : i32
      %swap3A_643 = arith.index_cast %mul3A_642 : i32 to index
      %swap3A_644 = tpu.vector_load %arg8[%swap3A_643] {strides = array<i32>} : memref<4096xi32, #tpu.memory_space<vmem>>, vector<16xi32>,
      tpu.vector_store %arg8[%swap3A_643], %add3A_640 {strides = array<i32>} : memref<4096xi32, #tpu.memory_space<vmem>>, vector<16xi32>,
    }
    %scan3A_406 = arith.constant 256 : i32
    "tpu.region"() ({
      %run_scoped3A = tpu.sem_alloc : memref<!tpu.dma_semaphore, #tpu.memory_space<semaphore_mem>>
      %dma_start3A_410 = arith.constant 0 : i32
      %dma_start3A_411 = tpu.memref_slice %arg11[%arg1, %dma_start3A_410] : memref<16x4096xi32, #tpu.memory_space<vmem_shared>> -> memref<1x4096xi32, #tpu.memory_space<vmem_shared>>
      %dma_start3A_412 = tpu.memref_squeeze %dma_start3A_411 : memref<1x4096xi32, #tpu.memory_space<vmem_shared>> -> memref<4096xi32, #tpu.memory_space<vmem_shared>>
      %dma_start3A_413 = arith.constant 0 : i32
      %dma_start3A_414 = tpu.memref_slice %arg11[%arg1, %dma_start3A_413] : memref<16x4096xi32, #tpu.memory_space<vmem_shared>> -> memref<1x4096xi32, #tpu.memory_space<vmem_shared>>
      %dma_start3A_415 = tpu.memref_squeeze %dma_start3A_414 : memref<1x4096xi32, #tpu.memory_space<vmem_shared>> -> memref<4096xi32, #tpu.memory_space<vmem_shared>>
      tpu.enqueue_dma source(%arg8 : memref<4096xi32, #tpu.memory_space<vmem>>) target(%dma_start3A_415 : memref<4096xi32, #tpu.memory_space<vmem_shared>>) target_semaphore(%run_scoped3A : memref<!tpu.dma_semaphore, #tpu.memory_space<semaphore_mem>>)
      %dma_wait3A_416 = arith.constant 0 : i32
      %dma_wait3A_417 = tpu.memref_slice %arg11[%arg1, %dma_wait3A_416] : memref<16x4096xi32, #tpu.memory_space<vmem_shared>> -> memref<1x4096xi32, #tpu.memory_space<vmem_shared>>
      %dma_wait3A_418 = tpu.memref_squeeze %dma_wait3A_417 : memref<1x4096xi32, #tpu.memory_space<vmem_shared>> -> memref<4096xi32, #tpu.memory_space<vmem_shared>>
      %dma_wait3A_419 = arith.constant 0 : i32
      %dma_wait3A_420 = tpu.memref_slice %arg11[%arg1, %dma_wait3A_419] : memref<16x4096xi32, #tpu.memory_space<vmem_shared>> -> memref<1x4096xi32, #tpu.memory_space<vmem_shared>>
      %dma_wait3A_421 = tpu.memref_squeeze %dma_wait3A_420 : memref<1x4096xi32, #tpu.memory_space<vmem_shared>> -> memref<4096xi32, #tpu.memory_space<vmem_shared>>
      tpu.wait_dma2 semaphore(%run_scoped3A : memref<!tpu.dma_semaphore, #tpu.memory_space<semaphore_mem>>) src(%arg8 : memref<4096xi32, #tpu.memory_space<vmem>>) dst(%dma_wait3A_421 : memref<4096xi32, #tpu.memory_space<vmem_shared>>)
      tpu.yield
    }) : () -> ()
    %barrier3A = arith.constant 0 : index
    tpu.barrier barrier_id(%barrier3A)
    %eq3A_407 = arith.constant 0 : i32
    %eq3A_408 = arith.cmpi eq, %select_n3A_30, %eq3A_407 : i32
    %convert_element_type3A = arith.extui %eq3A_408 : i1 to i32
    %cond3A = arith.constant 0 : i32
    %cond3A_409 = arith.cmpi ne, %convert_element_type3A, %cond3A : i32
    scf.if %cond3A_409 {
      %add3A_410 = arith.constant 0 : i32
      %add3A_411 = arith.addi %arg1, %add3A_410 : i32
      %run_scoped3A = arith.constant 0 : i32
      "tpu.region"() ({
        %run_scoped3A_454 = tpu.sem_alloc : memref<!tpu.dma_semaphore, #tpu.memory_space<semaphore_mem>>
        %dma_start3A_455 = arith.constant 0 : i32
        %dma_start3A_456 = tpu.memref_slice %arg9[%run_scoped3A, %dma_start3A_455] : memref<4x4096xi32, #tpu.memory_space<vmem>> -> memref<1x4096xi32, #tpu.memory_space<vmem>>
        %dma_start3A_457 = tpu.memref_squeeze %dma_start3A_456 : memref<1x4096xi32, #tpu.memory_space<vmem>> -> memref<4096xi32, #tpu.memory_space<vmem>>
        %dma_start3A_458 = arith.constant 0 : i32
        %dma_start3A_459 = tpu.memref_slice %arg11[%add3A_411, %dma_start3A_458] : memref<16x4096xi32, #tpu.memory_space<vmem_shared>> -> memref<1x4096xi32, #tpu.memory_space<vmem_shared>>
        %dma_start3A_460 = tpu.memref_squeeze %dma_start3A_459 : memref<1x4096xi32, #tpu.memory_space<vmem_shared>> -> memref<4096xi32, #tpu.memory_space<vmem_shared>>
        %dma_start3A_461 = arith.constant 0 : i32
        %dma_start3A_462 = tpu.memref_slice %arg9[%run_scoped3A, %dma_start3A_461] : memref<4x4096xi32, #tpu.memory_space<vmem>> -> memref<1x4096xi32, #tpu.memory_space<vmem>>
        %dma_start3A_463 = tpu.memref_squeeze %dma_start3A_462 : memref<1x4096xi32, #tpu.memory_space<vmem>> -> memref<4096xi32, #tpu.memory_space<vmem>>
        %dma_start3A_464 = arith.constant 0 : i32
        %dma_start3A_465 = tpu.memref_slice %arg11[%add3A_411, %dma_start3A_464] : memref<16x4096xi32, #tpu.memory_space<vmem_shared>> -> memref<1x4096xi32, #tpu.memory_space<vmem_shared>>
        %dma_start3A_466 = tpu.memref_squeeze %dma_start3A_465 : memref<1x4096xi32, #tpu.memory_space<vmem_shared>> -> memref<4096xi32, #tpu.memory_space<vmem_shared>>
        tpu.enqueue_dma source(%dma_start3A_466 : memref<4096xi32, #tpu.memory_space<vmem_shared>>) target(%dma_start3A_463 : memref<4096xi32, #tpu.memory_space<vmem>>) target_semaphore(%run_scoped3A_454 : memref<!tpu.dma_semaphore, #tpu.memory_space<semaphore_mem>>)
        %dma_wait3A_467 = arith.constant 0 : i32
        %dma_wait3A_468 = tpu.memref_slice %arg9[%run_scoped3A, %dma_wait3A_467] : memref<4x4096xi32, #tpu.memory_space<vmem>> -> memref<1x4096xi32, #tpu.memory_space<vmem>>
        %dma_wait3A_469 = tpu.memref_squeeze %dma_wait3A_468 : memref<1x4096xi32, #tpu.memory_space<vmem>> -> memref<4096xi32, #tpu.memory_space<vmem>>
        %dma_wait3A_470 = arith.constant 0 : i32
        %dma_wait3A_471 = tpu.memref_slice %arg11[%add3A_411, %dma_wait3A_470] : memref<16x4096xi32, #tpu.memory_space<vmem_shared>> -> memref<1x4096xi32, #tpu.memory_space<vmem_shared>>
        %dma_wait3A_472 = tpu.memref_squeeze %dma_wait3A_471 : memref<1x4096xi32, #tpu.memory_space<vmem_shared>> -> memref<4096xi32, #tpu.memory_space<vmem_shared>>
        %dma_wait3A_473 = arith.constant 0 : i32
        %dma_wait3A_474 = tpu.memref_slice %arg9[%run_scoped3A, %dma_wait3A_473] : memref<4x4096xi32, #tpu.memory_space<vmem>> -> memref<1x4096xi32, #tpu.memory_space<vmem>>
        %dma_wait3A_475 = tpu.memref_squeeze %dma_wait3A_474 : memref<1x4096xi32, #tpu.memory_space<vmem>> -> memref<4096xi32, #tpu.memory_space<vmem>>
        %dma_wait3A_476 = arith.constant 0 : i32
        %dma_wait3A_477 = tpu.memref_slice %arg11[%add3A_411, %dma_wait3A_476] : memref<16x4096xi32, #tpu.memory_space<vmem_shared>> -> memref<1x4096xi32, #tpu.memory_space<vmem_shared>>
        %dma_wait3A_478 = tpu.memref_squeeze %dma_wait3A_477 : memref<1x4096xi32, #tpu.memory_space<vmem_shared>> -> memref<4096xi32, #tpu.memory_space<vmem_shared>>
        tpu.wait_dma2 semaphore(%run_scoped3A_454 : memref<!tpu.dma_semaphore, #tpu.memory_space<semaphore_mem>>) src(%dma_wait3A_478 : memref<4096xi32, #tpu.memory_space<vmem_shared>>) dst(%dma_wait3A_475 : memref<4096xi32, #tpu.memory_space<vmem>>)
        tpu.yield
      }) : () -> ()
      %add3A_412 = arith.constant 1 : i32
      %add3A_413 = arith.addi %arg1, %add3A_412 : i32
      %run_scoped3A_414 = arith.constant 1 : i32
      "tpu.region"() ({
        %run_scoped3A_454 = tpu.sem_alloc : memref<!tpu.dma_semaphore, #tpu.memory_space<semaphore_mem>>
        %dma_start3A_455 = arith.constant 0 : i32
        %dma_start3A_456 = tpu.memref_slice %arg9[%run_scoped3A_414, %dma_start3A_455] : memref<4x4096xi32, #tpu.memory_space<vmem>> -> memref<1x4096xi32, #tpu.memory_space<vmem>>
        %dma_start3A_457 = tpu.memref_squeeze %dma_start3A_456 : memref<1x4096xi32, #tpu.memory_space<vmem>> -> memref<4096xi32, #tpu.memory_space<vmem>>
        %dma_start3A_458 = arith.constant 0 : i32
        %dma_start3A_459 = tpu.memref_slice %arg11[%add3A_413, %dma_start3A_458] : memref<16x4096xi32, #tpu.memory_space<vmem_shared>> -> memref<1x4096xi32, #tpu.memory_space<vmem_shared>>
        %dma_start3A_460 = tpu.memref_squeeze %dma_start3A_459 : memref<1x4096xi32, #tpu.memory_space<vmem_shared>> -> memref<4096xi32, #tpu.memory_space<vmem_shared>>
        %dma_start3A_461 = arith.constant 0 : i32
        %dma_start3A_462 = tpu.memref_slice %arg9[%run_scoped3A_414, %dma_start3A_461] : memref<4x4096xi32, #tpu.memory_space<vmem>> -> memref<1x4096xi32, #tpu.memory_space<vmem>>
        %dma_start3A_463 = tpu.memref_squeeze %dma_start3A_462 : memref<1x4096xi32, #tpu.memory_space<vmem>> -> memref<4096xi32, #tpu.memory_space<vmem>>
        %dma_start3A_464 = arith.constant 0 : i32
        %dma_start3A_465 = tpu.memref_slice %arg11[%add3A_413, %dma_start3A_464] : memref<16x4096xi32, #tpu.memory_space<vmem_shared>> -> memref<1x4096xi32, #tpu.memory_space<vmem_shared>>
        %dma_start3A_466 = tpu.memref_squeeze %dma_start3A_465 : memref<1x4096xi32, #tpu.memory_space<vmem_shared>> -> memref<4096xi32, #tpu.memory_space<vmem_shared>>
        tpu.enqueue_dma source(%dma_start3A_466 : memref<4096xi32, #tpu.memory_space<vmem_shared>>) target(%dma_start3A_463 : memref<4096xi32, #tpu.memory_space<vmem>>) target_semaphore(%run_scoped3A_454 : memref<!tpu.dma_semaphore, #tpu.memory_space<semaphore_mem>>)
        %dma_wait3A_467 = arith.constant 0 : i32
        %dma_wait3A_468 = tpu.memref_slice %arg9[%run_scoped3A_414, %dma_wait3A_467] : memref<4x4096xi32, #tpu.memory_space<vmem>> -> memref<1x4096xi32, #tpu.memory_space<vmem>>
        %dma_wait3A_469 = tpu.memref_squeeze %dma_wait3A_468 : memref<1x4096xi32, #tpu.memory_space<vmem>> -> memref<4096xi32, #tpu.memory_space<vmem>>
        %dma_wait3A_470 = arith.constant 0 : i32
        %dma_wait3A_471 = tpu.memref_slice %arg11[%add3A_413, %dma_wait3A_470] : memref<16x4096xi32, #tpu.memory_space<vmem_shared>> -> memref<1x4096xi32, #tpu.memory_space<vmem_shared>>
        %dma_wait3A_472 = tpu.memref_squeeze %dma_wait3A_471 : memref<1x4096xi32, #tpu.memory_space<vmem_shared>> -> memref<4096xi32, #tpu.memory_space<vmem_shared>>
        %dma_wait3A_473 = arith.constant 0 : i32
        %dma_wait3A_474 = tpu.memref_slice %arg9[%run_scoped3A_414, %dma_wait3A_473] : memref<4x4096xi32, #tpu.memory_space<vmem>> -> memref<1x4096xi32, #tpu.memory_space<vmem>>
        %dma_wait3A_475 = tpu.memref_squeeze %dma_wait3A_474 : memref<1x4096xi32, #tpu.memory_space<vmem>> -> memref<4096xi32, #tpu.memory_space<vmem>>
        %dma_wait3A_476 = arith.constant 0 : i32
        %dma_wait3A_477 = tpu.memref_slice %arg11[%add3A_413, %dma_wait3A_476] : memref<16x4096xi32, #tpu.memory_space<vmem_shared>> -> memref<1x4096xi32, #tpu.memory_space<vmem_shared>>
        %dma_wait3A_478 = tpu.memref_squeeze %dma_wait3A_477 : memref<1x4096xi32, #tpu.memory_space<vmem_shared>> -> memref<4096xi32, #tpu.memory_space<vmem_shared>>
        tpu.wait_dma2 semaphore(%run_scoped3A_454 : memref<!tpu.dma_semaphore, #tpu.memory_space<semaphore_mem>>) src(%dma_wait3A_478 : memref<4096xi32, #tpu.memory_space<vmem_shared>>) dst(%dma_wait3A_475 : memref<4096xi32, #tpu.memory_space<vmem>>)
        tpu.yield
      }) : () -> ()
      %add3A_415 = arith.constant 2 : i32
      %add3A_416 = arith.addi %arg1, %add3A_415 : i32
      %run_scoped3A_417 = arith.constant 2 : i32
      "tpu.region"() ({
        %run_scoped3A_454 = tpu.sem_alloc : memref<!tpu.dma_semaphore, #tpu.memory_space<semaphore_mem>>
        %dma_start3A_455 = arith.constant 0 : i32
        %dma_start3A_456 = tpu.memref_slice %arg9[%run_scoped3A_417, %dma_start3A_455] : memref<4x4096xi32, #tpu.memory_space<vmem>> -> memref<1x4096xi32, #tpu.memory_space<vmem>>
        %dma_start3A_457 = tpu.memref_squeeze %dma_start3A_456 : memref<1x4096xi32, #tpu.memory_space<vmem>> -> memref<4096xi32, #tpu.memory_space<vmem>>
        %dma_start3A_458 = arith.constant 0 : i32
        %dma_start3A_459 = tpu.memref_slice %arg11[%add3A_416, %dma_start3A_458] : memref<16x4096xi32, #tpu.memory_space<vmem_shared>> -> memref<1x4096xi32, #tpu.memory_space<vmem_shared>>
        %dma_start3A_460 = tpu.memref_squeeze %dma_start3A_459 : memref<1x4096xi32, #tpu.memory_space<vmem_shared>> -> memref<4096xi32, #tpu.memory_space<vmem_shared>>
        %dma_start3A_461 = arith.constant 0 : i32
        %dma_start3A_462 = tpu.memref_slice %arg9[%run_scoped3A_417, %dma_start3A_461] : memref<4x4096xi32, #tpu.memory_space<vmem>> -> memref<1x4096xi32, #tpu.memory_space<vmem>>
        %dma_start3A_463 = tpu.memref_squeeze %dma_start3A_462 : memref<1x4096xi32, #tpu.memory_space<vmem>> -> memref<4096xi32, #tpu.memory_space<vmem>>
        %dma_start3A_464 = arith.constant 0 : i32
        %dma_start3A_465 = tpu.memref_slice %arg11[%add3A_416, %dma_start3A_464] : memref<16x4096xi32, #tpu.memory_space<vmem_shared>> -> memref<1x4096xi32, #tpu.memory_space<vmem_shared>>
        %dma_start3A_466 = tpu.memref_squeeze %dma_start3A_465 : memref<1x4096xi32, #tpu.memory_space<vmem_shared>> -> memref<4096xi32, #tpu.memory_space<vmem_shared>>
        tpu.enqueue_dma source(%dma_start3A_466 : memref<4096xi32, #tpu.memory_space<vmem_shared>>) target(%dma_start3A_463 : memref<4096xi32, #tpu.memory_space<vmem>>) target_semaphore(%run_scoped3A_454 : memref<!tpu.dma_semaphore, #tpu.memory_space<semaphore_mem>>)
        %dma_wait3A_467 = arith.constant 0 : i32
        %dma_wait3A_468 = tpu.memref_slice %arg9[%run_scoped3A_417, %dma_wait3A_467] : memref<4x4096xi32, #tpu.memory_space<vmem>> -> memref<1x4096xi32, #tpu.memory_space<vmem>>
        %dma_wait3A_469 = tpu.memref_squeeze %dma_wait3A_468 : memref<1x4096xi32, #tpu.memory_space<vmem>> -> memref<4096xi32, #tpu.memory_space<vmem>>
        %dma_wait3A_470 = arith.constant 0 : i32
        %dma_wait3A_471 = tpu.memref_slice %arg11[%add3A_416, %dma_wait3A_470] : memref<16x4096xi32, #tpu.memory_space<vmem_shared>> -> memref<1x4096xi32, #tpu.memory_space<vmem_shared>>
        %dma_wait3A_472 = tpu.memref_squeeze %dma_wait3A_471 : memref<1x4096xi32, #tpu.memory_space<vmem_shared>> -> memref<4096xi32, #tpu.memory_space<vmem_shared>>
        %dma_wait3A_473 = arith.constant 0 : i32
        %dma_wait3A_474 = tpu.memref_slice %arg9[%run_scoped3A_417, %dma_wait3A_473] : memref<4x4096xi32, #tpu.memory_space<vmem>> -> memref<1x4096xi32, #tpu.memory_space<vmem>>
        %dma_wait3A_475 = tpu.memref_squeeze %dma_wait3A_474 : memref<1x4096xi32, #tpu.memory_space<vmem>> -> memref<4096xi32, #tpu.memory_space<vmem>>
        %dma_wait3A_476 = arith.constant 0 : i32
        %dma_wait3A_477 = tpu.memref_slice %arg11[%add3A_416, %dma_wait3A_476] : memref<16x4096xi32, #tpu.memory_space<vmem_shared>> -> memref<1x4096xi32, #tpu.memory_space<vmem_shared>>
        %dma_wait3A_478 = tpu.memref_squeeze %dma_wait3A_477 : memref<1x4096xi32, #tpu.memory_space<vmem_shared>> -> memref<4096xi32, #tpu.memory_space<vmem_shared>>
        tpu.wait_dma2 semaphore(%run_scoped3A_454 : memref<!tpu.dma_semaphore, #tpu.memory_space<semaphore_mem>>) src(%dma_wait3A_478 : memref<4096xi32, #tpu.memory_space<vmem_shared>>) dst(%dma_wait3A_475 : memref<4096xi32, #tpu.memory_space<vmem>>)
        tpu.yield
      }) : () -> ()
      %add3A_418 = arith.constant 3 : i32
      %add3A_419 = arith.addi %arg1, %add3A_418 : i32
      %run_scoped3A_420 = arith.constant 3 : i32
      "tpu.region"() ({
        %run_scoped3A_454 = tpu.sem_alloc : memref<!tpu.dma_semaphore, #tpu.memory_space<semaphore_mem>>
        %dma_start3A_455 = arith.constant 0 : i32
        %dma_start3A_456 = tpu.memref_slice %arg9[%run_scoped3A_420, %dma_start3A_455] : memref<4x4096xi32, #tpu.memory_space<vmem>> -> memref<1x4096xi32, #tpu.memory_space<vmem>>
        %dma_start3A_457 = tpu.memref_squeeze %dma_start3A_456 : memref<1x4096xi32, #tpu.memory_space<vmem>> -> memref<4096xi32, #tpu.memory_space<vmem>>
        %dma_start3A_458 = arith.constant 0 : i32
        %dma_start3A_459 = tpu.memref_slice %arg11[%add3A_419, %dma_start3A_458] : memref<16x4096xi32, #tpu.memory_space<vmem_shared>> -> memref<1x4096xi32, #tpu.memory_space<vmem_shared>>
        %dma_start3A_460 = tpu.memref_squeeze %dma_start3A_459 : memref<1x4096xi32, #tpu.memory_space<vmem_shared>> -> memref<4096xi32, #tpu.memory_space<vmem_shared>>
        %dma_start3A_461 = arith.constant 0 : i32
        %dma_start3A_462 = tpu.memref_slice %arg9[%run_scoped3A_420, %dma_start3A_461] : memref<4x4096xi32, #tpu.memory_space<vmem>> -> memref<1x4096xi32, #tpu.memory_space<vmem>>
        %dma_start3A_463 = tpu.memref_squeeze %dma_start3A_462 : memref<1x4096xi32, #tpu.memory_space<vmem>> -> memref<4096xi32, #tpu.memory_space<vmem>>
        %dma_start3A_464 = arith.constant 0 : i32
        %dma_start3A_465 = tpu.memref_slice %arg11[%add3A_419, %dma_start3A_464] : memref<16x4096xi32, #tpu.memory_space<vmem_shared>> -> memref<1x4096xi32, #tpu.memory_space<vmem_shared>>
        %dma_start3A_466 = tpu.memref_squeeze %dma_start3A_465 : memref<1x4096xi32, #tpu.memory_space<vmem_shared>> -> memref<4096xi32, #tpu.memory_space<vmem_shared>>
        tpu.enqueue_dma source(%dma_start3A_466 : memref<4096xi32, #tpu.memory_space<vmem_shared>>) target(%dma_start3A_463 : memref<4096xi32, #tpu.memory_space<vmem>>) target_semaphore(%run_scoped3A_454 : memref<!tpu.dma_semaphore, #tpu.memory_space<semaphore_mem>>)
        %dma_wait3A_467 = arith.constant 0 : i32
        %dma_wait3A_468 = tpu.memref_slice %arg9[%run_scoped3A_420, %dma_wait3A_467] : memref<4x4096xi32, #tpu.memory_space<vmem>> -> memref<1x4096xi32, #tpu.memory_space<vmem>>
        %dma_wait3A_469 = tpu.memref_squeeze %dma_wait3A_468 : memref<1x4096xi32, #tpu.memory_space<vmem>> -> memref<4096xi32, #tpu.memory_space<vmem>>
        %dma_wait3A_470 = arith.constant 0 : i32
        %dma_wait3A_471 = tpu.memref_slice %arg11[%add3A_419, %dma_wait3A_470] : memref<16x4096xi32, #tpu.memory_space<vmem_shared>> -> memref<1x4096xi32, #tpu.memory_space<vmem_shared>>
        %dma_wait3A_472 = tpu.memref_squeeze %dma_wait3A_471 : memref<1x4096xi32, #tpu.memory_space<vmem_shared>> -> memref<4096xi32, #tpu.memory_space<vmem_shared>>
        %dma_wait3A_473 = arith.constant 0 : i32
        %dma_wait3A_474 = tpu.memref_slice %arg9[%run_scoped3A_420, %dma_wait3A_473] : memref<4x4096xi32, #tpu.memory_space<vmem>> -> memref<1x4096xi32, #tpu.memory_space<vmem>>
        %dma_wait3A_475 = tpu.memref_squeeze %dma_wait3A_474 : memref<1x4096xi32, #tpu.memory_space<vmem>> -> memref<4096xi32, #tpu.memory_space<vmem>>
        %dma_wait3A_476 = arith.constant 0 : i32
        %dma_wait3A_477 = tpu.memref_slice %arg11[%add3A_419, %dma_wait3A_476] : memref<16x4096xi32, #tpu.memory_space<vmem_shared>> -> memref<1x4096xi32, #tpu.memory_space<vmem_shared>>
        %dma_wait3A_478 = tpu.memref_squeeze %dma_wait3A_477 : memref<1x4096xi32, #tpu.memory_space<vmem_shared>> -> memref<4096xi32, #tpu.memory_space<vmem_shared>>
        tpu.wait_dma2 semaphore(%run_scoped3A_454 : memref<!tpu.dma_semaphore, #tpu.memory_space<semaphore_mem>>) src(%dma_wait3A_478 : memref<4096xi32, #tpu.memory_space<vmem_shared>>) dst(%dma_wait3A_475 : memref<4096xi32, #tpu.memory_space<vmem>>)
        tpu.yield
      }) : () -> ()
      %broadcast_in_dim3A_421 = arith.constant 0 : i32
      %broadcast_in_dim3A_422 = vector.broadcast %broadcast_in_dim3A_421 : i32 to vector<16xi32>
      %scan3A_423 = arith.constant 0 : i32
      %scan3A_424 = arith.constant 128 : i32
      %scan3A_425 = arith.addi %scan3A_423, %scan3A_424 : i32
      %scan3A_426 = arith.constant 1 : i32
      %scan3A_427 = scf.for %scan3A_454 = %scan3A_423 to %scan3A_425 step %scan3A_426 iter_args(%scan3A_455 = %broadcast_in_dim3A_422) -> (vector<16xi32>)  : i32 {
        %mul3A_456 = arith.constant 16 : i32
        %mul3A_457 = arith.muli %scan3A_454, %mul3A_456 : i32
        %add3A_458 = arith.constant 2048 : i32
        %add3A_459 = arith.addi %add3A_458, %mul3A_457 : i32
        %get3A = arith.constant 0 : i32
        %get3A_460 = arith.index_cast %get3A : i32 to index
        %get3A_461 = arith.index_cast %add3A_459 : i32 to index
        %get3A_462 = tpu.vector_load %arg9[%get3A_460, %get3A_461] {strides = array<i32>} : memref<4x4096xi32, #tpu.memory_space<vmem>>, vector<16xi32>,
        %mul3A_463 = arith.constant 16 : i32
        %mul3A_464 = arith.muli %scan3A_454, %mul3A_463 : i32
        %add3A_465 = arith.constant 2048 : i32
        %add3A_466 = arith.addi %add3A_465, %mul3A_464 : i32
        %get3A_467 = arith.constant 1 : i32
        %get3A_468 = arith.index_cast %get3A_467 : i32 to index
        %get3A_469 = arith.index_cast %add3A_466 : i32 to index
        %get3A_470 = tpu.vector_load %arg9[%get3A_468, %get3A_469] {strides = array<i32>} : memref<4x4096xi32, #tpu.memory_space<vmem>>, vector<16xi32>,
        %add3A_471 = arith.addi %get3A_462, %get3A_470 : vector<16xi32>
        %mul3A_472 = arith.constant 16 : i32
        %mul3A_473 = arith.muli %scan3A_454, %mul3A_472 : i32
        %add3A_474 = arith.constant 2048 : i32
        %add3A_475 = arith.addi %add3A_474, %mul3A_473 : i32
        %get3A_476 = arith.constant 2 : i32
        %get3A_477 = arith.index_cast %get3A_476 : i32 to index
        %get3A_478 = arith.index_cast %add3A_475 : i32 to index
        %get3A_479 = tpu.vector_load %arg9[%get3A_477, %get3A_478] {strides = array<i32>} : memref<4x4096xi32, #tpu.memory_space<vmem>>, vector<16xi32>,
        %add3A_480 = arith.addi %add3A_471, %get3A_479 : vector<16xi32>
        %mul3A_481 = arith.constant 16 : i32
        %mul3A_482 = arith.muli %scan3A_454, %mul3A_481 : i32
        %add3A_483 = arith.constant 2048 : i32
        %add3A_484 = arith.addi %add3A_483, %mul3A_482 : i32
        %get3A_485 = arith.constant 3 : i32
        %get3A_486 = arith.index_cast %get3A_485 : i32 to index
        %get3A_487 = arith.index_cast %add3A_484 : i32 to index
        %get3A_488 = tpu.vector_load %arg9[%get3A_486, %get3A_487] {strides = array<i32>} : memref<4x4096xi32, #tpu.memory_space<vmem>>, vector<16xi32>,
        %add3A_489 = arith.addi %add3A_480, %get3A_488 : vector<16xi32>
        %add3A_490 = arith.addi %scan3A_455, %add3A_489 : vector<16xi32>
        scf.yield %add3A_490 : vector<16xi32>
      }
      %scan3A_428 = arith.constant 128 : i32
      %reduce_sum3A = arith.constant true
      %reduce_sum3A_429 = vector.broadcast %reduce_sum3A : i1 to vector<16xi1>
      %reduce_sum3A_430 = tpu.scan <sum>, %scan3A_427 masked %reduce_sum3A_429 : vector<16xi32>, vector<16xi1> -> vector<16xi32>
      %reduce_sum3A_431 = vector.extract %reduce_sum3A_430[15] : i32 from vector<16xi32>
      %convert_element_type3A_432 = arith.sitofp %reduce_sum3A_431 : i32 to f32
      %convert_element_type3A_433 = arith.sitofp %iota3A : vector<16xi32> to vector<16xf32>
      %broadcast_in_dim3A_434 = arith.constant 0.000000e+00 : f32
      %broadcast_in_dim3A_435 = vector.broadcast %broadcast_in_dim3A_434 : f32 to vector<16xf32>
      %broadcast_in_dim3A_436 = arith.constant 0.000000e+00 : f32
      %broadcast_in_dim3A_437 = vector.broadcast %broadcast_in_dim3A_436 : f32 to vector<16xf32>
      %broadcast_in_dim3A_438 = arith.constant 0.000000e+00 : f32
      %broadcast_in_dim3A_439 = vector.broadcast %broadcast_in_dim3A_438 : f32 to vector<16xf32>
      %scan3A_440 = arith.constant 0 : i32
      %scan3A_441 = arith.constant 128 : i32
      %scan3A_442 = arith.addi %scan3A_440, %scan3A_441 : i32
      %scan3A_443 = arith.constant 1 : i32
      %scan3A_444:3 = scf.for %scan3A_454 = %scan3A_440 to %scan3A_442 step %scan3A_443 iter_args(%scan3A_455 = %broadcast_in_dim3A_435, %scan3A_456 = %broadcast_in_dim3A_437, %scan3A_457 = %broadcast_in_dim3A_439) -> (vector<16xf32>, vector<16xf32>, vector<16xf32>)  : i32 {
        %mul3A_458 = arith.constant 16 : i32
        %mul3A_459 = arith.muli %scan3A_454, %mul3A_458 : i32
        %sub3A_460 = arith.constant 2032 : i32
        %sub3A_461 = arith.subi %sub3A_460, %mul3A_459 : i32
        %get3A = arith.constant 0 : i32
        %get3A_462 = arith.index_cast %get3A : i32 to index
        %get3A_463 = arith.index_cast %sub3A_461 : i32 to index
        %get3A_464 = tpu.vector_load %arg9[%get3A_462, %get3A_463] {strides = array<i32>} : memref<4x4096xi32, #tpu.memory_space<vmem>>, vector<16xi32>,
        %add3A_465 = arith.constant 2048 : i32
        %add3A_466 = arith.addi %add3A_465, %sub3A_461 : i32
        %get3A_467 = arith.constant 0 : i32
        %get3A_468 = arith.index_cast %get3A_467 : i32 to index
        %get3A_469 = arith.index_cast %add3A_466 : i32 to index
        %get3A_470 = tpu.vector_load %arg9[%get3A_468, %get3A_469] {strides = array<i32>} : memref<4x4096xi32, #tpu.memory_space<vmem>>, vector<16xi32>,
        %get3A_471 = arith.constant 1 : i32
        %get3A_472 = arith.index_cast %get3A_471 : i32 to index
        %get3A_473 = arith.index_cast %sub3A_461 : i32 to index
        %get3A_474 = tpu.vector_load %arg9[%get3A_472, %get3A_473] {strides = array<i32>} : memref<4x4096xi32, #tpu.memory_space<vmem>>, vector<16xi32>,
        %add3A_475 = arith.addi %get3A_464, %get3A_474 : vector<16xi32>
        %add3A_476 = arith.constant 2048 : i32
        %add3A_477 = arith.addi %add3A_476, %sub3A_461 : i32
        %get3A_478 = arith.constant 1 : i32
        %get3A_479 = arith.index_cast %get3A_478 : i32 to index
        %get3A_480 = arith.index_cast %add3A_477 : i32 to index
        %get3A_481 = tpu.vector_load %arg9[%get3A_479, %get3A_480] {strides = array<i32>} : memref<4x4096xi32, #tpu.memory_space<vmem>>, vector<16xi32>,
        %add3A_482 = arith.addi %get3A_470, %get3A_481 : vector<16xi32>
        %get3A_483 = arith.constant 2 : i32
        %get3A_484 = arith.index_cast %get3A_483 : i32 to index
        %get3A_485 = arith.index_cast %sub3A_461 : i32 to index
        %get3A_486 = tpu.vector_load %arg9[%get3A_484, %get3A_485] {strides = array<i32>} : memref<4x4096xi32, #tpu.memory_space<vmem>>, vector<16xi32>,
        %add3A_487 = arith.addi %add3A_475, %get3A_486 : vector<16xi32>
        %add3A_488 = arith.constant 2048 : i32
        %add3A_489 = arith.addi %add3A_488, %sub3A_461 : i32
        %get3A_490 = arith.constant 2 : i32
        %get3A_491 = arith.index_cast %get3A_490 : i32 to index
        %get3A_492 = arith.index_cast %add3A_489 : i32 to index
        %get3A_493 = tpu.vector_load %arg9[%get3A_491, %get3A_492] {strides = array<i32>} : memref<4x4096xi32, #tpu.memory_space<vmem>>, vector<16xi32>,
        %add3A_494 = arith.addi %add3A_482, %get3A_493 : vector<16xi32>
        %get3A_495 = arith.constant 3 : i32
        %get3A_496 = arith.index_cast %get3A_495 : i32 to index
        %get3A_497 = arith.index_cast %sub3A_461 : i32 to index
        %get3A_498 = tpu.vector_load %arg9[%get3A_496, %get3A_497] {strides = array<i32>} : memref<4x4096xi32, #tpu.memory_space<vmem>>, vector<16xi32>,
        %add3A_499 = arith.addi %add3A_487, %get3A_498 : vector<16xi32>
        %add3A_500 = arith.constant 2048 : i32
        %add3A_501 = arith.addi %add3A_500, %sub3A_461 : i32
        %get3A_502 = arith.constant 3 : i32
        %get3A_503 = arith.index_cast %get3A_502 : i32 to index
        %get3A_504 = arith.index_cast %add3A_501 : i32 to index
        %get3A_505 = tpu.vector_load %arg9[%get3A_503, %get3A_504] {strides = array<i32>} : memref<4x4096xi32, #tpu.memory_space<vmem>>, vector<16xi32>,
        %add3A_506 = arith.addi %add3A_494, %get3A_505 : vector<16xi32>
        %rev3A = arith.constant 15 : i32
        %rev3A_507 = vector.broadcast %rev3A : i32 to vector<16xi32>
        %rev3A_508 = tpu.iota {dimensions = array<i32: 0>} : vector<16xi32>
        %rev3A_509 = arith.subi %rev3A_507, %rev3A_508 : vector<16xi32>
        %rev3A_510 = tpu.dynamic_gather %add3A_499[%rev3A_509] in [0] : vector<16xi32>, vector<16xi32> -> vector<16xi32>
        %rev3A_511 = arith.constant 15 : i32
        %rev3A_512 = vector.broadcast %rev3A_511 : i32 to vector<16xi32>
        %rev3A_513 = tpu.iota {dimensions = array<i32: 0>} : vector<16xi32>
        %rev3A_514 = arith.subi %rev3A_512, %rev3A_513 : vector<16xi32>
        %rev3A_515 = tpu.dynamic_gather %add3A_506[%rev3A_514] in [0] : vector<16xi32>, vector<16xi32> -> vector<16xi32>
        %add3A_516 = arith.addi %rev3A_510, %rev3A_515 : vector<16xi32>
        %convert_element_type3A_517 = arith.sitofp %add3A_516 : vector<16xi32> to vector<16xf32>
        %convert_element_type3A_518 = arith.sitofp %rev3A_515 : vector<16xi32> to vector<16xf32>
        %broadcast_in_dim3A_519 = arith.constant true
        %broadcast_in_dim3A_520 = vector.broadcast %broadcast_in_dim3A_519 : i1 to vector<16xi1>
        %masked_cumsum3A = tpu.scan <sum>, %convert_element_type3A_517 masked %broadcast_in_dim3A_520 : vector<16xf32>, vector<16xi1> -> vector<16xf32>
        %add3A_521 = arith.addf %scan3A_455, %masked_cumsum3A : vector<16xf32>
        %broadcast_in_dim3A_522 = arith.constant true
        %broadcast_in_dim3A_523 = vector.broadcast %broadcast_in_dim3A_522 : i1 to vector<16xi1>
        %masked_cumsum3A_524 = tpu.scan <sum>, %convert_element_type3A_518 masked %broadcast_in_dim3A_523 : vector<16xf32>, vector<16xi1> -> vector<16xf32>
        %add3A_525 = arith.addf %scan3A_456, %masked_cumsum3A_524 : vector<16xf32>
        %sub3A_526 = arith.subf %add3A_521, %convert_element_type3A_517 : vector<16xf32>
        %sub3A_527 = arith.subf %add3A_525, %convert_element_type3A_518 : vector<16xf32>
        %gt3A = arith.constant 0.000000e+00 : f32
        %gt3A_528 = vector.broadcast %gt3A : f32 to vector<16xf32>
        %gt3A_529 = arith.cmpf ogt, %add3A_521, %gt3A_528 : vector<16xf32>
        %sub3A_530 = vector.broadcast %convert_element_type3A_432 : f32 to vector<16xf32>
        %sub3A_531 = arith.subf %sub3A_530, %add3A_525 : vector<16xf32>
        %add3A_532 = vector.broadcast %convert_element_type3A_432 : f32 to vector<16xf32>
        %add3A_533 = arith.addf %add3A_532, %add3A_521 : vector<16xf32>
        %sub3A_534 = arith.subf %add3A_533, %add3A_525 : vector<16xf32>
        %div3A_535 = arith.divf %sub3A_531, %sub3A_534 : vector<16xf32>
        %sub3A_536 = arith.constant 1.000000e+00 : f32
        %sub3A_537 = vector.broadcast %sub3A_536 : f32 to vector<16xf32>
        %sub3A_538 = arith.subf %sub3A_537, %div3A_535 : vector<16xf32>
        %jit3A_539 = arith.constant 0.000000e+00 : f32
        %broadcast_in_dim3A_540 = vector.broadcast %jit3A_539 : f32 to vector<16xf32>
        %select_n3A_541 = arith.select %gt3A_529, %sub3A_538, %broadcast_in_dim3A_540 : vector<16xi1>, vector<16xf32>
        %gt3A_542 = arith.constant 0.000000e+00 : f32
        %gt3A_543 = vector.broadcast %gt3A_542 : f32 to vector<16xf32>
        %gt3A_544 = arith.cmpf ogt, %sub3A_526, %gt3A_543 : vector<16xf32>
        %sub3A_545 = vector.broadcast %convert_element_type3A_432 : f32 to vector<16xf32>
        %sub3A_546 = arith.subf %sub3A_545, %sub3A_527 : vector<16xf32>
        %add3A_547 = vector.broadcast %convert_element_type3A_432 : f32 to vector<16xf32>
        %add3A_548 = arith.addf %add3A_547, %sub3A_526 : vector<16xf32>
        %sub3A_549 = arith.subf %add3A_548, %sub3A_527 : vector<16xf32>
        %div3A_550 = arith.divf %sub3A_546, %sub3A_549 : vector<16xf32>
        %sub3A_551 = arith.constant 1.000000e+00 : f32
        %sub3A_552 = vector.broadcast %sub3A_551 : f32 to vector<16xf32>
        %sub3A_553 = arith.subf %sub3A_552, %div3A_550 : vector<16xf32>
        %jit3A_554 = arith.constant 0.000000e+00 : f32
        %broadcast_in_dim3A_555 = vector.broadcast %jit3A_554 : f32 to vector<16xf32>
        %select_n3A_556 = arith.select %gt3A_544, %sub3A_553, %broadcast_in_dim3A_555 : vector<16xi1>, vector<16xf32>
        %convert_element_type3A_557 = arith.sitofp %sub3A_461 : i32 to f32
        %sub3A_558 = arith.constant 1.550000e+01 : f32
        %sub3A_559 = vector.broadcast %sub3A_558 : f32 to vector<16xf32>
        %sub3A_560 = arith.subf %sub3A_559, %convert_element_type3A_433 : vector<16xf32>
        %add3A_561 = vector.broadcast %convert_element_type3A_557 : f32 to vector<16xf32>
        %add3A_562 = arith.addf %add3A_561, %sub3A_560 : vector<16xf32>
        %mul3A_563 = arith.constant 9.765625E-4 : f32
        %mul3A_564 = vector.broadcast %mul3A_563 : f32 to vector<16xf32>
        %mul3A_565 = arith.mulf %add3A_562, %mul3A_564 : vector<16xf32>
        %sub3A_566 = arith.subf %select_n3A_541, %select_n3A_556 : vector<16xf32>
        %mul3A_567 = arith.mulf %mul3A_565, %sub3A_566 : vector<16xf32>
        %add3A_568 = arith.addf %scan3A_457, %mul3A_567 : vector<16xf32>
        %reduce_sum3A_569 = arith.constant true
        %reduce_sum3A_570 = vector.broadcast %reduce_sum3A_569 : i1 to vector<16xi1>
        %reduce_sum3A_571 = tpu.scan <sum>, %convert_element_type3A_517 masked %reduce_sum3A_570 : vector<16xf32>, vector<16xi1> -> vector<16xf32>
        %reduce_sum3A_572 = vector.extract %reduce_sum3A_571[15] : f32 from vector<16xf32>
        %add3A_573 = vector.broadcast %reduce_sum3A_572 : f32 to vector<16xf32>
        %add3A_574 = arith.addf %scan3A_455, %add3A_573 : vector<16xf32>
        %reduce_sum3A_575 = arith.constant true
        %reduce_sum3A_576 = vector.broadcast %reduce_sum3A_575 : i1 to vector<16xi1>
        %reduce_sum3A_577 = tpu.scan <sum>, %convert_element_type3A_518 masked %reduce_sum3A_576 : vector<16xf32>, vector<16xi1> -> vector<16xf32>
        %reduce_sum3A_578 = vector.extract %reduce_sum3A_577[15] : f32 from vector<16xf32>
        %add3A_579 = vector.broadcast %reduce_sum3A_578 : f32 to vector<16xf32>
        %add3A_580 = arith.addf %scan3A_456, %add3A_579 : vector<16xf32>
        scf.yield %add3A_574, %add3A_580, %add3A_568 : vector<16xf32>, vector<16xf32>, vector<16xf32>
      }
      %scan3A_445 = arith.constant 128 : i32
      %reduce_sum3A_446 = arith.constant true
      %reduce_sum3A_447 = vector.broadcast %reduce_sum3A_446 : i1 to vector<16xi1>
      %reduce_sum3A_448 = tpu.scan <sum>, %scan3A_444#2 masked %reduce_sum3A_447 : vector<16xf32>, vector<16xi1> -> vector<16xf32>
      %reduce_sum3A_449 = vector.extract %reduce_sum3A_448[15] : f32 from vector<16xf32>
      %mul3A_450 = arith.constant 1.250000e-01 : f32
      %mul3A_451 = arith.mulf %reduce_sum3A_449, %mul3A_450 : f32
      %broadcast_in_dim3A_452 = vector.broadcast %mul3A_451 : f32 to vector<16xf32>
      %swap3A = arith.constant 0 : index
      %swap3A_453 = tpu.vector_load %arg10[%swap3A] {strides = array<i32>} : memref<16xf32, #tpu.memory_space<vmem>>, vector<16xf32>,
      tpu.vector_store %arg10[%swap3A], %broadcast_in_dim3A_452 {strides = array<i32>} : memref<16xf32, #tpu.memory_space<vmem>>, vector<16xf32>,
      "tpu.region"() ({
        %run_scoped3A_454 = tpu.sem_alloc : memref<!tpu.dma_semaphore, #tpu.memory_space<semaphore_mem>>
        %dma_start3A_455 = arith.constant 0 : i32
        %dma_start3A_456 = tpu.memref_slice %arg4[%add3A, %dma_start3A_455] : memref<8x16xf32, #tpu.memory_space<hbm>> -> memref<1x16xf32, #tpu.memory_space<hbm>>
        %dma_start3A_457 = tpu.memref_squeeze %dma_start3A_456 : memref<1x16xf32, #tpu.memory_space<hbm>> -> memref<16xf32, #tpu.memory_space<hbm>>
        %dma_start3A_458 = arith.constant 0 : i32
        %dma_start3A_459 = tpu.memref_slice %arg4[%add3A, %dma_start3A_458] : memref<8x16xf32, #tpu.memory_space<hbm>> -> memref<1x16xf32, #tpu.memory_space<hbm>>
        %dma_start3A_460 = tpu.memref_squeeze %dma_start3A_459 : memref<1x16xf32, #tpu.memory_space<hbm>> -> memref<16xf32, #tpu.memory_space<hbm>>
        tpu.enqueue_dma source(%arg10 : memref<16xf32, #tpu.memory_space<vmem>>) target(%dma_start3A_460 : memref<16xf32, #tpu.memory_space<hbm>>) target_semaphore(%run_scoped3A_454 : memref<!tpu.dma_semaphore, #tpu.memory_space<semaphore_mem>>)
        %dma_wait3A_461 = arith.constant 0 : i32
        %dma_wait3A_462 = tpu.memref_slice %arg4[%add3A, %dma_wait3A_461] : memref<8x16xf32, #tpu.memory_space<hbm>> -> memref<1x16xf32, #tpu.memory_space<hbm>>
        %dma_wait3A_463 = tpu.memref_squeeze %dma_wait3A_462 : memref<1x16xf32, #tpu.memory_space<hbm>> -> memref<16xf32, #tpu.memory_space<hbm>>
        %dma_wait3A_464 = arith.constant 0 : i32
        %dma_wait3A_465 = tpu.memref_slice %arg4[%add3A, %dma_wait3A_464] : memref<8x16xf32, #tpu.memory_space<hbm>> -> memref<1x16xf32, #tpu.memory_space<hbm>>
        %dma_wait3A_466 = tpu.memref_squeeze %dma_wait3A_465 : memref<1x16xf32, #tpu.memory_space<hbm>> -> memref<16xf32, #tpu.memory_space<hbm>>
        tpu.wait_dma2 semaphore(%run_scoped3A_454 : memref<!tpu.dma_semaphore, #tpu.memory_space<semaphore_mem>>) src(%arg10 : memref<16xf32, #tpu.memory_space<vmem>>) dst(%dma_wait3A_466 : memref<16xf32, #tpu.memory_space<hbm>>)
        tpu.yield
      }) : () -> ()
    } else {
    }
    return
  }
}

</mosaic_0001>

<sc_bundles>
// kernel: kernel.3.cloned.1.call-start
scs
__scs_entry_jumppad:
0x0: {  	(pc) =	sbr.rel $0x88, $3  }
0x1: {  	(tag) =	ssettag $0x0;
	lr =	simm.s32 $0x1  }
0x2: {  	[smem:$0x3F9F] =	sst lr;
	_ =	strace $0xD0000000  }
0x3: {  	_ = 	snop  }
0x4: {  	_ = 	snop  }
0x5: {  	_ = 	snop  }
0x6: {  	_ = 	snop  }
0x7: {  	_ = 	snop  }
__scs_overlays_trampoline_lowered:
0x8: {  	[smem:$0x3FAE] =	sst s0  }
0x9: {  	[smem:$0x3FAF] =	sst s1  }
0xa: {  	[smem:$0x3FB0] =	sst s2  }
0xb: {  	[smem:$0x3FB1] =	sst s3  }
0xc: {  	[smem:$0x3FB2] =	sst s4  }
0xd: {  	[smem:$0x3FB3] =	sst s5  }
0xe: {  	[smem:$0x3FB4] =	sst s6  }
0xf: {  	[smem:$0x3FB5] =	sst s7  }
0x10: {  	[smem:$0x3FB6] =	sst s8  }
0x11: {  	[smem:$0x3FB7] =	sst s9;
	s0 =	simm.s32 @!p0 $0x0  }
0x12: {  	s1 =	sld [smem:$0x3F9D];
	s0 =	simm.s32 @p0 $0x1  }
0x13: {  	[smem:$0x3FB8] =	sst s0;
	s0 =	simm.s32 @!p1 $0x0  }
0x14: {  	s2 =	sld [smem:$0x3F9C];
	s0 =	simm.s32 @p1 $0x1  }
0x15: {  	[smem:$0x3FB9] =	sst s0;
	s0 =	simm.s32 @!p2 $0x0  }
0x16: {  	s3 =	sld [smem:$0x3FDB];
	s0 =	simm.s32 @p2 $0x1  }
0x17: {  	s4 =	simm.s32 $0x1BF5;
	[smem:$0x3FBB] =	sst s0  }
0x18: {  	s0 =	sld [smem:$0x3F9E];
	_ =	swait.ge [sflag:s4], $0x0  }
0x19: {  	s7 =	sld [smem:$0x3F9F]  }
0x1a: {  	s8 =	sadd.s32 $0xFFFFE003, lr  }
0x1b: {  	s9 =	sadd.s32 $0xFFFFFEF7, lr;
	s5 =	simm.s32 $0xFFFFFFFF;
	p2 =	slt.u32 s8, $0xFFFFF086  }
0x1c: {  	p1 =	slt.u32 s9, $0xF7A;
	s5 =	simm.s32 @!p2 $0x0  }
0x1d: {  	s5 =	simm.s32 @p1 $0x1;
	p0 =	seq.s32 s7, s2  }
0x1e: {  	s7 =	smul.u32 @!p0 $0xF7A, s2;
	p2 =	seq.s32 @!p0 s5, $0x0  }
0x1f: {  	s9 =	smul.u32 $0xF7A, s1;
	s8 =	simm.s32 @!p0 $0x1BF5;
	p2 =	por !p2, p0  }
0x20: {  	[sflag:s8] =	ssyncset.s32 @!p0 $0xFFFFF086;
	s6 =	sadd.s32 @!p0 s3, s7;
	s7 =	simm.s32 @!p0 $0x108  }
0x21: {  	s3 =	sadd.s32 s3, s9;
	s6 =	sadd.s32 @!p0 $0x88, s6;
	s7 =	simm.s32 @p2 $0x1082  }
0x22: {  	[simem:s7], [sflag:s8] =	dma.local @!p0 [hbm:s6], $0xF7A  }
0x23: {  	s9 =	sor.u32 $0xD0000000, s2;
	s6 =	simm.s32 $0x108;
	_ =	swait.ge @!p0 [sflag:s8], $0x0  }
0x24: {  	s3 =	sadd.s32 $0x88, s3;
	s6 =	simm.s32 @!p1 $0x1082;
	[sflag:s4] =	ssyncset.s32 $0xFFFFF086  }
0x25: {  	[simem:s6], [sflag:s4] =	dma.local [hbm:s3], $0xF7A  }
0x26: {  	[smem:$0x3F9F] =	sst s1;
	(tag) =	ssettag s2;
	_ =	strace s9  }
0x27: {  	s1 =	sld [smem:$0x3FAF]  }
0x28: {  	s2 =	sld [smem:$0x3FB0]  }
0x29: {  	s4 =	sld [smem:$0x3FB2]  }
0x2a: {  	p0 =	seq.s32 s5, $0x0;
	s5 =	sld [smem:$0x3FB3]  }
0x2b: {  	s6 =	sld [smem:$0x3FB4]  }
0x2c: {  	s7 =	sld [smem:$0x3FB5]  }
0x2d: {  	s3 =	simm.s32 $0x108;
	s8 =	sld [smem:$0x3FB6]  }
0x2e: {  	s3 =	simm.s32 @!p0 $0x1082;
	s9 =	sld [smem:$0x3FB7]  }
0x2f: {  	lr =	sadd.s32 s0, s3;
	s0 =	sld [smem:$0x3FAE]  }
0x30: {  	s3 =	sld [smem:$0x3FB1]  }
0x31: {  	[smem:$0x3FBA] =	sst s10  }
0x32: {  	s10 =	sld [smem:$0x3FB8];
	_ =	sdelay $0x3  }
0x33: {  	p0 =	seq.s32 s10, $0x1;
	s10 =	sld [smem:$0x3FBA];
	_ =	sdelay $0x3  }
0x34: {  	[smem:$0x3FBA] =	sst s10  }
0x35: {  	s10 =	sld [smem:$0x3FB9];
	_ =	sdelay $0x3  }
0x36: {  	p1 =	seq.s32 s10, $0x1;
	s10 =	sld [smem:$0x3FBA];
	_ =	sdelay $0x3  }
0x37: {  	[smem:$0x3FBA] =	sst s10  }
0x38: {  	s10 =	sld [smem:$0x3FBB]  }
0x39: {  	_ = 	snop;
	(pc) =	sbr.ind lr, $3  }
0x3a: {  	_ = 	snop  }
0x3b: {  	_ = 	snop  }
0x3c: {  	p2 =	seq.s32 s10, $0x1;
	s10 =	sld [smem:$0x3FBA]  }
0x3d: {  	_ =	shalt  }
0x3e: {  	_ =	shalt  }
0x3f: {  	_ =	shalt  }
0x40: {  	_ =	shalt  }
0x41: {  	_ =	shalt  }
0x42: {  	_ =	shalt  }
0x43: {  	_ =	shalt  }
0x44: {  	_ =	shalt  }
0x45: {  	_ =	shalt  }
0x46: {  	_ =	shalt  }
0x47: {  	_ =	shalt  }
0x48: {  	_ =	shalt  }
0x49: {  	_ =	shalt  }
0x4a: {  	_ =	shalt  }
0x4b: {  	_ =	shalt  }
0x4c: {  	_ =	shalt  }
0x4d: {  	_ =	shalt  }
0x4e: {  	_ =	shalt  }
0x4f: {  	_ =	shalt  }
0x50: {  	_ =	shalt  }
0x51: {  	_ =	shalt  }
0x52: {  	_ =	shalt  }
0x53: {  	_ =	shalt  }
0x54: {  	_ =	shalt  }
0x55: {  	_ =	shalt  }
0x56: {  	_ =	shalt  }
0x57: {  	_ =	shalt  }
0x58: {  	_ =	shalt  }
0x59: {  	_ =	shalt  }
0x5a: {  	_ =	shalt  }
0x5b: {  	_ =	shalt  }
0x5c: {  	_ =	shalt  }
0x5d: {  	_ =	shalt  }
0x5e: {  	_ =	shalt  }
0x5f: {  	_ =	shalt  }
0x60: {  	_ =	shalt  }
0x61: {  	_ =	shalt  }
0x62: {  	_ =	shalt  }
0x63: {  	_ =	shalt  }
0x64: {  	_ =	shalt  }
0x65: {  	_ =	shalt  }
0x66: {  	_ =	shalt  }
0x67: {  	_ =	shalt  }
0x68: {  	_ =	shalt  }
0x69: {  	_ =	shalt  }
0x6a: {  	_ =	shalt  }
0x6b: {  	_ =	shalt  }
0x6c: {  	_ =	shalt  }
0x6d: {  	_ =	shalt  }
0x6e: {  	_ =	shalt  }
0x6f: {  	_ =	shalt  }
0x70: {  	_ =	shalt  }
0x71: {  	_ =	shalt  }
0x72: {  	_ =	shalt  }
0x73: {  	_ =	shalt  }
0x74: {  	_ =	shalt  }
0x75: {  	_ =	shalt  }
0x76: {  	_ =	shalt  }
0x77: {  	_ =	shalt  }
0x78: {  	_ =	shalt  }
0x79: {  	_ =	shalt  }
0x7a: {  	_ =	shalt  }
0x7b: {  	_ =	shalt  }
0x7c: {  	_ =	shalt  }
0x7d: {  	_ =	shalt  }
0x7e: {  	_ =	shalt  }
0x7f: {  	_ =	shalt  }
0x80: {  	_ =	shalt  }
0x81: {  	_ =	shalt  }
0x82: {  	_ =	shalt  }
0x83: {  	_ =	shalt  }
0x84: {  	_ =	shalt  }
0x85: {  	_ =	shalt  }
0x86: {  	_ =	shalt  }
0x87: {  	_ =	shalt  }
.Lfunc_end0:
.L_simem_size_0:
called_computation_lowered:
.L_overlay_start_0:
0x88: {  	s2 =	sld [smem:$0x3FD9]  }
0x89: {  	s3 =	sld [smem:$0x3FFE];
	_ =	sdelay $0x1  }
0x8a: {  	s1 =	srdreg.scid  }
0x8b: {  	s0 =	sand.u32 $0x1, s1  }
0x8c: {  	s16 =	sshll.u32 s0, $0xA;
	s2 =	sadd.s32 s3, s2  }
0x8d: {  	s2 =	sadd.s32 s2, s16  }
0x8e: {  	[smem:$0x3FC6] =	sst s2  }
0x8f: {  	_ = 	snop  }
0x90: {  	(tm) =	ssettm $0x1  }
0x91: {  	s17 =	sld [smem:$0x3FFB];
	_ =	sdelay $0x3  }
0x92: {  	_ =	strace s17  }
0x93: {  	s2 =	sld [smem:$0x3FFC];
	_ =	sdelay $0x3  }
0x94: {  	_ =	strace s2  }
0x95: {  	s2 =	sld [smem:$0x3FFD];
	_ =	sdelay $0x3  }
0x96: {  	_ =	strace s2  }
0x97: {  	_ =	strace $0x8FFFFFFF  }
0x98: {  	s18 =	sld [smem:$0x3FDB];
	_ =	sdelay $0x1  }
0x99: {  	s19 =	simm.s32 $_scs_section_size  }
0x9a: {  	s4 =	simm.s32 $_size__tile_overlayer_lowered;
	s5 =	simm.s32 $_tile_overlayer_lowered  }
0x9b: {  	s22 =	simm.s32 $0x1BFF;
	s21 =	sshll.u32 s5, $0x1;
	s2 =	sadd.s32 s19, s18  }
0x9c: {  	s6 =	simm.s32 $0x0;
	s20 =	sshll.u32 s4, $0x1;
	s4 =	sadd.s32 s21, s2  }
0x9d: {  	[timem:s6], [sflag:s22] =	dma.local [hbm:s4], s20  }
0x9e: {  	_ =	swait.ge [sflag:s22], s20  }
0x9f: {  	s3 =	ssub.s32 $0x0, s20;
	[sflag:s22] =	ssyncset.done $0x0  }
0xa0: {  	[sflag:s22] =	ssyncadd.s32 s3;
	_ =	sdelay $0x1  }
0xa1: {  	s23 =	simm.s32 $0x1B8B  }
0xa2: {  	_ =	swait.ge [sflag:s23], $0x1  }
0xa3: {  	[sflag:s23] =	ssyncset.done $0x0  }
0xa4: {  	s25 =	simm.s32 $0x1B8E;
	s24 =	sld [smem:$0x3FFE];
	[sflag:s23] =	ssyncadd.s32 $0xFFFFFFFF  }
0xa5: {  	s26 =	simm.s32 $execute0_lowered;
	[smem:$0x3FD2] =	sst s25  }
0xa6: {  	s4 =	sshll.u32 s26, $0x1;
	_ =	strace $0x80000046;
	[dreg:$0x1] =	wrdreg $0xFFFFFFFF  }
0xa7: {  	s28 =	simm.s32 $_size_execute0_lowered;
	s2 =	sadd.s32 s2, s4;
	[dreg:$0x0] =	wrdreg $0x0  }
0xa8: {  	s4 =	sshll.u32 s28, $0x1;
	[dreg:$0x2] =	wrdreg s2  }
0xa9: {  	[dreg:$0x3] =	wrdreg s4  }
0xaa: {  	[dreg:$0x4] =	wrdreg $0xC0  }
0xab: {  	_ =	task [dreg:s6], $0x5FFFF  }
0xac: {  	[dreg:$0x1] =	wrdreg $0xFFFFFFFF  }
0xad: {  	[dreg:$0x0] =	wrdreg $0x60  }
0xae: {  	[dreg:$0x2] =	wrdreg s24  }
0xaf: {  	[dreg:$0x3] =	wrdreg $0x1D0800  }
0xb0: {  	[dreg:$0x4] =	wrdreg $0x9  }
0xb1: {  	_ =	task.clear_ibuf [dreg:s6], $0x5FFFF;
	_ =	strace $0x90000046  }
0xb2: {  	s29 =	simm.s32 $0x9;
	_ =	strace $0x80000048  }
0xb3: {  	_ =	swait.ge [sflag:s29], $0x1  }
0xb4: {  	[sflag:s29] =	ssyncadd.s32 $0xFFFFFFFF  }
0xb5: {  	_ =	strace $0x90000048  }
0xb6: {  	_ =	sfence  }
0xb7: {  	s30 =	sld [smem:$0x0];
	_ =	sdelay $0x2  }
0xb8: {  	s31 =	sshll.u32 s1, $0xD;
	s1 =	sshrl.u32 s1, $0x2  }
0xb9: {  	s3 =	sand.u32 $0x4000, s31;
	s1 =	sadd.s32 s1, s30  }
0xba: {  	s0 =	sor.u32 s3, s0;
	s1 =	sshll.u32 s1, $0x11  }
0xbb: {  	s0 =	sor.u32 s1, s0  }
0xbc: {  	s0 =	sadd.s32 $0x8F2B, s0  }
0xbd: {  	[sflag:s0] =	ssyncadd.remote.s32 $0x1  }
0xbe: {  	_ =	sfence.sel $0xFFFF  }
0xbf: {  	[dreg:$0x0] =	wrdreg $0xFFFFFFFF;
	(pc) =	sbr.abs _section_cstart, $3  }
0xc0: {  	[dreg:$0x1] =	wrdreg $0xFFFFFFFF  }
0xc1: {  	_ =	task.clear_ibuf [dreg:s6], $0x2FFFF;
	_ =	strace $0x9FFFFFFF  }
0xc2: {  	(tm) =	ssettm $0x7FFFFFFF  }
0xc3: {  	_ =	shalt  }
tec
execute0_lowered:
.L_overlay_start_1:
0x0: {  	(tag) =	ssettag $0x1  }
0x1: {  	s0 =	rddreg [dreg:$0x0]  }
0x2: {  	s1 =	rddreg [dreg:$0x1];
	s2 =	simm.s32 $0x0;
	s3 =	srdreg.scid  }
0x3: {  	s23 =	stileid.u32;
	[smem:$0x7FF] =	sst s2;
	s3 =	sand.u32 $0x1, s3  }
0x4: {  	s5 =	sshrl.u32 s23, $0x2;
	s17 =	sadd.s32 $0x200, s0;
	s18 =	sadd.s32 $0x40200, s0  }
0x5: {  	s20 =	sand.u32 $0x3, s23;
	_ =	strace $0x80000047;
	s4 =	sshll.u32 s3, $0x2  }
0x6: {  	s3 =	ssub.s32 $0x2, s3;
	s7 =	sshll.u32 s20, $0xD;
	s4 =	sor.u32 s5, s4  }
0x7: {  	s6 =	sshrl.u32 s3, $0x1;
	s5 =	sshll.u32 s4, $0x4;
	s4 =	sshll.u32 s4, $0xF  }
0x8: {  	s22 =	ssub.s32 s3, s6;
	s21 =	sadd.s32 s5, s0;
	s29 =	sor.u32 s7, s4  }
0x9: {  	s3 =	sadd.s32 s17, s29;
	s4 =	sadd.s32 s18, s29;
	s19 =	sor.u32 $0x400, s29  }
0xa: {  	s8 =	sor.u32 $0x800, s29;
	s10 =	sor.u32 $0xC00, s29;
	s12 =	sor.u32 $0x1000, s29  }
0xb: {  	s14 =	sor.u32 $0x1400, s29;
	s16 =	sor.u32 $0x1800, s29;
	s0 =	sor.u32 $0x1C00, s29  }
0xc: {  	s29 =	sadd.s32 $0x80200, s21;
	s5 =	sadd.s32 s17, s19;
	s6 =	sadd.s32 s18, s19  }
0xd: {  	s7 =	sadd.s32 s17, s8;
	s8 =	sadd.s32 s18, s8;
	s9 =	sadd.s32 s17, s10  }
0xe: {  	s10 =	sadd.s32 s18, s10;
	s11 =	sadd.s32 s17, s12;
	s12 =	sadd.s32 s18, s12  }
0xf: {  	s13 =	sadd.s32 s17, s14;
	s14 =	sadd.s32 s18, s14;
	s15 =	sadd.s32 s17, s16  }
0x10: {  	s16 =	sadd.s32 s18, s16;
	s19 =	sshll.u32 s23, $0xC;
	s23 =	sshll.u32 s23, $0x7  }
0x11: {  	s17 =	sadd.s32 s17, s0;
	s18 =	sadd.s32 s18, s0;
	s19 =	sand.u32 $0x8000, s19  }
0x12: {  	s24 =	sand.u32 $0x200, s23;
	s23 =	sand.u32 $0x380, s23;
	s1 =	sadd.s32 s19, s1  }
0x13: {  	[dreg:$0x7] =	wrdreg s29;
	s0 =	sadd.s32 s24, s1;
	s19 =	sadd.s32 s23, s1  }
0x14: {  	s25 =	sadd.s32 $0x80, s0;
	[dreg:$0x3] =	wrdreg s19  }
0x15: {  	s26 =	sadd.s32 $0x100, s0;
	[dreg:$0x4] =	wrdreg s25  }
0x16: {  	s28 =	sadd.s32 $0x180, s0;
	[dreg:$0x5] =	wrdreg s26  }
0x17: {  	p0 =	sne.s32 s20, $0x0;
	s20 =	sadd.s32 $0x480, s0;
	[dreg:$0x6] =	wrdreg s28  }
0x18: {  	s21 =	sadd.s32 $0x880, s0;
	[dreg:$0x9] =	wrdreg s20  }
0x19: {  	s23 =	sadd.s32 $0x1080, s0;
	[dreg:$0xa] =	wrdreg s21  }
0x1a: {  	s24 =	sadd.s32 $0x1480, s0;
	[dreg:$0xc] =	wrdreg s23  }
0x1b: {  	s29 =	sadd.s32 $0x2080, s0;
	[dreg:$0xd] =	wrdreg s24  }
0x1c: {  	s1 =	sadd.s32 $0x1400, s19;
	[dreg:$0x10] =	wrdreg s29  }
0x1d: {  	s25 =	smax.u32 s22, $0x1;
	s22 =	sadd.s32 $0xC80, s0;
	[smem:$0x7E3] =	sst s1  }
0x1e: {  	s26 =	sadd.s32 $0x1880, s0;
	[dreg:$0xb] =	wrdreg s22  }
0x1f: {  	s28 =	sadd.s32 $0x1C80, s0;
	[dreg:$0xe] =	wrdreg s26  }
0x20: {  	s20 =	sadd.s32 $0x2480, s0;
	[dreg:$0xf] =	wrdreg s28  }
0x21: {  	s21 =	sadd.s32 $0x2880, s0;
	[dreg:$0x11] =	wrdreg s20  }
0x22: {  	s23 =	sadd.s32 $0x3080, s0;
	[dreg:$0x12] =	wrdreg s21  }
0x23: {  	s24 =	sadd.s32 $0x3480, s0;
	[dreg:$0x14] =	wrdreg s23  }
0x24: {  	s29 =	sadd.s32 $0x4080, s0;
	[dreg:$0x15] =	wrdreg s24  }
0x25: {  	s1 =	sadd.s32 $0x3800, s19;
	[dreg:$0x18] =	wrdreg s29  }
0x26: {  	[smem:$0x7EC] =	sst s1  }
0x27: {  	s22 =	sadd.s32 $0x2C80, s0;
	[dreg:$0x8] =	wrdreg s25  }
0x28: {  	s26 =	sadd.s32 $0x3880, s0;
	[dreg:$0x13] =	wrdreg s22  }
0x29: {  	s28 =	sadd.s32 $0x3C80, s0;
	[dreg:$0x16] =	wrdreg s26  }
0x2a: {  	s20 =	sadd.s32 $0x4480, s0;
	[dreg:$0x17] =	wrdreg s28  }
0x2b: {  	s21 =	sadd.s32 $0x4880, s0;
	[dreg:$0x19] =	wrdreg s20  }
0x2c: {  	s23 =	sadd.s32 $0x5080, s0;
	[dreg:$0x1a] =	wrdreg s21  }
0x2d: {  	s24 =	sadd.s32 $0x5480, s0;
	[dreg:$0x1c] =	wrdreg s23  }
0x2e: {  	s29 =	sadd.s32 $0x6080, s0;
	[dreg:$0x1d] =	wrdreg s24  }
0x2f: {  	s1 =	sadd.s32 $0x5C00, s19;
	[smem:$0x799] =	sst s29  }
0x30: {  	s22 =	sadd.s32 $0x4C80, s0;
	[smem:$0x7F5] =	sst s1  }
0x31: {  	s26 =	sadd.s32 $0x5880, s0;
	[dreg:$0x1b] =	wrdreg s22  }
0x32: {  	s28 =	sadd.s32 $0x5C80, s0;
	[dreg:$0x1e] =	wrdreg s26  }
0x33: {  	s20 =	sadd.s32 $0x6480, s0;
	[dreg:$0x1f] =	wrdreg s28  }
0x34: {  	s21 =	sadd.s32 $0x6880, s0;
	[smem:$0x79A] =	sst s20  }
0x35: {  	s23 =	sadd.s32 $0x7080, s0;
	[smem:$0x79B] =	sst s21  }
0x36: {  	s24 =	sadd.s32 $0x7480, s0;
	[smem:$0x79D] =	sst s23  }
0x37: {  	s29 =	sadd.s32 $0x500, s0;
	[smem:$0x79E] =	sst s24  }
0x38: {  	s22 =	sadd.s32 $0x6C80, s0;
	[smem:$0x7A1] =	sst s29  }
0x39: {  	s26 =	sadd.s32 $0x7880, s0;
	[smem:$0x79C] =	sst s22  }
0x3a: {  	s28 =	sadd.s32 $0x7C80, s0;
	[smem:$0x79F] =	sst s26  }
0x3b: {  	s20 =	sadd.s32 $0x900, s0;
	[smem:$0x7A0] =	sst s28  }
0x3c: {  	s21 =	sadd.s32 $0xD00, s0;
	[smem:$0x7A2] =	sst s20  }
0x3d: {  	s23 =	sadd.s32 $0x1500, s0;
	[smem:$0x7A3] =	sst s21  }
0x3e: {  	s24 =	sadd.s32 $0x1900, s0;
	[smem:$0x7A5] =	sst s23  }
0x3f: {  	s29 =	sadd.s32 $0x2500, s0;
	[smem:$0x7A6] =	sst s24  }
0x40: {  	s22 =	sadd.s32 $0x1100, s0;
	[smem:$0x7A9] =	sst s29  }
0x41: {  	s26 =	sadd.s32 $0x1D00, s0;
	[smem:$0x7A4] =	sst s22  }
0x42: {  	s28 =	sadd.s32 $0x2100, s0;
	[smem:$0x7A7] =	sst s26  }
0x43: {  	s20 =	sadd.s32 $0x2900, s0;
	[smem:$0x7A8] =	sst s28  }
0x44: {  	s21 =	sadd.s32 $0x2D00, s0;
	[smem:$0x7AA] =	sst s20  }
0x45: {  	s23 =	sadd.s32 $0x3500, s0;
	[smem:$0x7AB] =	sst s21  }
0x46: {  	s24 =	sadd.s32 $0x3900, s0;
	[smem:$0x7AD] =	sst s23  }
0x47: {  	s29 =	sadd.s32 $0x4500, s0;
	[smem:$0x7AE] =	sst s24  }
0x48: {  	s22 =	sadd.s32 $0x3100, s0;
	[smem:$0x7B1] =	sst s29  }
0x49: {  	s26 =	sadd.s32 $0x3D00, s0;
	[smem:$0x7AC] =	sst s22  }
0x4a: {  	s28 =	sadd.s32 $0x4100, s0;
	[smem:$0x7AF] =	sst s26  }
0x4b: {  	s20 =	sadd.s32 $0x4900, s0;
	[smem:$0x7B0] =	sst s28  }
0x4c: {  	s21 =	sadd.s32 $0x4D00, s0;
	[smem:$0x7B2] =	sst s20  }
0x4d: {  	s23 =	sadd.s32 $0x5500, s0;
	[smem:$0x7B3] =	sst s21  }
0x4e: {  	s24 =	sadd.s32 $0x5900, s0;
	[smem:$0x7B5] =	sst s23  }
0x4f: {  	s29 =	sadd.s32 $0x6500, s0;
	[smem:$0x7B6] =	sst s24  }
0x50: {  	s22 =	sadd.s32 $0x5100, s0;
	[smem:$0x7B9] =	sst s29  }
0x51: {  	s26 =	sadd.s32 $0x5D00, s0;
	[smem:$0x7B4] =	sst s22  }
0x52: {  	s28 =	sadd.s32 $0x6100, s0;
	[smem:$0x7B7] =	sst s26  }
0x53: {  	s20 =	sadd.s32 $0x6900, s0;
	[smem:$0x7B8] =	sst s28  }
0x54: {  	s21 =	sadd.s32 $0x6D00, s0;
	[smem:$0x7BA] =	sst s20  }
0x55: {  	s23 =	sadd.s32 $0x7500, s0;
	[smem:$0x7BB] =	sst s21  }
0x56: {  	s24 =	sadd.s32 $0x7900, s0;
	[smem:$0x7BD] =	sst s23  }
0x57: {  	s29 =	sadd.s32 $0x980, s0;
	[smem:$0x7BE] =	sst s24  }
0x58: {  	s22 =	sadd.s32 $0x7100, s0;
	[smem:$0x7C1] =	sst s29  }
0x59: {  	s26 =	sadd.s32 $0x7D00, s0;
	[smem:$0x7BC] =	sst s22  }
0x5a: {  	s28 =	sadd.s32 $0x580, s0;
	[smem:$0x7BF] =	sst s26  }
0x5b: {  	s20 =	sadd.s32 $0xD80, s0;
	[smem:$0x7C0] =	sst s28  }
0x5c: {  	s21 =	sadd.s32 $0x1180, s0;
	[smem:$0x7C2] =	sst s20  }
0x5d: {  	s23 =	sadd.s32 $0x1980, s0;
	[smem:$0x7C3] =	sst s21  }
0x5e: {  	s24 =	sadd.s32 $0x1D80, s0;
	[smem:$0x7C5] =	sst s23  }
0x5f: {  	s29 =	sadd.s32 $0x2980, s0;
	[smem:$0x7C6] =	sst s24  }
0x60: {  	s22 =	sadd.s32 $0x1580, s0;
	[smem:$0x7C9] =	sst s29  }
0x61: {  	s26 =	sadd.s32 $0x2180, s0;
	[smem:$0x7C4] =	sst s22  }
0x62: {  	s28 =	sadd.s32 $0x2580, s0;
	[smem:$0x7C7] =	sst s26  }
0x63: {  	s20 =	sadd.s32 $0x2D80, s0;
	[smem:$0x7C8] =	sst s28  }
0x64: {  	s21 =	sadd.s32 $0x3180, s0;
	[smem:$0x7CA] =	sst s20  }
0x65: {  	s23 =	sadd.s32 $0x3980, s0;
	[smem:$0x7CB] =	sst s21  }
0x66: {  	s24 =	sadd.s32 $0x3D80, s0;
	[smem:$0x7CD] =	sst s23  }
0x67: {  	s29 =	sadd.s32 $0x4980, s0;
	[smem:$0x7CE] =	sst s24  }
0x68: {  	s22 =	sadd.s32 $0x3580, s0;
	[smem:$0x7D1] =	sst s29  }
0x69: {  	s26 =	sadd.s32 $0x4180, s0;
	[smem:$0x7CC] =	sst s22  }
0x6a: {  	s28 =	sadd.s32 $0x4580, s0;
	[smem:$0x7CF] =	sst s26  }
0x6b: {  	s20 =	sadd.s32 $0x4D80, s0;
	[smem:$0x7D0] =	sst s28  }
0x6c: {  	s21 =	sadd.s32 $0x5180, s0;
	[smem:$0x7D2] =	sst s20  }
0x6d: {  	s23 =	sadd.s32 $0x5980, s0;
	[smem:$0x7D3] =	sst s21  }
0x6e: {  	s24 =	sadd.s32 $0x5D80, s0;
	[smem:$0x7D5] =	sst s23  }
0x6f: {  	s29 =	sadd.s32 $0x6980, s0;
	[smem:$0x7D6] =	sst s24  }
0x70: {  	s22 =	sadd.s32 $0x5580, s0;
	[smem:$0x7D9] =	sst s29  }
0x71: {  	s26 =	sadd.s32 $0x6180, s0;
	[smem:$0x7D4] =	sst s22  }
0x72: {  	s28 =	sadd.s32 $0x6580, s0;
	[smem:$0x7D7] =	sst s26  }
0x73: {  	s20 =	sadd.s32 $0x6D80, s0;
	[smem:$0x7D8] =	sst s28  }
0x74: {  	s21 =	sadd.s32 $0x7180, s0;
	[smem:$0x7DA] =	sst s20  }
0x75: {  	s23 =	sadd.s32 $0x7980, s0;
	[smem:$0x7DB] =	sst s21  }
0x76: {  	s24 =	sadd.s32 $0x400, s19;
	[smem:$0x7DD] =	sst s23  }
0x77: {  	s29 =	sadd.s32 $0x1000, s19;
	[smem:$0x7DF] =	sst s24  }
0x78: {  	s22 =	sadd.s32 $0x7580, s0;
	[smem:$0x7E2] =	sst s29  }
0x79: {  	s0 =	sadd.s32 $0x7D80, s0;
	[smem:$0x7DC] =	sst s22  }
0x7a: {  	s26 =	sadd.s32 $0x800, s19;
	[smem:$0x7DE] =	sst s0  }
0x7b: {  	s28 =	sadd.s32 $0xC00, s19;
	[smem:$0x7E0] =	sst s26  }
0x7c: {  	s20 =	sadd.s32 $0x1800, s19;
	[smem:$0x7E1] =	sst s28  }
0x7d: {  	s21 =	sadd.s32 $0x1C00, s19;
	[smem:$0x7E4] =	sst s20  }
0x7e: {  	s23 =	sadd.s32 $0x2400, s19;
	[smem:$0x7E5] =	sst s21  }
0x7f: {  	s24 =	sadd.s32 $0x2800, s19;
	[smem:$0x7E7] =	sst s23  }
0x80: {  	s29 =	sadd.s32 $0x3400, s19;
	[smem:$0x7E8] =	sst s24  }
0x81: {  	s22 =	sadd.s32 $0x2000, s19;
	[smem:$0x7EB] =	sst s29  }
0x82: {  	s26 =	sadd.s32 $0x2C00, s19;
	[smem:$0x7E6] =	sst s22  }
0x83: {  	s28 =	sadd.s32 $0x3000, s19;
	[smem:$0x7E9] =	sst s26  }
0x84: {  	s20 =	sadd.s32 $0x3C00, s19;
	[smem:$0x7EA] =	sst s28  }
0x85: {  	v0 =	vimm.f32 $5.000000000e-01;
	vm0 =	vcmask $0x300;
	s21 =	sadd.s32 $0x4000, s19;
	[smem:$0x7ED] =	sst s20  }
0x86: {  	vm14 =	vcmask $0x704;
	v0 =	vsel vm0, $0x41780000, v0;
	s23 =	sadd.s32 $0x4800, s19;
	[smem:$0x7EE] =	sst s21  }
0x87: {  	vm15 =	vcmask $0xB08;
	v0 =	vsel vm14, $0x41680000, v0;
	s24 =	sadd.s32 $0x4C00, s19;
	[smem:$0x7F0] =	sst s23  }
0x88: {  	vm4 =	vcmask $0xF0C;
	v0 =	vsel vm15, $0x41580000, v0;
	s29 =	sadd.s32 $0x5800, s19;
	[smem:$0x7F1] =	sst s24  }
0x89: {  	vm5 =	vcmask $0x1310;
	v0 =	vsel vm4, $0x41480000, v0;
	s22 =	sadd.s32 $0x4400, s19;
	[smem:$0x7F4] =	sst s29  }
0x8a: {  	vm6 =	vcmask $0x1714;
	v0 =	vsel vm5, $0x41380000, v0;
	s26 =	sadd.s32 $0x5000, s19;
	[smem:$0x7EF] =	sst s22  }
0x8b: {  	vm7 =	vcmask $0x1B18;
	v0 =	vsel vm6, $0x41280000, v0;
	s28 =	sadd.s32 $0x5400, s19;
	[smem:$0x7F2] =	sst s26  }
0x8c: {  	vm8 =	vcmask $0x1F1C;
	v0 =	vsel vm7, $0x41180000, v0;
	s20 =	sadd.s32 $0x6000, s19;
	[smem:$0x7F3] =	sst s28  }
0x8d: {  	vm9 =	vcmask $0x2320;
	v0 =	vsel vm8, $0x41080000, v0;
	s21 =	sadd.s32 $0x6400, s19;
	[smem:$0x7F6] =	sst s20  }
0x8e: {  	vm10 =	vcmask $0x2724;
	v0 =	vsel vm9, $0x40F00000, v0;
	s23 =	sadd.s32 $0x6C00, s19;
	[smem:$0x7F7] =	sst s21  }
0x8f: {  	s30 =	simm.s32 $0x1;
	vm11 =	vcmask $0x2B28;
	v0 =	vsel vm10, $0x40D00000, v0;
	s24 =	sadd.s32 $0x7000, s19;
	[smem:$0x7F9] =	sst s23  }
.Ltmp0:
0x90: {  	vm12 =	vcmask $0x2F2C;
	v0 =	vsel vm11, $0x40B00000, v0;
	s29 =	sadd.s32 $0x7C00, s19;
	[smem:$0x7FA] =	sst s24;
	(pc) =	sbr.rel .LBB2_1-.Ltmp0, $4  }
0x91: {  	s31 =	simm.s32 $0x3;
	vm13 =	vcmask $0x3330;
	v1 =	vsel vm12, $0x40900000, v0;
	s22 =	sadd.s32 $0x6800, s19;
	[smem:$0x7FD] =	sst s29  }
0x92: {  	v3 =	vimm.s32 $0x1;
	vm14 =	vcmask $0x3734;
	v2 =	vsel vm13, $0x40600000, v1;
	s1 =	simm.s32 $0x2;
	s26 =	sadd.s32 $0x7400, s19;
	[smem:$0x7F8] =	sst s22  }
0x93: {  	vm15 =	vcmask $0x3B38;
	v1 =	vlaneseq.u32;
	v4 =	vsel vm14, $0x40200000, v2;
	s0 =	simm.s32 $0x8000;
	s28 =	sadd.s32 $0x7800, s19;
	[smem:$0x7FB] =	sst s26  }
0x94: {  	v0 =	vimm.s32 $0x0;
	v2 =	vmul.u32 $0x1000, v1;
	v4 =	vsel vm15, $0x3FC00000, v4;
	s20 =	simm.s32 $0x4;
	[smem:$0x7FC] =	sst s28;
	s26 =	simm.s32 $0x0  }
.LBB2_58:
0x95: {  	v30 =	vld [tilespmem:s24+$0x180];
	_ =	sdelay $0x2  }
0x96: {  	v22 =	vadd.s32 v22, v25;
	v52 =	vadd.s32 v26, v27  }
0x97: {  	v22 =	vadd.s32 v23, v22;
	v53 =	vadd.s32 v29, v52  }
0x98: {  	v22 =	vadd.s32 v28, v22;
	v23 =	vadd.s32 v30, v53  }
0x99: {  	v22 =	vperm.xlane v22, v7;
	v7 =	vperm.xlane v23, v7  }
0x9a: {  	(xrf2) =	vadd.scan.msk.f32 $0xffff, v24  }
0x9b: {  	v54 =	vcvt.s32.f32 v22;
	v7 =	vadd.s32 v7, v22  }
0x9c: {  	v7 =	vcvt.s32.f32 v7  }
0x9d: {  	(xrf2) =	vadd.scan.msk.f32 $0xffff, v54  }
0x9e: {  	(xrf2) =	vadd.scan.msk.f32 $0xffff, v7;
	_ =	sdelay $0x1  }
0x9f: {  	v13 =	vsub.f32 v14, v13  }
0xa0: {  	v15 =	vsub.f32 v6, v15;
	v10 =	vsub.f32 v20, v10;
	v16 =	vbroadcast v16, $0xF  }
0xa1: {  	v19 =	vbroadcast v19, $0xF;
	v12 =	vsub.f32 v6, v12;
	v55 =	vadd.f32 v14, v6  }
0xa2: {  	v57 =	vadd.f32 v13, v6;
	v16 =	vadd.f32 v16, v18;
	v56, _, _ =	vpop (xrf2)  }
0xa3: {  	v17 =	vadd.f32 v19, v17;
	v22 =	vsub.f32 v55, v20;
	v58, _, _ =	vpop (xrf2)  }
0xa4: {  	v59 =	vsub.f32 v57, v10;
	v61 =	vadd.f32 v56, v16;
	v19 =	vbroadcast v58, $0xF  }
0xa5: {  	v62 =	vpop (erf);
	v25 =	vbroadcast v56, $0xF;
	(erf) = vrcp.f32 v22;
	v60 =	vadd.f32 v58, v17  }
0xa6: {  	v21 =	vsub.f32 v61, v21;
	(erf) = vrcp.f32 v59;
	v17 =	vadd.f32 v19, v17;
	v33, _, _ =	vpop (xrf2)  }
0xa7: {  	v63 =	vsub.f32 v60, v24;
	v32 =	vadd.f32 v60, v6;
	v35, _, _ =	vpop (xrf2)  }
0xa8: {  	v16 =	vadd.f32 v25, v16;
	v17 =	vadd.f32 v35, v17  }
0xa9: {  	v34 =	vadd.f32 v63, v6;
	v24 =	vsub.f32 v32, v61  }
0xaa: {  	v36 =	vpop (erf);
	v15 =	vmul.f32 v62, v15;
	v16 =	vadd.f32 v33, v16;
	v7 =	vsub.f32 v17, v7  }
0xab: {  	v12 =	vmul.f32 v36, v12;
	v19 =	vsub.f32 v34, v21;
	v37 =	vadd.f32 v17, v6  }
0xac: {  	(erf) = vrcp.f32 v24;
	v23 =	vsub.f32 v16, v54;
	v38 =	vadd.f32 v7, v6  }
0xad: {  	v15 =	vsub.f32 $1.000000000e+00, v15;
	(erf) = vrcp.f32 v19;
	v19 =	vsub.f32 v37, v16  }
0xae: {  	vm0 =	vgt.f32 v8, $0.0e+00;
	v12 =	vsub.f32 $1.000000000e+00, v12;
	v41 =	vpop (erf);
	v42 =	vsub.f32 v38, v23  }
0xaf: {  	vm1 =	vgt.f32 v9, $0.0e+00;
	s19 =	scvt.s32.f32 s28;
	v40 =	vsub.f32 v6, v10;
	v43 =	vpop (erf);
	(erf) = vrcp.f32 v19  }
0xb0: {  	s22 =	scvt.s32.f32 s29;
	v15 =	vnsel vm0, $0x0, v15;
	v44 =	vnsel vm1, $0x0, v12;
	(erf) = vrcp.f32 v42  }
0xb1: {  	v49 =	vadd.f32 s19, v4;
	v10 =	vsub.f32 v15, v44  }
0xb2: {  	v39 =	vsub.f32 v6, v20;
	vm10 =	vgt.f32 v14, $0.0e+00;
	v56 =	vadd.f32 s22, v4  }
0xb3: {  	vm11 =	vgt.f32 v13, $0.0e+00;
	v51 =	vmul.f32 $9.765625000e-04, v49;
	v10 =	vmul.f32 v10, v11  }
0xb4: {  	s23 =	scvt.s32.f32 s21;
	v46 =	vsub.f32 v6, v61;
	v47 =	vsub.f32 v6, v21;
	v59 =	vmul.f32 $9.765625000e-04, v56  }
0xb5: {  	v5 =	vadd.f32 v10, v5;
	v8 =	vmul.f32 v41, v39;
	v9 =	vmul.f32 v43, v40  }
0xb6: {  	vm12 =	vgt.f32 v60, $0.0e+00;
	vm13 =	vgt.f32 v63, $0.0e+00;
	v61 =	vadd.f32 s23, v4;
	v45 =	vpop (erf)  }
0xb7: {  	v8 =	vsub.f32 $1.000000000e+00, v8;
	v9 =	vsub.f32 $1.000000000e+00, v9;
	v12 =	vmul.f32 v45, v46;
	v48 =	vpop (erf)  }
0xb8: {  	v54 =	vsub.f32 v6, v16;
	v6 =	vsub.f32 v6, v23;
	v50 =	vmul.f32 v48, v47;
	v55 =	vpop (erf)  }
0xb9: {  	v8 =	vnsel vm10, $0x0, v8;
	v9 =	vnsel vm11, $0x0, v9;
	v52 =	vsub.f32 $1.000000000e+00, v12;
	v57 =	vpop (erf)  }
0xba: {  	v53 =	vsub.f32 $1.000000000e+00, v50;
	v13 =	vmul.f32 v55, v54;
	v6 =	vmul.f32 v57, v6  }
0xbb: {  	vm14 =	vgt.f32 v17, $0.0e+00;
	v8 =	vsub.f32 v8, v9;
	v11 =	vnsel vm12, $0x0, v52  }
0xbc: {  	v12 =	vnsel vm13, $0x0, v53;
	v60 =	vsub.f32 $1.000000000e+00, v13;
	v6 =	vsub.f32 $1.000000000e+00, v6  }
0xbd: {  	vm15 =	vgt.f32 v7, $0.0e+00;
	v8 =	vmul.f32 v8, v51;
	v58 =	vsub.f32 v11, v12  }
0xbe: {  	v63 =	vmul.f32 $9.765625000e-04, v61;
	v7 =	vnsel vm14, $0x0, v60;
	v6 =	vnsel vm15, $0x0, v6  }
0xbf: {  	v5 =	vadd.f32 v8, v5;
	v62 =	vmul.f32 v58, v59;
	v6 =	vsub.f32 v7, v6;
	_ =	sdelay $0x1  }
0xc0: {  	v5 =	vadd.f32 v62, v5;
	v6 =	vmul.f32 v6, v63;
	_ =	sdelay $0x1  }
0xc1: {  	v5 =	vadd.f32 v6, v5;
	_ =	sdelay $0x1  }
0xc2: {  	(xrf2) =	vadd.scan.msk.f32 $0xffff, v5;
	_ =	sdelay $0x9  }
0xc3: {  	v5, _, _ =	vpop (xrf2)  }
0xc4: {  	(v2sf) =	vpush v5, $0xF;
	_ =	sdelay $0xe  }
0xc5: {  	s24 =	spop (v2sf)  }
0xc6: {  	s19 =	smul.f32 $1.250000000e-01, s24;
	_ =	sdelay $0x1  }
0xc7: {  	v5 =	vmov s19  }
0xc8: {  	s25 =	rddreg [dreg:$0x7];
	s28 =	simm.s32 $0x1D000;
	s29 =	simm.s32 $0x5;
	[tilespmem:$0x1D000] =	vst v5  }
0xc9: {  	[hbm4b:s25+s2] =	stream.linear.scatter [tilespmem:s28], [sflag:$0x5], $0x80, $0x38;
	[tilespmem:$0x1E080] =	vst v63  }
0xca: {  	_ =	swait.ge [sflag:s29], $0x80  }
0xcb: {  	s30 =	simm.s32 $0x1;
	[sflag:s29] =	ssyncset.done $0x0;
	s19 =	rddreg [dreg:$0x3]  }
0xcc: {  	s31 =	simm.s32 $0x3;
	s25 =	rddreg [dreg:$0x8];
	[sflag:s29] =	ssyncadd.s32 $0xFFFFFF80  }
.LBB2_59:
0xcd: {  	s26 =	sadd.s32 $0x1, s26  }
0xce: {  	p1 =	sne.s32 s26, s25  }
.Ltmp1:
0xcf: {  	_ = 	snop;
	(pc) =	sbr.rel @!p1 .LBB2_60-.Ltmp1, $1  }
0xd0: {  	_ =	sdelay $0x3  }
.LBB2_1:
0xd1: {  	[tilespmem:s0+$0x0] =	vst v0;
	s21 =	sand.u32 $0xFF0, s2;
	s22 =	simm.s32 $0x10;
	s23 =	simm.s32 $0x8000  }
.LBB2_2:
0xd2: {  	p1 =	sne.s32 s22, $0xFF0;
	[tilespmem:s21+$0x9000] =	vst v0  }
0xd3: {  	[tilespmem:s21+$0xA000] =	vst v0  }
0xd4: {  	[tilespmem:s21+$0xB000] =	vst v0  }
0xd5: {  	[tilespmem:s21+$0xC000] =	vst v0  }
0xd6: {  	[tilespmem:s21+$0xD000] =	vst v0  }
0xd7: {  	[tilespmem:s21+$0xE000] =	vst v0  }
0xd8: {  	[tilespmem:s21+$0xF000] =	vst v0  }
0xd9: {  	[tilespmem:s21+$0x10000] =	vst v0  }
0xda: {  	[tilespmem:s21+$0x11000] =	vst v0  }
0xdb: {  	[tilespmem:s21+$0x12000] =	vst v0  }
0xdc: {  	[tilespmem:s21+$0x13000] =	vst v0  }
.Ltmp2:
0xdd: {  	[tilespmem:s21+$0x14000] =	vst v0;
	(pc) =	sbr.rel @p1 .LBB2_2-.Ltmp2, $4  }
0xde: {  	[tilespmem:s21+$0x15000] =	vst v0  }
0xdf: {  	[tilespmem:s21+$0x16000] =	vst v0  }
0xe0: {  	s23 =	sadd.s32 $0x10, s23;
	[tilespmem:s21+$0x17000] =	vst v0  }
0xe1: {  	s21 =	sand.u32 $0xFF0, s22;
	s22 =	sadd.s32 $0x10, s22;
	[tilespmem:s23+$0x0] =	vst v0  }
0xe2: {  	[tilespmem:s21+$0x9000] =	vst v0  }
0xe3: {  	[tilespmem:s21+$0xA000] =	vst v0  }
0xe4: {  	[tilespmem:s21+$0xB000] =	vst v0  }
0xe5: {  	[tilespmem:s21+$0xC000] =	vst v0  }
0xe6: {  	[tilespmem:s21+$0xD000] =	vst v0  }
0xe7: {  	[tilespmem:s21+$0xE000] =	vst v0  }
0xe8: {  	[tilespmem:s21+$0xF000] =	vst v0  }
0xe9: {  	[tilespmem:s21+$0x10000] =	vst v0  }
0xea: {  	[tilespmem:s21+$0x11000] =	vst v0  }
0xeb: {  	[tilespmem:s21+$0x12000] =	vst v0  }
0xec: {  	[tilespmem:s21+$0x13000] =	vst v0  }
0xed: {  	[tilespmem:s21+$0x14000] =	vst v0  }
0xee: {  	[tilespmem:s21+$0x15000] =	vst v0  }
0xef: {  	[tilespmem:s21+$0x16000] =	vst v0;
	s22 =	simm.s32 $0x0  }
0xf0: {  	[tilespmem:s21+$0x17000] =	vst v0;
	s21 =	simm.s32 $0x10;
	s24 =	sadd.s32 $0x0, s3;
	s23 =	simm.s32 $0x100  }
.LBB2_4:
0xf1: {  	[tilespmem:s22], [sflag:$0x1] =	stream.linear.gather [hbm4b:s24+s2], $0x80, $0x38;
	[tilespmem:$0x1E080] =	vst v63  }
0xf2: {  	s24 =	smov.u32 s21;
	s22 =	smov.u32 s23;
	p1 =	sne.s32 s21, $0x3F0  }
.Ltmp3:
0xf3: {  	s21 =	sadd.s32 $0x10, s21;
	(pc) =	sbr.rel @p1 .LBB2_4-.Ltmp3, $2  }
0xf4: {  	_ =	sdelay $0x2  }
0xf5: {  	s23 =	sadd.s32 $0x100, s23;
	s24 =	sadd.s32 s24, s3  }
0xf6: {  	[tilespmem:s22], [sflag:$0x1] =	stream.linear.gather [hbm4b:s24+s2], $0x80, $0x38;
	[tilespmem:$0x1E080] =	vst v63  }
0xf7: {  	s21 =	simm.s32 $0x4000  }
0xf8: {  	s22 =	simm.s32 $0x10;
	s24 =	sadd.s32 $0x0, s4;
	s23 =	simm.s32 $0x4100  }
.LBB2_6:
0xf9: {  	[tilespmem:s21], [sflag:$0x3] =	stream.linear.gather [hbm4b:s24+s2], $0x80, $0x38;
	[tilespmem:$0x1E080] =	vst v63  }
0xfa: {  	s24 =	smov.u32 s22;
	s21 =	smov.u32 s23;
	p1 =	sne.s32 s22, $0x3F0  }
.Ltmp4:
0xfb: {  	s22 =	sadd.s32 $0x10, s22;
	(pc) =	sbr.rel @p1 .LBB2_6-.Ltmp4, $2  }
0xfc: {  	_ =	sdelay $0x2  }
0xfd: {  	s23 =	sadd.s32 $0x100, s23;
	s24 =	sadd.s32 s24, s4  }
0xfe: {  	[tilespmem:s21], [sflag:$0x3] =	stream.linear.gather [hbm4b:s24+s2], $0x80, $0x38;
	[tilespmem:$0x1E080] =	vst v63  }
0xff: {  	s21 =	simm.s32 $0x80  }
0x100: {  	s22 =	simm.s32 $0x10;
	s24 =	sadd.s32 $0x0, s5;
	s23 =	simm.s32 $0x180  }
.LBB2_8:
0x101: {  	[tilespmem:s21], [sflag:$0x2] =	stream.linear.gather [hbm4b:s24+s2], $0x80, $0x38;
	[tilespmem:$0x1E080] =	vst v63  }
0x102: {  	s24 =	smov.u32 s22;
	s21 =	smov.u32 s23;
	p1 =	sne.s32 s22, $0x3F0  }
.Ltmp5:
0x103: {  	s22 =	sadd.s32 $0x10, s22;
	(pc) =	sbr.rel @p1 .LBB2_8-.Ltmp5, $2  }
0x104: {  	_ =	sdelay $0x2  }
0x105: {  	s23 =	sadd.s32 $0x100, s23;
	s24 =	sadd.s32 s24, s5  }
0x106: {  	[tilespmem:s21], [sflag:$0x2] =	stream.linear.gather [hbm4b:s24+s2], $0x80, $0x38;
	[tilespmem:$0x1E080] =	vst v63  }
0x107: {  	s21 =	simm.s32 $0x4080  }
0x108: {  	s22 =	simm.s32 $0x10;
	s24 =	sadd.s32 $0x0, s6;
	s23 =	simm.s32 $0x4180  }
.LBB2_10:
0x109: {  	[tilespmem:s21], [sflag:$0x4] =	stream.linear.gather [hbm4b:s24+s2], $0x80, $0x38;
	[tilespmem:$0x1E080] =	vst v63  }
0x10a: {  	s24 =	smov.u32 s22;
	s21 =	smov.u32 s23;
	p1 =	sne.s32 s22, $0x3F0  }
.Ltmp6:
0x10b: {  	s22 =	sadd.s32 $0x10, s22;
	(pc) =	sbr.rel @p1 .LBB2_10-.Ltmp6, $2  }
0x10c: {  	_ =	sdelay $0x2  }
0x10d: {  	s23 =	sadd.s32 $0x100, s23;
	s24 =	sadd.s32 s24, s6  }
0x10e: {  	[tilespmem:s21], [sflag:$0x4] =	stream.linear.gather [hbm4b:s24+s2], $0x80, $0x38;
	[tilespmem:$0x1E080] =	vst v63  }
0x10f: {  	_ =	swait.ge [sflag:s30], $0x2000  }
0x110: {  	[sflag:s30] =	ssyncset.done $0x0  }
0x111: {  	[sflag:s30] =	ssyncadd.s32 $0xFFFFE000  }
0x112: {  	_ =	swait.ge [sflag:s31], $0x2000  }
0x113: {  	s21 =	simm.s32 $0xFFFFFFF8;
	[sflag:s31] =	ssyncset.done $0x0  }
0x114: {  	s28 =	simm.s32 $0x40;
	s29 =	simm.s32 $0x4040;
	[sflag:s31] =	ssyncadd.s32 $0xFFFFE000  }
.LBB2_12:
0x115: {  	v5 =	vld [tilespmem:s29+$0xFFFFFFC0];
	_ =	sdelay $0x1  }
0x116: {  	v6 =	vld [tilespmem:s28+$0xFFFFFFC0];
	_ =	sdelay $0x2  }
0x117: {  	v7 =	vcvt.s32.f32 v5;
	_ =	sdelay $0x1  }
0x118: {  	v6 =	vadd.f32 v6, v6;
	v7 =	vadd.f32 v7, v7;
	_ =	sdelay $0x1  }
0x119: {  	v6 =	vadd.f32 $-1.000000000e+00, v6;
	v7 =	vadd.f32 $-1.000000000e+00, v7;
	_ =	sdelay $0x1  }
0x11a: {  	v6 =	vmul.f32 v7, v6;
	_ =	sdelay $0x1  }
0x11b: {  	v6 =	vsub.f32 $1.000000000e+00, v6;
	_ =	sdelay $0x1  }
0x11c: {  	v6 =	vmul.f32 $1.024000000e+03, v6;
	_ =	sdelay $0x1  }
0x11d: {  	v6 =	vtrunc.f32 v6  }
0x11e: {  	v6 =	vcvt.f32.s32 v6;
	_ =	sdelay $0x1  }
0x11f: {  	vm0 =	vlt.s32 v6, $0x7FF  }
0x120: {  	v5 =	vshll.u32 v5, $0xB;
	v6 =	vnsel vm0, $0x7FF, v6  }
0x121: {  	v5 =	vadd.s32 v6, v5  }
0x122: {  	v5 =	vadd.s32 v2, v5;
	_ =	sdelay $0x4  }
0x123: {  	[tilespmem:v5+s0+$0x0] =	vst.idx.add.s32.msk $0xffff, v3  }
0x124: {  	v5 =	vld [tilespmem:s29+$0xFFFFFFD0];
	_ =	sdelay $0x1  }
0x125: {  	v6 =	vld [tilespmem:s28+$0xFFFFFFD0];
	_ =	sdelay $0x2  }
0x126: {  	v7 =	vcvt.s32.f32 v5;
	_ =	sdelay $0x1  }
0x127: {  	v6 =	vadd.f32 v6, v6;
	v7 =	vadd.f32 v7, v7;
	_ =	sdelay $0x1  }
0x128: {  	v6 =	vadd.f32 $-1.000000000e+00, v6;
	v7 =	vadd.f32 $-1.000000000e+00, v7;
	_ =	sdelay $0x1  }
0x129: {  	v6 =	vmul.f32 v7, v6;
	_ =	sdelay $0x1  }
0x12a: {  	v6 =	vsub.f32 $1.000000000e+00, v6;
	_ =	sdelay $0x1  }
0x12b: {  	v6 =	vmul.f32 $1.024000000e+03, v6;
	_ =	sdelay $0x1  }
0x12c: {  	v6 =	vtrunc.f32 v6  }
0x12d: {  	v6 =	vcvt.f32.s32 v6;
	_ =	sdelay $0x1  }
0x12e: {  	vm9 =	vlt.s32 v6, $0x7FF  }
0x12f: {  	v5 =	vshll.u32 v5, $0xB;
	v6 =	vnsel vm9, $0x7FF, v6  }
0x130: {  	v5 =	vadd.s32 v6, v5  }
0x131: {  	v5 =	vadd.s32 v2, v5;
	_ =	sdelay $0x4  }
0x132: {  	[tilespmem:v5+s0+$0x0] =	vst.idx.add.s32.msk $0xffff, v3  }
0x133: {  	v5 =	vld [tilespmem:s29+$0xFFFFFFE0];
	_ =	sdelay $0x1  }
0x134: {  	v6 =	vld [tilespmem:s28+$0xFFFFFFE0];
	_ =	sdelay $0x2  }
0x135: {  	v7 =	vcvt.s32.f32 v5;
	_ =	sdelay $0x1  }
0x136: {  	v6 =	vadd.f32 v6, v6;
	v7 =	vadd.f32 v7, v7;
	_ =	sdelay $0x1  }
0x137: {  	v6 =	vadd.f32 $-1.000000000e+00, v6;
	v7 =	vadd.f32 $-1.000000000e+00, v7;
	_ =	sdelay $0x1  }
0x138: {  	v6 =	vmul.f32 v7, v6;
	_ =	sdelay $0x1  }
0x139: {  	v6 =	vsub.f32 $1.000000000e+00, v6;
	_ =	sdelay $0x1  }
0x13a: {  	v6 =	vmul.f32 $1.024000000e+03, v6;
	_ =	sdelay $0x1  }
0x13b: {  	v6 =	vtrunc.f32 v6  }
0x13c: {  	v6 =	vcvt.f32.s32 v6;
	_ =	sdelay $0x1  }
0x13d: {  	vm10 =	vlt.s32 v6, $0x7FF  }
0x13e: {  	v5 =	vshll.u32 v5, $0xB;
	v6 =	vnsel vm10, $0x7FF, v6  }
0x13f: {  	v5 =	vadd.s32 v6, v5  }
0x140: {  	v5 =	vadd.s32 v2, v5;
	_ =	sdelay $0x4  }
0x141: {  	[tilespmem:v5+s0+$0x0] =	vst.idx.add.s32.msk $0xffff, v3  }
0x142: {  	v5 =	vld [tilespmem:s29+$0xFFFFFFF0];
	_ =	sdelay $0x1  }
0x143: {  	v6 =	vld [tilespmem:s28+$0xFFFFFFF0];
	_ =	sdelay $0x2  }
0x144: {  	v7 =	vcvt.s32.f32 v5;
	_ =	sdelay $0x1  }
0x145: {  	v6 =	vadd.f32 v6, v6;
	v7 =	vadd.f32 v7, v7;
	_ =	sdelay $0x1  }
0x146: {  	v6 =	vadd.f32 $-1.000000000e+00, v6;
	v7 =	vadd.f32 $-1.000000000e+00, v7;
	_ =	sdelay $0x1  }
0x147: {  	v6 =	vmul.f32 v7, v6;
	_ =	sdelay $0x1  }
0x148: {  	v6 =	vsub.f32 $1.000000000e+00, v6;
	_ =	sdelay $0x1  }
0x149: {  	v6 =	vmul.f32 $1.024000000e+03, v6;
	_ =	sdelay $0x1  }
0x14a: {  	v6 =	vtrunc.f32 v6  }
0x14b: {  	v6 =	vcvt.f32.s32 v6;
	_ =	sdelay $0x1  }
0x14c: {  	vm11 =	vlt.s32 v6, $0x7FF  }
0x14d: {  	v5 =	vshll.u32 v5, $0xB;
	v6 =	vnsel vm11, $0x7FF, v6  }
0x14e: {  	v5 =	vadd.s32 v6, v5  }
0x14f: {  	v5 =	vadd.s32 v2, v5;
	_ =	sdelay $0x4  }
0x150: {  	[tilespmem:v5+s0+$0x0] =	vst.idx.add.s32.msk $0xffff, v3  }
0x151: {  	v5 =	vld [tilespmem:s29+$0x0];
	_ =	sdelay $0x1  }
0x152: {  	v6 =	vld [tilespmem:s28+$0x0];
	_ =	sdelay $0x2  }
0x153: {  	v7 =	vcvt.s32.f32 v5;
	_ =	sdelay $0x1  }
0x154: {  	v6 =	vadd.f32 v6, v6;
	v7 =	vadd.f32 v7, v7;
	_ =	sdelay $0x1  }
0x155: {  	v6 =	vadd.f32 $-1.000000000e+00, v6;
	v7 =	vadd.f32 $-1.000000000e+00, v7;
	_ =	sdelay $0x1  }
0x156: {  	v6 =	vmul.f32 v7, v6;
	_ =	sdelay $0x1  }
0x157: {  	v6 =	vsub.f32 $1.000000000e+00, v6;
	_ =	sdelay $0x1  }
0x158: {  	v6 =	vmul.f32 $1.024000000e+03, v6;
	_ =	sdelay $0x1  }
0x159: {  	v6 =	vtrunc.f32 v6  }
0x15a: {  	v6 =	vcvt.f32.s32 v6;
	_ =	sdelay $0x1  }
0x15b: {  	vm12 =	vlt.s32 v6, $0x7FF  }
0x15c: {  	v5 =	vshll.u32 v5, $0xB;
	v6 =	vnsel vm12, $0x7FF, v6  }
0x15d: {  	v5 =	vadd.s32 v6, v5  }
0x15e: {  	v5 =	vadd.s32 v2, v5;
	_ =	sdelay $0x4  }
0x15f: {  	[tilespmem:v5+s0+$0x0] =	vst.idx.add.s32.msk $0xffff, v3  }
0x160: {  	v5 =	vld [tilespmem:s29+$0x10];
	_ =	sdelay $0x1  }
0x161: {  	v6 =	vld [tilespmem:s28+$0x10];
	_ =	sdelay $0x2  }
0x162: {  	v7 =	vcvt.s32.f32 v5;
	_ =	sdelay $0x1  }
0x163: {  	v6 =	vadd.f32 v6, v6;
	v7 =	vadd.f32 v7, v7;
	_ =	sdelay $0x1  }
0x164: {  	v6 =	vadd.f32 $-1.000000000e+00, v6;
	v7 =	vadd.f32 $-1.000000000e+00, v7;
	_ =	sdelay $0x1  }
0x165: {  	v6 =	vmul.f32 v7, v6;
	_ =	sdelay $0x1  }
0x166: {  	v6 =	vsub.f32 $1.000000000e+00, v6;
	_ =	sdelay $0x1  }
0x167: {  	v6 =	vmul.f32 $1.024000000e+03, v6;
	_ =	sdelay $0x1  }
0x168: {  	v6 =	vtrunc.f32 v6  }
0x169: {  	v6 =	vcvt.f32.s32 v6;
	_ =	sdelay $0x1  }
0x16a: {  	vm13 =	vlt.s32 v6, $0x7FF  }
0x16b: {  	v5 =	vshll.u32 v5, $0xB;
	v6 =	vnsel vm13, $0x7FF, v6  }
0x16c: {  	v5 =	vadd.s32 v6, v5  }
0x16d: {  	v5 =	vadd.s32 v2, v5;
	_ =	sdelay $0x4  }
0x16e: {  	[tilespmem:v5+s0+$0x0] =	vst.idx.add.s32.msk $0xffff, v3  }
0x16f: {  	v5 =	vld [tilespmem:s29+$0x20];
	_ =	sdelay $0x1  }
0x170: {  	v6 =	vld [tilespmem:s28+$0x20];
	_ =	sdelay $0x2  }
0x171: {  	v7 =	vcvt.s32.f32 v5;
	_ =	sdelay $0x1  }
0x172: {  	v6 =	vadd.f32 v6, v6;
	v7 =	vadd.f32 v7, v7;
	_ =	sdelay $0x1  }
0x173: {  	v6 =	vadd.f32 $-1.000000000e+00, v6;
	v7 =	vadd.f32 $-1.000000000e+00, v7;
	_ =	sdelay $0x1  }
0x174: {  	v6 =	vmul.f32 v7, v6;
	_ =	sdelay $0x1  }
0x175: {  	v6 =	vsub.f32 $1.000000000e+00, v6;
	_ =	sdelay $0x1  }
0x176: {  	v6 =	vmul.f32 $1.024000000e+03, v6;
	_ =	sdelay $0x1  }
0x177: {  	v6 =	vtrunc.f32 v6  }
0x178: {  	v6 =	vcvt.f32.s32 v6;
	_ =	sdelay $0x1  }
0x179: {  	vm14 =	vlt.s32 v6, $0x7FF  }
0x17a: {  	v5 =	vshll.u32 v5, $0xB;
	v6 =	vnsel vm14, $0x7FF, v6  }
0x17b: {  	v5 =	vadd.s32 v6, v5  }
0x17c: {  	v5 =	vadd.s32 v2, v5;
	_ =	sdelay $0x4  }
0x17d: {  	[tilespmem:v5+s0+$0x0] =	vst.idx.add.s32.msk $0xffff, v3  }
0x17e: {  	v5 =	vld [tilespmem:s29+$0x30];
	_ =	sdelay $0x1  }
0x17f: {  	v6 =	vld [tilespmem:s28+$0x30];
	_ =	sdelay $0x2  }
0x180: {  	v7 =	vcvt.s32.f32 v5;
	_ =	sdelay $0x1  }
0x181: {  	v6 =	vadd.f32 v6, v6;
	v7 =	vadd.f32 v7, v7;
	_ =	sdelay $0x1  }
0x182: {  	v6 =	vadd.f32 $-1.000000000e+00, v6;
	v7 =	vadd.f32 $-1.000000000e+00, v7;
	_ =	sdelay $0x1  }
0x183: {  	v6 =	vmul.f32 v7, v6;
	_ =	sdelay $0x1  }
0x184: {  	v6 =	vsub.f32 $1.000000000e+00, v6;
	_ =	sdelay $0x1  }
0x185: {  	v6 =	vmul.f32 $1.024000000e+03, v6;
	_ =	sdelay $0x1  }
0x186: {  	v6 =	vtrunc.f32 v6  }
0x187: {  	v6 =	vcvt.f32.s32 v6;
	_ =	sdelay $0x1  }
0x188: {  	vm15 =	vlt.s32 v6, $0x7FF  }
0x189: {  	v5 =	vshll.u32 v5, $0xB;
	v6 =	vnsel vm15, $0x7FF, v6  }
0x18a: {  	s21 =	sadd.s32 $0x8, s21;
	v5 =	vadd.s32 v6, v5  }
0x18b: {  	p1 =	slt.u32 s21, $0x1F8;
	v5 =	vadd.s32 v2, v5  }
.Ltmp7:
0x18c: {  	_ = 	snop;
	(pc) =	sbr.rel @p1 .LBB2_12-.Ltmp7, $2  }
0x18d: {  	_ =	sdelay $0x2  }
0x18e: {  	s28 =	sadd.s32 $0x100, s28;
	s29 =	sadd.s32 $0x100, s29;
	[tilespmem:v5+s0+$0x0] =	vst.idx.add.s32.msk $0xffff, v3  }
0x18f: {  	s21 =	simm.s32 $0x0  }
0x190: {  	s22 =	simm.s32 $0x10;
	s24 =	sadd.s32 $0x0, s7;
	s23 =	simm.s32 $0x100  }
.LBB2_14:
0x191: {  	[tilespmem:s21], [sflag:$0x1] =	stream.linear.gather [hbm4b:s24+s2], $0x80, $0x38;
	[tilespmem:$0x1E080] =	vst v63  }
0x192: {  	s24 =	smov.u32 s22;
	s21 =	smov.u32 s23;
	p1 =	sne.s32 s22, $0x3F0  }
.Ltmp8:
0x193: {  	s22 =	sadd.s32 $0x10, s22;
	(pc) =	sbr.rel @p1 .LBB2_14-.Ltmp8, $2  }
0x194: {  	_ =	sdelay $0x2  }
0x195: {  	s23 =	sadd.s32 $0x100, s23;
	s24 =	sadd.s32 s24, s7  }
0x196: {  	[tilespmem:s21], [sflag:$0x1] =	stream.linear.gather [hbm4b:s24+s2], $0x80, $0x38;
	[tilespmem:$0x1E080] =	vst v63  }
0x197: {  	s21 =	simm.s32 $0x4000  }
0x198: {  	s22 =	simm.s32 $0x10;
	s24 =	sadd.s32 $0x0, s8;
	s23 =	simm.s32 $0x4100  }
.LBB2_16:
0x199: {  	[tilespmem:s21], [sflag:$0x3] =	stream.linear.gather [hbm4b:s24+s2], $0x80, $0x38;
	[tilespmem:$0x1E080] =	vst v63  }
0x19a: {  	s24 =	smov.u32 s22;
	s21 =	smov.u32 s23;
	p1 =	sne.s32 s22, $0x3F0  }
.Ltmp9:
0x19b: {  	s22 =	sadd.s32 $0x10, s22;
	(pc) =	sbr.rel @p1 .LBB2_16-.Ltmp9, $2  }
0x19c: {  	_ =	sdelay $0x2  }
0x19d: {  	s23 =	sadd.s32 $0x100, s23;
	s24 =	sadd.s32 s24, s8  }
0x19e: {  	[tilespmem:s21], [sflag:$0x3] =	stream.linear.gather [hbm4b:s24+s2], $0x80, $0x38;
	[tilespmem:$0x1E080] =	vst v63  }
0x19f: {  	_ =	swait.ge [sflag:s1], $0x2000  }
0x1a0: {  	[sflag:s1] =	ssyncset.done $0x0  }
0x1a1: {  	[sflag:s1] =	ssyncadd.s32 $0xFFFFE000  }
0x1a2: {  	_ =	swait.ge [sflag:s20], $0x2000  }
0x1a3: {  	s21 =	simm.s32 $0xFFFFFFF8;
	[sflag:s20] =	ssyncset.done $0x0  }
0x1a4: {  	s28 =	simm.s32 $0x40F0;
	s29 =	simm.s32 $0xF0;
	[sflag:s20] =	ssyncadd.s32 $0xFFFFE000  }
.LBB2_18:
0x1a5: {  	v5 =	vld [tilespmem:s28+$0xFFFFFF90];
	_ =	sdelay $0x1  }
0x1a6: {  	v6 =	vld [tilespmem:s29+$0xFFFFFF90];
	_ =	sdelay $0x2  }
0x1a7: {  	v7 =	vcvt.s32.f32 v5;
	_ =	sdelay $0x1  }
0x1a8: {  	v6 =	vadd.f32 v6, v6;
	v7 =	vadd.f32 v7, v7;
	_ =	sdelay $0x1  }
0x1a9: {  	v6 =	vadd.f32 $-1.000000000e+00, v6;
	v7 =	vadd.f32 $-1.000000000e+00, v7;
	_ =	sdelay $0x1  }
0x1aa: {  	v6 =	vmul.f32 v7, v6;
	_ =	sdelay $0x1  }
0x1ab: {  	v6 =	vsub.f32 $1.000000000e+00, v6;
	_ =	sdelay $0x1  }
0x1ac: {  	v6 =	vmul.f32 $1.024000000e+03, v6;
	_ =	sdelay $0x1  }
0x1ad: {  	v6 =	vtrunc.f32 v6  }
0x1ae: {  	v6 =	vcvt.f32.s32 v6;
	_ =	sdelay $0x1  }
0x1af: {  	vm0 =	vlt.s32 v6, $0x7FF  }
0x1b0: {  	v5 =	vshll.u32 v5, $0xB;
	v6 =	vnsel vm0, $0x7FF, v6  }
0x1b1: {  	v5 =	vadd.s32 v6, v5  }
0x1b2: {  	v5 =	vadd.s32 v2, v5;
	_ =	sdelay $0x4  }
0x1b3: {  	[tilespmem:v5+s0+$0x0] =	vst.idx.add.s32.msk $0xffff, v3  }
0x1b4: {  	v5 =	vld [tilespmem:s28+$0xFFFFFFA0];
	_ =	sdelay $0x1  }
0x1b5: {  	v6 =	vld [tilespmem:s29+$0xFFFFFFA0];
	_ =	sdelay $0x2  }
0x1b6: {  	v7 =	vcvt.s32.f32 v5;
	_ =	sdelay $0x1  }
0x1b7: {  	v6 =	vadd.f32 v6, v6;
	v7 =	vadd.f32 v7, v7;
	_ =	sdelay $0x1  }
0x1b8: {  	v6 =	vadd.f32 $-1.000000000e+00, v6;
	v7 =	vadd.f32 $-1.000000000e+00, v7;
	_ =	sdelay $0x1  }
0x1b9: {  	v6 =	vmul.f32 v7, v6;
	_ =	sdelay $0x1  }
0x1ba: {  	v6 =	vsub.f32 $1.000000000e+00, v6;
	_ =	sdelay $0x1  }
0x1bb: {  	v6 =	vmul.f32 $1.024000000e+03, v6;
	_ =	sdelay $0x1  }
0x1bc: {  	v6 =	vtrunc.f32 v6  }
0x1bd: {  	v6 =	vcvt.f32.s32 v6;
	_ =	sdelay $0x1  }
0x1be: {  	vm9 =	vlt.s32 v6, $0x7FF  }
0x1bf: {  	v5 =	vshll.u32 v5, $0xB;
	v6 =	vnsel vm9, $0x7FF, v6  }
0x1c0: {  	v5 =	vadd.s32 v6, v5  }
0x1c1: {  	v5 =	vadd.s32 v2, v5;
	_ =	sdelay $0x4  }
0x1c2: {  	[tilespmem:v5+s0+$0x0] =	vst.idx.add.s32.msk $0xffff, v3  }
0x1c3: {  	v5 =	vld [tilespmem:s28+$0xFFFFFFB0];
	_ =	sdelay $0x1  }
0x1c4: {  	v6 =	vld [tilespmem:s29+$0xFFFFFFB0];
	_ =	sdelay $0x2  }
0x1c5: {  	v7 =	vcvt.s32.f32 v5;
	_ =	sdelay $0x1  }
0x1c6: {  	v6 =	vadd.f32 v6, v6;
	v7 =	vadd.f32 v7, v7;
	_ =	sdelay $0x1  }
0x1c7: {  	v6 =	vadd.f32 $-1.000000000e+00, v6;
	v7 =	vadd.f32 $-1.000000000e+00, v7;
	_ =	sdelay $0x1  }
0x1c8: {  	v6 =	vmul.f32 v7, v6;
	_ =	sdelay $0x1  }
0x1c9: {  	v6 =	vsub.f32 $1.000000000e+00, v6;
	_ =	sdelay $0x1  }
0x1ca: {  	v6 =	vmul.f32 $1.024000000e+03, v6;
	_ =	sdelay $0x1  }
0x1cb: {  	v6 =	vtrunc.f32 v6  }
0x1cc: {  	v6 =	vcvt.f32.s32 v6;
	_ =	sdelay $0x1  }
0x1cd: {  	vm10 =	vlt.s32 v6, $0x7FF  }
0x1ce: {  	v5 =	vshll.u32 v5, $0xB;
	v6 =	vnsel vm10, $0x7FF, v6  }
0x1cf: {  	v5 =	vadd.s32 v6, v5  }
0x1d0: {  	v5 =	vadd.s32 v2, v5;
	_ =	sdelay $0x4  }
0x1d1: {  	[tilespmem:v5+s0+$0x0] =	vst.idx.add.s32.msk $0xffff, v3  }
0x1d2: {  	v5 =	vld [tilespmem:s28+$0xFFFFFFC0];
	_ =	sdelay $0x1  }
0x1d3: {  	v6 =	vld [tilespmem:s29+$0xFFFFFFC0];
	_ =	sdelay $0x2  }
0x1d4: {  	v7 =	vcvt.s32.f32 v5;
	_ =	sdelay $0x1  }
0x1d5: {  	v6 =	vadd.f32 v6, v6;
	v7 =	vadd.f32 v7, v7;
	_ =	sdelay $0x1  }
0x1d6: {  	v6 =	vadd.f32 $-1.000000000e+00, v6;
	v7 =	vadd.f32 $-1.000000000e+00, v7;
	_ =	sdelay $0x1  }
0x1d7: {  	v6 =	vmul.f32 v7, v6;
	_ =	sdelay $0x1  }
0x1d8: {  	v6 =	vsub.f32 $1.000000000e+00, v6;
	_ =	sdelay $0x1  }
0x1d9: {  	v6 =	vmul.f32 $1.024000000e+03, v6;
	_ =	sdelay $0x1  }
0x1da: {  	v6 =	vtrunc.f32 v6  }
0x1db: {  	v6 =	vcvt.f32.s32 v6;
	_ =	sdelay $0x1  }
0x1dc: {  	vm11 =	vlt.s32 v6, $0x7FF  }
0x1dd: {  	v5 =	vshll.u32 v5, $0xB;
	v6 =	vnsel vm11, $0x7FF, v6  }
0x1de: {  	v5 =	vadd.s32 v6, v5  }
0x1df: {  	v5 =	vadd.s32 v2, v5;
	_ =	sdelay $0x4  }
0x1e0: {  	[tilespmem:v5+s0+$0x0] =	vst.idx.add.s32.msk $0xffff, v3  }
0x1e1: {  	v5 =	vld [tilespmem:s28+$0xFFFFFFD0];
	_ =	sdelay $0x1  }
0x1e2: {  	v6 =	vld [tilespmem:s29+$0xFFFFFFD0];
	_ =	sdelay $0x2  }
0x1e3: {  	v7 =	vcvt.s32.f32 v5;
	_ =	sdelay $0x1  }
0x1e4: {  	v6 =	vadd.f32 v6, v6;
	v7 =	vadd.f32 v7, v7;
	_ =	sdelay $0x1  }
0x1e5: {  	v6 =	vadd.f32 $-1.000000000e+00, v6;
	v7 =	vadd.f32 $-1.000000000e+00, v7;
	_ =	sdelay $0x1  }
0x1e6: {  	v6 =	vmul.f32 v7, v6;
	_ =	sdelay $0x1  }
0x1e7: {  	v6 =	vsub.f32 $1.000000000e+00, v6;
	_ =	sdelay $0x1  }
0x1e8: {  	v6 =	vmul.f32 $1.024000000e+03, v6;
	_ =	sdelay $0x1  }
0x1e9: {  	v6 =	vtrunc.f32 v6  }
0x1ea: {  	v6 =	vcvt.f32.s32 v6;
	_ =	sdelay $0x1  }
0x1eb: {  	vm12 =	vlt.s32 v6, $0x7FF  }
0x1ec: {  	v5 =	vshll.u32 v5, $0xB;
	v6 =	vnsel vm12, $0x7FF, v6  }
0x1ed: {  	v5 =	vadd.s32 v6, v5  }
0x1ee: {  	v5 =	vadd.s32 v2, v5;
	_ =	sdelay $0x4  }
0x1ef: {  	[tilespmem:v5+s0+$0x0] =	vst.idx.add.s32.msk $0xffff, v3  }
0x1f0: {  	v5 =	vld [tilespmem:s28+$0xFFFFFFE0];
	_ =	sdelay $0x1  }
0x1f1: {  	v6 =	vld [tilespmem:s29+$0xFFFFFFE0];
	_ =	sdelay $0x2  }
0x1f2: {  	v7 =	vcvt.s32.f32 v5;
	_ =	sdelay $0x1  }
0x1f3: {  	v6 =	vadd.f32 v6, v6;
	v7 =	vadd.f32 v7, v7;
	_ =	sdelay $0x1  }
0x1f4: {  	v6 =	vadd.f32 $-1.000000000e+00, v6;
	v7 =	vadd.f32 $-1.000000000e+00, v7;
	_ =	sdelay $0x1  }
0x1f5: {  	v6 =	vmul.f32 v7, v6;
	_ =	sdelay $0x1  }
0x1f6: {  	v6 =	vsub.f32 $1.000000000e+00, v6;
	_ =	sdelay $0x1  }
0x1f7: {  	v6 =	vmul.f32 $1.024000000e+03, v6;
	_ =	sdelay $0x1  }
0x1f8: {  	v6 =	vtrunc.f32 v6  }
0x1f9: {  	v6 =	vcvt.f32.s32 v6;
	_ =	sdelay $0x1  }
0x1fa: {  	vm13 =	vlt.s32 v6, $0x7FF  }
0x1fb: {  	v5 =	vshll.u32 v5, $0xB;
	v6 =	vnsel vm13, $0x7FF, v6  }
0x1fc: {  	v5 =	vadd.s32 v6, v5  }
0x1fd: {  	v5 =	vadd.s32 v2, v5;
	_ =	sdelay $0x4  }
0x1fe: {  	[tilespmem:v5+s0+$0x0] =	vst.idx.add.s32.msk $0xffff, v3  }
0x1ff: {  	v5 =	vld [tilespmem:s28+$0xFFFFFFF0];
	_ =	sdelay $0x1  }
0x200: {  	v6 =	vld [tilespmem:s29+$0xFFFFFFF0];
	_ =	sdelay $0x2  }
0x201: {  	v7 =	vcvt.s32.f32 v5;
	_ =	sdelay $0x1  }
0x202: {  	v6 =	vadd.f32 v6, v6;
	v7 =	vadd.f32 v7, v7;
	_ =	sdelay $0x1  }
0x203: {  	v6 =	vadd.f32 $-1.000000000e+00, v6;
	v7 =	vadd.f32 $-1.000000000e+00, v7;
	_ =	sdelay $0x1  }
0x204: {  	v6 =	vmul.f32 v7, v6;
	_ =	sdelay $0x1  }
0x205: {  	v6 =	vsub.f32 $1.000000000e+00, v6;
	_ =	sdelay $0x1  }
0x206: {  	v6 =	vmul.f32 $1.024000000e+03, v6;
	_ =	sdelay $0x1  }
0x207: {  	v6 =	vtrunc.f32 v6  }
0x208: {  	v6 =	vcvt.f32.s32 v6;
	_ =	sdelay $0x1  }
0x209: {  	vm14 =	vlt.s32 v6, $0x7FF  }
0x20a: {  	v5 =	vshll.u32 v5, $0xB;
	v6 =	vnsel vm14, $0x7FF, v6  }
0x20b: {  	v5 =	vadd.s32 v6, v5  }
0x20c: {  	v5 =	vadd.s32 v2, v5;
	_ =	sdelay $0x4  }
0x20d: {  	[tilespmem:v5+s0+$0x0] =	vst.idx.add.s32.msk $0xffff, v3  }
0x20e: {  	v5 =	vld [tilespmem:s28+$0x0];
	_ =	sdelay $0x1  }
0x20f: {  	v6 =	vld [tilespmem:s29+$0x0];
	_ =	sdelay $0x2  }
0x210: {  	v7 =	vcvt.s32.f32 v5;
	_ =	sdelay $0x1  }
0x211: {  	v6 =	vadd.f32 v6, v6;
	v7 =	vadd.f32 v7, v7;
	_ =	sdelay $0x1  }
0x212: {  	v6 =	vadd.f32 $-1.000000000e+00, v6;
	v7 =	vadd.f32 $-1.000000000e+00, v7;
	_ =	sdelay $0x1  }
0x213: {  	v6 =	vmul.f32 v7, v6;
	_ =	sdelay $0x1  }
0x214: {  	v6 =	vsub.f32 $1.000000000e+00, v6;
	_ =	sdelay $0x1  }
0x215: {  	v6 =	vmul.f32 $1.024000000e+03, v6;
	_ =	sdelay $0x1  }
0x216: {  	v6 =	vtrunc.f32 v6  }
0x217: {  	v6 =	vcvt.f32.s32 v6;
	_ =	sdelay $0x1  }
0x218: {  	vm15 =	vlt.s32 v6, $0x7FF  }
0x219: {  	v5 =	vshll.u32 v5, $0xB;
	v6 =	vnsel vm15, $0x7FF, v6  }
0x21a: {  	s21 =	sadd.s32 $0x8, s21;
	v5 =	vadd.s32 v6, v5  }
0x21b: {  	p1 =	slt.u32 s21, $0x1F8;
	v5 =	vadd.s32 v2, v5  }
.Ltmp10:
0x21c: {  	_ = 	snop;
	(pc) =	sbr.rel @p1 .LBB2_18-.Ltmp10, $2  }
0x21d: {  	_ =	sdelay $0x2  }
0x21e: {  	s28 =	sadd.s32 $0x100, s28;
	s29 =	sadd.s32 $0x100, s29;
	[tilespmem:v5+s0+$0x0] =	vst.idx.add.s32.msk $0xffff, v3  }
0x21f: {  	s21 =	simm.s32 $0x80  }
0x220: {  	s22 =	simm.s32 $0x10;
	s24 =	sadd.s32 $0x0, s9;
	s23 =	simm.s32 $0x180  }
.LBB2_20:
0x221: {  	[tilespmem:s21], [sflag:$0x2] =	stream.linear.gather [hbm4b:s24+s2], $0x80, $0x38;
	[tilespmem:$0x1E080] =	vst v63  }
0x222: {  	s24 =	smov.u32 s22;
	s21 =	smov.u32 s23;
	p1 =	sne.s32 s22, $0x3F0  }
.Ltmp11:
0x223: {  	s22 =	sadd.s32 $0x10, s22;
	(pc) =	sbr.rel @p1 .LBB2_20-.Ltmp11, $2  }
0x224: {  	_ =	sdelay $0x2  }
0x225: {  	s23 =	sadd.s32 $0x100, s23;
	s24 =	sadd.s32 s24, s9  }
0x226: {  	[tilespmem:s21], [sflag:$0x2] =	stream.linear.gather [hbm4b:s24+s2], $0x80, $0x38;
	[tilespmem:$0x1E080] =	vst v63  }
0x227: {  	s21 =	simm.s32 $0x4080  }
0x228: {  	s22 =	simm.s32 $0x10;
	s24 =	sadd.s32 $0x0, s10;
	s23 =	simm.s32 $0x4180  }
.LBB2_22:
0x229: {  	[tilespmem:s21], [sflag:$0x4] =	stream.linear.gather [hbm4b:s24+s2], $0x80, $0x38;
	[tilespmem:$0x1E080] =	vst v63  }
0x22a: {  	s24 =	smov.u32 s22;
	s21 =	smov.u32 s23;
	p1 =	sne.s32 s22, $0x3F0  }
.Ltmp12:
0x22b: {  	s22 =	sadd.s32 $0x10, s22;
	(pc) =	sbr.rel @p1 .LBB2_22-.Ltmp12, $2  }
0x22c: {  	_ =	sdelay $0x2  }
0x22d: {  	s23 =	sadd.s32 $0x100, s23;
	s24 =	sadd.s32 s24, s10  }
0x22e: {  	[tilespmem:s21], [sflag:$0x4] =	stream.linear.gather [hbm4b:s24+s2], $0x80, $0x38;
	[tilespmem:$0x1E080] =	vst v63  }
0x22f: {  	_ =	swait.ge [sflag:s30], $0x2000  }
0x230: {  	[sflag:s30] =	ssyncset.done $0x0  }
0x231: {  	[sflag:s30] =	ssyncadd.s32 $0xFFFFE000  }
0x232: {  	_ =	swait.ge [sflag:s31], $0x2000  }
0x233: {  	s21 =	simm.s32 $0xFFFFFFF8;
	[sflag:s31] =	ssyncset.done $0x0  }
0x234: {  	s28 =	simm.s32 $0x40;
	s29 =	simm.s32 $0x4040;
	[sflag:s31] =	ssyncadd.s32 $0xFFFFE000  }
.LBB2_24:
0x235: {  	v5 =	vld [tilespmem:s29+$0xFFFFFFC0];
	_ =	sdelay $0x1  }
0x236: {  	v6 =	vld [tilespmem:s28+$0xFFFFFFC0];
	_ =	sdelay $0x2  }
0x237: {  	v7 =	vcvt.s32.f32 v5;
	_ =	sdelay $0x1  }
0x238: {  	v6 =	vadd.f32 v6, v6;
	v7 =	vadd.f32 v7, v7;
	_ =	sdelay $0x1  }
0x239: {  	v6 =	vadd.f32 $-1.000000000e+00, v6;
	v7 =	vadd.f32 $-1.000000000e+00, v7;
	_ =	sdelay $0x1  }
0x23a: {  	v6 =	vmul.f32 v7, v6;
	_ =	sdelay $0x1  }
0x23b: {  	v6 =	vsub.f32 $1.000000000e+00, v6;
	_ =	sdelay $0x1  }
0x23c: {  	v6 =	vmul.f32 $1.024000000e+03, v6;
	_ =	sdelay $0x1  }
0x23d: {  	v6 =	vtrunc.f32 v6  }
0x23e: {  	v6 =	vcvt.f32.s32 v6;
	_ =	sdelay $0x1  }
0x23f: {  	vm0 =	vlt.s32 v6, $0x7FF  }
0x240: {  	v5 =	vshll.u32 v5, $0xB;
	v6 =	vnsel vm0, $0x7FF, v6  }
0x241: {  	v5 =	vadd.s32 v6, v5  }
0x242: {  	v5 =	vadd.s32 v2, v5;
	_ =	sdelay $0x4  }
0x243: {  	[tilespmem:v5+s0+$0x0] =	vst.idx.add.s32.msk $0xffff, v3  }
0x244: {  	v5 =	vld [tilespmem:s29+$0xFFFFFFD0];
	_ =	sdelay $0x1  }
0x245: {  	v6 =	vld [tilespmem:s28+$0xFFFFFFD0];
	_ =	sdelay $0x2  }
0x246: {  	v7 =	vcvt.s32.f32 v5;
	_ =	sdelay $0x1  }
0x247: {  	v6 =	vadd.f32 v6, v6;
	v7 =	vadd.f32 v7, v7;
	_ =	sdelay $0x1  }
0x248: {  	v6 =	vadd.f32 $-1.000000000e+00, v6;
	v7 =	vadd.f32 $-1.000000000e+00, v7;
	_ =	sdelay $0x1  }
0x249: {  	v6 =	vmul.f32 v7, v6;
	_ =	sdelay $0x1  }
0x24a: {  	v6 =	vsub.f32 $1.000000000e+00, v6;
	_ =	sdelay $0x1  }
0x24b: {  	v6 =	vmul.f32 $1.024000000e+03, v6;
	_ =	sdelay $0x1  }
0x24c: {  	v6 =	vtrunc.f32 v6  }
0x24d: {  	v6 =	vcvt.f32.s32 v6;
	_ =	sdelay $0x1  }
0x24e: {  	vm9 =	vlt.s32 v6, $0x7FF  }
0x24f: {  	v5 =	vshll.u32 v5, $0xB;
	v6 =	vnsel vm9, $0x7FF, v6  }
0x250: {  	v5 =	vadd.s32 v6, v5  }
0x251: {  	v5 =	vadd.s32 v2, v5;
	_ =	sdelay $0x4  }
0x252: {  	[tilespmem:v5+s0+$0x0] =	vst.idx.add.s32.msk $0xffff, v3  }
0x253: {  	v5 =	vld [tilespmem:s29+$0xFFFFFFE0];
	_ =	sdelay $0x1  }
0x254: {  	v6 =	vld [tilespmem:s28+$0xFFFFFFE0];
	_ =	sdelay $0x2  }
0x255: {  	v7 =	vcvt.s32.f32 v5;
	_ =	sdelay $0x1  }
0x256: {  	v6 =	vadd.f32 v6, v6;
	v7 =	vadd.f32 v7, v7;
	_ =	sdelay $0x1  }
0x257: {  	v6 =	vadd.f32 $-1.000000000e+00, v6;
	v7 =	vadd.f32 $-1.000000000e+00, v7;
	_ =	sdelay $0x1  }
0x258: {  	v6 =	vmul.f32 v7, v6;
	_ =	sdelay $0x1  }
0x259: {  	v6 =	vsub.f32 $1.000000000e+00, v6;
	_ =	sdelay $0x1  }
0x25a: {  	v6 =	vmul.f32 $1.024000000e+03, v6;
	_ =	sdelay $0x1  }
0x25b: {  	v6 =	vtrunc.f32 v6  }
0x25c: {  	v6 =	vcvt.f32.s32 v6;
	_ =	sdelay $0x1  }
0x25d: {  	vm10 =	vlt.s32 v6, $0x7FF  }
0x25e: {  	v5 =	vshll.u32 v5, $0xB;
	v6 =	vnsel vm10, $0x7FF, v6  }
0x25f: {  	v5 =	vadd.s32 v6, v5  }
0x260: {  	v5 =	vadd.s32 v2, v5;
	_ =	sdelay $0x4  }
0x261: {  	[tilespmem:v5+s0+$0x0] =	vst.idx.add.s32.msk $0xffff, v3  }
0x262: {  	v5 =	vld [tilespmem:s29+$0xFFFFFFF0];
	_ =	sdelay $0x1  }
0x263: {  	v6 =	vld [tilespmem:s28+$0xFFFFFFF0];
	_ =	sdelay $0x2  }
0x264: {  	v7 =	vcvt.s32.f32 v5;
	_ =	sdelay $0x1  }
0x265: {  	v6 =	vadd.f32 v6, v6;
	v7 =	vadd.f32 v7, v7;
	_ =	sdelay $0x1  }
0x266: {  	v6 =	vadd.f32 $-1.000000000e+00, v6;
	v7 =	vadd.f32 $-1.000000000e+00, v7;
	_ =	sdelay $0x1  }
0x267: {  	v6 =	vmul.f32 v7, v6;
	_ =	sdelay $0x1  }
0x268: {  	v6 =	vsub.f32 $1.000000000e+00, v6;
	_ =	sdelay $0x1  }
0x269: {  	v6 =	vmul.f32 $1.024000000e+03, v6;
	_ =	sdelay $0x1  }
0x26a: {  	v6 =	vtrunc.f32 v6  }
0x26b: {  	v6 =	vcvt.f32.s32 v6;
	_ =	sdelay $0x1  }
0x26c: {  	vm11 =	vlt.s32 v6, $0x7FF  }
0x26d: {  	v5 =	vshll.u32 v5, $0xB;
	v6 =	vnsel vm11, $0x7FF, v6  }
0x26e: {  	v5 =	vadd.s32 v6, v5  }
0x26f: {  	v5 =	vadd.s32 v2, v5;
	_ =	sdelay $0x4  }
0x270: {  	[tilespmem:v5+s0+$0x0] =	vst.idx.add.s32.msk $0xffff, v3  }
0x271: {  	v5 =	vld [tilespmem:s29+$0x0];
	_ =	sdelay $0x1  }
0x272: {  	v6 =	vld [tilespmem:s28+$0x0];
	_ =	sdelay $0x2  }
0x273: {  	v7 =	vcvt.s32.f32 v5;
	_ =	sdelay $0x1  }
0x274: {  	v6 =	vadd.f32 v6, v6;
	v7 =	vadd.f32 v7, v7;
	_ =	sdelay $0x1  }
0x275: {  	v6 =	vadd.f32 $-1.000000000e+00, v6;
	v7 =	vadd.f32 $-1.000000000e+00, v7;
	_ =	sdelay $0x1  }
0x276: {  	v6 =	vmul.f32 v7, v6;
	_ =	sdelay $0x1  }
0x277: {  	v6 =	vsub.f32 $1.000000000e+00, v6;
	_ =	sdelay $0x1  }
0x278: {  	v6 =	vmul.f32 $1.024000000e+03, v6;
	_ =	sdelay $0x1  }
0x279: {  	v6 =	vtrunc.f32 v6  }
0x27a: {  	v6 =	vcvt.f32.s32 v6;
	_ =	sdelay $0x1  }
0x27b: {  	vm12 =	vlt.s32 v6, $0x7FF  }
0x27c: {  	v5 =	vshll.u32 v5, $0xB;
	v6 =	vnsel vm12, $0x7FF, v6  }
0x27d: {  	v5 =	vadd.s32 v6, v5  }
0x27e: {  	v5 =	vadd.s32 v2, v5;
	_ =	sdelay $0x4  }
0x27f: {  	[tilespmem:v5+s0+$0x0] =	vst.idx.add.s32.msk $0xffff, v3  }
0x280: {  	v5 =	vld [tilespmem:s29+$0x10];
	_ =	sdelay $0x1  }
0x281: {  	v6 =	vld [tilespmem:s28+$0x10];
	_ =	sdelay $0x2  }
0x282: {  	v7 =	vcvt.s32.f32 v5;
	_ =	sdelay $0x1  }
0x283: {  	v6 =	vadd.f32 v6, v6;
	v7 =	vadd.f32 v7, v7;
	_ =	sdelay $0x1  }
0x284: {  	v6 =	vadd.f32 $-1.000000000e+00, v6;
	v7 =	vadd.f32 $-1.000000000e+00, v7;
	_ =	sdelay $0x1  }
0x285: {  	v6 =	vmul.f32 v7, v6;
	_ =	sdelay $0x1  }
0x286: {  	v6 =	vsub.f32 $1.000000000e+00, v6;
	_ =	sdelay $0x1  }
0x287: {  	v6 =	vmul.f32 $1.024000000e+03, v6;
	_ =	sdelay $0x1  }
0x288: {  	v6 =	vtrunc.f32 v6  }
0x289: {  	v6 =	vcvt.f32.s32 v6;
	_ =	sdelay $0x1  }
0x28a: {  	vm13 =	vlt.s32 v6, $0x7FF  }
0x28b: {  	v5 =	vshll.u32 v5, $0xB;
	v6 =	vnsel vm13, $0x7FF, v6  }
0x28c: {  	v5 =	vadd.s32 v6, v5  }
0x28d: {  	v5 =	vadd.s32 v2, v5;
	_ =	sdelay $0x4  }
0x28e: {  	[tilespmem:v5+s0+$0x0] =	vst.idx.add.s32.msk $0xffff, v3  }
0x28f: {  	v5 =	vld [tilespmem:s29+$0x20];
	_ =	sdelay $0x1  }
0x290: {  	v6 =	vld [tilespmem:s28+$0x20];
	_ =	sdelay $0x2  }
0x291: {  	v7 =	vcvt.s32.f32 v5;
	_ =	sdelay $0x1  }
0x292: {  	v6 =	vadd.f32 v6, v6;
	v7 =	vadd.f32 v7, v7;
	_ =	sdelay $0x1  }
0x293: {  	v6 =	vadd.f32 $-1.000000000e+00, v6;
	v7 =	vadd.f32 $-1.000000000e+00, v7;
	_ =	sdelay $0x1  }
0x294: {  	v6 =	vmul.f32 v7, v6;
	_ =	sdelay $0x1  }
0x295: {  	v6 =	vsub.f32 $1.000000000e+00, v6;
	_ =	sdelay $0x1  }
0x296: {  	v6 =	vmul.f32 $1.024000000e+03, v6;
	_ =	sdelay $0x1  }
0x297: {  	v6 =	vtrunc.f32 v6  }
0x298: {  	v6 =	vcvt.f32.s32 v6;
	_ =	sdelay $0x1  }
0x299: {  	vm14 =	vlt.s32 v6, $0x7FF  }
0x29a: {  	v5 =	vshll.u32 v5, $0xB;
	v6 =	vnsel vm14, $0x7FF, v6  }
0x29b: {  	v5 =	vadd.s32 v6, v5  }
0x29c: {  	v5 =	vadd.s32 v2, v5;
	_ =	sdelay $0x4  }
0x29d: {  	[tilespmem:v5+s0+$0x0] =	vst.idx.add.s32.msk $0xffff, v3  }
0x29e: {  	v5 =	vld [tilespmem:s29+$0x30];
	_ =	sdelay $0x1  }
0x29f: {  	v6 =	vld [tilespmem:s28+$0x30];
	_ =	sdelay $0x2  }
0x2a0: {  	v7 =	vcvt.s32.f32 v5;
	_ =	sdelay $0x1  }
0x2a1: {  	v6 =	vadd.f32 v6, v6;
	v7 =	vadd.f32 v7, v7;
	_ =	sdelay $0x1  }
0x2a2: {  	v6 =	vadd.f32 $-1.000000000e+00, v6;
	v7 =	vadd.f32 $-1.000000000e+00, v7;
	_ =	sdelay $0x1  }
0x2a3: {  	v6 =	vmul.f32 v7, v6;
	_ =	sdelay $0x1  }
0x2a4: {  	v6 =	vsub.f32 $1.000000000e+00, v6;
	_ =	sdelay $0x1  }
0x2a5: {  	v6 =	vmul.f32 $1.024000000e+03, v6;
	_ =	sdelay $0x1  }
0x2a6: {  	v6 =	vtrunc.f32 v6  }
0x2a7: {  	v6 =	vcvt.f32.s32 v6;
	_ =	sdelay $0x1  }
0x2a8: {  	vm15 =	vlt.s32 v6, $0x7FF  }
0x2a9: {  	v5 =	vshll.u32 v5, $0xB;
	v6 =	vnsel vm15, $0x7FF, v6  }
0x2aa: {  	s21 =	sadd.s32 $0x8, s21;
	v5 =	vadd.s32 v6, v5  }
0x2ab: {  	p1 =	slt.u32 s21, $0x1F8;
	v5 =	vadd.s32 v2, v5  }
.Ltmp13:
0x2ac: {  	_ = 	snop;
	(pc) =	sbr.rel @p1 .LBB2_24-.Ltmp13, $2  }
0x2ad: {  	_ =	sdelay $0x2  }
0x2ae: {  	s28 =	sadd.s32 $0x100, s28;
	s29 =	sadd.s32 $0x100, s29;
	[tilespmem:v5+s0+$0x0] =	vst.idx.add.s32.msk $0xffff, v3  }
0x2af: {  	s21 =	simm.s32 $0x0  }
0x2b0: {  	s22 =	simm.s32 $0x10;
	s24 =	sadd.s32 $0x0, s11;
	s23 =	simm.s32 $0x100  }
.LBB2_26:
0x2b1: {  	[tilespmem:s21], [sflag:$0x1] =	stream.linear.gather [hbm4b:s24+s2], $0x80, $0x38;
	[tilespmem:$0x1E080] =	vst v63  }
0x2b2: {  	s24 =	smov.u32 s22;
	s21 =	smov.u32 s23;
	p1 =	sne.s32 s22, $0x3F0  }
.Ltmp14:
0x2b3: {  	s22 =	sadd.s32 $0x10, s22;
	(pc) =	sbr.rel @p1 .LBB2_26-.Ltmp14, $2  }
0x2b4: {  	_ =	sdelay $0x2  }
0x2b5: {  	s23 =	sadd.s32 $0x100, s23;
	s24 =	sadd.s32 s24, s11  }
0x2b6: {  	[tilespmem:s21], [sflag:$0x1] =	stream.linear.gather [hbm4b:s24+s2], $0x80, $0x38;
	[tilespmem:$0x1E080] =	vst v63  }
0x2b7: {  	s21 =	simm.s32 $0x4000  }
0x2b8: {  	s22 =	simm.s32 $0x10;
	s24 =	sadd.s32 $0x0, s12;
	s23 =	simm.s32 $0x4100  }
.LBB2_28:
0x2b9: {  	[tilespmem:s21], [sflag:$0x3] =	stream.linear.gather [hbm4b:s24+s2], $0x80, $0x38;
	[tilespmem:$0x1E080] =	vst v63  }
0x2ba: {  	s24 =	smov.u32 s22;
	s21 =	smov.u32 s23;
	p1 =	sne.s32 s22, $0x3F0  }
.Ltmp15:
0x2bb: {  	s22 =	sadd.s32 $0x10, s22;
	(pc) =	sbr.rel @p1 .LBB2_28-.Ltmp15, $2  }
0x2bc: {  	_ =	sdelay $0x2  }
0x2bd: {  	s23 =	sadd.s32 $0x100, s23;
	s24 =	sadd.s32 s24, s12  }
0x2be: {  	[tilespmem:s21], [sflag:$0x3] =	stream.linear.gather [hbm4b:s24+s2], $0x80, $0x38;
	[tilespmem:$0x1E080] =	vst v63  }
0x2bf: {  	_ =	swait.ge [sflag:s1], $0x2000  }
0x2c0: {  	[sflag:s1] =	ssyncset.done $0x0  }
0x2c1: {  	[sflag:s1] =	ssyncadd.s32 $0xFFFFE000  }
0x2c2: {  	_ =	swait.ge [sflag:s20], $0x2000  }
0x2c3: {  	s21 =	simm.s32 $0xFFFFFFF8;
	[sflag:s20] =	ssyncset.done $0x0  }
0x2c4: {  	s28 =	simm.s32 $0x40F0;
	s29 =	simm.s32 $0xF0;
	[sflag:s20] =	ssyncadd.s32 $0xFFFFE000  }
.LBB2_30:
0x2c5: {  	v5 =	vld [tilespmem:s28+$0xFFFFFF90];
	_ =	sdelay $0x1  }
0x2c6: {  	v6 =	vld [tilespmem:s29+$0xFFFFFF90];
	_ =	sdelay $0x2  }
0x2c7: {  	v7 =	vcvt.s32.f32 v5;
	_ =	sdelay $0x1  }
0x2c8: {  	v6 =	vadd.f32 v6, v6;
	v7 =	vadd.f32 v7, v7;
	_ =	sdelay $0x1  }
0x2c9: {  	v6 =	vadd.f32 $-1.000000000e+00, v6;
	v7 =	vadd.f32 $-1.000000000e+00, v7;
	_ =	sdelay $0x1  }
0x2ca: {  	v6 =	vmul.f32 v7, v6;
	_ =	sdelay $0x1  }
0x2cb: {  	v6 =	vsub.f32 $1.000000000e+00, v6;
	_ =	sdelay $0x1  }
0x2cc: {  	v6 =	vmul.f32 $1.024000000e+03, v6;
	_ =	sdelay $0x1  }
0x2cd: {  	v6 =	vtrunc.f32 v6  }
0x2ce: {  	v6 =	vcvt.f32.s32 v6;
	_ =	sdelay $0x1  }
0x2cf: {  	vm0 =	vlt.s32 v6, $0x7FF  }
0x2d0: {  	v5 =	vshll.u32 v5, $0xB;
	v6 =	vnsel vm0, $0x7FF, v6  }
0x2d1: {  	v5 =	vadd.s32 v6, v5  }
0x2d2: {  	v5 =	vadd.s32 v2, v5;
	_ =	sdelay $0x4  }
0x2d3: {  	[tilespmem:v5+s0+$0x0] =	vst.idx.add.s32.msk $0xffff, v3  }
0x2d4: {  	v5 =	vld [tilespmem:s28+$0xFFFFFFA0];
	_ =	sdelay $0x1  }
0x2d5: {  	v6 =	vld [tilespmem:s29+$0xFFFFFFA0];
	_ =	sdelay $0x2  }
0x2d6: {  	v7 =	vcvt.s32.f32 v5;
	_ =	sdelay $0x1  }
0x2d7: {  	v6 =	vadd.f32 v6, v6;
	v7 =	vadd.f32 v7, v7;
	_ =	sdelay $0x1  }
0x2d8: {  	v6 =	vadd.f32 $-1.000000000e+00, v6;
	v7 =	vadd.f32 $-1.000000000e+00, v7;
	_ =	sdelay $0x1  }
0x2d9: {  	v6 =	vmul.f32 v7, v6;
	_ =	sdelay $0x1  }
0x2da: {  	v6 =	vsub.f32 $1.000000000e+00, v6;
	_ =	sdelay $0x1  }
0x2db: {  	v6 =	vmul.f32 $1.024000000e+03, v6;
	_ =	sdelay $0x1  }
0x2dc: {  	v6 =	vtrunc.f32 v6  }
0x2dd: {  	v6 =	vcvt.f32.s32 v6;
	_ =	sdelay $0x1  }
0x2de: {  	vm9 =	vlt.s32 v6, $0x7FF  }
0x2df: {  	v5 =	vshll.u32 v5, $0xB;
	v6 =	vnsel vm9, $0x7FF, v6  }
0x2e0: {  	v5 =	vadd.s32 v6, v5  }
0x2e1: {  	v5 =	vadd.s32 v2, v5;
	_ =	sdelay $0x4  }
0x2e2: {  	[tilespmem:v5+s0+$0x0] =	vst.idx.add.s32.msk $0xffff, v3  }
0x2e3: {  	v5 =	vld [tilespmem:s28+$0xFFFFFFB0];
	_ =	sdelay $0x1  }
0x2e4: {  	v6 =	vld [tilespmem:s29+$0xFFFFFFB0];
	_ =	sdelay $0x2  }
0x2e5: {  	v7 =	vcvt.s32.f32 v5;
	_ =	sdelay $0x1  }
0x2e6: {  	v6 =	vadd.f32 v6, v6;
	v7 =	vadd.f32 v7, v7;
	_ =	sdelay $0x1  }
0x2e7: {  	v6 =	vadd.f32 $-1.000000000e+00, v6;
	v7 =	vadd.f32 $-1.000000000e+00, v7;
	_ =	sdelay $0x1  }
0x2e8: {  	v6 =	vmul.f32 v7, v6;
	_ =	sdelay $0x1  }
0x2e9: {  	v6 =	vsub.f32 $1.000000000e+00, v6;
	_ =	sdelay $0x1  }
0x2ea: {  	v6 =	vmul.f32 $1.024000000e+03, v6;
	_ =	sdelay $0x1  }
0x2eb: {  	v6 =	vtrunc.f32 v6  }
0x2ec: {  	v6 =	vcvt.f32.s32 v6;
	_ =	sdelay $0x1  }
0x2ed: {  	vm10 =	vlt.s32 v6, $0x7FF  }
0x2ee: {  	v5 =	vshll.u32 v5, $0xB;
	v6 =	vnsel vm10, $0x7FF, v6  }
0x2ef: {  	v5 =	vadd.s32 v6, v5  }
0x2f0: {  	v5 =	vadd.s32 v2, v5;
	_ =	sdelay $0x4  }
0x2f1: {  	[tilespmem:v5+s0+$0x0] =	vst.idx.add.s32.msk $0xffff, v3  }
0x2f2: {  	v5 =	vld [tilespmem:s28+$0xFFFFFFC0];
	_ =	sdelay $0x1  }
0x2f3: {  	v6 =	vld [tilespmem:s29+$0xFFFFFFC0];
	_ =	sdelay $0x2  }
0x2f4: {  	v7 =	vcvt.s32.f32 v5;
	_ =	sdelay $0x1  }
0x2f5: {  	v6 =	vadd.f32 v6, v6;
	v7 =	vadd.f32 v7, v7;
	_ =	sdelay $0x1  }
0x2f6: {  	v6 =	vadd.f32 $-1.000000000e+00, v6;
	v7 =	vadd.f32 $-1.000000000e+00, v7;
	_ =	sdelay $0x1  }
0x2f7: {  	v6 =	vmul.f32 v7, v6;
	_ =	sdelay $0x1  }
0x2f8: {  	v6 =	vsub.f32 $1.000000000e+00, v6;
	_ =	sdelay $0x1  }
0x2f9: {  	v6 =	vmul.f32 $1.024000000e+03, v6;
	_ =	sdelay $0x1  }
0x2fa: {  	v6 =	vtrunc.f32 v6  }
0x2fb: {  	v6 =	vcvt.f32.s32 v6;
	_ =	sdelay $0x1  }
0x2fc: {  	vm11 =	vlt.s32 v6, $0x7FF  }
0x2fd: {  	v5 =	vshll.u32 v5, $0xB;
	v6 =	vnsel vm11, $0x7FF, v6  }
0x2fe: {  	v5 =	vadd.s32 v6, v5  }
0x2ff: {  	v5 =	vadd.s32 v2, v5;
	_ =	sdelay $0x4  }
0x300: {  	[tilespmem:v5+s0+$0x0] =	vst.idx.add.s32.msk $0xffff, v3  }
0x301: {  	v5 =	vld [tilespmem:s28+$0xFFFFFFD0];
	_ =	sdelay $0x1  }
0x302: {  	v6 =	vld [tilespmem:s29+$0xFFFFFFD0];
	_ =	sdelay $0x2  }
0x303: {  	v7 =	vcvt.s32.f32 v5;
	_ =	sdelay $0x1  }
0x304: {  	v6 =	vadd.f32 v6, v6;
	v7 =	vadd.f32 v7, v7;
	_ =	sdelay $0x1  }
0x305: {  	v6 =	vadd.f32 $-1.000000000e+00, v6;
	v7 =	vadd.f32 $-1.000000000e+00, v7;
	_ =	sdelay $0x1  }
0x306: {  	v6 =	vmul.f32 v7, v6;
	_ =	sdelay $0x1  }
0x307: {  	v6 =	vsub.f32 $1.000000000e+00, v6;
	_ =	sdelay $0x1  }
0x308: {  	v6 =	vmul.f32 $1.024000000e+03, v6;
	_ =	sdelay $0x1  }
0x309: {  	v6 =	vtrunc.f32 v6  }
0x30a: {  	v6 =	vcvt.f32.s32 v6;
	_ =	sdelay $0x1  }
0x30b: {  	vm12 =	vlt.s32 v6, $0x7FF  }
0x30c: {  	v5 =	vshll.u32 v5, $0xB;
	v6 =	vnsel vm12, $0x7FF, v6  }
0x30d: {  	v5 =	vadd.s32 v6, v5  }
0x30e: {  	v5 =	vadd.s32 v2, v5;
	_ =	sdelay $0x4  }
0x30f: {  	[tilespmem:v5+s0+$0x0] =	vst.idx.add.s32.msk $0xffff, v3  }
0x310: {  	v5 =	vld [tilespmem:s28+$0xFFFFFFE0];
	_ =	sdelay $0x1  }
0x311: {  	v6 =	vld [tilespmem:s29+$0xFFFFFFE0];
	_ =	sdelay $0x2  }
0x312: {  	v7 =	vcvt.s32.f32 v5;
	_ =	sdelay $0x1  }
0x313: {  	v6 =	vadd.f32 v6, v6;
	v7 =	vadd.f32 v7, v7;
	_ =	sdelay $0x1  }
0x314: {  	v6 =	vadd.f32 $-1.000000000e+00, v6;
	v7 =	vadd.f32 $-1.000000000e+00, v7;
	_ =	sdelay $0x1  }
0x315: {  	v6 =	vmul.f32 v7, v6;
	_ =	sdelay $0x1  }
0x316: {  	v6 =	vsub.f32 $1.000000000e+00, v6;
	_ =	sdelay $0x1  }
0x317: {  	v6 =	vmul.f32 $1.024000000e+03, v6;
	_ =	sdelay $0x1  }
0x318: {  	v6 =	vtrunc.f32 v6  }
0x319: {  	v6 =	vcvt.f32.s32 v6;
	_ =	sdelay $0x1  }
0x31a: {  	vm13 =	vlt.s32 v6, $0x7FF  }
0x31b: {  	v5 =	vshll.u32 v5, $0xB;
	v6 =	vnsel vm13, $0x7FF, v6  }
0x31c: {  	v5 =	vadd.s32 v6, v5  }
0x31d: {  	v5 =	vadd.s32 v2, v5;
	_ =	sdelay $0x4  }
0x31e: {  	[tilespmem:v5+s0+$0x0] =	vst.idx.add.s32.msk $0xffff, v3  }
0x31f: {  	v5 =	vld [tilespmem:s28+$0xFFFFFFF0];
	_ =	sdelay $0x1  }
0x320: {  	v6 =	vld [tilespmem:s29+$0xFFFFFFF0];
	_ =	sdelay $0x2  }
0x321: {  	v7 =	vcvt.s32.f32 v5;
	_ =	sdelay $0x1  }
0x322: {  	v6 =	vadd.f32 v6, v6;
	v7 =	vadd.f32 v7, v7;
	_ =	sdelay $0x1  }
0x323: {  	v6 =	vadd.f32 $-1.000000000e+00, v6;
	v7 =	vadd.f32 $-1.000000000e+00, v7;
	_ =	sdelay $0x1  }
0x324: {  	v6 =	vmul.f32 v7, v6;
	_ =	sdelay $0x1  }
0x325: {  	v6 =	vsub.f32 $1.000000000e+00, v6;
	_ =	sdelay $0x1  }
0x326: {  	v6 =	vmul.f32 $1.024000000e+03, v6;
	_ =	sdelay $0x1  }
0x327: {  	v6 =	vtrunc.f32 v6  }
0x328: {  	v6 =	vcvt.f32.s32 v6;
	_ =	sdelay $0x1  }
0x329: {  	vm14 =	vlt.s32 v6, $0x7FF  }
0x32a: {  	v5 =	vshll.u32 v5, $0xB;
	v6 =	vnsel vm14, $0x7FF, v6  }
0x32b: {  	v5 =	vadd.s32 v6, v5  }
0x32c: {  	v5 =	vadd.s32 v2, v5;
	_ =	sdelay $0x4  }
0x32d: {  	[tilespmem:v5+s0+$0x0] =	vst.idx.add.s32.msk $0xffff, v3  }
0x32e: {  	v5 =	vld [tilespmem:s28+$0x0];
	_ =	sdelay $0x1  }
0x32f: {  	v6 =	vld [tilespmem:s29+$0x0];
	_ =	sdelay $0x2  }
0x330: {  	v7 =	vcvt.s32.f32 v5;
	_ =	sdelay $0x1  }
0x331: {  	v6 =	vadd.f32 v6, v6;
	v7 =	vadd.f32 v7, v7;
	_ =	sdelay $0x1  }
0x332: {  	v6 =	vadd.f32 $-1.000000000e+00, v6;
	v7 =	vadd.f32 $-1.000000000e+00, v7;
	_ =	sdelay $0x1  }
0x333: {  	v6 =	vmul.f32 v7, v6;
	_ =	sdelay $0x1  }
0x334: {  	v6 =	vsub.f32 $1.000000000e+00, v6;
	_ =	sdelay $0x1  }
0x335: {  	v6 =	vmul.f32 $1.024000000e+03, v6;
	_ =	sdelay $0x1  }
0x336: {  	v6 =	vtrunc.f32 v6  }
0x337: {  	v6 =	vcvt.f32.s32 v6;
	_ =	sdelay $0x1  }
0x338: {  	vm15 =	vlt.s32 v6, $0x7FF  }
0x339: {  	v5 =	vshll.u32 v5, $0xB;
	v6 =	vnsel vm15, $0x7FF, v6  }
0x33a: {  	s21 =	sadd.s32 $0x8, s21;
	v5 =	vadd.s32 v6, v5  }
0x33b: {  	p1 =	slt.u32 s21, $0x1F8;
	v5 =	vadd.s32 v2, v5  }
.Ltmp16:
0x33c: {  	_ = 	snop;
	(pc) =	sbr.rel @p1 .LBB2_30-.Ltmp16, $2  }
0x33d: {  	_ =	sdelay $0x2  }
0x33e: {  	s28 =	sadd.s32 $0x100, s28;
	s29 =	sadd.s32 $0x100, s29;
	[tilespmem:v5+s0+$0x0] =	vst.idx.add.s32.msk $0xffff, v3  }
0x33f: {  	s21 =	simm.s32 $0x80  }
0x340: {  	s22 =	simm.s32 $0x10;
	s24 =	sadd.s32 $0x0, s13;
	s23 =	simm.s32 $0x180  }
.LBB2_32:
0x341: {  	[tilespmem:s21], [sflag:$0x2] =	stream.linear.gather [hbm4b:s24+s2], $0x80, $0x38;
	[tilespmem:$0x1E080] =	vst v63  }
0x342: {  	s24 =	smov.u32 s22;
	s21 =	smov.u32 s23;
	p1 =	sne.s32 s22, $0x3F0  }
.Ltmp17:
0x343: {  	s22 =	sadd.s32 $0x10, s22;
	(pc) =	sbr.rel @p1 .LBB2_32-.Ltmp17, $2  }
0x344: {  	_ =	sdelay $0x2  }
0x345: {  	s23 =	sadd.s32 $0x100, s23;
	s24 =	sadd.s32 s24, s13  }
0x346: {  	[tilespmem:s21], [sflag:$0x2] =	stream.linear.gather [hbm4b:s24+s2], $0x80, $0x38;
	[tilespmem:$0x1E080] =	vst v63  }
0x347: {  	s21 =	simm.s32 $0x4080  }
0x348: {  	s22 =	simm.s32 $0x10;
	s24 =	sadd.s32 $0x0, s14;
	s23 =	simm.s32 $0x4180  }
.LBB2_34:
0x349: {  	[tilespmem:s21], [sflag:$0x4] =	stream.linear.gather [hbm4b:s24+s2], $0x80, $0x38;
	[tilespmem:$0x1E080] =	vst v63  }
0x34a: {  	s24 =	smov.u32 s22;
	s21 =	smov.u32 s23;
	p1 =	sne.s32 s22, $0x3F0  }
.Ltmp18:
0x34b: {  	s22 =	sadd.s32 $0x10, s22;
	(pc) =	sbr.rel @p1 .LBB2_34-.Ltmp18, $2  }
0x34c: {  	_ =	sdelay $0x2  }
0x34d: {  	s23 =	sadd.s32 $0x100, s23;
	s24 =	sadd.s32 s24, s14  }
0x34e: {  	[tilespmem:s21], [sflag:$0x4] =	stream.linear.gather [hbm4b:s24+s2], $0x80, $0x38;
	[tilespmem:$0x1E080] =	vst v63  }
0x34f: {  	_ =	swait.ge [sflag:s30], $0x2000  }
0x350: {  	[sflag:s30] =	ssyncset.done $0x0  }
0x351: {  	[sflag:s30] =	ssyncadd.s32 $0xFFFFE000  }
0x352: {  	_ =	swait.ge [sflag:s31], $0x2000  }
0x353: {  	s21 =	simm.s32 $0xFFFFFFF8;
	[sflag:s31] =	ssyncset.done $0x0  }
0x354: {  	s28 =	simm.s32 $0x40;
	s29 =	simm.s32 $0x4040;
	[sflag:s31] =	ssyncadd.s32 $0xFFFFE000  }
.LBB2_36:
0x355: {  	v5 =	vld [tilespmem:s29+$0xFFFFFFC0];
	_ =	sdelay $0x1  }
0x356: {  	v6 =	vld [tilespmem:s28+$0xFFFFFFC0];
	_ =	sdelay $0x2  }
0x357: {  	v7 =	vcvt.s32.f32 v5;
	_ =	sdelay $0x1  }
0x358: {  	v6 =	vadd.f32 v6, v6;
	v7 =	vadd.f32 v7, v7;
	_ =	sdelay $0x1  }
0x359: {  	v6 =	vadd.f32 $-1.000000000e+00, v6;
	v7 =	vadd.f32 $-1.000000000e+00, v7;
	_ =	sdelay $0x1  }
0x35a: {  	v6 =	vmul.f32 v7, v6;
	_ =	sdelay $0x1  }
0x35b: {  	v6 =	vsub.f32 $1.000000000e+00, v6;
	_ =	sdelay $0x1  }
0x35c: {  	v6 =	vmul.f32 $1.024000000e+03, v6;
	_ =	sdelay $0x1  }
0x35d: {  	v6 =	vtrunc.f32 v6  }
0x35e: {  	v6 =	vcvt.f32.s32 v6;
	_ =	sdelay $0x1  }
0x35f: {  	vm0 =	vlt.s32 v6, $0x7FF  }
0x360: {  	v5 =	vshll.u32 v5, $0xB;
	v6 =	vnsel vm0, $0x7FF, v6  }
0x361: {  	v5 =	vadd.s32 v6, v5  }
0x362: {  	v5 =	vadd.s32 v2, v5;
	_ =	sdelay $0x4  }
0x363: {  	[tilespmem:v5+s0+$0x0] =	vst.idx.add.s32.msk $0xffff, v3  }
0x364: {  	v5 =	vld [tilespmem:s29+$0xFFFFFFD0];
	_ =	sdelay $0x1  }
0x365: {  	v6 =	vld [tilespmem:s28+$0xFFFFFFD0];
	_ =	sdelay $0x2  }
0x366: {  	v7 =	vcvt.s32.f32 v5;
	_ =	sdelay $0x1  }
0x367: {  	v6 =	vadd.f32 v6, v6;
	v7 =	vadd.f32 v7, v7;
	_ =	sdelay $0x1  }
0x368: {  	v6 =	vadd.f32 $-1.000000000e+00, v6;
	v7 =	vadd.f32 $-1.000000000e+00, v7;
	_ =	sdelay $0x1  }
0x369: {  	v6 =	vmul.f32 v7, v6;
	_ =	sdelay $0x1  }
0x36a: {  	v6 =	vsub.f32 $1.000000000e+00, v6;
	_ =	sdelay $0x1  }
0x36b: {  	v6 =	vmul.f32 $1.024000000e+03, v6;
	_ =	sdelay $0x1  }
0x36c: {  	v6 =	vtrunc.f32 v6  }
0x36d: {  	v6 =	vcvt.f32.s32 v6;
	_ =	sdelay $0x1  }
0x36e: {  	vm9 =	vlt.s32 v6, $0x7FF  }
0x36f: {  	v5 =	vshll.u32 v5, $0xB;
	v6 =	vnsel vm9, $0x7FF, v6  }
0x370: {  	v5 =	vadd.s32 v6, v5  }
0x371: {  	v5 =	vadd.s32 v2, v5;
	_ =	sdelay $0x4  }
0x372: {  	[tilespmem:v5+s0+$0x0] =	vst.idx.add.s32.msk $0xffff, v3  }
0x373: {  	v5 =	vld [tilespmem:s29+$0xFFFFFFE0];
	_ =	sdelay $0x1  }
0x374: {  	v6 =	vld [tilespmem:s28+$0xFFFFFFE0];
	_ =	sdelay $0x2  }
0x375: {  	v7 =	vcvt.s32.f32 v5;
	_ =	sdelay $0x1  }
0x376: {  	v6 =	vadd.f32 v6, v6;
	v7 =	vadd.f32 v7, v7;
	_ =	sdelay $0x1  }
0x377: {  	v6 =	vadd.f32 $-1.000000000e+00, v6;
	v7 =	vadd.f32 $-1.000000000e+00, v7;
	_ =	sdelay $0x1  }
0x378: {  	v6 =	vmul.f32 v7, v6;
	_ =	sdelay $0x1  }
0x379: {  	v6 =	vsub.f32 $1.000000000e+00, v6;
	_ =	sdelay $0x1  }
0x37a: {  	v6 =	vmul.f32 $1.024000000e+03, v6;
	_ =	sdelay $0x1  }
0x37b: {  	v6 =	vtrunc.f32 v6  }
0x37c: {  	v6 =	vcvt.f32.s32 v6;
	_ =	sdelay $0x1  }
0x37d: {  	vm10 =	vlt.s32 v6, $0x7FF  }
0x37e: {  	v5 =	vshll.u32 v5, $0xB;
	v6 =	vnsel vm10, $0x7FF, v6  }
0x37f: {  	v5 =	vadd.s32 v6, v5  }
0x380: {  	v5 =	vadd.s32 v2, v5;
	_ =	sdelay $0x4  }
0x381: {  	[tilespmem:v5+s0+$0x0] =	vst.idx.add.s32.msk $0xffff, v3  }
0x382: {  	v5 =	vld [tilespmem:s29+$0xFFFFFFF0];
	_ =	sdelay $0x1  }
0x383: {  	v6 =	vld [tilespmem:s28+$0xFFFFFFF0];
	_ =	sdelay $0x2  }
0x384: {  	v7 =	vcvt.s32.f32 v5;
	_ =	sdelay $0x1  }
0x385: {  	v6 =	vadd.f32 v6, v6;
	v7 =	vadd.f32 v7, v7;
	_ =	sdelay $0x1  }
0x386: {  	v6 =	vadd.f32 $-1.000000000e+00, v6;
	v7 =	vadd.f32 $-1.000000000e+00, v7;
	_ =	sdelay $0x1  }
0x387: {  	v6 =	vmul.f32 v7, v6;
	_ =	sdelay $0x1  }
0x388: {  	v6 =	vsub.f32 $1.000000000e+00, v6;
	_ =	sdelay $0x1  }
0x389: {  	v6 =	vmul.f32 $1.024000000e+03, v6;
	_ =	sdelay $0x1  }
0x38a: {  	v6 =	vtrunc.f32 v6  }
0x38b: {  	v6 =	vcvt.f32.s32 v6;
	_ =	sdelay $0x1  }
0x38c: {  	vm11 =	vlt.s32 v6, $0x7FF  }
0x38d: {  	v5 =	vshll.u32 v5, $0xB;
	v6 =	vnsel vm11, $0x7FF, v6  }
0x38e: {  	v5 =	vadd.s32 v6, v5  }
0x38f: {  	v5 =	vadd.s32 v2, v5;
	_ =	sdelay $0x4  }
0x390: {  	[tilespmem:v5+s0+$0x0] =	vst.idx.add.s32.msk $0xffff, v3  }
0x391: {  	v5 =	vld [tilespmem:s29+$0x0];
	_ =	sdelay $0x1  }
0x392: {  	v6 =	vld [tilespmem:s28+$0x0];
	_ =	sdelay $0x2  }
0x393: {  	v7 =	vcvt.s32.f32 v5;
	_ =	sdelay $0x1  }
0x394: {  	v6 =	vadd.f32 v6, v6;
	v7 =	vadd.f32 v7, v7;
	_ =	sdelay $0x1  }
0x395: {  	v6 =	vadd.f32 $-1.000000000e+00, v6;
	v7 =	vadd.f32 $-1.000000000e+00, v7;
	_ =	sdelay $0x1  }
0x396: {  	v6 =	vmul.f32 v7, v6;
	_ =	sdelay $0x1  }
0x397: {  	v6 =	vsub.f32 $1.000000000e+00, v6;
	_ =	sdelay $0x1  }
0x398: {  	v6 =	vmul.f32 $1.024000000e+03, v6;
	_ =	sdelay $0x1  }
0x399: {  	v6 =	vtrunc.f32 v6  }
0x39a: {  	v6 =	vcvt.f32.s32 v6;
	_ =	sdelay $0x1  }
0x39b: {  	vm12 =	vlt.s32 v6, $0x7FF  }
0x39c: {  	v5 =	vshll.u32 v5, $0xB;
	v6 =	vnsel vm12, $0x7FF, v6  }
0x39d: {  	v5 =	vadd.s32 v6, v5  }
0x39e: {  	v5 =	vadd.s32 v2, v5;
	_ =	sdelay $0x4  }
0x39f: {  	[tilespmem:v5+s0+$0x0] =	vst.idx.add.s32.msk $0xffff, v3  }
0x3a0: {  	v5 =	vld [tilespmem:s29+$0x10];
	_ =	sdelay $0x1  }
0x3a1: {  	v6 =	vld [tilespmem:s28+$0x10];
	_ =	sdelay $0x2  }
0x3a2: {  	v7 =	vcvt.s32.f32 v5;
	_ =	sdelay $0x1  }
0x3a3: {  	v6 =	vadd.f32 v6, v6;
	v7 =	vadd.f32 v7, v7;
	_ =	sdelay $0x1  }
0x3a4: {  	v6 =	vadd.f32 $-1.000000000e+00, v6;
	v7 =	vadd.f32 $-1.000000000e+00, v7;
	_ =	sdelay $0x1  }
0x3a5: {  	v6 =	vmul.f32 v7, v6;
	_ =	sdelay $0x1  }
0x3a6: {  	v6 =	vsub.f32 $1.000000000e+00, v6;
	_ =	sdelay $0x1  }
0x3a7: {  	v6 =	vmul.f32 $1.024000000e+03, v6;
	_ =	sdelay $0x1  }
0x3a8: {  	v6 =	vtrunc.f32 v6  }
0x3a9: {  	v6 =	vcvt.f32.s32 v6;
	_ =	sdelay $0x1  }
0x3aa: {  	vm13 =	vlt.s32 v6, $0x7FF  }
0x3ab: {  	v5 =	vshll.u32 v5, $0xB;
	v6 =	vnsel vm13, $0x7FF, v6  }
0x3ac: {  	v5 =	vadd.s32 v6, v5  }
0x3ad: {  	v5 =	vadd.s32 v2, v5;
	_ =	sdelay $0x4  }
0x3ae: {  	[tilespmem:v5+s0+$0x0] =	vst.idx.add.s32.msk $0xffff, v3  }
0x3af: {  	v5 =	vld [tilespmem:s29+$0x20];
	_ =	sdelay $0x1  }
0x3b0: {  	v6 =	vld [tilespmem:s28+$0x20];
	_ =	sdelay $0x2  }
0x3b1: {  	v7 =	vcvt.s32.f32 v5;
	_ =	sdelay $0x1  }
0x3b2: {  	v6 =	vadd.f32 v6, v6;
	v7 =	vadd.f32 v7, v7;
	_ =	sdelay $0x1  }
0x3b3: {  	v6 =	vadd.f32 $-1.000000000e+00, v6;
	v7 =	vadd.f32 $-1.000000000e+00, v7;
	_ =	sdelay $0x1  }
0x3b4: {  	v6 =	vmul.f32 v7, v6;
	_ =	sdelay $0x1  }
0x3b5: {  	v6 =	vsub.f32 $1.000000000e+00, v6;
	_ =	sdelay $0x1  }
0x3b6: {  	v6 =	vmul.f32 $1.024000000e+03, v6;
	_ =	sdelay $0x1  }
0x3b7: {  	v6 =	vtrunc.f32 v6  }
0x3b8: {  	v6 =	vcvt.f32.s32 v6;
	_ =	sdelay $0x1  }
0x3b9: {  	vm14 =	vlt.s32 v6, $0x7FF  }
0x3ba: {  	v5 =	vshll.u32 v5, $0xB;
	v6 =	vnsel vm14, $0x7FF, v6  }
0x3bb: {  	v5 =	vadd.s32 v6, v5  }
0x3bc: {  	v5 =	vadd.s32 v2, v5;
	_ =	sdelay $0x4  }
0x3bd: {  	[tilespmem:v5+s0+$0x0] =	vst.idx.add.s32.msk $0xffff, v3  }
0x3be: {  	v5 =	vld [tilespmem:s29+$0x30];
	_ =	sdelay $0x1  }
0x3bf: {  	v6 =	vld [tilespmem:s28+$0x30];
	_ =	sdelay $0x2  }
0x3c0: {  	v7 =	vcvt.s32.f32 v5;
	_ =	sdelay $0x1  }
0x3c1: {  	v6 =	vadd.f32 v6, v6;
	v7 =	vadd.f32 v7, v7;
	_ =	sdelay $0x1  }
0x3c2: {  	v6 =	vadd.f32 $-1.000000000e+00, v6;
	v7 =	vadd.f32 $-1.000000000e+00, v7;
	_ =	sdelay $0x1  }
0x3c3: {  	v6 =	vmul.f32 v7, v6;
	_ =	sdelay $0x1  }
0x3c4: {  	v6 =	vsub.f32 $1.000000000e+00, v6;
	_ =	sdelay $0x1  }
0x3c5: {  	v6 =	vmul.f32 $1.024000000e+03, v6;
	_ =	sdelay $0x1  }
0x3c6: {  	v6 =	vtrunc.f32 v6  }
0x3c7: {  	v6 =	vcvt.f32.s32 v6;
	_ =	sdelay $0x1  }
0x3c8: {  	vm15 =	vlt.s32 v6, $0x7FF  }
0x3c9: {  	v5 =	vshll.u32 v5, $0xB;
	v6 =	vnsel vm15, $0x7FF, v6  }
0x3ca: {  	s21 =	sadd.s32 $0x8, s21;
	v5 =	vadd.s32 v6, v5  }
0x3cb: {  	p1 =	slt.u32 s21, $0x1F8;
	v5 =	vadd.s32 v2, v5  }
.Ltmp19:
0x3cc: {  	_ = 	snop;
	(pc) =	sbr.rel @p1 .LBB2_36-.Ltmp19, $2  }
0x3cd: {  	_ =	sdelay $0x2  }
0x3ce: {  	s28 =	sadd.s32 $0x100, s28;
	s29 =	sadd.s32 $0x100, s29;
	[tilespmem:v5+s0+$0x0] =	vst.idx.add.s32.msk $0xffff, v3  }
0x3cf: {  	s21 =	simm.s32 $0x0  }
0x3d0: {  	s22 =	simm.s32 $0x10;
	s24 =	sadd.s32 $0x0, s15;
	s23 =	simm.s32 $0x100  }
.LBB2_38:
0x3d1: {  	[tilespmem:s21], [sflag:$0x1] =	stream.linear.gather [hbm4b:s24+s2], $0x80, $0x38;
	[tilespmem:$0x1E080] =	vst v63  }
0x3d2: {  	s24 =	smov.u32 s22;
	s21 =	smov.u32 s23;
	p1 =	sne.s32 s22, $0x3F0  }
.Ltmp20:
0x3d3: {  	s22 =	sadd.s32 $0x10, s22;
	(pc) =	sbr.rel @p1 .LBB2_38-.Ltmp20, $2  }
0x3d4: {  	_ =	sdelay $0x2  }
0x3d5: {  	s23 =	sadd.s32 $0x100, s23;
	s24 =	sadd.s32 s24, s15  }
0x3d6: {  	[tilespmem:s21], [sflag:$0x1] =	stream.linear.gather [hbm4b:s24+s2], $0x80, $0x38;
	[tilespmem:$0x1E080] =	vst v63  }
0x3d7: {  	s21 =	simm.s32 $0x4000  }
0x3d8: {  	s22 =	simm.s32 $0x10;
	s24 =	sadd.s32 $0x0, s16;
	s23 =	simm.s32 $0x4100  }
.LBB2_40:
0x3d9: {  	[tilespmem:s21], [sflag:$0x3] =	stream.linear.gather [hbm4b:s24+s2], $0x80, $0x38;
	[tilespmem:$0x1E080] =	vst v63  }
0x3da: {  	s24 =	smov.u32 s22;
	s21 =	smov.u32 s23;
	p1 =	sne.s32 s22, $0x3F0  }
.Ltmp21:
0x3db: {  	s22 =	sadd.s32 $0x10, s22;
	(pc) =	sbr.rel @p1 .LBB2_40-.Ltmp21, $2  }
0x3dc: {  	_ =	sdelay $0x2  }
0x3dd: {  	s23 =	sadd.s32 $0x100, s23;
	s24 =	sadd.s32 s24, s16  }
0x3de: {  	[tilespmem:s21], [sflag:$0x3] =	stream.linear.gather [hbm4b:s24+s2], $0x80, $0x38;
	[tilespmem:$0x1E080] =	vst v63  }
0x3df: {  	_ =	swait.ge [sflag:s1], $0x2000  }
0x3e0: {  	[sflag:s1] =	ssyncset.done $0x0  }
0x3e1: {  	[sflag:s1] =	ssyncadd.s32 $0xFFFFE000  }
0x3e2: {  	_ =	swait.ge [sflag:s20], $0x2000  }
0x3e3: {  	s21 =	simm.s32 $0xFFFFFFF8;
	[sflag:s20] =	ssyncset.done $0x0  }
0x3e4: {  	s28 =	simm.s32 $0x40F0;
	s29 =	simm.s32 $0xF0;
	[sflag:s20] =	ssyncadd.s32 $0xFFFFE000  }
.LBB2_42:
0x3e5: {  	v5 =	vld [tilespmem:s28+$0xFFFFFF90];
	_ =	sdelay $0x1  }
0x3e6: {  	v6 =	vld [tilespmem:s29+$0xFFFFFF90];
	_ =	sdelay $0x2  }
0x3e7: {  	v7 =	vcvt.s32.f32 v5;
	_ =	sdelay $0x1  }
0x3e8: {  	v6 =	vadd.f32 v6, v6;
	v7 =	vadd.f32 v7, v7;
	_ =	sdelay $0x1  }
0x3e9: {  	v6 =	vadd.f32 $-1.000000000e+00, v6;
	v7 =	vadd.f32 $-1.000000000e+00, v7;
	_ =	sdelay $0x1  }
0x3ea: {  	v6 =	vmul.f32 v7, v6;
	_ =	sdelay $0x1  }
0x3eb: {  	v6 =	vsub.f32 $1.000000000e+00, v6;
	_ =	sdelay $0x1  }
0x3ec: {  	v6 =	vmul.f32 $1.024000000e+03, v6;
	_ =	sdelay $0x1  }
0x3ed: {  	v6 =	vtrunc.f32 v6  }
0x3ee: {  	v6 =	vcvt.f32.s32 v6;
	_ =	sdelay $0x1  }
0x3ef: {  	vm0 =	vlt.s32 v6, $0x7FF  }
0x3f0: {  	v5 =	vshll.u32 v5, $0xB;
	v6 =	vnsel vm0, $0x7FF, v6  }
0x3f1: {  	v5 =	vadd.s32 v6, v5  }
0x3f2: {  	v5 =	vadd.s32 v2, v5;
	_ =	sdelay $0x4  }
0x3f3: {  	[tilespmem:v5+s0+$0x0] =	vst.idx.add.s32.msk $0xffff, v3  }
0x3f4: {  	v5 =	vld [tilespmem:s28+$0xFFFFFFA0];
	_ =	sdelay $0x1  }
0x3f5: {  	v6 =	vld [tilespmem:s29+$0xFFFFFFA0];
	_ =	sdelay $0x2  }
0x3f6: {  	v7 =	vcvt.s32.f32 v5;
	_ =	sdelay $0x1  }
0x3f7: {  	v6 =	vadd.f32 v6, v6;
	v7 =	vadd.f32 v7, v7;
	_ =	sdelay $0x1  }
0x3f8: {  	v6 =	vadd.f32 $-1.000000000e+00, v6;
	v7 =	vadd.f32 $-1.000000000e+00, v7;
	_ =	sdelay $0x1  }
0x3f9: {  	v6 =	vmul.f32 v7, v6;
	_ =	sdelay $0x1  }
0x3fa: {  	v6 =	vsub.f32 $1.000000000e+00, v6;
	_ =	sdelay $0x1  }
0x3fb: {  	v6 =	vmul.f32 $1.024000000e+03, v6;
	_ =	sdelay $0x1  }
0x3fc: {  	v6 =	vtrunc.f32 v6  }
0x3fd: {  	v6 =	vcvt.f32.s32 v6;
	_ =	sdelay $0x1  }
0x3fe: {  	vm9 =	vlt.s32 v6, $0x7FF  }
0x3ff: {  	v5 =	vshll.u32 v5, $0xB;
	v6 =	vnsel vm9, $0x7FF, v6  }
0x400: {  	v5 =	vadd.s32 v6, v5  }
0x401: {  	v5 =	vadd.s32 v2, v5;
	_ =	sdelay $0x4  }
0x402: {  	[tilespmem:v5+s0+$0x0] =	vst.idx.add.s32.msk $0xffff, v3  }
0x403: {  	v5 =	vld [tilespmem:s28+$0xFFFFFFB0];
	_ =	sdelay $0x1  }
0x404: {  	v6 =	vld [tilespmem:s29+$0xFFFFFFB0];
	_ =	sdelay $0x2  }
0x405: {  	v7 =	vcvt.s32.f32 v5;
	_ =	sdelay $0x1  }
0x406: {  	v6 =	vadd.f32 v6, v6;
	v7 =	vadd.f32 v7, v7;
	_ =	sdelay $0x1  }
0x407: {  	v6 =	vadd.f32 $-1.000000000e+00, v6;
	v7 =	vadd.f32 $-1.000000000e+00, v7;
	_ =	sdelay $0x1  }
0x408: {  	v6 =	vmul.f32 v7, v6;
	_ =	sdelay $0x1  }
0x409: {  	v6 =	vsub.f32 $1.000000000e+00, v6;
	_ =	sdelay $0x1  }
0x40a: {  	v6 =	vmul.f32 $1.024000000e+03, v6;
	_ =	sdelay $0x1  }
0x40b: {  	v6 =	vtrunc.f32 v6  }
0x40c: {  	v6 =	vcvt.f32.s32 v6;
	_ =	sdelay $0x1  }
0x40d: {  	vm10 =	vlt.s32 v6, $0x7FF  }
0x40e: {  	v5 =	vshll.u32 v5, $0xB;
	v6 =	vnsel vm10, $0x7FF, v6  }
0x40f: {  	v5 =	vadd.s32 v6, v5  }
0x410: {  	v5 =	vadd.s32 v2, v5;
	_ =	sdelay $0x4  }
0x411: {  	[tilespmem:v5+s0+$0x0] =	vst.idx.add.s32.msk $0xffff, v3  }
0x412: {  	v5 =	vld [tilespmem:s28+$0xFFFFFFC0];
	_ =	sdelay $0x1  }
0x413: {  	v6 =	vld [tilespmem:s29+$0xFFFFFFC0];
	_ =	sdelay $0x2  }
0x414: {  	v7 =	vcvt.s32.f32 v5;
	_ =	sdelay $0x1  }
0x415: {  	v6 =	vadd.f32 v6, v6;
	v7 =	vadd.f32 v7, v7;
	_ =	sdelay $0x1  }
0x416: {  	v6 =	vadd.f32 $-1.000000000e+00, v6;
	v7 =	vadd.f32 $-1.000000000e+00, v7;
	_ =	sdelay $0x1  }
0x417: {  	v6 =	vmul.f32 v7, v6;
	_ =	sdelay $0x1  }
0x418: {  	v6 =	vsub.f32 $1.000000000e+00, v6;
	_ =	sdelay $0x1  }
0x419: {  	v6 =	vmul.f32 $1.024000000e+03, v6;
	_ =	sdelay $0x1  }
0x41a: {  	v6 =	vtrunc.f32 v6  }
0x41b: {  	v6 =	vcvt.f32.s32 v6;
	_ =	sdelay $0x1  }
0x41c: {  	vm11 =	vlt.s32 v6, $0x7FF  }
0x41d: {  	v5 =	vshll.u32 v5, $0xB;
	v6 =	vnsel vm11, $0x7FF, v6  }
0x41e: {  	v5 =	vadd.s32 v6, v5  }
0x41f: {  	v5 =	vadd.s32 v2, v5;
	_ =	sdelay $0x4  }
0x420: {  	[tilespmem:v5+s0+$0x0] =	vst.idx.add.s32.msk $0xffff, v3  }
0x421: {  	v5 =	vld [tilespmem:s28+$0xFFFFFFD0];
	_ =	sdelay $0x1  }
0x422: {  	v6 =	vld [tilespmem:s29+$0xFFFFFFD0];
	_ =	sdelay $0x2  }
0x423: {  	v7 =	vcvt.s32.f32 v5;
	_ =	sdelay $0x1  }
0x424: {  	v6 =	vadd.f32 v6, v6;
	v7 =	vadd.f32 v7, v7;
	_ =	sdelay $0x1  }
0x425: {  	v6 =	vadd.f32 $-1.000000000e+00, v6;
	v7 =	vadd.f32 $-1.000000000e+00, v7;
	_ =	sdelay $0x1  }
0x426: {  	v6 =	vmul.f32 v7, v6;
	_ =	sdelay $0x1  }
0x427: {  	v6 =	vsub.f32 $1.000000000e+00, v6;
	_ =	sdelay $0x1  }
0x428: {  	v6 =	vmul.f32 $1.024000000e+03, v6;
	_ =	sdelay $0x1  }
0x429: {  	v6 =	vtrunc.f32 v6  }
0x42a: {  	v6 =	vcvt.f32.s32 v6;
	_ =	sdelay $0x1  }
0x42b: {  	vm12 =	vlt.s32 v6, $0x7FF  }
0x42c: {  	v5 =	vshll.u32 v5, $0xB;
	v6 =	vnsel vm12, $0x7FF, v6  }
0x42d: {  	v5 =	vadd.s32 v6, v5  }
0x42e: {  	v5 =	vadd.s32 v2, v5;
	_ =	sdelay $0x4  }
0x42f: {  	[tilespmem:v5+s0+$0x0] =	vst.idx.add.s32.msk $0xffff, v3  }
0x430: {  	v5 =	vld [tilespmem:s28+$0xFFFFFFE0];
	_ =	sdelay $0x1  }
0x431: {  	v6 =	vld [tilespmem:s29+$0xFFFFFFE0];
	_ =	sdelay $0x2  }
0x432: {  	v7 =	vcvt.s32.f32 v5;
	_ =	sdelay $0x1  }
0x433: {  	v6 =	vadd.f32 v6, v6;
	v7 =	vadd.f32 v7, v7;
	_ =	sdelay $0x1  }
0x434: {  	v6 =	vadd.f32 $-1.000000000e+00, v6;
	v7 =	vadd.f32 $-1.000000000e+00, v7;
	_ =	sdelay $0x1  }
0x435: {  	v6 =	vmul.f32 v7, v6;
	_ =	sdelay $0x1  }
0x436: {  	v6 =	vsub.f32 $1.000000000e+00, v6;
	_ =	sdelay $0x1  }
0x437: {  	v6 =	vmul.f32 $1.024000000e+03, v6;
	_ =	sdelay $0x1  }
0x438: {  	v6 =	vtrunc.f32 v6  }
0x439: {  	v6 =	vcvt.f32.s32 v6;
	_ =	sdelay $0x1  }
0x43a: {  	vm13 =	vlt.s32 v6, $0x7FF  }
0x43b: {  	v5 =	vshll.u32 v5, $0xB;
	v6 =	vnsel vm13, $0x7FF, v6  }
0x43c: {  	v5 =	vadd.s32 v6, v5  }
0x43d: {  	v5 =	vadd.s32 v2, v5;
	_ =	sdelay $0x4  }
0x43e: {  	[tilespmem:v5+s0+$0x0] =	vst.idx.add.s32.msk $0xffff, v3  }
0x43f: {  	v5 =	vld [tilespmem:s28+$0xFFFFFFF0];
	_ =	sdelay $0x1  }
0x440: {  	v6 =	vld [tilespmem:s29+$0xFFFFFFF0];
	_ =	sdelay $0x2  }
0x441: {  	v7 =	vcvt.s32.f32 v5;
	_ =	sdelay $0x1  }
0x442: {  	v6 =	vadd.f32 v6, v6;
	v7 =	vadd.f32 v7, v7;
	_ =	sdelay $0x1  }
0x443: {  	v6 =	vadd.f32 $-1.000000000e+00, v6;
	v7 =	vadd.f32 $-1.000000000e+00, v7;
	_ =	sdelay $0x1  }
0x444: {  	v6 =	vmul.f32 v7, v6;
	_ =	sdelay $0x1  }
0x445: {  	v6 =	vsub.f32 $1.000000000e+00, v6;
	_ =	sdelay $0x1  }
0x446: {  	v6 =	vmul.f32 $1.024000000e+03, v6;
	_ =	sdelay $0x1  }
0x447: {  	v6 =	vtrunc.f32 v6  }
0x448: {  	v6 =	vcvt.f32.s32 v6;
	_ =	sdelay $0x1  }
0x449: {  	vm14 =	vlt.s32 v6, $0x7FF  }
0x44a: {  	v5 =	vshll.u32 v5, $0xB;
	v6 =	vnsel vm14, $0x7FF, v6  }
0x44b: {  	v5 =	vadd.s32 v6, v5  }
0x44c: {  	v5 =	vadd.s32 v2, v5;
	_ =	sdelay $0x4  }
0x44d: {  	[tilespmem:v5+s0+$0x0] =	vst.idx.add.s32.msk $0xffff, v3  }
0x44e: {  	v5 =	vld [tilespmem:s28+$0x0];
	_ =	sdelay $0x1  }
0x44f: {  	v6 =	vld [tilespmem:s29+$0x0];
	_ =	sdelay $0x2  }
0x450: {  	v7 =	vcvt.s32.f32 v5;
	_ =	sdelay $0x1  }
0x451: {  	v6 =	vadd.f32 v6, v6;
	v7 =	vadd.f32 v7, v7;
	_ =	sdelay $0x1  }
0x452: {  	v6 =	vadd.f32 $-1.000000000e+00, v6;
	v7 =	vadd.f32 $-1.000000000e+00, v7;
	_ =	sdelay $0x1  }
0x453: {  	v6 =	vmul.f32 v7, v6;
	_ =	sdelay $0x1  }
0x454: {  	v6 =	vsub.f32 $1.000000000e+00, v6;
	_ =	sdelay $0x1  }
0x455: {  	v6 =	vmul.f32 $1.024000000e+03, v6;
	_ =	sdelay $0x1  }
0x456: {  	v6 =	vtrunc.f32 v6  }
0x457: {  	v6 =	vcvt.f32.s32 v6;
	_ =	sdelay $0x1  }
0x458: {  	vm15 =	vlt.s32 v6, $0x7FF  }
0x459: {  	v5 =	vshll.u32 v5, $0xB;
	v6 =	vnsel vm15, $0x7FF, v6  }
0x45a: {  	s21 =	sadd.s32 $0x8, s21;
	v5 =	vadd.s32 v6, v5  }
0x45b: {  	p1 =	slt.u32 s21, $0x1F8;
	v5 =	vadd.s32 v2, v5  }
.Ltmp22:
0x45c: {  	_ = 	snop;
	(pc) =	sbr.rel @p1 .LBB2_42-.Ltmp22, $2  }
0x45d: {  	_ =	sdelay $0x2  }
0x45e: {  	s28 =	sadd.s32 $0x100, s28;
	s29 =	sadd.s32 $0x100, s29;
	[tilespmem:v5+s0+$0x0] =	vst.idx.add.s32.msk $0xffff, v3  }
0x45f: {  	s21 =	simm.s32 $0x80  }
0x460: {  	s22 =	simm.s32 $0x10;
	s24 =	sadd.s32 $0x0, s17;
	s23 =	simm.s32 $0x180  }
.LBB2_44:
0x461: {  	[tilespmem:s21], [sflag:$0x2] =	stream.linear.gather [hbm4b:s24+s2], $0x80, $0x38;
	[tilespmem:$0x1E080] =	vst v63  }
0x462: {  	s24 =	smov.u32 s22;
	s21 =	smov.u32 s23;
	p1 =	sne.s32 s22, $0x3F0  }
.Ltmp23:
0x463: {  	s22 =	sadd.s32 $0x10, s22;
	(pc) =	sbr.rel @p1 .LBB2_44-.Ltmp23, $2  }
0x464: {  	_ =	sdelay $0x2  }
0x465: {  	s23 =	sadd.s32 $0x100, s23;
	s24 =	sadd.s32 s24, s17  }
0x466: {  	[tilespmem:s21], [sflag:$0x2] =	stream.linear.gather [hbm4b:s24+s2], $0x80, $0x38;
	[tilespmem:$0x1E080] =	vst v63  }
0x467: {  	s21 =	simm.s32 $0x4080  }
0x468: {  	s22 =	simm.s32 $0x10;
	s24 =	sadd.s32 $0x0, s18;
	s23 =	simm.s32 $0x4180  }
.LBB2_46:
0x469: {  	[tilespmem:s21], [sflag:$0x4] =	stream.linear.gather [hbm4b:s24+s2], $0x80, $0x38;
	[tilespmem:$0x1E080] =	vst v63  }
0x46a: {  	s24 =	smov.u32 s22;
	s21 =	smov.u32 s23;
	p1 =	sne.s32 s22, $0x3F0  }
.Ltmp24:
0x46b: {  	s22 =	sadd.s32 $0x10, s22;
	(pc) =	sbr.rel @p1 .LBB2_46-.Ltmp24, $2  }
0x46c: {  	_ =	sdelay $0x2  }
0x46d: {  	s23 =	sadd.s32 $0x100, s23;
	s24 =	sadd.s32 s24, s18  }
0x46e: {  	[tilespmem:s21], [sflag:$0x4] =	stream.linear.gather [hbm4b:s24+s2], $0x80, $0x38;
	[tilespmem:$0x1E080] =	vst v63  }
0x46f: {  	_ =	swait.ge [sflag:s30], $0x2000  }
0x470: {  	[sflag:s30] =	ssyncset.done $0x0  }
0x471: {  	[sflag:s30] =	ssyncadd.s32 $0xFFFFE000  }
0x472: {  	_ =	swait.ge [sflag:s31], $0x2000  }
0x473: {  	s21 =	simm.s32 $0xFFFFFFF8;
	[sflag:s31] =	ssyncset.done $0x0  }
0x474: {  	s28 =	simm.s32 $0x40;
	s29 =	simm.s32 $0x4040;
	[sflag:s31] =	ssyncadd.s32 $0xFFFFE000  }
.LBB2_48:
0x475: {  	v5 =	vld [tilespmem:s29+$0xFFFFFFC0];
	_ =	sdelay $0x1  }
0x476: {  	v6 =	vld [tilespmem:s28+$0xFFFFFFC0];
	_ =	sdelay $0x2  }
0x477: {  	v7 =	vcvt.s32.f32 v5;
	_ =	sdelay $0x1  }
0x478: {  	v6 =	vadd.f32 v6, v6;
	v7 =	vadd.f32 v7, v7;
	_ =	sdelay $0x1  }
0x479: {  	v6 =	vadd.f32 $-1.000000000e+00, v6;
	v7 =	vadd.f32 $-1.000000000e+00, v7;
	_ =	sdelay $0x1  }
0x47a: {  	v6 =	vmul.f32 v7, v6;
	_ =	sdelay $0x1  }
0x47b: {  	v6 =	vsub.f32 $1.000000000e+00, v6;
	_ =	sdelay $0x1  }
0x47c: {  	v6 =	vmul.f32 $1.024000000e+03, v6;
	_ =	sdelay $0x1  }
0x47d: {  	v6 =	vtrunc.f32 v6  }
0x47e: {  	v6 =	vcvt.f32.s32 v6;
	_ =	sdelay $0x1  }
0x47f: {  	vm0 =	vlt.s32 v6, $0x7FF  }
0x480: {  	v5 =	vshll.u32 v5, $0xB;
	v6 =	vnsel vm0, $0x7FF, v6  }
0x481: {  	v5 =	vadd.s32 v6, v5  }
0x482: {  	v5 =	vadd.s32 v2, v5;
	_ =	sdelay $0x4  }
0x483: {  	[tilespmem:v5+s0+$0x0] =	vst.idx.add.s32.msk $0xffff, v3  }
0x484: {  	v5 =	vld [tilespmem:s29+$0xFFFFFFD0];
	_ =	sdelay $0x1  }
0x485: {  	v6 =	vld [tilespmem:s28+$0xFFFFFFD0];
	_ =	sdelay $0x2  }
0x486: {  	v7 =	vcvt.s32.f32 v5;
	_ =	sdelay $0x1  }
0x487: {  	v6 =	vadd.f32 v6, v6;
	v7 =	vadd.f32 v7, v7;
	_ =	sdelay $0x1  }
0x488: {  	v6 =	vadd.f32 $-1.000000000e+00, v6;
	v7 =	vadd.f32 $-1.000000000e+00, v7;
	_ =	sdelay $0x1  }
0x489: {  	v6 =	vmul.f32 v7, v6;
	_ =	sdelay $0x1  }
0x48a: {  	v6 =	vsub.f32 $1.000000000e+00, v6;
	_ =	sdelay $0x1  }
0x48b: {  	v6 =	vmul.f32 $1.024000000e+03, v6;
	_ =	sdelay $0x1  }
0x48c: {  	v6 =	vtrunc.f32 v6  }
0x48d: {  	v6 =	vcvt.f32.s32 v6;
	_ =	sdelay $0x1  }
0x48e: {  	vm9 =	vlt.s32 v6, $0x7FF  }
0x48f: {  	v5 =	vshll.u32 v5, $0xB;
	v6 =	vnsel vm9, $0x7FF, v6  }
0x490: {  	v5 =	vadd.s32 v6, v5  }
0x491: {  	v5 =	vadd.s32 v2, v5;
	_ =	sdelay $0x4  }
0x492: {  	[tilespmem:v5+s0+$0x0] =	vst.idx.add.s32.msk $0xffff, v3  }
0x493: {  	v5 =	vld [tilespmem:s29+$0xFFFFFFE0];
	_ =	sdelay $0x1  }
0x494: {  	v6 =	vld [tilespmem:s28+$0xFFFFFFE0];
	_ =	sdelay $0x2  }
0x495: {  	v7 =	vcvt.s32.f32 v5;
	_ =	sdelay $0x1  }
0x496: {  	v6 =	vadd.f32 v6, v6;
	v7 =	vadd.f32 v7, v7;
	_ =	sdelay $0x1  }
0x497: {  	v6 =	vadd.f32 $-1.000000000e+00, v6;
	v7 =	vadd.f32 $-1.000000000e+00, v7;
	_ =	sdelay $0x1  }
0x498: {  	v6 =	vmul.f32 v7, v6;
	_ =	sdelay $0x1  }
0x499: {  	v6 =	vsub.f32 $1.000000000e+00, v6;
	_ =	sdelay $0x1  }
0x49a: {  	v6 =	vmul.f32 $1.024000000e+03, v6;
	_ =	sdelay $0x1  }
0x49b: {  	v6 =	vtrunc.f32 v6  }
0x49c: {  	v6 =	vcvt.f32.s32 v6;
	_ =	sdelay $0x1  }
0x49d: {  	vm10 =	vlt.s32 v6, $0x7FF  }
0x49e: {  	v5 =	vshll.u32 v5, $0xB;
	v6 =	vnsel vm10, $0x7FF, v6  }
0x49f: {  	v5 =	vadd.s32 v6, v5  }
0x4a0: {  	v5 =	vadd.s32 v2, v5;
	_ =	sdelay $0x4  }
0x4a1: {  	[tilespmem:v5+s0+$0x0] =	vst.idx.add.s32.msk $0xffff, v3  }
0x4a2: {  	v5 =	vld [tilespmem:s29+$0xFFFFFFF0];
	_ =	sdelay $0x1  }
0x4a3: {  	v6 =	vld [tilespmem:s28+$0xFFFFFFF0];
	_ =	sdelay $0x2  }
0x4a4: {  	v7 =	vcvt.s32.f32 v5;
	_ =	sdelay $0x1  }
0x4a5: {  	v6 =	vadd.f32 v6, v6;
	v7 =	vadd.f32 v7, v7;
	_ =	sdelay $0x1  }
0x4a6: {  	v6 =	vadd.f32 $-1.000000000e+00, v6;
	v7 =	vadd.f32 $-1.000000000e+00, v7;
	_ =	sdelay $0x1  }
0x4a7: {  	v6 =	vmul.f32 v7, v6;
	_ =	sdelay $0x1  }
0x4a8: {  	v6 =	vsub.f32 $1.000000000e+00, v6;
	_ =	sdelay $0x1  }
0x4a9: {  	v6 =	vmul.f32 $1.024000000e+03, v6;
	_ =	sdelay $0x1  }
0x4aa: {  	v6 =	vtrunc.f32 v6  }
0x4ab: {  	v6 =	vcvt.f32.s32 v6;
	_ =	sdelay $0x1  }
0x4ac: {  	vm11 =	vlt.s32 v6, $0x7FF  }
0x4ad: {  	v5 =	vshll.u32 v5, $0xB;
	v6 =	vnsel vm11, $0x7FF, v6  }
0x4ae: {  	v5 =	vadd.s32 v6, v5  }
0x4af: {  	v5 =	vadd.s32 v2, v5;
	_ =	sdelay $0x4  }
0x4b0: {  	[tilespmem:v5+s0+$0x0] =	vst.idx.add.s32.msk $0xffff, v3  }
0x4b1: {  	v5 =	vld [tilespmem:s29+$0x0];
	_ =	sdelay $0x1  }
0x4b2: {  	v6 =	vld [tilespmem:s28+$0x0];
	_ =	sdelay $0x2  }
0x4b3: {  	v7 =	vcvt.s32.f32 v5;
	_ =	sdelay $0x1  }
0x4b4: {  	v6 =	vadd.f32 v6, v6;
	v7 =	vadd.f32 v7, v7;
	_ =	sdelay $0x1  }
0x4b5: {  	v6 =	vadd.f32 $-1.000000000e+00, v6;
	v7 =	vadd.f32 $-1.000000000e+00, v7;
	_ =	sdelay $0x1  }
0x4b6: {  	v6 =	vmul.f32 v7, v6;
	_ =	sdelay $0x1  }
0x4b7: {  	v6 =	vsub.f32 $1.000000000e+00, v6;
	_ =	sdelay $0x1  }
0x4b8: {  	v6 =	vmul.f32 $1.024000000e+03, v6;
	_ =	sdelay $0x1  }
0x4b9: {  	v6 =	vtrunc.f32 v6  }
0x4ba: {  	v6 =	vcvt.f32.s32 v6;
	_ =	sdelay $0x1  }
0x4bb: {  	vm12 =	vlt.s32 v6, $0x7FF  }
0x4bc: {  	v5 =	vshll.u32 v5, $0xB;
	v6 =	vnsel vm12, $0x7FF, v6  }
0x4bd: {  	v5 =	vadd.s32 v6, v5  }
0x4be: {  	v5 =	vadd.s32 v2, v5;
	_ =	sdelay $0x4  }
0x4bf: {  	[tilespmem:v5+s0+$0x0] =	vst.idx.add.s32.msk $0xffff, v3  }
0x4c0: {  	v5 =	vld [tilespmem:s29+$0x10];
	_ =	sdelay $0x1  }
0x4c1: {  	v6 =	vld [tilespmem:s28+$0x10];
	_ =	sdelay $0x2  }
0x4c2: {  	v7 =	vcvt.s32.f32 v5;
	_ =	sdelay $0x1  }
0x4c3: {  	v6 =	vadd.f32 v6, v6;
	v7 =	vadd.f32 v7, v7;
	_ =	sdelay $0x1  }
0x4c4: {  	v6 =	vadd.f32 $-1.000000000e+00, v6;
	v7 =	vadd.f32 $-1.000000000e+00, v7;
	_ =	sdelay $0x1  }
0x4c5: {  	v6 =	vmul.f32 v7, v6;
	_ =	sdelay $0x1  }
0x4c6: {  	v6 =	vsub.f32 $1.000000000e+00, v6;
	_ =	sdelay $0x1  }
0x4c7: {  	v6 =	vmul.f32 $1.024000000e+03, v6;
	_ =	sdelay $0x1  }
0x4c8: {  	v6 =	vtrunc.f32 v6  }
0x4c9: {  	v6 =	vcvt.f32.s32 v6;
	_ =	sdelay $0x1  }
0x4ca: {  	vm13 =	vlt.s32 v6, $0x7FF  }
0x4cb: {  	v5 =	vshll.u32 v5, $0xB;
	v6 =	vnsel vm13, $0x7FF, v6  }
0x4cc: {  	v5 =	vadd.s32 v6, v5  }
0x4cd: {  	v5 =	vadd.s32 v2, v5;
	_ =	sdelay $0x4  }
0x4ce: {  	[tilespmem:v5+s0+$0x0] =	vst.idx.add.s32.msk $0xffff, v3  }
0x4cf: {  	v5 =	vld [tilespmem:s29+$0x20];
	_ =	sdelay $0x1  }
0x4d0: {  	v6 =	vld [tilespmem:s28+$0x20];
	_ =	sdelay $0x2  }
0x4d1: {  	v7 =	vcvt.s32.f32 v5;
	_ =	sdelay $0x1  }
0x4d2: {  	v6 =	vadd.f32 v6, v6;
	v7 =	vadd.f32 v7, v7;
	_ =	sdelay $0x1  }
0x4d3: {  	v6 =	vadd.f32 $-1.000000000e+00, v6;
	v7 =	vadd.f32 $-1.000000000e+00, v7;
	_ =	sdelay $0x1  }
0x4d4: {  	v6 =	vmul.f32 v7, v6;
	_ =	sdelay $0x1  }
0x4d5: {  	v6 =	vsub.f32 $1.000000000e+00, v6;
	_ =	sdelay $0x1  }
0x4d6: {  	v6 =	vmul.f32 $1.024000000e+03, v6;
	_ =	sdelay $0x1  }
0x4d7: {  	v6 =	vtrunc.f32 v6  }
0x4d8: {  	v6 =	vcvt.f32.s32 v6;
	_ =	sdelay $0x1  }
0x4d9: {  	vm14 =	vlt.s32 v6, $0x7FF  }
0x4da: {  	v5 =	vshll.u32 v5, $0xB;
	v6 =	vnsel vm14, $0x7FF, v6  }
0x4db: {  	v5 =	vadd.s32 v6, v5  }
0x4dc: {  	v5 =	vadd.s32 v2, v5;
	_ =	sdelay $0x4  }
0x4dd: {  	[tilespmem:v5+s0+$0x0] =	vst.idx.add.s32.msk $0xffff, v3  }
0x4de: {  	v5 =	vld [tilespmem:s29+$0x30];
	_ =	sdelay $0x1  }
0x4df: {  	v6 =	vld [tilespmem:s28+$0x30];
	_ =	sdelay $0x2  }
0x4e0: {  	v7 =	vcvt.s32.f32 v5;
	_ =	sdelay $0x1  }
0x4e1: {  	v6 =	vadd.f32 v6, v6;
	v7 =	vadd.f32 v7, v7;
	_ =	sdelay $0x1  }
0x4e2: {  	v6 =	vadd.f32 $-1.000000000e+00, v6;
	v7 =	vadd.f32 $-1.000000000e+00, v7;
	_ =	sdelay $0x1  }
0x4e3: {  	v6 =	vmul.f32 v7, v6;
	_ =	sdelay $0x1  }
0x4e4: {  	v6 =	vsub.f32 $1.000000000e+00, v6;
	_ =	sdelay $0x1  }
0x4e5: {  	v6 =	vmul.f32 $1.024000000e+03, v6;
	_ =	sdelay $0x1  }
0x4e6: {  	v6 =	vtrunc.f32 v6  }
0x4e7: {  	v6 =	vcvt.f32.s32 v6;
	_ =	sdelay $0x1  }
0x4e8: {  	vm15 =	vlt.s32 v6, $0x7FF  }
0x4e9: {  	v5 =	vshll.u32 v5, $0xB;
	v6 =	vnsel vm15, $0x7FF, v6  }
0x4ea: {  	s21 =	sadd.s32 $0x8, s21;
	v5 =	vadd.s32 v6, v5  }
0x4eb: {  	p1 =	slt.u32 s21, $0x1F8;
	v5 =	vadd.s32 v2, v5  }
.Ltmp25:
0x4ec: {  	_ = 	snop;
	(pc) =	sbr.rel @p1 .LBB2_48-.Ltmp25, $2  }
0x4ed: {  	_ =	sdelay $0x2  }
0x4ee: {  	s28 =	sadd.s32 $0x100, s28;
	s29 =	sadd.s32 $0x100, s29;
	[tilespmem:v5+s0+$0x0] =	vst.idx.add.s32.msk $0xffff, v3  }
0x4ef: {  	_ =	swait.ge [sflag:s1], $0x2000  }
0x4f0: {  	[sflag:s1] =	ssyncset.done $0x0  }
0x4f1: {  	[sflag:s1] =	ssyncadd.s32 $0xFFFFE000  }
0x4f2: {  	_ =	swait.ge [sflag:s20], $0x2000  }
0x4f3: {  	s21 =	simm.s32 $0xFFFFFFF8;
	[sflag:s20] =	ssyncset.done $0x0  }
0x4f4: {  	s28 =	simm.s32 $0x40F0;
	s29 =	simm.s32 $0xF0;
	[sflag:s20] =	ssyncadd.s32 $0xFFFFE000  }
.LBB2_50:
0x4f5: {  	v5 =	vld [tilespmem:s28+$0xFFFFFF90];
	_ =	sdelay $0x1  }
0x4f6: {  	v6 =	vld [tilespmem:s29+$0xFFFFFF90];
	_ =	sdelay $0x2  }
0x4f7: {  	v7 =	vcvt.s32.f32 v5;
	_ =	sdelay $0x1  }
0x4f8: {  	v6 =	vadd.f32 v6, v6;
	v7 =	vadd.f32 v7, v7;
	_ =	sdelay $0x1  }
0x4f9: {  	v6 =	vadd.f32 $-1.000000000e+00, v6;
	v7 =	vadd.f32 $-1.000000000e+00, v7;
	_ =	sdelay $0x1  }
0x4fa: {  	v6 =	vmul.f32 v7, v6;
	_ =	sdelay $0x1  }
0x4fb: {  	v6 =	vsub.f32 $1.000000000e+00, v6;
	_ =	sdelay $0x1  }
0x4fc: {  	v6 =	vmul.f32 $1.024000000e+03, v6;
	_ =	sdelay $0x1  }
0x4fd: {  	v6 =	vtrunc.f32 v6  }
0x4fe: {  	v6 =	vcvt.f32.s32 v6;
	_ =	sdelay $0x1  }
0x4ff: {  	vm0 =	vlt.s32 v6, $0x7FF  }
0x500: {  	v5 =	vshll.u32 v5, $0xB;
	v6 =	vnsel vm0, $0x7FF, v6  }
0x501: {  	v5 =	vadd.s32 v6, v5  }
0x502: {  	v5 =	vadd.s32 v2, v5;
	_ =	sdelay $0x4  }
0x503: {  	[tilespmem:v5+s0+$0x0] =	vst.idx.add.s32.msk $0xffff, v3  }
0x504: {  	v5 =	vld [tilespmem:s28+$0xFFFFFFA0];
	_ =	sdelay $0x1  }
0x505: {  	v6 =	vld [tilespmem:s29+$0xFFFFFFA0];
	_ =	sdelay $0x2  }
0x506: {  	v7 =	vcvt.s32.f32 v5;
	_ =	sdelay $0x1  }
0x507: {  	v6 =	vadd.f32 v6, v6;
	v7 =	vadd.f32 v7, v7;
	_ =	sdelay $0x1  }
0x508: {  	v6 =	vadd.f32 $-1.000000000e+00, v6;
	v7 =	vadd.f32 $-1.000000000e+00, v7;
	_ =	sdelay $0x1  }
0x509: {  	v6 =	vmul.f32 v7, v6;
	_ =	sdelay $0x1  }
0x50a: {  	v6 =	vsub.f32 $1.000000000e+00, v6;
	_ =	sdelay $0x1  }
0x50b: {  	v6 =	vmul.f32 $1.024000000e+03, v6;
	_ =	sdelay $0x1  }
0x50c: {  	v6 =	vtrunc.f32 v6  }
0x50d: {  	v6 =	vcvt.f32.s32 v6;
	_ =	sdelay $0x1  }
0x50e: {  	vm9 =	vlt.s32 v6, $0x7FF  }
0x50f: {  	v5 =	vshll.u32 v5, $0xB;
	v6 =	vnsel vm9, $0x7FF, v6  }
0x510: {  	v5 =	vadd.s32 v6, v5  }
0x511: {  	v5 =	vadd.s32 v2, v5;
	_ =	sdelay $0x4  }
0x512: {  	[tilespmem:v5+s0+$0x0] =	vst.idx.add.s32.msk $0xffff, v3  }
0x513: {  	v5 =	vld [tilespmem:s28+$0xFFFFFFB0];
	_ =	sdelay $0x1  }
0x514: {  	v6 =	vld [tilespmem:s29+$0xFFFFFFB0];
	_ =	sdelay $0x2  }
0x515: {  	v7 =	vcvt.s32.f32 v5;
	_ =	sdelay $0x1  }
0x516: {  	v6 =	vadd.f32 v6, v6;
	v7 =	vadd.f32 v7, v7;
	_ =	sdelay $0x1  }
0x517: {  	v6 =	vadd.f32 $-1.000000000e+00, v6;
	v7 =	vadd.f32 $-1.000000000e+00, v7;
	_ =	sdelay $0x1  }
0x518: {  	v6 =	vmul.f32 v7, v6;
	_ =	sdelay $0x1  }
0x519: {  	v6 =	vsub.f32 $1.000000000e+00, v6;
	_ =	sdelay $0x1  }
0x51a: {  	v6 =	vmul.f32 $1.024000000e+03, v6;
	_ =	sdelay $0x1  }
0x51b: {  	v6 =	vtrunc.f32 v6  }
0x51c: {  	v6 =	vcvt.f32.s32 v6;
	_ =	sdelay $0x1  }
0x51d: {  	vm10 =	vlt.s32 v6, $0x7FF  }
0x51e: {  	v5 =	vshll.u32 v5, $0xB;
	v6 =	vnsel vm10, $0x7FF, v6  }
0x51f: {  	v5 =	vadd.s32 v6, v5  }
0x520: {  	v5 =	vadd.s32 v2, v5;
	_ =	sdelay $0x4  }
0x521: {  	[tilespmem:v5+s0+$0x0] =	vst.idx.add.s32.msk $0xffff, v3  }
0x522: {  	v5 =	vld [tilespmem:s28+$0xFFFFFFC0];
	_ =	sdelay $0x1  }
0x523: {  	v6 =	vld [tilespmem:s29+$0xFFFFFFC0];
	_ =	sdelay $0x2  }
0x524: {  	v7 =	vcvt.s32.f32 v5;
	_ =	sdelay $0x1  }
0x525: {  	v6 =	vadd.f32 v6, v6;
	v7 =	vadd.f32 v7, v7;
	_ =	sdelay $0x1  }
0x526: {  	v6 =	vadd.f32 $-1.000000000e+00, v6;
	v7 =	vadd.f32 $-1.000000000e+00, v7;
	_ =	sdelay $0x1  }
0x527: {  	v6 =	vmul.f32 v7, v6;
	_ =	sdelay $0x1  }
0x528: {  	v6 =	vsub.f32 $1.000000000e+00, v6;
	_ =	sdelay $0x1  }
0x529: {  	v6 =	vmul.f32 $1.024000000e+03, v6;
	_ =	sdelay $0x1  }
0x52a: {  	v6 =	vtrunc.f32 v6  }
0x52b: {  	v6 =	vcvt.f32.s32 v6;
	_ =	sdelay $0x1  }
0x52c: {  	vm11 =	vlt.s32 v6, $0x7FF  }
0x52d: {  	v5 =	vshll.u32 v5, $0xB;
	v6 =	vnsel vm11, $0x7FF, v6  }
0x52e: {  	v5 =	vadd.s32 v6, v5  }
0x52f: {  	v5 =	vadd.s32 v2, v5;
	_ =	sdelay $0x4  }
0x530: {  	[tilespmem:v5+s0+$0x0] =	vst.idx.add.s32.msk $0xffff, v3  }
0x531: {  	v5 =	vld [tilespmem:s28+$0xFFFFFFD0];
	_ =	sdelay $0x1  }
0x532: {  	v6 =	vld [tilespmem:s29+$0xFFFFFFD0];
	_ =	sdelay $0x2  }
0x533: {  	v7 =	vcvt.s32.f32 v5;
	_ =	sdelay $0x1  }
0x534: {  	v6 =	vadd.f32 v6, v6;
	v7 =	vadd.f32 v7, v7;
	_ =	sdelay $0x1  }
0x535: {  	v6 =	vadd.f32 $-1.000000000e+00, v6;
	v7 =	vadd.f32 $-1.000000000e+00, v7;
	_ =	sdelay $0x1  }
0x536: {  	v6 =	vmul.f32 v7, v6;
	_ =	sdelay $0x1  }
0x537: {  	v6 =	vsub.f32 $1.000000000e+00, v6;
	_ =	sdelay $0x1  }
0x538: {  	v6 =	vmul.f32 $1.024000000e+03, v6;
	_ =	sdelay $0x1  }
0x539: {  	v6 =	vtrunc.f32 v6  }
0x53a: {  	v6 =	vcvt.f32.s32 v6;
	_ =	sdelay $0x1  }
0x53b: {  	vm12 =	vlt.s32 v6, $0x7FF  }
0x53c: {  	v5 =	vshll.u32 v5, $0xB;
	v6 =	vnsel vm12, $0x7FF, v6  }
0x53d: {  	v5 =	vadd.s32 v6, v5  }
0x53e: {  	v5 =	vadd.s32 v2, v5;
	_ =	sdelay $0x4  }
0x53f: {  	[tilespmem:v5+s0+$0x0] =	vst.idx.add.s32.msk $0xffff, v3  }
0x540: {  	v5 =	vld [tilespmem:s28+$0xFFFFFFE0];
	_ =	sdelay $0x1  }
0x541: {  	v6 =	vld [tilespmem:s29+$0xFFFFFFE0];
	_ =	sdelay $0x2  }
0x542: {  	v7 =	vcvt.s32.f32 v5;
	_ =	sdelay $0x1  }
0x543: {  	v6 =	vadd.f32 v6, v6;
	v7 =	vadd.f32 v7, v7;
	_ =	sdelay $0x1  }
0x544: {  	v6 =	vadd.f32 $-1.000000000e+00, v6;
	v7 =	vadd.f32 $-1.000000000e+00, v7;
	_ =	sdelay $0x1  }
0x545: {  	v6 =	vmul.f32 v7, v6;
	_ =	sdelay $0x1  }
0x546: {  	v6 =	vsub.f32 $1.000000000e+00, v6;
	_ =	sdelay $0x1  }
0x547: {  	v6 =	vmul.f32 $1.024000000e+03, v6;
	_ =	sdelay $0x1  }
0x548: {  	v6 =	vtrunc.f32 v6  }
0x549: {  	v6 =	vcvt.f32.s32 v6;
	_ =	sdelay $0x1  }
0x54a: {  	vm13 =	vlt.s32 v6, $0x7FF  }
0x54b: {  	v5 =	vshll.u32 v5, $0xB;
	v6 =	vnsel vm13, $0x7FF, v6  }
0x54c: {  	v5 =	vadd.s32 v6, v5  }
0x54d: {  	v5 =	vadd.s32 v2, v5;
	_ =	sdelay $0x4  }
0x54e: {  	[tilespmem:v5+s0+$0x0] =	vst.idx.add.s32.msk $0xffff, v3  }
0x54f: {  	v5 =	vld [tilespmem:s28+$0xFFFFFFF0];
	_ =	sdelay $0x1  }
0x550: {  	v6 =	vld [tilespmem:s29+$0xFFFFFFF0];
	_ =	sdelay $0x2  }
0x551: {  	v7 =	vcvt.s32.f32 v5;
	_ =	sdelay $0x1  }
0x552: {  	v6 =	vadd.f32 v6, v6;
	v7 =	vadd.f32 v7, v7;
	_ =	sdelay $0x1  }
0x553: {  	v6 =	vadd.f32 $-1.000000000e+00, v6;
	v7 =	vadd.f32 $-1.000000000e+00, v7;
	_ =	sdelay $0x1  }
0x554: {  	v6 =	vmul.f32 v7, v6;
	_ =	sdelay $0x1  }
0x555: {  	v6 =	vsub.f32 $1.000000000e+00, v6;
	_ =	sdelay $0x1  }
0x556: {  	v6 =	vmul.f32 $1.024000000e+03, v6;
	_ =	sdelay $0x1  }
0x557: {  	v6 =	vtrunc.f32 v6  }
0x558: {  	v6 =	vcvt.f32.s32 v6;
	_ =	sdelay $0x1  }
0x559: {  	vm14 =	vlt.s32 v6, $0x7FF  }
0x55a: {  	v5 =	vshll.u32 v5, $0xB;
	v6 =	vnsel vm14, $0x7FF, v6  }
0x55b: {  	v5 =	vadd.s32 v6, v5  }
0x55c: {  	v5 =	vadd.s32 v2, v5;
	_ =	sdelay $0x4  }
0x55d: {  	[tilespmem:v5+s0+$0x0] =	vst.idx.add.s32.msk $0xffff, v3  }
0x55e: {  	v5 =	vld [tilespmem:s28+$0x0];
	_ =	sdelay $0x1  }
0x55f: {  	v6 =	vld [tilespmem:s29+$0x0];
	_ =	sdelay $0x2  }
0x560: {  	v7 =	vcvt.s32.f32 v5;
	_ =	sdelay $0x1  }
0x561: {  	v6 =	vadd.f32 v6, v6;
	v7 =	vadd.f32 v7, v7;
	_ =	sdelay $0x1  }
0x562: {  	v6 =	vadd.f32 $-1.000000000e+00, v6;
	v7 =	vadd.f32 $-1.000000000e+00, v7;
	_ =	sdelay $0x1  }
0x563: {  	v6 =	vmul.f32 v7, v6;
	_ =	sdelay $0x1  }
0x564: {  	v6 =	vsub.f32 $1.000000000e+00, v6;
	_ =	sdelay $0x1  }
0x565: {  	v6 =	vmul.f32 $1.024000000e+03, v6;
	_ =	sdelay $0x1  }
0x566: {  	v6 =	vtrunc.f32 v6  }
0x567: {  	v6 =	vcvt.f32.s32 v6;
	_ =	sdelay $0x1  }
0x568: {  	vm15 =	vlt.s32 v6, $0x7FF  }
0x569: {  	v5 =	vshll.u32 v5, $0xB;
	v6 =	vnsel vm15, $0x7FF, v6  }
0x56a: {  	s21 =	sadd.s32 $0x8, s21;
	v5 =	vadd.s32 v6, v5  }
0x56b: {  	p1 =	slt.u32 s21, $0x1F8;
	v5 =	vadd.s32 v2, v5  }
.Ltmp26:
0x56c: {  	_ = 	snop;
	(pc) =	sbr.rel @p1 .LBB2_50-.Ltmp26, $2  }
0x56d: {  	_ =	sdelay $0x2  }
0x56e: {  	s22 =	simm.s32 $0x0;
	s28 =	sadd.s32 $0x100, s28;
	s29 =	sadd.s32 $0x100, s29;
	[tilespmem:v5+s0+$0x0] =	vst.idx.add.s32.msk $0xffff, v3  }
0x56f: {  	s21 =	simm.s32 $0x0  }
0x570: {  	v5 =	vld [tilespmem:s21+$0x15010]  }
0x571: {  	v7 =	vld [tilespmem:s21+$0x11010]  }
0x572: {  	v20 =	vld [tilespmem:s21+$0x10010]  }
0x573: {  	v15 =	vld [tilespmem:s21+$0xE010]  }
0x574: {  	v12 =	vld [tilespmem:s21+$0x8000]  }
0x575: {  	v16 =	vld [tilespmem:s21+$0xC010]  }
0x576: {  	v14 =	vld [tilespmem:s21+$0xB010]  }
0x577: {  	v18 =	vld [tilespmem:s21+$0xD010]  }
0x578: {  	s28 =	sand.u32 $0xFE0, s22;
	v6 =	vld [tilespmem:s21+$0x17010]  }
0x579: {  	v19 =	vld [tilespmem:s28+$0xF000]  }
0x57a: {  	v21 =	vld [tilespmem:s28+$0xE000]  }
0x57b: {  	v13 =	vld [tilespmem:s28+$0xA000]  }
0x57c: {  	v22 =	vld [tilespmem:s28+$0xD000]  }
0x57d: {  	v17 =	vld [tilespmem:s28+$0xC000]  }
0x57e: {  	v23 =	vld [tilespmem:s28+$0xB000]  }
0x57f: {  	v24 =	vld [tilespmem:s21+$0xF010]  }
0x580: {  	v25 =	vld [tilespmem:s21+$0xA010]  }
0x581: {  	v9 =	vld [tilespmem:s21+$0x9010]  }
0x582: {  	v26 =	vld [tilespmem:s21+$0x8010]  }
0x583: {  	v27 =	vld [tilespmem:s28+$0x9000]  }
0x584: {  	v10 =	vld [tilespmem:s21+$0x12010]  }
0x585: {  	v8 =	vld [tilespmem:s28+$0x12000]  }
0x586: {  	v11 =	vld [tilespmem:s21+$0x13010]  }
0x587: {  	v26 =	vadd.s32 v26, v9;
	v9 =	vld [tilespmem:s21+$0x14010]  }
0x588: {  	v27 =	vadd.s32 v12, v27;
	v12 =	vld [tilespmem:s28+$0x13000];
	v25 =	vadd.s32 v25, v26  }
0x589: {  	v63 =	vadd.s32 v13, v27;
	v13 =	vld [tilespmem:s28+$0x14000];
	v25 =	vadd.s32 v14, v25  }
0x58a: {  	v23 =	vadd.s32 v23, v63;
	v14 =	vld [tilespmem:s28+$0x15000];
	v16 =	vadd.s32 v16, v25  }
0x58b: {  	v23 =	vadd.s32 v17, v23;
	v17 =	vld [tilespmem:s28+$0x10000];
	v16 =	vadd.s32 v18, v16  }
0x58c: {  	v22 =	vadd.s32 v22, v23;
	v18 =	vld [tilespmem:s28+$0x11000];
	v15 =	vadd.s32 v15, v16  }
0x58d: {  	v21 =	vadd.s32 v21, v22;
	v16 =	vld [tilespmem:s21+$0x16010];
	v22 =	vadd.s32 v24, v15  }
0x58e: {  	s22 =	simm.s32 $0x0;
	s23 =	simm.s32 $0x80;
	s29 =	simm.s32 $0x20;
	v19 =	vadd.s32 v19, v21;
	v15 =	vld [tilespmem:s28+$0x17000];
	v20 =	vadd.s32 v20, v22  }
.LBB2_52:
0x58f: {  	s24 =	sshra.s32 s23, $0x2;
	s22 =	sadd.s32 $0x2, s22;
	v21 =	vld [tilespmem:s28+$0x16000];
	s28 =	sand.u32 $0xFE0, s29  }
0x590: {  	v22 =	vld [tilespmem:s24+$0x15010];
	p1 =	slt.u32 s22, $0xFE;
	v17 =	vadd.s32 v17, v19;
	v19 =	vadd.s32 v7, v20  }
0x591: {  	v7 =	vld [tilespmem:s24+$0x11010];
	v17 =	vadd.s32 v18, v17;
	v10 =	vadd.s32 v10, v19  }
0x592: {  	v20 =	vld [tilespmem:s24+$0x10010];
	v8 =	vadd.s32 v8, v17;
	v10 =	vadd.s32 v11, v10  }
0x593: {  	v19 =	vld [tilespmem:s24+$0xE010];
	v8 =	vadd.s32 v12, v8;
	v9 =	vadd.s32 v9, v10  }
0x594: {  	v12 =	vld [tilespmem:s24+$0x8000];
	v8 =	vadd.s32 v13, v8;
	v10 =	vadd.s32 v5, v9  }
0x595: {  	v17 =	vld [tilespmem:s24+$0xC010];
	v8 =	vadd.s32 v14, v8;
	v9 =	vadd.s32 v16, v10;
	v5 =	vmov v22  }
0x596: {  	v14 =	vld [tilespmem:s24+$0xB010];
	v8 =	vadd.s32 v21, v8;
	v6 =	vadd.s32 v6, v9  }
0x597: {  	v16 =	vld [tilespmem:s24+$0xD010];
	v8 =	vadd.s32 v15, v8;
	[tilespmem:s21+$0x18010] =	vst v6  }
0x598: {  	v6 =	vld [tilespmem:s24+$0x17010];
	[tilespmem:s21+$0x18000] =	vst v8;
	s21 =	smov.u32 s24  }
0x599: {  	v15 =	vld [tilespmem:s28+$0xF000]  }
0x59a: {  	v21 =	vld [tilespmem:s28+$0xE000]  }
0x59b: {  	v13 =	vld [tilespmem:s28+$0xA000]  }
0x59c: {  	v18 =	vld [tilespmem:s28+$0xD000]  }
0x59d: {  	v22 =	vld [tilespmem:s28+$0xC000]  }
0x59e: {  	v23 =	vld [tilespmem:s28+$0xB000]  }
0x59f: {  	v24 =	vld [tilespmem:s21+$0xF010]  }
0x5a0: {  	v25 =	vld [tilespmem:s21+$0xA010]  }
0x5a1: {  	v9 =	vld [tilespmem:s21+$0x9010]  }
0x5a2: {  	v26 =	vld [tilespmem:s21+$0x8010]  }
0x5a3: {  	v27 =	vld [tilespmem:s28+$0x9000]  }
0x5a4: {  	v10 =	vld [tilespmem:s21+$0x12010]  }
0x5a5: {  	v8 =	vld [tilespmem:s28+$0x12000]  }
0x5a6: {  	v11 =	vld [tilespmem:s21+$0x13010]  }
0x5a7: {  	v26 =	vadd.s32 v26, v9;
	v9 =	vld [tilespmem:s21+$0x14010]  }
0x5a8: {  	v27 =	vadd.s32 v12, v27;
	v12 =	vld [tilespmem:s28+$0x13000];
	v25 =	vadd.s32 v25, v26  }
0x5a9: {  	v26 =	vadd.s32 v13, v27;
	v13 =	vld [tilespmem:s28+$0x14000];
	v25 =	vadd.s32 v14, v25  }
.Ltmp27:
0x5aa: {  	v23 =	vadd.s32 v23, v26;
	v14 =	vld [tilespmem:s28+$0x15000];
	v25 =	vadd.s32 v17, v25;
	(pc) =	sbr.rel @p1 .LBB2_52-.Ltmp27, $4  }
0x5ab: {  	v22 =	vadd.s32 v22, v23;
	v17 =	vld [tilespmem:s28+$0x10000];
	v16 =	vadd.s32 v16, v25  }
0x5ac: {  	v22 =	vadd.s32 v18, v22;
	v18 =	vld [tilespmem:s28+$0x11000];
	v16 =	vadd.s32 v19, v16  }
0x5ad: {  	v19 =	vadd.s32 v21, v22;
	v21 =	vadd.s32 v24, v16;
	v16 =	vld [tilespmem:s21+$0x16010]  }
0x5ae: {  	s23 =	sadd.s32 $0x80, s23;
	s29 =	sadd.s32 $0x20, s29;
	v19 =	vadd.s32 v15, v19;
	v15 =	vld [tilespmem:s28+$0x17000];
	v20 =	vadd.s32 v20, v21  }
0x5af: {  	_ = 	snop  }
0x5b0: {  	v7 =	vadd.s32 v7, v20;
	v17 =	vadd.s32 v17, v19  }
0x5b1: {  	v63 =	vld [tilespmem:s28+$0x16000];
	v7 =	vadd.s32 v10, v7;
	v17 =	vadd.s32 v18, v17  }
0x5b2: {  	v7 =	vadd.s32 v11, v7;
	v8 =	vadd.s32 v8, v17  }
0x5b3: {  	v7 =	vadd.s32 v9, v7;
	v8 =	vadd.s32 v12, v8  }
0x5b4: {  	v5 =	vadd.s32 v5, v7;
	v8 =	vadd.s32 v13, v8  }
0x5b5: {  	v5 =	vadd.s32 v16, v5;
	v7 =	vadd.s32 v14, v8  }
0x5b6: {  	v5 =	vadd.s32 v6, v5;
	v7 =	vadd.s32 v63, v7  }
0x5b7: {  	s28 =	simm.s32 $0x80;
	[tilespmem:s21+$0x18010] =	vst v5;
	v6 =	vadd.s32 v15, v7  }
0x5b8: {  	s22 =	simm.s32 $0x400;
	s23 =	simm.s32 $0x18000;
	s29 =	simm.s32 $0x5;
	[tilespmem:s21+$0x18000] =	vst v6  }
0x5b9: {  	[spmem:s19] =	stream.strided.scatter [tilespmem:s23], [sflag:$0x5], $0x1000, s22, s28, $0x38;
	[tilespmem:$0x1E080] =	vst v63  }
.Ltmp28:
0x5ba: {  	_ =	swait.ge [sflag:s29], $0x1000;
	(pc) =	sbr.rel @p0 .LBB2_59-.Ltmp28, $3  }
0x5bb: {  	[sflag:s29] =	ssyncset.done $0x0  }
0x5bc: {  	[sflag:s29] =	ssyncadd.s32 $0xFFFFF000  }
0x5bd: {  	[bflag:$0x0] =	sbarrier.arrive $0xFFFF;
	_ =	sdelay $0x1  }
0x5be: {  	s21 =	simm.s32 $0x19000;
	s24 =	sld [smem:$0x7DF]  }
0x5bf: {  	[tilespmem:s21], [sflag:$0x5] =	stream.linear.gather [spmem:s19], $0x80, $0x38;
	[tilespmem:$0x1E080] =	vst v63  }
0x5c0: {  	s25 =	simm.s32 $0x19200;
	s28 =	sld [smem:$0x7E0]  }
0x5c1: {  	[tilespmem:s25], [sflag:$0x5] =	stream.linear.gather [spmem:s24], $0x80, $0x38;
	[tilespmem:$0x1E080] =	vst v63  }
0x5c2: {  	s29 =	simm.s32 $0x19400;
	s30 =	sld [smem:$0x7E1]  }
0x5c3: {  	[tilespmem:s29], [sflag:$0x5] =	stream.linear.gather [spmem:s28], $0x80, $0x38;
	[tilespmem:$0x1E080] =	vst v63  }
0x5c4: {  	s31 =	simm.s32 $0x19600;
	s22 =	sld [smem:$0x7E2]  }
0x5c5: {  	[tilespmem:s31], [sflag:$0x5] =	stream.linear.gather [spmem:s30], $0x80, $0x38;
	[tilespmem:$0x1E080] =	vst v63  }
0x5c6: {  	s23 =	simm.s32 $0x19800;
	s24 =	sld [smem:$0x7E3]  }
0x5c7: {  	[tilespmem:s23], [sflag:$0x5] =	stream.linear.gather [spmem:s22], $0x80, $0x38;
	[tilespmem:$0x1E080] =	vst v63  }
0x5c8: {  	s25 =	simm.s32 $0x19A00;
	s28 =	sld [smem:$0x7E4]  }
0x5c9: {  	[tilespmem:s25], [sflag:$0x5] =	stream.linear.gather [spmem:s24], $0x80, $0x38;
	[tilespmem:$0x1E080] =	vst v63  }
0x5ca: {  	s29 =	simm.s32 $0x19C00;
	s30 =	sld [smem:$0x7E5]  }
0x5cb: {  	[tilespmem:s29], [sflag:$0x5] =	stream.linear.gather [spmem:s28], $0x80, $0x38;
	[tilespmem:$0x1E080] =	vst v63  }
0x5cc: {  	s31 =	simm.s32 $0x19E00;
	s22 =	sld [smem:$0x7E6]  }
0x5cd: {  	[tilespmem:s31], [sflag:$0x5] =	stream.linear.gather [spmem:s30], $0x80, $0x38;
	[tilespmem:$0x1E080] =	vst v63  }
0x5ce: {  	s23 =	simm.s32 $0x1A000;
	s24 =	sld [smem:$0x7E7]  }
0x5cf: {  	[tilespmem:s23], [sflag:$0x5] =	stream.linear.gather [spmem:s22], $0x80, $0x38;
	[tilespmem:$0x1E080] =	vst v63  }
0x5d0: {  	s25 =	simm.s32 $0x1A200;
	s28 =	sld [smem:$0x7E8]  }
0x5d1: {  	[tilespmem:s25], [sflag:$0x5] =	stream.linear.gather [spmem:s24], $0x80, $0x38;
	[tilespmem:$0x1E080] =	vst v63  }
0x5d2: {  	s29 =	simm.s32 $0x1A400;
	s30 =	sld [smem:$0x7E9]  }
0x5d3: {  	[tilespmem:s29], [sflag:$0x5] =	stream.linear.gather [spmem:s28], $0x80, $0x38;
	[tilespmem:$0x1E080] =	vst v63  }
0x5d4: {  	s31 =	simm.s32 $0x1A600;
	s22 =	sld [smem:$0x7EA]  }
0x5d5: {  	[tilespmem:s31], [sflag:$0x5] =	stream.linear.gather [spmem:s30], $0x80, $0x38;
	[tilespmem:$0x1E080] =	vst v63  }
0x5d6: {  	s23 =	simm.s32 $0x1A800;
	s24 =	sld [smem:$0x7EB]  }
0x5d7: {  	[tilespmem:s23], [sflag:$0x5] =	stream.linear.gather [spmem:s22], $0x80, $0x38;
	[tilespmem:$0x1E080] =	vst v63  }
0x5d8: {  	s25 =	simm.s32 $0x1AA00;
	s28 =	sld [smem:$0x7EC]  }
0x5d9: {  	[tilespmem:s25], [sflag:$0x5] =	stream.linear.gather [spmem:s24], $0x80, $0x38;
	[tilespmem:$0x1E080] =	vst v63  }
0x5da: {  	s29 =	simm.s32 $0x1AC00;
	s30 =	sld [smem:$0x7ED]  }
0x5db: {  	[tilespmem:s29], [sflag:$0x5] =	stream.linear.gather [spmem:s28], $0x80, $0x38;
	[tilespmem:$0x1E080] =	vst v63  }
0x5dc: {  	s31 =	simm.s32 $0x1AE00;
	s22 =	sld [smem:$0x7EE]  }
0x5dd: {  	[tilespmem:s31], [sflag:$0x5] =	stream.linear.gather [spmem:s30], $0x80, $0x38;
	[tilespmem:$0x1E080] =	vst v63  }
0x5de: {  	s23 =	simm.s32 $0x1B000;
	s24 =	sld [smem:$0x7EF]  }
0x5df: {  	[tilespmem:s23], [sflag:$0x5] =	stream.linear.gather [spmem:s22], $0x80, $0x38;
	[tilespmem:$0x1E080] =	vst v63  }
0x5e0: {  	s25 =	simm.s32 $0x1B200;
	s28 =	sld [smem:$0x7F0]  }
0x5e1: {  	[tilespmem:s25], [sflag:$0x5] =	stream.linear.gather [spmem:s24], $0x80, $0x38;
	[tilespmem:$0x1E080] =	vst v63  }
0x5e2: {  	s29 =	simm.s32 $0x1B400;
	s30 =	sld [smem:$0x7F1]  }
0x5e3: {  	[tilespmem:s29], [sflag:$0x5] =	stream.linear.gather [spmem:s28], $0x80, $0x38;
	[tilespmem:$0x1E080] =	vst v63  }
0x5e4: {  	s31 =	simm.s32 $0x1B600;
	s22 =	sld [smem:$0x7F2]  }
0x5e5: {  	[tilespmem:s31], [sflag:$0x5] =	stream.linear.gather [spmem:s30], $0x80, $0x38;
	[tilespmem:$0x1E080] =	vst v63  }
0x5e6: {  	s23 =	simm.s32 $0x1B800;
	s24 =	sld [smem:$0x7F3]  }
0x5e7: {  	[tilespmem:s23], [sflag:$0x5] =	stream.linear.gather [spmem:s22], $0x80, $0x38;
	[tilespmem:$0x1E080] =	vst v63  }
0x5e8: {  	s25 =	simm.s32 $0x1BA00;
	s28 =	sld [smem:$0x7F4]  }
0x5e9: {  	[tilespmem:s25], [sflag:$0x5] =	stream.linear.gather [spmem:s24], $0x80, $0x38;
	[tilespmem:$0x1E080] =	vst v63  }
0x5ea: {  	s29 =	simm.s32 $0x1BC00;
	s30 =	sld [smem:$0x7F5]  }
0x5eb: {  	[tilespmem:s29], [sflag:$0x5] =	stream.linear.gather [spmem:s28], $0x80, $0x38;
	[tilespmem:$0x1E080] =	vst v63  }
0x5ec: {  	s31 =	simm.s32 $0x1BE00;
	s22 =	sld [smem:$0x7F6]  }
0x5ed: {  	[tilespmem:s31], [sflag:$0x5] =	stream.linear.gather [spmem:s30], $0x80, $0x38;
	[tilespmem:$0x1E080] =	vst v63  }
0x5ee: {  	s23 =	simm.s32 $0x1C000;
	s24 =	sld [smem:$0x7F7]  }
0x5ef: {  	[tilespmem:s23], [sflag:$0x5] =	stream.linear.gather [spmem:s22], $0x80, $0x38;
	[tilespmem:$0x1E080] =	vst v63  }
0x5f0: {  	s25 =	simm.s32 $0x1C200;
	s28 =	sld [smem:$0x7F8]  }
0x5f1: {  	[tilespmem:s25], [sflag:$0x5] =	stream.linear.gather [spmem:s24], $0x80, $0x38;
	[tilespmem:$0x1E080] =	vst v63  }
0x5f2: {  	s29 =	simm.s32 $0x1C400;
	s30 =	sld [smem:$0x7F9]  }
0x5f3: {  	[tilespmem:s29], [sflag:$0x5] =	stream.linear.gather [spmem:s28], $0x80, $0x38;
	[tilespmem:$0x1E080] =	vst v63  }
0x5f4: {  	s31 =	simm.s32 $0x1C600;
	s22 =	sld [smem:$0x7FA]  }
0x5f5: {  	[tilespmem:s31], [sflag:$0x5] =	stream.linear.gather [spmem:s30], $0x80, $0x38;
	[tilespmem:$0x1E080] =	vst v63  }
0x5f6: {  	s23 =	simm.s32 $0x1C800;
	s24 =	sld [smem:$0x7FB]  }
0x5f7: {  	[tilespmem:s23], [sflag:$0x5] =	stream.linear.gather [spmem:s22], $0x80, $0x38;
	[tilespmem:$0x1E080] =	vst v63  }
0x5f8: {  	s25 =	simm.s32 $0x1CA00;
	s28 =	sld [smem:$0x7FC]  }
0x5f9: {  	[tilespmem:s25], [sflag:$0x5] =	stream.linear.gather [spmem:s24], $0x80, $0x38;
	[tilespmem:$0x1E080] =	vst v63  }
0x5fa: {  	s29 =	simm.s32 $0x1CC00;
	s30 =	sld [smem:$0x7FD]  }
0x5fb: {  	[tilespmem:s29], [sflag:$0x5] =	stream.linear.gather [spmem:s28], $0x80, $0x38;
	[tilespmem:$0x1E080] =	vst v63  }
0x5fc: {  	s31 =	simm.s32 $0x1CE00;
	s24 =	simm.s32 $0x5  }
0x5fd: {  	[tilespmem:s31], [sflag:$0x5] =	stream.linear.gather [spmem:s30], $0x80, $0x38;
	[tilespmem:$0x1E080] =	vst v63  }
0x5fe: {  	_ =	swait.ge [sflag:s24], $0x1000  }
0x5ff: {  	[sflag:s24] =	ssyncset.done $0x0;
	s21 =	rddreg [dreg:$0x4]  }
0x600: {  	s22 =	simm.s32 $0x19080;
	s23 =	rddreg [dreg:$0x9];
	[sflag:s24] =	ssyncadd.s32 $0xFFFFF000  }
0x601: {  	[tilespmem:s22], [sflag:$0x5] =	stream.linear.gather [spmem:s21], $0x80, $0x38;
	[tilespmem:$0x1E080] =	vst v63  }
0x602: {  	s25 =	simm.s32 $0x19280;
	s28 =	rddreg [dreg:$0xa]  }
0x603: {  	[tilespmem:s25], [sflag:$0x5] =	stream.linear.gather [spmem:s23], $0x80, $0x38;
	[tilespmem:$0x1E080] =	vst v63  }
0x604: {  	s29 =	simm.s32 $0x19480;
	s30 =	rddreg [dreg:$0xb]  }
0x605: {  	[tilespmem:s29], [sflag:$0x5] =	stream.linear.gather [spmem:s28], $0x80, $0x38;
	[tilespmem:$0x1E080] =	vst v63  }
0x606: {  	s31 =	simm.s32 $0x19680;
	s21 =	rddreg [dreg:$0xc]  }
0x607: {  	[tilespmem:s31], [sflag:$0x5] =	stream.linear.gather [spmem:s30], $0x80, $0x38;
	[tilespmem:$0x1E080] =	vst v63  }
0x608: {  	s22 =	simm.s32 $0x19880;
	s23 =	rddreg [dreg:$0xd]  }
0x609: {  	[tilespmem:s22], [sflag:$0x5] =	stream.linear.gather [spmem:s21], $0x80, $0x38;
	[tilespmem:$0x1E080] =	vst v63  }
0x60a: {  	s25 =	simm.s32 $0x19A80;
	s28 =	rddreg [dreg:$0xe]  }
0x60b: {  	[tilespmem:s25], [sflag:$0x5] =	stream.linear.gather [spmem:s23], $0x80, $0x38;
	[tilespmem:$0x1E080] =	vst v63  }
0x60c: {  	s29 =	simm.s32 $0x19C80;
	s30 =	rddreg [dreg:$0xf]  }
0x60d: {  	[tilespmem:s29], [sflag:$0x5] =	stream.linear.gather [spmem:s28], $0x80, $0x38;
	[tilespmem:$0x1E080] =	vst v63  }
0x60e: {  	s31 =	simm.s32 $0x19E80;
	s21 =	rddreg [dreg:$0x10]  }
0x60f: {  	[tilespmem:s31], [sflag:$0x5] =	stream.linear.gather [spmem:s30], $0x80, $0x38;
	[tilespmem:$0x1E080] =	vst v63  }
0x610: {  	s22 =	simm.s32 $0x1A080;
	s23 =	rddreg [dreg:$0x11]  }
0x611: {  	[tilespmem:s22], [sflag:$0x5] =	stream.linear.gather [spmem:s21], $0x80, $0x38;
	[tilespmem:$0x1E080] =	vst v63  }
0x612: {  	s25 =	simm.s32 $0x1A280;
	s28 =	rddreg [dreg:$0x12]  }
0x613: {  	[tilespmem:s25], [sflag:$0x5] =	stream.linear.gather [spmem:s23], $0x80, $0x38;
	[tilespmem:$0x1E080] =	vst v63  }
0x614: {  	s29 =	simm.s32 $0x1A480;
	s30 =	rddreg [dreg:$0x13]  }
0x615: {  	[tilespmem:s29], [sflag:$0x5] =	stream.linear.gather [spmem:s28], $0x80, $0x38;
	[tilespmem:$0x1E080] =	vst v63  }
0x616: {  	s31 =	simm.s32 $0x1A680;
	s21 =	rddreg [dreg:$0x14]  }
0x617: {  	[tilespmem:s31], [sflag:$0x5] =	stream.linear.gather [spmem:s30], $0x80, $0x38;
	[tilespmem:$0x1E080] =	vst v63  }
0x618: {  	s22 =	simm.s32 $0x1A880;
	s23 =	rddreg [dreg:$0x15]  }
0x619: {  	[tilespmem:s22], [sflag:$0x5] =	stream.linear.gather [spmem:s21], $0x80, $0x38;
	[tilespmem:$0x1E080] =	vst v63  }
0x61a: {  	s25 =	simm.s32 $0x1AA80;
	s28 =	rddreg [dreg:$0x16]  }
0x61b: {  	[tilespmem:s25], [sflag:$0x5] =	stream.linear.gather [spmem:s23], $0x80, $0x38;
	[tilespmem:$0x1E080] =	vst v63  }
0x61c: {  	s29 =	simm.s32 $0x1AC80;
	s30 =	rddreg [dreg:$0x17]  }
0x61d: {  	[tilespmem:s29], [sflag:$0x5] =	stream.linear.gather [spmem:s28], $0x80, $0x38;
	[tilespmem:$0x1E080] =	vst v63  }
0x61e: {  	s31 =	simm.s32 $0x1AE80;
	s21 =	rddreg [dreg:$0x18]  }
0x61f: {  	[tilespmem:s31], [sflag:$0x5] =	stream.linear.gather [spmem:s30], $0x80, $0x38;
	[tilespmem:$0x1E080] =	vst v63  }
0x620: {  	s22 =	simm.s32 $0x1B080;
	s23 =	rddreg [dreg:$0x19]  }
0x621: {  	[tilespmem:s22], [sflag:$0x5] =	stream.linear.gather [spmem:s21], $0x80, $0x38;
	[tilespmem:$0x1E080] =	vst v63  }
0x622: {  	s25 =	simm.s32 $0x1B280;
	s28 =	rddreg [dreg:$0x1a]  }
0x623: {  	[tilespmem:s25], [sflag:$0x5] =	stream.linear.gather [spmem:s23], $0x80, $0x38;
	[tilespmem:$0x1E080] =	vst v63  }
0x624: {  	s29 =	simm.s32 $0x1B480;
	s30 =	rddreg [dreg:$0x1b]  }
0x625: {  	[tilespmem:s29], [sflag:$0x5] =	stream.linear.gather [spmem:s28], $0x80, $0x38;
	[tilespmem:$0x1E080] =	vst v63  }
0x626: {  	s31 =	simm.s32 $0x1B680;
	s21 =	rddreg [dreg:$0x1c]  }
0x627: {  	[tilespmem:s31], [sflag:$0x5] =	stream.linear.gather [spmem:s30], $0x80, $0x38;
	[tilespmem:$0x1E080] =	vst v63  }
0x628: {  	s22 =	simm.s32 $0x1B880;
	s23 =	rddreg [dreg:$0x1d]  }
0x629: {  	[tilespmem:s22], [sflag:$0x5] =	stream.linear.gather [spmem:s21], $0x80, $0x38;
	[tilespmem:$0x1E080] =	vst v63  }
0x62a: {  	s25 =	simm.s32 $0x1BA80;
	s28 =	rddreg [dreg:$0x1e]  }
0x62b: {  	[tilespmem:s25], [sflag:$0x5] =	stream.linear.gather [spmem:s23], $0x80, $0x38;
	[tilespmem:$0x1E080] =	vst v63  }
0x62c: {  	s29 =	simm.s32 $0x1BC80;
	s30 =	rddreg [dreg:$0x1f]  }
0x62d: {  	[tilespmem:s29], [sflag:$0x5] =	stream.linear.gather [spmem:s28], $0x80, $0x38;
	[tilespmem:$0x1E080] =	vst v63  }
0x62e: {  	s31 =	simm.s32 $0x1BE80;
	s21 =	sld [smem:$0x799]  }
0x62f: {  	[tilespmem:s31], [sflag:$0x5] =	stream.linear.gather [spmem:s30], $0x80, $0x38;
	[tilespmem:$0x1E080] =	vst v63  }
0x630: {  	s22 =	simm.s32 $0x1C080;
	s23 =	sld [smem:$0x79A]  }
0x631: {  	[tilespmem:s22], [sflag:$0x5] =	stream.linear.gather [spmem:s21], $0x80, $0x38;
	[tilespmem:$0x1E080] =	vst v63  }
0x632: {  	s25 =	simm.s32 $0x1C280;
	s28 =	sld [smem:$0x79B]  }
0x633: {  	[tilespmem:s25], [sflag:$0x5] =	stream.linear.gather [spmem:s23], $0x80, $0x38;
	[tilespmem:$0x1E080] =	vst v63  }
0x634: {  	s29 =	simm.s32 $0x1C480;
	s30 =	sld [smem:$0x79C]  }
0x635: {  	[tilespmem:s29], [sflag:$0x5] =	stream.linear.gather [spmem:s28], $0x80, $0x38;
	[tilespmem:$0x1E080] =	vst v63  }
0x636: {  	s31 =	simm.s32 $0x1C680;
	s21 =	sld [smem:$0x79D]  }
0x637: {  	[tilespmem:s31], [sflag:$0x5] =	stream.linear.gather [spmem:s30], $0x80, $0x38;
	[tilespmem:$0x1E080] =	vst v63  }
0x638: {  	s22 =	simm.s32 $0x1C880;
	s23 =	sld [smem:$0x79E]  }
0x639: {  	[tilespmem:s22], [sflag:$0x5] =	stream.linear.gather [spmem:s21], $0x80, $0x38;
	[tilespmem:$0x1E080] =	vst v63  }
0x63a: {  	s25 =	simm.s32 $0x1CA80;
	s28 =	sld [smem:$0x79F]  }
0x63b: {  	[tilespmem:s25], [sflag:$0x5] =	stream.linear.gather [spmem:s23], $0x80, $0x38;
	[tilespmem:$0x1E080] =	vst v63  }
0x63c: {  	s29 =	simm.s32 $0x1CC80;
	s30 =	sld [smem:$0x7A0]  }
0x63d: {  	[tilespmem:s29], [sflag:$0x5] =	stream.linear.gather [spmem:s28], $0x80, $0x38;
	[tilespmem:$0x1E080] =	vst v63  }
0x63e: {  	s31 =	simm.s32 $0x1CE80  }
0x63f: {  	[tilespmem:s31], [sflag:$0x5] =	stream.linear.gather [spmem:s30], $0x80, $0x38;
	[tilespmem:$0x1E080] =	vst v63  }
0x640: {  	_ =	swait.ge [sflag:s24], $0x1000  }
0x641: {  	[sflag:s24] =	ssyncset.done $0x0;
	s21 =	rddreg [dreg:$0x5]  }
0x642: {  	s22 =	simm.s32 $0x19100;
	s23 =	sld [smem:$0x7A1];
	[sflag:s24] =	ssyncadd.s32 $0xFFFFF000  }
0x643: {  	[tilespmem:s22], [sflag:$0x5] =	stream.linear.gather [spmem:s21], $0x80, $0x38;
	[tilespmem:$0x1E080] =	vst v63  }
0x644: {  	s25 =	simm.s32 $0x19300;
	s28 =	sld [smem:$0x7A2]  }
0x645: {  	[tilespmem:s25], [sflag:$0x5] =	stream.linear.gather [spmem:s23], $0x80, $0x38;
	[tilespmem:$0x1E080] =	vst v63  }
0x646: {  	s29 =	simm.s32 $0x19500;
	s30 =	sld [smem:$0x7A3]  }
0x647: {  	[tilespmem:s29], [sflag:$0x5] =	stream.linear.gather [spmem:s28], $0x80, $0x38;
	[tilespmem:$0x1E080] =	vst v63  }
0x648: {  	s31 =	simm.s32 $0x19700;
	s21 =	sld [smem:$0x7A4]  }
0x649: {  	[tilespmem:s31], [sflag:$0x5] =	stream.linear.gather [spmem:s30], $0x80, $0x38;
	[tilespmem:$0x1E080] =	vst v63  }
0x64a: {  	s22 =	simm.s32 $0x19900;
	s23 =	sld [smem:$0x7A5]  }
0x64b: {  	[tilespmem:s22], [sflag:$0x5] =	stream.linear.gather [spmem:s21], $0x80, $0x38;
	[tilespmem:$0x1E080] =	vst v63  }
0x64c: {  	s25 =	simm.s32 $0x19B00;
	s28 =	sld [smem:$0x7A6]  }
0x64d: {  	[tilespmem:s25], [sflag:$0x5] =	stream.linear.gather [spmem:s23], $0x80, $0x38;
	[tilespmem:$0x1E080] =	vst v63  }
0x64e: {  	s29 =	simm.s32 $0x19D00;
	s30 =	sld [smem:$0x7A7]  }
0x64f: {  	[tilespmem:s29], [sflag:$0x5] =	stream.linear.gather [spmem:s28], $0x80, $0x38;
	[tilespmem:$0x1E080] =	vst v63  }
0x650: {  	s31 =	simm.s32 $0x19F00;
	s21 =	sld [smem:$0x7A8]  }
0x651: {  	[tilespmem:s31], [sflag:$0x5] =	stream.linear.gather [spmem:s30], $0x80, $0x38;
	[tilespmem:$0x1E080] =	vst v63  }
0x652: {  	s22 =	simm.s32 $0x1A100;
	s23 =	sld [smem:$0x7A9]  }
0x653: {  	[tilespmem:s22], [sflag:$0x5] =	stream.linear.gather [spmem:s21], $0x80, $0x38;
	[tilespmem:$0x1E080] =	vst v63  }
0x654: {  	s25 =	simm.s32 $0x1A300;
	s28 =	sld [smem:$0x7AA]  }
0x655: {  	[tilespmem:s25], [sflag:$0x5] =	stream.linear.gather [spmem:s23], $0x80, $0x38;
	[tilespmem:$0x1E080] =	vst v63  }
0x656: {  	s29 =	simm.s32 $0x1A500;
	s30 =	sld [smem:$0x7AB]  }
0x657: {  	[tilespmem:s29], [sflag:$0x5] =	stream.linear.gather [spmem:s28], $0x80, $0x38;
	[tilespmem:$0x1E080] =	vst v63  }
0x658: {  	s31 =	simm.s32 $0x1A700;
	s21 =	sld [smem:$0x7AC]  }
0x659: {  	[tilespmem:s31], [sflag:$0x5] =	stream.linear.gather [spmem:s30], $0x80, $0x38;
	[tilespmem:$0x1E080] =	vst v63  }
0x65a: {  	s22 =	simm.s32 $0x1A900;
	s23 =	sld [smem:$0x7AD]  }
0x65b: {  	[tilespmem:s22], [sflag:$0x5] =	stream.linear.gather [spmem:s21], $0x80, $0x38;
	[tilespmem:$0x1E080] =	vst v63  }
0x65c: {  	s25 =	simm.s32 $0x1AB00;
	s28 =	sld [smem:$0x7AE]  }
0x65d: {  	[tilespmem:s25], [sflag:$0x5] =	stream.linear.gather [spmem:s23], $0x80, $0x38;
	[tilespmem:$0x1E080] =	vst v63  }
0x65e: {  	s29 =	simm.s32 $0x1AD00;
	s30 =	sld [smem:$0x7AF]  }
0x65f: {  	[tilespmem:s29], [sflag:$0x5] =	stream.linear.gather [spmem:s28], $0x80, $0x38;
	[tilespmem:$0x1E080] =	vst v63  }
0x660: {  	s31 =	simm.s32 $0x1AF00;
	s21 =	sld [smem:$0x7B0]  }
0x661: {  	[tilespmem:s31], [sflag:$0x5] =	stream.linear.gather [spmem:s30], $0x80, $0x38;
	[tilespmem:$0x1E080] =	vst v63  }
0x662: {  	s22 =	simm.s32 $0x1B100;
	s23 =	sld [smem:$0x7B1]  }
0x663: {  	[tilespmem:s22], [sflag:$0x5] =	stream.linear.gather [spmem:s21], $0x80, $0x38;
	[tilespmem:$0x1E080] =	vst v63  }
0x664: {  	s25 =	simm.s32 $0x1B300;
	s28 =	sld [smem:$0x7B2]  }
0x665: {  	[tilespmem:s25], [sflag:$0x5] =	stream.linear.gather [spmem:s23], $0x80, $0x38;
	[tilespmem:$0x1E080] =	vst v63  }
0x666: {  	s29 =	simm.s32 $0x1B500;
	s30 =	sld [smem:$0x7B3]  }
0x667: {  	[tilespmem:s29], [sflag:$0x5] =	stream.linear.gather [spmem:s28], $0x80, $0x38;
	[tilespmem:$0x1E080] =	vst v63  }
0x668: {  	s31 =	simm.s32 $0x1B700;
	s21 =	sld [smem:$0x7B4]  }
0x669: {  	[tilespmem:s31], [sflag:$0x5] =	stream.linear.gather [spmem:s30], $0x80, $0x38;
	[tilespmem:$0x1E080] =	vst v63  }
0x66a: {  	s22 =	simm.s32 $0x1B900;
	s23 =	sld [smem:$0x7B5]  }
0x66b: {  	[tilespmem:s22], [sflag:$0x5] =	stream.linear.gather [spmem:s21], $0x80, $0x38;
	[tilespmem:$0x1E080] =	vst v63  }
0x66c: {  	s25 =	simm.s32 $0x1BB00;
	s28 =	sld [smem:$0x7B6]  }
0x66d: {  	[tilespmem:s25], [sflag:$0x5] =	stream.linear.gather [spmem:s23], $0x80, $0x38;
	[tilespmem:$0x1E080] =	vst v63  }
0x66e: {  	s29 =	simm.s32 $0x1BD00;
	s30 =	sld [smem:$0x7B7]  }
0x66f: {  	[tilespmem:s29], [sflag:$0x5] =	stream.linear.gather [spmem:s28], $0x80, $0x38;
	[tilespmem:$0x1E080] =	vst v63  }
0x670: {  	s31 =	simm.s32 $0x1BF00;
	s21 =	sld [smem:$0x7B8]  }
0x671: {  	[tilespmem:s31], [sflag:$0x5] =	stream.linear.gather [spmem:s30], $0x80, $0x38;
	[tilespmem:$0x1E080] =	vst v63  }
0x672: {  	s22 =	simm.s32 $0x1C100;
	s23 =	sld [smem:$0x7B9]  }
0x673: {  	[tilespmem:s22], [sflag:$0x5] =	stream.linear.gather [spmem:s21], $0x80, $0x38;
	[tilespmem:$0x1E080] =	vst v63  }
0x674: {  	s25 =	simm.s32 $0x1C300;
	s28 =	sld [smem:$0x7BA]  }
0x675: {  	[tilespmem:s25], [sflag:$0x5] =	stream.linear.gather [spmem:s23], $0x80, $0x38;
	[tilespmem:$0x1E080] =	vst v63  }
0x676: {  	s29 =	simm.s32 $0x1C500;
	s30 =	sld [smem:$0x7BB]  }
0x677: {  	[tilespmem:s29], [sflag:$0x5] =	stream.linear.gather [spmem:s28], $0x80, $0x38;
	[tilespmem:$0x1E080] =	vst v63  }
0x678: {  	s31 =	simm.s32 $0x1C700;
	s21 =	sld [smem:$0x7BC]  }
0x679: {  	[tilespmem:s31], [sflag:$0x5] =	stream.linear.gather [spmem:s30], $0x80, $0x38;
	[tilespmem:$0x1E080] =	vst v63  }
0x67a: {  	s22 =	simm.s32 $0x1C900;
	s23 =	sld [smem:$0x7BD]  }
0x67b: {  	[tilespmem:s22], [sflag:$0x5] =	stream.linear.gather [spmem:s21], $0x80, $0x38;
	[tilespmem:$0x1E080] =	vst v63  }
0x67c: {  	s25 =	simm.s32 $0x1CB00;
	s28 =	sld [smem:$0x7BE]  }
0x67d: {  	[tilespmem:s25], [sflag:$0x5] =	stream.linear.gather [spmem:s23], $0x80, $0x38;
	[tilespmem:$0x1E080] =	vst v63  }
0x67e: {  	s29 =	simm.s32 $0x1CD00;
	s30 =	sld [smem:$0x7BF]  }
0x67f: {  	[tilespmem:s29], [sflag:$0x5] =	stream.linear.gather [spmem:s28], $0x80, $0x38;
	[tilespmem:$0x1E080] =	vst v63  }
0x680: {  	s31 =	simm.s32 $0x1CF00  }
0x681: {  	[tilespmem:s31], [sflag:$0x5] =	stream.linear.gather [spmem:s30], $0x80, $0x38;
	[tilespmem:$0x1E080] =	vst v63  }
0x682: {  	_ =	swait.ge [sflag:s24], $0x1000  }
0x683: {  	[sflag:s24] =	ssyncset.done $0x0;
	s21 =	rddreg [dreg:$0x6]  }
0x684: {  	s22 =	simm.s32 $0x19180;
	s23 =	sld [smem:$0x7C0];
	[sflag:s24] =	ssyncadd.s32 $0xFFFFF000  }
0x685: {  	[tilespmem:s22], [sflag:$0x5] =	stream.linear.gather [spmem:s21], $0x80, $0x38;
	[tilespmem:$0x1E080] =	vst v63  }
0x686: {  	s25 =	simm.s32 $0x19380;
	s28 =	sld [smem:$0x7C1]  }
0x687: {  	[tilespmem:s25], [sflag:$0x5] =	stream.linear.gather [spmem:s23], $0x80, $0x38;
	[tilespmem:$0x1E080] =	vst v63  }
0x688: {  	s29 =	simm.s32 $0x19580;
	s30 =	sld [smem:$0x7C2]  }
0x689: {  	[tilespmem:s29], [sflag:$0x5] =	stream.linear.gather [spmem:s28], $0x80, $0x38;
	[tilespmem:$0x1E080] =	vst v63  }
0x68a: {  	s31 =	simm.s32 $0x19780;
	s21 =	sld [smem:$0x7C3]  }
0x68b: {  	[tilespmem:s31], [sflag:$0x5] =	stream.linear.gather [spmem:s30], $0x80, $0x38;
	[tilespmem:$0x1E080] =	vst v63  }
0x68c: {  	s22 =	simm.s32 $0x19980;
	s23 =	sld [smem:$0x7C4]  }
0x68d: {  	[tilespmem:s22], [sflag:$0x5] =	stream.linear.gather [spmem:s21], $0x80, $0x38;
	[tilespmem:$0x1E080] =	vst v63  }
0x68e: {  	s25 =	simm.s32 $0x19B80;
	s28 =	sld [smem:$0x7C5]  }
0x68f: {  	[tilespmem:s25], [sflag:$0x5] =	stream.linear.gather [spmem:s23], $0x80, $0x38;
	[tilespmem:$0x1E080] =	vst v63  }
0x690: {  	s29 =	simm.s32 $0x19D80;
	s30 =	sld [smem:$0x7C6]  }
0x691: {  	[tilespmem:s29], [sflag:$0x5] =	stream.linear.gather [spmem:s28], $0x80, $0x38;
	[tilespmem:$0x1E080] =	vst v63  }
0x692: {  	s31 =	simm.s32 $0x19F80;
	s21 =	sld [smem:$0x7C7]  }
0x693: {  	[tilespmem:s31], [sflag:$0x5] =	stream.linear.gather [spmem:s30], $0x80, $0x38;
	[tilespmem:$0x1E080] =	vst v63  }
0x694: {  	s22 =	simm.s32 $0x1A180;
	s23 =	sld [smem:$0x7C8]  }
0x695: {  	[tilespmem:s22], [sflag:$0x5] =	stream.linear.gather [spmem:s21], $0x80, $0x38;
	[tilespmem:$0x1E080] =	vst v63  }
0x696: {  	s25 =	simm.s32 $0x1A380;
	s28 =	sld [smem:$0x7C9]  }
0x697: {  	[tilespmem:s25], [sflag:$0x5] =	stream.linear.gather [spmem:s23], $0x80, $0x38;
	[tilespmem:$0x1E080] =	vst v63  }
0x698: {  	s29 =	simm.s32 $0x1A580;
	s30 =	sld [smem:$0x7CA]  }
0x699: {  	[tilespmem:s29], [sflag:$0x5] =	stream.linear.gather [spmem:s28], $0x80, $0x38;
	[tilespmem:$0x1E080] =	vst v63  }
0x69a: {  	s31 =	simm.s32 $0x1A780;
	s21 =	sld [smem:$0x7CB]  }
0x69b: {  	[tilespmem:s31], [sflag:$0x5] =	stream.linear.gather [spmem:s30], $0x80, $0x38;
	[tilespmem:$0x1E080] =	vst v63  }
0x69c: {  	s22 =	simm.s32 $0x1A980;
	s23 =	sld [smem:$0x7CC]  }
0x69d: {  	[tilespmem:s22], [sflag:$0x5] =	stream.linear.gather [spmem:s21], $0x80, $0x38;
	[tilespmem:$0x1E080] =	vst v63  }
0x69e: {  	s25 =	simm.s32 $0x1AB80;
	s28 =	sld [smem:$0x7CD]  }
0x69f: {  	[tilespmem:s25], [sflag:$0x5] =	stream.linear.gather [spmem:s23], $0x80, $0x38;
	[tilespmem:$0x1E080] =	vst v63  }
0x6a0: {  	s29 =	simm.s32 $0x1AD80;
	s30 =	sld [smem:$0x7CE]  }
0x6a1: {  	[tilespmem:s29], [sflag:$0x5] =	stream.linear.gather [spmem:s28], $0x80, $0x38;
	[tilespmem:$0x1E080] =	vst v63  }
0x6a2: {  	s31 =	simm.s32 $0x1AF80;
	s21 =	sld [smem:$0x7CF]  }
0x6a3: {  	[tilespmem:s31], [sflag:$0x5] =	stream.linear.gather [spmem:s30], $0x80, $0x38;
	[tilespmem:$0x1E080] =	vst v63  }
0x6a4: {  	s22 =	simm.s32 $0x1B180;
	s23 =	sld [smem:$0x7D0]  }
0x6a5: {  	[tilespmem:s22], [sflag:$0x5] =	stream.linear.gather [spmem:s21], $0x80, $0x38;
	[tilespmem:$0x1E080] =	vst v63  }
0x6a6: {  	s25 =	simm.s32 $0x1B380;
	s28 =	sld [smem:$0x7D1]  }
0x6a7: {  	[tilespmem:s25], [sflag:$0x5] =	stream.linear.gather [spmem:s23], $0x80, $0x38;
	[tilespmem:$0x1E080] =	vst v63  }
0x6a8: {  	s29 =	simm.s32 $0x1B580;
	s30 =	sld [smem:$0x7D2]  }
0x6a9: {  	[tilespmem:s29], [sflag:$0x5] =	stream.linear.gather [spmem:s28], $0x80, $0x38;
	[tilespmem:$0x1E080] =	vst v63  }
0x6aa: {  	s31 =	simm.s32 $0x1B780;
	s21 =	sld [smem:$0x7D3]  }
0x6ab: {  	[tilespmem:s31], [sflag:$0x5] =	stream.linear.gather [spmem:s30], $0x80, $0x38;
	[tilespmem:$0x1E080] =	vst v63  }
0x6ac: {  	s22 =	simm.s32 $0x1B980;
	s23 =	sld [smem:$0x7D4]  }
0x6ad: {  	[tilespmem:s22], [sflag:$0x5] =	stream.linear.gather [spmem:s21], $0x80, $0x38;
	[tilespmem:$0x1E080] =	vst v63  }
0x6ae: {  	s25 =	simm.s32 $0x1BB80;
	s28 =	sld [smem:$0x7D5]  }
0x6af: {  	[tilespmem:s25], [sflag:$0x5] =	stream.linear.gather [spmem:s23], $0x80, $0x38;
	[tilespmem:$0x1E080] =	vst v63  }
0x6b0: {  	s29 =	simm.s32 $0x1BD80;
	s30 =	sld [smem:$0x7D6]  }
0x6b1: {  	[tilespmem:s29], [sflag:$0x5] =	stream.linear.gather [spmem:s28], $0x80, $0x38;
	[tilespmem:$0x1E080] =	vst v63  }
0x6b2: {  	s31 =	simm.s32 $0x1BF80;
	s21 =	sld [smem:$0x7D7]  }
0x6b3: {  	[tilespmem:s31], [sflag:$0x5] =	stream.linear.gather [spmem:s30], $0x80, $0x38;
	[tilespmem:$0x1E080] =	vst v63  }
0x6b4: {  	s22 =	simm.s32 $0x1C180;
	s23 =	sld [smem:$0x7D8]  }
0x6b5: {  	[tilespmem:s22], [sflag:$0x5] =	stream.linear.gather [spmem:s21], $0x80, $0x38;
	[tilespmem:$0x1E080] =	vst v63  }
0x6b6: {  	s25 =	simm.s32 $0x1C380;
	s28 =	sld [smem:$0x7D9]  }
0x6b7: {  	[tilespmem:s25], [sflag:$0x5] =	stream.linear.gather [spmem:s23], $0x80, $0x38;
	[tilespmem:$0x1E080] =	vst v63  }
0x6b8: {  	s29 =	simm.s32 $0x1C580;
	s30 =	sld [smem:$0x7DA]  }
0x6b9: {  	[tilespmem:s29], [sflag:$0x5] =	stream.linear.gather [spmem:s28], $0x80, $0x38;
	[tilespmem:$0x1E080] =	vst v63  }
0x6ba: {  	s31 =	simm.s32 $0x1C780;
	s21 =	sld [smem:$0x7DB]  }
0x6bb: {  	[tilespmem:s31], [sflag:$0x5] =	stream.linear.gather [spmem:s30], $0x80, $0x38;
	[tilespmem:$0x1E080] =	vst v63  }
0x6bc: {  	s22 =	simm.s32 $0x1C980;
	s23 =	sld [smem:$0x7DC]  }
0x6bd: {  	[tilespmem:s22], [sflag:$0x5] =	stream.linear.gather [spmem:s21], $0x80, $0x38;
	[tilespmem:$0x1E080] =	vst v63  }
0x6be: {  	s25 =	simm.s32 $0x1CB80;
	s28 =	sld [smem:$0x7DD]  }
0x6bf: {  	[tilespmem:s25], [sflag:$0x5] =	stream.linear.gather [spmem:s23], $0x80, $0x38;
	[tilespmem:$0x1E080] =	vst v63  }
0x6c0: {  	s29 =	simm.s32 $0x1CD80;
	s30 =	sld [smem:$0x7DE]  }
0x6c1: {  	[tilespmem:s29], [sflag:$0x5] =	stream.linear.gather [spmem:s28], $0x80, $0x38;
	[tilespmem:$0x1E080] =	vst v63  }
0x6c2: {  	s31 =	simm.s32 $0x1CF80  }
0x6c3: {  	[tilespmem:s31], [sflag:$0x5] =	stream.linear.gather [spmem:s30], $0x80, $0x38;
	[tilespmem:$0x1E080] =	vst v63  }
0x6c4: {  	s21 =	simm.s32 $0x0;
	_ =	swait.ge [sflag:s24], $0x1000  }
0x6c5: {  	s22 =	sand.u32 $0x70, s21;
	s23 =	sand.u32 $0x1E00, s21;
	[sflag:s24] =	ssyncset.done $0x0  }
0x6c6: {  	s22 =	sor.u32 s22, s23;
	[sflag:s24] =	ssyncadd.s32 $0xFFFFF000  }
0x6c7: {  	v7 =	vld [tilespmem:s22+$0x1B000]  }
0x6c8: {  	v5 =	vld [tilespmem:s22+$0x1B080]  }
0x6c9: {  	v8 =	vimm.s32 $0x0;
	s23 =	simm.s32 $0x10;
	v6 =	vld [tilespmem:s22+$0x1B100]  }
.LBB2_55:
0x6ca: {  	s24 =	sand.u32 $0x70, s23;
	v9 =	vld [tilespmem:s22+$0x1B180];
	s21 =	sadd.s32 $0x40, s21;
	p1 =	sne.s32 s23, $0x7F0  }
.Ltmp29:
0x6cb: {  	s23 =	sadd.s32 $0x10, s23;
	s22 =	sand.u32 $0x1E00, s21;
	(pc) =	sbr.rel @p1 .LBB2_55-.Ltmp29, $4  }
0x6cc: {  	s22 =	sor.u32 s24, s22;
	v8 =	vadd.s32 v8, v7  }
0x6cd: {  	v7 =	vld [tilespmem:s22+$0x1B000];
	v8 =	vadd.s32 v5, v8  }
0x6ce: {  	v5 =	vld [tilespmem:s22+$0x1B080];
	v8 =	vadd.s32 v6, v8  }
0x6cf: {  	v6 =	vld [tilespmem:s22+$0x1B100];
	v8 =	vadd.s32 v9, v8  }
0x6d0: {  	s21 =	simm.s32 $0x3FC0;
	s23 =	simm.s32 $0xFF0  }
0x6d1: {  	s23 =	sand.u32 $0x70, s23;
	s21 =	sand.u32 $0x3E00, s21  }
0x6d2: {  	v9 =	vld [tilespmem:s22+$0x1B180];
	s21 =	sor.u32 s23, s21  }
0x6d3: {  	s24 =	sadd.s32 $0x19000, s21;
	v10 =	vld [tilespmem:s21+$0x19000]  }
0x6d4: {  	s31 =	simm.s32 $0x1FC0;
	s23 =	simm.s32 $0x7F0;
	v7 =	vadd.s32 v8, v7;
	v11 =	vld [tilespmem:s24+$0x100]  }
0x6d5: {  	s22 =	sand.u32 $0x1E00, s31;
	s19 =	sand.u32 $0x70, s23;
	v5 =	vadd.s32 v5, v7;
	v12 =	vld [tilespmem:s24+$0x80]  }
0x6d6: {  	s21 =	sor.u32 s19, s22;
	v5 =	vadd.s32 v6, v5;
	v6 =	vld [tilespmem:s24+$0x180]  }
0x6d7: {  	s22 =	sadd.s32 $0x19000, s21;
	v8 =	vld [tilespmem:s21+$0x19000]  }
0x6d8: {  	v5 =	vadd.s32 v9, v5;
	v7 =	vld [tilespmem:s22+$0x80]  }
0x6d9: {  	v9 =	vld [tilespmem:s22+$0x100];
	(xrf0) =	vadd.scan.msk.s32 $0xffff, v5  }
0x6da: {  	v5 =	vld [tilespmem:s22+$0x180]  }
0x6db: {  	s25 =	simm.s32 $0xFE0;
	s24 =	simm.s32 $0x3F80;
	v10 =	vadd.s32 v10, v12  }
0x6dc: {  	s21 =	sand.u32 $0x3E00, s24;
	s22 =	sand.u32 $0x70, s25;
	v10 =	vadd.s32 v11, v10  }
0x6dd: {  	v13 =	vmul.u32 $0xFFFFFFFF, v1;
	s21 =	sor.u32 s22, s21;
	v7 =	vadd.s32 v8, v7  }
0x6de: {  	s28 =	simm.s32 $0x7E0;
	s30 =	simm.s32 $0x1F80;
	s31 =	sadd.s32 $0x19000, s21;
	v9 =	vadd.s32 v9, v7  }
0x6df: {  	s19 =	sand.u32 $0x70, s28;
	s22 =	sand.u32 $0x1E00, s30;
	v11 =	vld [tilespmem:s31+$0x100];
	v6 =	vadd.s32 v6, v10;
	v7 =	vadd.s32 $0xF, v13;
	v5 =	vadd.s32 v5, v9;
	v10, _, _ =	vpop (xrf0)  }
0x6e0: {  	v8 =	vld [tilespmem:s21+$0x19000];
	s21 =	sor.u32 s19, s22;
	v6 =	vperm.xlane v6, v7;
	v5 =	vperm.xlane v5, v7;
	(v2sf) =	vpush v10, $0xF  }
0x6e1: {  	v12 =	vld [tilespmem:s21+$0x19000]  }
0x6e2: {  	v13 =	vld [tilespmem:s31+$0x180];
	v14 =	vcvt.s32.f32 v6;
	v5 =	vadd.s32 v5, v6  }
0x6e3: {  	s22 =	sadd.s32 $0x19000, s21;
	v9 =	vld [tilespmem:s31+$0x80];
	v16 =	vcvt.s32.f32 v5  }
0x6e4: {  	v10 =	vld [tilespmem:s22+$0x80];
	(xrf2) =	vadd.scan.msk.f32 $0xffff, v14  }
0x6e5: {  	v6 =	vld [tilespmem:s22+$0x100];
	(xrf2) =	vadd.scan.msk.f32 $0xffff, v16  }
0x6e6: {  	s24 =	simm.s32 $0x3F40;
	s25 =	simm.s32 $0xFD0;
	v5 =	vld [tilespmem:s22+$0x180]  }
0x6e7: {  	s21 =	sand.u32 $0x3E00, s24;
	s22 =	sand.u32 $0x70, s25  }
0x6e8: {  	s21 =	sor.u32 s22, s21  }
0x6e9: {  	v8 =	vadd.s32 v8, v9;
	v9 =	vadd.s32 v12, v10;
	s31 =	sadd.s32 $0x19000, s21  }
0x6ea: {  	s29 =	simm.s32 $0x7D0;
	s30 =	simm.s32 $0x1F40;
	v8 =	vadd.s32 v11, v8;
	v11 =	vld [tilespmem:s31+$0x100];
	v6 =	vadd.s32 v6, v9  }
0x6eb: {  	s19 =	sand.u32 $0x70, s29;
	s22 =	sand.u32 $0x1E00, s30;
	v8 =	vadd.s32 v13, v8;
	v12 =	vld [tilespmem:s31+$0x80];
	v5 =	vadd.s32 v5, v6  }
0x6ec: {  	v9 =	vld [tilespmem:s21+$0x19000];
	s21 =	sor.u32 s19, s22;
	v6 =	vperm.xlane v8, v7;
	v5 =	vperm.xlane v5, v7  }
0x6ed: {  	s22 =	sadd.s32 $0x19000, s21;
	v17 =	vld [tilespmem:s21+$0x19000]  }
0x6ee: {  	v19 =	vld [tilespmem:s22+$0x80];
	v5 =	vadd.s32 v5, v6;
	v18, _, _ =	vpop (xrf2)  }
0x6ef: {  	v10 =	vcvt.s32.f32 v6;
	v13 =	vcvt.s32.f32 v5;
	v5 =	vimm.f32 $0.0e+00;
	v20, _, _ =	vpop (xrf2);
	s24 =	spop (v2sf)  }
0x6f0: {  	v8 =	vadd.f32 v20, v5;
	s21 =	scvt.s32.f32 s24  }
0x6f1: {  	v12 =	vadd.s32 v9, v12;
	(xrf2) =	vadd.scan.msk.f32 $0xffff, v10;
	v15 =	vadd.f32 v18, v5  }
0x6f2: {  	v21 =	vld [tilespmem:s31+$0x180];
	v11 =	vadd.s32 v11, v12;
	(xrf2) =	vadd.scan.msk.f32 $0xffff, v13;
	v9 =	vsub.f32 v8, v16;
	v6 =	vmov s21  }
0x6f3: {  	v22 =	vld [tilespmem:s22+$0x100];
	v12 =	vsub.f32 v15, v14;
	v14 =	vadd.s32 v17, v19;
	v17 =	vadd.f32 v8, v6  }
0x6f4: {  	v19 =	vadd.f32 v9, v6  }
0x6f5: {  	s25 =	simm.s32 $0x3F00;
	s19 =	simm.s32 $0x1F00;
	v16 =	vld [tilespmem:s22+$0x180];
	s22 =	simm.s32 $0xFC0;
	v17 =	vsub.f32 v17, v15  }
0x6f6: {  	s24 =	sand.u32 $0x3E00, s25;
	s21 =	simm.s32 $0x7C0;
	s30 =	sand.u32 $0x70, s22;
	v24 =	vsub.f32 v19, v12  }
0x6f7: {  	s19 =	sand.u32 $0x1E00, s19;
	v11 =	vadd.s32 v21, v11;
	s31 =	sand.u32 $0x70, s21;
	s24 =	sor.u32 s30, s24;
	(erf) = vrcp.f32 v17  }
0x6f8: {  	v14 =	vadd.s32 v22, v14;
	s19 =	sor.u32 s31, s19;
	v22 =	vld [tilespmem:s24+$0x19000];
	v19 =	vbroadcast v20, $0xF;
	(erf) = vrcp.f32 v24  }
0x6f9: {  	v11 =	vperm.xlane v11, v7;
	s25 =	sadd.s32 $0x19000, s24;
	v26 =	vld [tilespmem:s19+$0x19000]  }
0x6fa: {  	s23 =	scvt.s32.f32 s23;
	v18 =	vbroadcast v18, $0xF;
	v25 =	vld [tilespmem:s25+$0x80];
	v14 =	vadd.s32 v16, v14  }
0x6fb: {  	v21 =	vcvt.s32.f32 v11;
	s24 =	sadd.s32 $0x19000, s19;
	v23 =	vld [tilespmem:s25+$0x100];
	v16, _, _ =	vpop (xrf2);
	v14 =	vperm.xlane v14, v7;
	v17 =	vadd.f32 v19, v5  }
0x6fc: {  	v30 =	vadd.f32 s23, v4;
	v18 =	vadd.f32 v18, v5;
	v27 =	vld [tilespmem:s24+$0x80];
	v19, _, _ =	vpop (xrf2)  }
0x6fd: {  	v28 =	vld [tilespmem:s25+$0x180];
	(xrf2) =	vadd.scan.msk.f32 $0xffff, v21;
	v11 =	vadd.s32 v14, v11;
	v14 =	vadd.f32 v19, v17  }
0x6fe: {  	s23 =	simm.s32 $0x3EC0;
	v29 =	vld [tilespmem:s24+$0x100];
	v20 =	vadd.f32 v16, v18;
	v24 =	vcvt.s32.f32 v11;
	v11 =	vmul.f32 $9.765625000e-04, v30  }
.LBB2_57:
0x6ff: {  	p1 =	sne.s32 s23, $0x2000;
	v22 =	vadd.s32 v22, v25;
	v25 =	vsub.f32 v14, v13;
	v13 =	vsub.f32 v6, v15  }
0x700: {  	v15 =	vadd.s32 v23, v22;
	(xrf2) =	vadd.scan.msk.f32 $0xffff, v24;
	v22 =	vsub.f32 v6, v12;
	v12 =	vsub.f32 v20, v10;
	v10 =	vpop (erf)  }
0x701: {  	v23 =	vadd.s32 v26, v27;
	v26 =	vadd.f32 v14, v6;
	v27 =	vadd.f32 v25, v6;
	v30 =	vpop (erf)  }
0x702: {  	v32 =	vadd.s32 v28, v15;
	v28 =	vmul.f32 v10, v13;
	v10 =	vmovc v21;
	v31 =	vld [tilespmem:s24+$0x180];
	v22 =	vmul.f32 v30, v22  }
0x703: {  	s22 =	sadd.s32 $0xFFFFFFF0, s22;
	v21 =	vadd.s32 v29, v23;
	v23 =	vsub.f32 v26, v20;
	v26 =	vsub.f32 v27, v12;
	v13 =	vmovc v24  }
0x704: {  	s19 =	sand.u32 $0x70, s22;
	s24 =	sand.u32 $0x3E00, s23;
	v24 =	vperm.xlane v32, v7;
	v27 =	vsub.f32 $1.000000000e+00, v28;
	v15 =	vmovc v20;
	v28 =	vsub.f32 $1.000000000e+00, v22  }
0x705: {  	vm0 =	vgt.f32 v8, $0.0e+00;
	vm1 =	vgt.f32 v9, $0.0e+00;
	v8 =	vmovc v14;
	v9 =	vmovc v25;
	s19 =	sor.u32 s19, s24;
	(erf) = vrcp.f32 v23  }
0x706: {  	s25 =	sadd.s32 $0xFFFFF800, s22;
	s24 =	sadd.s32 $0xFFFFE000, s23;
	s30 =	sadd.s32 $0x19000, s19;
	v14 =	vnsel vm0, $0x0, v27;
	v22 =	vld [tilespmem:s19+$0x19000];
	(erf) = vrcp.f32 v26;
	v20 =	vnsel vm1, $0x0, v28  }
0x707: {  	v29 =	vbroadcast v19, $0xF;
	s24 =	sand.u32 $0x1E00, s24;
	s19 =	sand.u32 $0x70, s25;
	v23 =	vld [tilespmem:s30+$0x100];
	v21 =	vadd.s32 v31, v21;
	v26, _, _ =	vpop (xrf2);
	v14 =	vsub.f32 v14, v20  }
.Ltmp30:
0x708: {  	s31 =	scvt.s32.f32 s28;
	v28 =	vbroadcast v16, $0xF;
	s19 =	sor.u32 s19, s24;
	v25 =	vld [tilespmem:s30+$0x80];
	v20 =	vperm.xlane v21, v7;
	v16 =	vmov v26;
	(pc) =	sbr.rel @p1 .LBB2_57-.Ltmp30, $4  }
0x709: {  	s28 =	smov.u32 s29;
	s29 =	smov.u32 s21;
	v17 =	vadd.f32 v29, v17;
	s24 =	sadd.s32 $0x19000, s19;
	v21 =	vcvt.s32.f32 v24;
	v26 =	vld [tilespmem:s19+$0x19000];
	v11 =	vmul.f32 v14, v11  }
0x70a: {  	s21 =	smov.u32 s25;
	v30 =	vadd.f32 s31, v4;
	v18 =	vadd.f32 v28, v18;
	v27 =	vld [tilespmem:s24+$0x80];
	v19, _, _ =	vpop (xrf2)  }
0x70b: {  	v20 =	vadd.s32 v20, v24;
	v28 =	vld [tilespmem:s30+$0x180];
	(xrf2) =	vadd.scan.msk.f32 $0xffff, v21;
	v14 =	vadd.f32 v19, v17;
	v5 =	vadd.f32 v11, v5  }
0x70c: {  	s23 =	sadd.s32 $0xFFFFFFC0, s23;
	v24 =	vcvt.s32.f32 v20;
	v20 =	vadd.f32 v16, v18;
	v11 =	vmul.f32 $9.765625000e-04, v30;
	v29 =	vld [tilespmem:s24+$0x100]  }
.Ltmp31:
0x70d: {  	_ = 	snop;
	(pc) =	sbr.rel .LBB2_58-.Ltmp31, $1  }
0x70e: {  	_ =	sdelay $0x3  }
.LBB2_60:
0x70f: {  	_ =	sfence.sel $0x180000  }
0x710: {  	[bflag:$0x0] =	sbarrier.arrive $0xFFFF  }
0x711: {  	_ =	strace $0x90000047  }
0x712: {  	s0 =	stileid.u32;
	[bflag:$0x2] =	sbarrier.arrive $0xFFFF  }
0x713: {  	p0 =	sne.s32 s0, $0x0;
	s0 =	rddreg [dreg:$0x2]  }
0x714: {  	s0 =	sadd.s32 @!p0 $0x100000, s0  }
0x715: {  	[sflag:s0] =	ssyncadd.tile.s32 @!p0 $0x1;
	_ =	shalt  }
.Lfunc_end2:
_tile_overlayer_lowered:
.L_overlay_start_2:
0x716: {  	(tag) =	ssettag $0x2  }
0x717: {  	s0 =	rddreg [dreg:$0x0];
	s2 =	stileid.u32  }
0x718: {  	s1 =	rddreg [dreg:$0x1];
	p0 =	sne.s32 s2, $0x0  }
0x719: {  	s3 =	rddreg [dreg:$0x2];
	[bflag:$0x3] =	sbarrier.arrive $0xFFFF;
	s2 =	simm.s32 @!p0 $0x1C05  }
0x71a: {  	[timem:s3], [sflag:s2] =	dma.local @!p0 [hbm:s0], s1  }
0x71b: {  	s0 =	simm.s32 @!p0 $0x5  }
0x71c: {  	_ =	swait.ge @!p0 [sflag:s0], s1  }
0x71d: {  	s1 =	ssub.s32 @!p0 $0x0, s1;
	[sflag:s0] =	ssyncset.done @!p0 $0x0  }
0x71e: {  	[sflag:s0] =	ssyncadd.s32 @!p0 s1  }
0x71f: {  	[bflag:$0x3] =	sbarrier.arrive $0xFFFF  }
0x720: {  	_ =	shalt  }

</sc_bundles>
